<compile_context>
chip_gen: v7x
topology: tpu7x:2x2x1
jax: 0.10.2.dev20260603
libtpu: 0.0.44.dev20260713+nightly
codegen_flags: <defaults>
</compile_context>

<pallas_src>
import functools

import jax
import jax.numpy as jnp
from jax import lax
from jax.experimental import pallas as pl
from jax.experimental.pallas import tpu as pltpu
from jax.experimental.pallas import tpu_sc as plsc


def _tc_tail(table, C0, TW):
    V, H = table.shape
    W = H - C0
    R = 2000
    assert V % R == 0 and C0 % 128 == 0 and W <= TW

    def body(tab_ref, out_ref):
        lane = lax.broadcasted_iota(jnp.int32, (R, TW), 1)
        vals = jnp.where(lane < W, tab_ref[...], 0.0)
        out_ref[...] = jnp.where(lane == W, 1.0, vals)

    return pl.pallas_call(
        body,
        grid=(V // R,),
        in_specs=[pl.BlockSpec((R, TW), lambda i: (i, C0 // TW))],
        out_specs=pl.BlockSpec((R, TW), lambda i: (i, 0)),
        out_shape=jax.ShapeDtypeStruct((V, TW), jnp.float32),
        compiler_params=pltpu.CompilerParams(
            dimension_semantics=("arbitrary",)
        ),
    )(table)


def _sc_gather(src, idx, C0):
    V, H = src.shape
    N = idx.shape[0]
    info = plsc.get_sparse_core_info()
    NC, NS = info.num_cores, info.num_subcores
    NW = NC * NS
    assert N % NW == 0 and C0 % 128 == 0
    per_w = N // NW
    CH = 128
    sizes = [CH] * (per_w // CH)
    if per_w % CH:
        sizes.append(per_w % CH)
    offs = [0]
    for s in sizes[:-1]:
        offs.append(offs[-1] + s)
    n_ch = len(sizes)

    mesh = plsc.VectorSubcoreMesh(core_axis_name="c", subcore_axis_name="s")

    @functools.partial(
        pl.kernel,
        mesh=mesh,
        out_type=jax.ShapeDtypeStruct((N, C0), jnp.float32),
        scratch_types=[
            pltpu.VMEM((per_w,), jnp.int32),
            pltpu.VMEM((CH, C0), jnp.float32),
            pltpu.VMEM((CH, C0), jnp.float32),
            pltpu.SemaphoreType.DMA,
            pltpu.SemaphoreType.DMA,
        ],
    )
    def gather_kernel(src_hbm, idx_hbm, out_hbm, idx_v, rows0, rows1,
                      sem0, sem1):
        wid = lax.axis_index("s") * NC + lax.axis_index("c")
        base = wid * per_w
        pltpu.sync_copy(idx_hbm.at[pl.ds(base, per_w)], idx_v)
        bufs = (rows0, rows1)
        sems = (sem0, sem1)

        def start(j):
            n = sizes[j]
            ids = idx_v.at[pl.ds(offs[j], n)]
            buf = bufs[j % 2].at[pl.ds(0, n)]
            if C0 < H:
                src_slc = src_hbm.at[ids, pl.ds(0, C0)]
            else:
                src_slc = src_hbm.at[ids]
            return pltpu.async_copy(src_slc, buf, sems[j % 2])

        def drain(j, cp):
            cp.wait()
            pltpu.sync_copy(
                bufs[j % 2].at[pl.ds(0, sizes[j])],
                out_hbm.at[pl.ds(base + offs[j], sizes[j])],
            )

        cp = start(0)
        for j in range(1, n_ch):
            cp_next = start(j)
            drain(j - 1, cp)
            cp = cp_next
        drain(n_ch - 1, cp)

    return gather_kernel(src, idx)


def _gru_bidir_tc(emb_a, emb_b, w_ia, w_tn, w_cat, H):
    T, B, C0 = emb_a.shape
    TW = emb_b.shape[2]
    KC = w_cat.shape[1]
    G = w_ia.shape[2] // 3
    H3 = 3 * G

    def cell(xa, xb, hx_scr, wia, wtn, wcat):
        hx = hx_scr[...]
        gi = jnp.dot(xa, wia, preferred_element_type=jnp.float32)
        gt = jnp.dot(xb, wtn, preferred_element_type=jnp.float32)
        gh = jnp.dot(hx.astype(jnp.bfloat16), wcat,
                     preferred_element_type=jnp.float32)
        i_r, i_z, i_n = gi[:, :H], gi[:, G:G + H], gi[:, 2 * G:2 * G + H]
        h_r, h_z, h_n = gh[:, :H], gh[:, G:G + H], gh[:, 2 * G:2 * G + H]
        r = 0.5 + 0.5 * jnp.tanh(i_r + h_r)
        z = 0.5 + 0.5 * jnp.tanh(i_z + h_z)
        n = jnp.tanh(i_n + gt[:, :H] + r * h_n)
        return n + z * (hx[:, TW:TW + H] - n)

    def body(embfa_ref, embfb_ref, embba_ref, embbb_ref, wia_ref, wtn_ref,
             wcat_ref, outf_ref, outb_ref, hid_ref, hxf_scr, hxb_scr):
        i = pl.program_id(0)

        @pl.when(i == 0)
        def _():
            lane = lax.broadcasted_iota(jnp.int32, (B, KC), 1)
            init = jnp.where(lane == TW + H, 1.0, 0.0)
            hxf_scr[...] = init
            hxb_scr[...] = init

        hxf_scr[:, :TW] = embfb_ref[0]
        hxb_scr[:, :TW] = embbb_ref[0]
        hf = cell(embfa_ref[0].astype(jnp.bfloat16),
                  embfb_ref[0].astype(jnp.bfloat16), hxf_scr,
                  wia_ref[0], wtn_ref[0], wcat_ref[0])
        hb = cell(embba_ref[0].astype(jnp.bfloat16),
                  embbb_ref[0].astype(jnp.bfloat16), hxb_scr,
                  wia_ref[1], wtn_ref[1], wcat_ref[1])
        hxf_scr[:, TW:TW + H] = hf
        hxb_scr[:, TW:TW + H] = hb
        outf_ref[0] = hf
        outb_ref[0] = hb

        @pl.when(i == T - 1)
        def _():
            hid_ref[0] = hf
            hid_ref[1] = hb

    out_f, out_b, hid = pl.pallas_call(
        body,
        grid=(T,),
        in_specs=[
            pl.BlockSpec((1, B, C0), lambda i: (i, 0, 0)),
            pl.BlockSpec((1, B, TW), lambda i: (i, 0, 0)),
            pl.BlockSpec((1, B, C0), lambda i: (T - 1 - i, 0, 0)),
            pl.BlockSpec((1, B, TW), lambda i: (T - 1 - i, 0, 0)),
            pl.BlockSpec((2, C0, H3), lambda i: (0, 0, 0)),
            pl.BlockSpec((2, TW, G), lambda i: (0, 0, 0)),
            pl.BlockSpec((2, KC, H3), lambda i: (0, 0, 0)),
        ],
        out_specs=[
            pl.BlockSpec((1, B, H), lambda i: (i, 0, 0)),
            pl.BlockSpec((1, B, H), lambda i: (T - 1 - i, 0, 0)),
            pl.BlockSpec((2, B, H), lambda i: (0, 0, 0)),
        ],
        out_shape=[
            jax.ShapeDtypeStruct((T, B, H), jnp.float32),
            jax.ShapeDtypeStruct((T, B, H), jnp.float32),
            jax.ShapeDtypeStruct((2, B, H), jnp.float32),
        ],
        scratch_shapes=[pltpu.VMEM((B, KC), jnp.float32),
                        pltpu.VMEM((B, KC), jnp.float32)],
        compiler_params=pltpu.CompilerParams(
            dimension_semantics=("arbitrary",)
        ),
    )(emb_a, emb_b, emb_a, emb_b, w_ia, w_tn, w_cat)
    return out_f, out_b, hid


def kernel(input_seqs, input_lengths, table, w_ih_f, w_hh_f, b_ih_f, b_hh_f,
           w_ih_b, w_hh_b, b_ih_b, b_hh_b):
    T, B = input_seqs.shape
    V, H = table.shape
    C0, TW = 256, 128
    G = ((H + 127) // 128) * 128
    KH = G
    idx = input_seqs.reshape(T * B)
    tail = _tc_tail(table, C0, TW)
    emb_a = _sc_gather(table, idx, C0).reshape(T, B, C0)
    emb_b = _sc_gather(tail, idx, TW).reshape(T, B, TW)

    bih3 = jnp.stack([b_ih_f, b_ih_b]).reshape(2, 3, H)
    bhh3 = jnp.stack([b_hh_f, b_hh_b]).reshape(2, 3, H)
    rz = jnp.array([1.0, 1.0, 0.0]).reshape(1, 3, 1)
    scale = jnp.array([0.5, 0.5, 1.0]).reshape(1, 1, 3, 1)

    def pack(w4):
        w4 = jnp.pad(w4, ((0, 0), (0, 0), (0, 0), (0, G - H))) * scale
        return w4.reshape(2, w4.shape[1], 3 * G).astype(jnp.bfloat16)

    wih4 = jnp.stack([w_ih_f.T, w_ih_b.T]).reshape(2, H, 3, H)
    whh4 = jnp.stack([w_hh_f.T, w_hh_b.T]).reshape(2, H, 3, H)
    rz4 = rz[:, None]
    wcat4 = jnp.concatenate([
        wih4[:, C0:H] * rz4,
        ((bih3 + bhh3) * rz)[:, None],
        jnp.zeros((2, TW - (H - C0) - 1, 3, H)),
        whh4,
        (bhh3 * (1.0 - rz))[:, None],
        jnp.zeros((2, KH - H - 1, 3, H)),
    ], axis=1)
    wtn3 = jnp.concatenate([
        wih4[:, C0:H, 2],
        bih3[:, 2][:, None],
        jnp.zeros((2, TW - (H - C0) - 1, H)),
    ], axis=1)
    w_ia = pack(wih4[:, :C0])
    w_cat = pack(wcat4)
    w_tn = jnp.pad(wtn3, ((0, 0), (0, 0), (0, G - H))).astype(jnp.bfloat16)
    out_f, out_b, hid = _gru_bidir_tc(emb_a, emb_b, w_ia, w_tn, w_cat, H)
    return jnp.concatenate([out_f, out_b], axis=-1), hid

# --- scband reference (transcript-rebuilt; emitter-appended) ---
"""Pipeline reference for scband-encoder-rnn-44281112822482 (READ-ONLY COPY).

The authoritative reference and input builder live on the scoring server;
editing this copy changes nothing except your own understanding.
"""

import jax, jax.numpy as jnp
import numpy as np

VOCAB = 100000
H = 300
T = 50
B = 1024


def setup_inputs(seed: int = 0) -> dict:
    key = jax.random.key(seed)
    ks = jax.random.split(key, 12)
    s = 1.0 / np.sqrt(H)
    inp = {}
    inp['input_seqs'] = jax.random.randint(ks[0], (T, B), 0, VOCAB, dtype=jnp.int32)
    inp['input_lengths'] = jax.random.randint(ks[1], (B,), 1, T + 1, dtype=jnp.int32)
    inp['table'] = jax.random.normal(ks[2], (VOCAB, H), dtype=jnp.float32) * 0.05
    inp['w_ih_f'] = jax.random.uniform(ks[3], (3 * H, H), minval=-s, maxval=s, dtype=jnp.float32)
    inp['w_hh_f'] = jax.random.uniform(ks[4], (3 * H, H), minval=-s, maxval=s, dtype=jnp.float32)
    inp['b_ih_f'] = jax.random.uniform(ks[5], (3 * H,), minval=-s, maxval=s, dtype=jnp.float32)
    inp['b_hh_f'] = jax.random.uniform(ks[6], (3 * H,), minval=-s, maxval=s, dtype=jnp.float32)
    inp['w_ih_b'] = jax.random.uniform(ks[7], (3 * H, H), minval=-s, maxval=s, dtype=jnp.float32)
    inp['w_hh_b'] = jax.random.uniform(ks[8], (3 * H, H), minval=-s, maxval=s, dtype=jnp.float32)
    inp['b_ih_b'] = jax.random.uniform(ks[9], (3 * H,), minval=-s, maxval=s, dtype=jnp.float32)
    inp['b_hh_b'] = jax.random.uniform(ks[10], (3 * H,), minval=-s, maxval=s, dtype=jnp.float32)
    return inp


def _gru_layer(x_seq, h0, w_ih, w_hh, b_ih, b_hh):
    # PyTorch GRU cell equations (single layer, one direction)
    def step(h, x_t):
        gi = x_t @ w_ih.T + b_ih
        gh = h @ w_hh.T + b_hh
        i_r, i_z, i_n = jnp.split(gi, 3, axis=-1)
        h_r, h_z, h_n = jnp.split(gh, 3, axis=-1)
        r = jax.nn.sigmoid(i_r + h_r)
        z = jax.nn.sigmoid(i_z + h_z)
        n = jnp.tanh(i_n + r * h_n)
        h_new = (1.0 - z) * n + z * h
        return h_new, h_new
    h_last, ys = jax.lax.scan(step, h0, x_seq)
    return ys, h_last


def reference(input_seqs, input_lengths, table, w_ih_f, w_hh_f, b_ih_f, b_hh_f, w_ih_b, w_hh_b, b_ih_b, b_hh_b):
    # embedding lookup (gather)
    emb = jnp.take(table, input_seqs, axis=0)  # [T, B, H]
    h0 = jnp.zeros((emb.shape[1], w_hh_f.shape[1]), dtype=emb.dtype)
    out_f, h_f = _gru_layer(emb, h0, w_ih_f, w_hh_f, b_ih_f, b_hh_f)
    out_b_rev, h_b = _gru_layer(emb[::-1], h0, w_ih_b, w_hh_b, b_ih_b, b_hh_b)
    out_b = out_b_rev[::-1]
    outputs = jnp.concatenate([out_f, out_b], axis=-1)  # [T, B, 2H]
    hidden = jnp.stack([h_f, h_b], axis=0)  # [2, B, H]
    return (outputs, hidden)

if __name__ == "__main__":
    import jax
    _d = setup_inputs()
    print(jax.jit(kernel)(*tuple(_d.values())))

</pallas_src>

<mosaic_0001>
#map = affine_map<(d0, d1) -> (0, 0)>
#map1 = affine_map<(d0, d1) -> (0)>
module attributes {stable_mosaic.version = 14 : i64} {
  func.func @gather_kernel(%arg0: i32, %arg1: i32, %arg2: memref<100000x300xf32, #tpu.memory_space<hbm>>, %arg3: memref<51200xi32, #tpu.memory_space<hbm>>, %arg4: memref<51200x256xf32, #tpu.memory_space<hbm>>, %arg5: memref<1600xi32, #tpu.memory_space<vmem>>, %arg6: memref<128x256xf32, #tpu.memory_space<vmem>>, %arg7: memref<128x256xf32, #tpu.memory_space<vmem>>, %arg8: memref<!tpu.dma_semaphore, #tpu.memory_space<semaphore_mem>>, %arg9: memref<!tpu.dma_semaphore, #tpu.memory_space<semaphore_mem>>) attributes {dimension_semantics = [#tpu.dimension_semantics<core_parallel>, #tpu.dimension_semantics<subcore_parallel>], iteration_bounds = array<i64: 2, 16>, scalar_prefetch = 0 : i64, scratch_operands = 5 : i64, tpu.core_type = #tpu.core_type<sc_vector_subcore>, window_params = [{transform_indices = #map}, {transform_indices = #map1}, {transform_indices = #map}]} {
    %mul3A = arith.constant 2 : i32
    %mul3A_0 = arith.muli %arg1, %mul3A : i32
    %add3A = arith.addi %mul3A_0, %arg0 : i32
    %mul3A_1 = arith.constant 1600 : i32
    %mul3A_2 = arith.muli %add3A, %mul3A_1 : i32
    "tpu.region"() ({
      %run_scoped3A = tpu.sem_alloc : memref<!tpu.dma_semaphore, #tpu.memory_space<semaphore_mem>>
      %dma_start3A_235 = tpu.memref_slice %arg3[%mul3A_2] : memref<51200xi32, #tpu.memory_space<hbm>> -> memref<1600xi32, #tpu.memory_space<hbm>>
      %dma_start3A_236 = tpu.memref_slice %arg3[%mul3A_2] : memref<51200xi32, #tpu.memory_space<hbm>> -> memref<1600xi32, #tpu.memory_space<hbm>>
      tpu.enqueue_dma source(%dma_start3A_236 : memref<1600xi32, #tpu.memory_space<hbm>>) target(%arg5 : memref<1600xi32, #tpu.memory_space<vmem>>) target_semaphore(%run_scoped3A : memref<!tpu.dma_semaphore, #tpu.memory_space<semaphore_mem>>)
      %dma_wait3A_237 = tpu.memref_slice %arg3[%mul3A_2] : memref<51200xi32, #tpu.memory_space<hbm>> -> memref<1600xi32, #tpu.memory_space<hbm>>
      %dma_wait3A_238 = tpu.memref_slice %arg3[%mul3A_2] : memref<51200xi32, #tpu.memory_space<hbm>> -> memref<1600xi32, #tpu.memory_space<hbm>>
      tpu.wait_dma2 semaphore(%run_scoped3A : memref<!tpu.dma_semaphore, #tpu.memory_space<semaphore_mem>>) src(%dma_wait3A_238 : memref<1600xi32, #tpu.memory_space<hbm>>) dst(%arg5 : memref<1600xi32, #tpu.memory_space<vmem>>)
      tpu.yield
    }) : () -> ()
    %dma_start3A = arith.constant 0 : i32
    %dma_start3A_3 = arith.constant 0 : i32
    %dma_start3A_4 = tpu.memref_slice %arg6[%dma_start3A, %dma_start3A_3] : memref<128x256xf32, #tpu.memory_space<vmem>> -> memref<128x256xf32, #tpu.memory_space<vmem>>
    %dma_start3A_5 = arith.constant 0 : i32
    %dma_start3A_6 = tpu.memref_slice %arg5[%dma_start3A_5] : memref<1600xi32, #tpu.memory_space<vmem>> -> memref<128xi32, #tpu.memory_space<vmem>>
    %dma_start3A_7 = arith.constant 0 : i32
    %dma_start3A_8 = arith.constant 0 : i32
    %dma_start3A_9 = tpu.memref_slice %arg2[%dma_start3A_7, %dma_start3A_8] : memref<100000x300xf32, #tpu.memory_space<hbm>> -> memref<100000x256xf32, #tpu.memory_space<hbm>>
    tpu.enqueue_indirect_dma source(%dma_start3A_9 : memref<100000x256xf32, #tpu.memory_space<hbm>>) target(%dma_start3A_4 : memref<128x256xf32, #tpu.memory_space<vmem>>) offsets(%dma_start3A_6 : memref<128xi32, #tpu.memory_space<vmem>>) semaphore(%arg8 : memref<!tpu.dma_semaphore, #tpu.memory_space<semaphore_mem>>)
    %dma_start3A_10 = arith.constant 0 : i32
    %dma_start3A_11 = arith.constant 0 : i32
    %dma_start3A_12 = tpu.memref_slice %arg7[%dma_start3A_10, %dma_start3A_11] : memref<128x256xf32, #tpu.memory_space<vmem>> -> memref<128x256xf32, #tpu.memory_space<vmem>>
    %dma_start3A_13 = arith.constant 128 : i32
    %dma_start3A_14 = tpu.memref_slice %arg5[%dma_start3A_13] : memref<1600xi32, #tpu.memory_space<vmem>> -> memref<128xi32, #tpu.memory_space<vmem>>
    %dma_start3A_15 = arith.constant 0 : i32
    %dma_start3A_16 = arith.constant 0 : i32
    %dma_start3A_17 = tpu.memref_slice %arg2[%dma_start3A_15, %dma_start3A_16] : memref<100000x300xf32, #tpu.memory_space<hbm>> -> memref<100000x256xf32, #tpu.memory_space<hbm>>
    tpu.enqueue_indirect_dma source(%dma_start3A_17 : memref<100000x256xf32, #tpu.memory_space<hbm>>) target(%dma_start3A_12 : memref<128x256xf32, #tpu.memory_space<vmem>>) offsets(%dma_start3A_14 : memref<128xi32, #tpu.memory_space<vmem>>) semaphore(%arg9 : memref<!tpu.dma_semaphore, #tpu.memory_space<semaphore_mem>>)
    %dma_wait3A = arith.constant 0 : i32
    %dma_wait3A_18 = arith.constant 0 : i32
    %dma_wait3A_19 = tpu.memref_slice %arg6[%dma_wait3A, %dma_wait3A_18] : memref<128x256xf32, #tpu.memory_space<vmem>> -> memref<128x256xf32, #tpu.memory_space<vmem>>
    %dma_wait3A_20 = arith.constant 0 : i32
    %dma_wait3A_21 = tpu.memref_slice %arg5[%dma_wait3A_20] : memref<1600xi32, #tpu.memory_space<vmem>> -> memref<128xi32, #tpu.memory_space<vmem>>
    %dma_wait3A_22 = arith.constant 0 : i32
    %dma_wait3A_23 = arith.constant 0 : i32
    %dma_wait3A_24 = tpu.memref_slice %arg2[%dma_wait3A_22, %dma_wait3A_23] : memref<100000x300xf32, #tpu.memory_space<hbm>> -> memref<100000x256xf32, #tpu.memory_space<hbm>>
    tpu.wait_indirect_dma semaphore(%arg8 : memref<!tpu.dma_semaphore, #tpu.memory_space<semaphore_mem>>) src(%dma_wait3A_24 : memref<100000x256xf32, #tpu.memory_space<hbm>>) dst(%dma_wait3A_19 : memref<128x256xf32, #tpu.memory_space<vmem>>)
    %add3A_25 = arith.constant 0 : i32
    %add3A_26 = arith.addi %mul3A_2, %add3A_25 : i32
    "tpu.region"() ({
      %run_scoped3A = tpu.sem_alloc : memref<!tpu.dma_semaphore, #tpu.memory_space<semaphore_mem>>
      %dma_start3A_235 = arith.constant 0 : i32
      %dma_start3A_236 = arith.constant 0 : i32
      %dma_start3A_237 = tpu.memref_slice %arg6[%dma_start3A_235, %dma_start3A_236] : memref<128x256xf32, #tpu.memory_space<vmem>> -> memref<128x256xf32, #tpu.memory_space<vmem>>
      %dma_start3A_238 = arith.constant 0 : i32
      %dma_start3A_239 = tpu.memref_slice %arg4[%add3A_26, %dma_start3A_238] : memref<51200x256xf32, #tpu.memory_space<hbm>> -> memref<128x256xf32, #tpu.memory_space<hbm>>
      %dma_start3A_240 = arith.constant 0 : i32
      %dma_start3A_241 = tpu.memref_slice %arg4[%add3A_26, %dma_start3A_240] : memref<51200x256xf32, #tpu.memory_space<hbm>> -> memref<128x256xf32, #tpu.memory_space<hbm>>
      %dma_start3A_242 = arith.constant 0 : i32
      %dma_start3A_243 = arith.constant 0 : i32
      %dma_start3A_244 = tpu.memref_slice %arg6[%dma_start3A_242, %dma_start3A_243] : memref<128x256xf32, #tpu.memory_space<vmem>> -> memref<128x256xf32, #tpu.memory_space<vmem>>
      tpu.enqueue_dma source(%dma_start3A_244 : memref<128x256xf32, #tpu.memory_space<vmem>>) target(%dma_start3A_241 : memref<128x256xf32, #tpu.memory_space<hbm>>) target_semaphore(%run_scoped3A : memref<!tpu.dma_semaphore, #tpu.memory_space<semaphore_mem>>)
      %dma_wait3A_245 = arith.constant 0 : i32
      %dma_wait3A_246 = arith.constant 0 : i32
      %dma_wait3A_247 = tpu.memref_slice %arg6[%dma_wait3A_245, %dma_wait3A_246] : memref<128x256xf32, #tpu.memory_space<vmem>> -> memref<128x256xf32, #tpu.memory_space<vmem>>
      %dma_wait3A_248 = arith.constant 0 : i32
      %dma_wait3A_249 = tpu.memref_slice %arg4[%add3A_26, %dma_wait3A_248] : memref<51200x256xf32, #tpu.memory_space<hbm>> -> memref<128x256xf32, #tpu.memory_space<hbm>>
      %dma_wait3A_250 = arith.constant 0 : i32
      %dma_wait3A_251 = tpu.memref_slice %arg4[%add3A_26, %dma_wait3A_250] : memref<51200x256xf32, #tpu.memory_space<hbm>> -> memref<128x256xf32, #tpu.memory_space<hbm>>
      %dma_wait3A_252 = arith.constant 0 : i32
      %dma_wait3A_253 = arith.constant 0 : i32
      %dma_wait3A_254 = tpu.memref_slice %arg6[%dma_wait3A_252, %dma_wait3A_253] : memref<128x256xf32, #tpu.memory_space<vmem>> -> memref<128x256xf32, #tpu.memory_space<vmem>>
      tpu.wait_dma2 semaphore(%run_scoped3A : memref<!tpu.dma_semaphore, #tpu.memory_space<semaphore_mem>>) src(%dma_wait3A_254 : memref<128x256xf32, #tpu.memory_space<vmem>>) dst(%dma_wait3A_251 : memref<128x256xf32, #tpu.memory_space<hbm>>)
      tpu.yield
    }) : () -> ()
    %dma_start3A_27 = arith.constant 0 : i32
    %dma_start3A_28 = arith.constant 0 : i32
    %dma_start3A_29 = tpu.memref_slice %arg6[%dma_start3A_27, %dma_start3A_28] : memref<128x256xf32, #tpu.memory_space<vmem>> -> memref<128x256xf32, #tpu.memory_space<vmem>>
    %dma_start3A_30 = arith.constant 256 : i32
    %dma_start3A_31 = tpu.memref_slice %arg5[%dma_start3A_30] : memref<1600xi32, #tpu.memory_space<vmem>> -> memref<128xi32, #tpu.memory_space<vmem>>
    %dma_start3A_32 = arith.constant 0 : i32
    %dma_start3A_33 = arith.constant 0 : i32
    %dma_start3A_34 = tpu.memref_slice %arg2[%dma_start3A_32, %dma_start3A_33] : memref<100000x300xf32, #tpu.memory_space<hbm>> -> memref<100000x256xf32, #tpu.memory_space<hbm>>
    tpu.enqueue_indirect_dma source(%dma_start3A_34 : memref<100000x256xf32, #tpu.memory_space<hbm>>) target(%dma_start3A_29 : memref<128x256xf32, #tpu.memory_space<vmem>>) offsets(%dma_start3A_31 : memref<128xi32, #tpu.memory_space<vmem>>) semaphore(%arg8 : memref<!tpu.dma_semaphore, #tpu.memory_space<semaphore_mem>>)
    %dma_wait3A_35 = arith.constant 0 : i32
    %dma_wait3A_36 = arith.constant 0 : i32
    %dma_wait3A_37 = tpu.memref_slice %arg7[%dma_wait3A_35, %dma_wait3A_36] : memref<128x256xf32, #tpu.memory_space<vmem>> -> memref<128x256xf32, #tpu.memory_space<vmem>>
    %dma_wait3A_38 = arith.constant 128 : i32
    %dma_wait3A_39 = tpu.memref_slice %arg5[%dma_wait3A_38] : memref<1600xi32, #tpu.memory_space<vmem>> -> memref<128xi32, #tpu.memory_space<vmem>>
    %dma_wait3A_40 = arith.constant 0 : i32
    %dma_wait3A_41 = arith.constant 0 : i32
    %dma_wait3A_42 = tpu.memref_slice %arg2[%dma_wait3A_40, %dma_wait3A_41] : memref<100000x300xf32, #tpu.memory_space<hbm>> -> memref<100000x256xf32, #tpu.memory_space<hbm>>
    tpu.wait_indirect_dma semaphore(%arg9 : memref<!tpu.dma_semaphore, #tpu.memory_space<semaphore_mem>>) src(%dma_wait3A_42 : memref<100000x256xf32, #tpu.memory_space<hbm>>) dst(%dma_wait3A_37 : memref<128x256xf32, #tpu.memory_space<vmem>>)
    %add3A_43 = arith.constant 128 : i32
    %add3A_44 = arith.addi %mul3A_2, %add3A_43 : i32
    "tpu.region"() ({
      %run_scoped3A = tpu.sem_alloc : memref<!tpu.dma_semaphore, #tpu.memory_space<semaphore_mem>>
      %dma_start3A_235 = arith.constant 0 : i32
      %dma_start3A_236 = arith.constant 0 : i32
      %dma_start3A_237 = tpu.memref_slice %arg7[%dma_start3A_235, %dma_start3A_236] : memref<128x256xf32, #tpu.memory_space<vmem>> -> memref<128x256xf32, #tpu.memory_space<vmem>>
      %dma_start3A_238 = arith.constant 0 : i32
      %dma_start3A_239 = tpu.memref_slice %arg4[%add3A_44, %dma_start3A_238] : memref<51200x256xf32, #tpu.memory_space<hbm>> -> memref<128x256xf32, #tpu.memory_space<hbm>>
      %dma_start3A_240 = arith.constant 0 : i32
      %dma_start3A_241 = tpu.memref_slice %arg4[%add3A_44, %dma_start3A_240] : memref<51200x256xf32, #tpu.memory_space<hbm>> -> memref<128x256xf32, #tpu.memory_space<hbm>>
      %dma_start3A_242 = arith.constant 0 : i32
      %dma_start3A_243 = arith.constant 0 : i32
      %dma_start3A_244 = tpu.memref_slice %arg7[%dma_start3A_242, %dma_start3A_243] : memref<128x256xf32, #tpu.memory_space<vmem>> -> memref<128x256xf32, #tpu.memory_space<vmem>>
      tpu.enqueue_dma source(%dma_start3A_244 : memref<128x256xf32, #tpu.memory_space<vmem>>) target(%dma_start3A_241 : memref<128x256xf32, #tpu.memory_space<hbm>>) target_semaphore(%run_scoped3A : memref<!tpu.dma_semaphore, #tpu.memory_space<semaphore_mem>>)
      %dma_wait3A_245 = arith.constant 0 : i32
      %dma_wait3A_246 = arith.constant 0 : i32
      %dma_wait3A_247 = tpu.memref_slice %arg7[%dma_wait3A_245, %dma_wait3A_246] : memref<128x256xf32, #tpu.memory_space<vmem>> -> memref<128x256xf32, #tpu.memory_space<vmem>>
      %dma_wait3A_248 = arith.constant 0 : i32
      %dma_wait3A_249 = tpu.memref_slice %arg4[%add3A_44, %dma_wait3A_248] : memref<51200x256xf32, #tpu.memory_space<hbm>> -> memref<128x256xf32, #tpu.memory_space<hbm>>
      %dma_wait3A_250 = arith.constant 0 : i32
      %dma_wait3A_251 = tpu.memref_slice %arg4[%add3A_44, %dma_wait3A_250] : memref<51200x256xf32, #tpu.memory_space<hbm>> -> memref<128x256xf32, #tpu.memory_space<hbm>>
      %dma_wait3A_252 = arith.constant 0 : i32
      %dma_wait3A_253 = arith.constant 0 : i32
      %dma_wait3A_254 = tpu.memref_slice %arg7[%dma_wait3A_252, %dma_wait3A_253] : memref<128x256xf32, #tpu.memory_space<vmem>> -> memref<128x256xf32, #tpu.memory_space<vmem>>
      tpu.wait_dma2 semaphore(%run_scoped3A : memref<!tpu.dma_semaphore, #tpu.memory_space<semaphore_mem>>) src(%dma_wait3A_254 : memref<128x256xf32, #tpu.memory_space<vmem>>) dst(%dma_wait3A_251 : memref<128x256xf32, #tpu.memory_space<hbm>>)
      tpu.yield
    }) : () -> ()
    %dma_start3A_45 = arith.constant 0 : i32
    %dma_start3A_46 = arith.constant 0 : i32
    %dma_start3A_47 = tpu.memref_slice %arg7[%dma_start3A_45, %dma_start3A_46] : memref<128x256xf32, #tpu.memory_space<vmem>> -> memref<128x256xf32, #tpu.memory_space<vmem>>
    %dma_start3A_48 = arith.constant 384 : i32
    %dma_start3A_49 = tpu.memref_slice %arg5[%dma_start3A_48] : memref<1600xi32, #tpu.memory_space<vmem>> -> memref<128xi32, #tpu.memory_space<vmem>>
    %dma_start3A_50 = arith.constant 0 : i32
    %dma_start3A_51 = arith.constant 0 : i32
    %dma_start3A_52 = tpu.memref_slice %arg2[%dma_start3A_50, %dma_start3A_51] : memref<100000x300xf32, #tpu.memory_space<hbm>> -> memref<100000x256xf32, #tpu.memory_space<hbm>>
    tpu.enqueue_indirect_dma source(%dma_start3A_52 : memref<100000x256xf32, #tpu.memory_space<hbm>>) target(%dma_start3A_47 : memref<128x256xf32, #tpu.memory_space<vmem>>) offsets(%dma_start3A_49 : memref<128xi32, #tpu.memory_space<vmem>>) semaphore(%arg9 : memref<!tpu.dma_semaphore, #tpu.memory_space<semaphore_mem>>)
    %dma_wait3A_53 = arith.constant 0 : i32
    %dma_wait3A_54 = arith.constant 0 : i32
    %dma_wait3A_55 = tpu.memref_slice %arg6[%dma_wait3A_53, %dma_wait3A_54] : memref<128x256xf32, #tpu.memory_space<vmem>> -> memref<128x256xf32, #tpu.memory_space<vmem>>
    %dma_wait3A_56 = arith.constant 256 : i32
    %dma_wait3A_57 = tpu.memref_slice %arg5[%dma_wait3A_56] : memref<1600xi32, #tpu.memory_space<vmem>> -> memref<128xi32, #tpu.memory_space<vmem>>
    %dma_wait3A_58 = arith.constant 0 : i32
    %dma_wait3A_59 = arith.constant 0 : i32
    %dma_wait3A_60 = tpu.memref_slice %arg2[%dma_wait3A_58, %dma_wait3A_59] : memref<100000x300xf32, #tpu.memory_space<hbm>> -> memref<100000x256xf32, #tpu.memory_space<hbm>>
    tpu.wait_indirect_dma semaphore(%arg8 : memref<!tpu.dma_semaphore, #tpu.memory_space<semaphore_mem>>) src(%dma_wait3A_60 : memref<100000x256xf32, #tpu.memory_space<hbm>>) dst(%dma_wait3A_55 : memref<128x256xf32, #tpu.memory_space<vmem>>)
    %add3A_61 = arith.constant 256 : i32
    %add3A_62 = arith.addi %mul3A_2, %add3A_61 : i32
    "tpu.region"() ({
      %run_scoped3A = tpu.sem_alloc : memref<!tpu.dma_semaphore, #tpu.memory_space<semaphore_mem>>
      %dma_start3A_235 = arith.constant 0 : i32
      %dma_start3A_236 = arith.constant 0 : i32
      %dma_start3A_237 = tpu.memref_slice %arg6[%dma_start3A_235, %dma_start3A_236] : memref<128x256xf32, #tpu.memory_space<vmem>> -> memref<128x256xf32, #tpu.memory_space<vmem>>
      %dma_start3A_238 = arith.constant 0 : i32
      %dma_start3A_239 = tpu.memref_slice %arg4[%add3A_62, %dma_start3A_238] : memref<51200x256xf32, #tpu.memory_space<hbm>> -> memref<128x256xf32, #tpu.memory_space<hbm>>
      %dma_start3A_240 = arith.constant 0 : i32
      %dma_start3A_241 = tpu.memref_slice %arg4[%add3A_62, %dma_start3A_240] : memref<51200x256xf32, #tpu.memory_space<hbm>> -> memref<128x256xf32, #tpu.memory_space<hbm>>
      %dma_start3A_242 = arith.constant 0 : i32
      %dma_start3A_243 = arith.constant 0 : i32
      %dma_start3A_244 = tpu.memref_slice %arg6[%dma_start3A_242, %dma_start3A_243] : memref<128x256xf32, #tpu.memory_space<vmem>> -> memref<128x256xf32, #tpu.memory_space<vmem>>
      tpu.enqueue_dma source(%dma_start3A_244 : memref<128x256xf32, #tpu.memory_space<vmem>>) target(%dma_start3A_241 : memref<128x256xf32, #tpu.memory_space<hbm>>) target_semaphore(%run_scoped3A : memref<!tpu.dma_semaphore, #tpu.memory_space<semaphore_mem>>)
      %dma_wait3A_245 = arith.constant 0 : i32
      %dma_wait3A_246 = arith.constant 0 : i32
      %dma_wait3A_247 = tpu.memref_slice %arg6[%dma_wait3A_245, %dma_wait3A_246] : memref<128x256xf32, #tpu.memory_space<vmem>> -> memref<128x256xf32, #tpu.memory_space<vmem>>
      %dma_wait3A_248 = arith.constant 0 : i32
      %dma_wait3A_249 = tpu.memref_slice %arg4[%add3A_62, %dma_wait3A_248] : memref<51200x256xf32, #tpu.memory_space<hbm>> -> memref<128x256xf32, #tpu.memory_space<hbm>>
      %dma_wait3A_250 = arith.constant 0 : i32
      %dma_wait3A_251 = tpu.memref_slice %arg4[%add3A_62, %dma_wait3A_250] : memref<51200x256xf32, #tpu.memory_space<hbm>> -> memref<128x256xf32, #tpu.memory_space<hbm>>
      %dma_wait3A_252 = arith.constant 0 : i32
      %dma_wait3A_253 = arith.constant 0 : i32
      %dma_wait3A_254 = tpu.memref_slice %arg6[%dma_wait3A_252, %dma_wait3A_253] : memref<128x256xf32, #tpu.memory_space<vmem>> -> memref<128x256xf32, #tpu.memory_space<vmem>>
      tpu.wait_dma2 semaphore(%run_scoped3A : memref<!tpu.dma_semaphore, #tpu.memory_space<semaphore_mem>>) src(%dma_wait3A_254 : memref<128x256xf32, #tpu.memory_space<vmem>>) dst(%dma_wait3A_251 : memref<128x256xf32, #tpu.memory_space<hbm>>)
      tpu.yield
    }) : () -> ()
    %dma_start3A_63 = arith.constant 0 : i32
    %dma_start3A_64 = arith.constant 0 : i32
    %dma_start3A_65 = tpu.memref_slice %arg6[%dma_start3A_63, %dma_start3A_64] : memref<128x256xf32, #tpu.memory_space<vmem>> -> memref<128x256xf32, #tpu.memory_space<vmem>>
    %dma_start3A_66 = arith.constant 512 : i32
    %dma_start3A_67 = tpu.memref_slice %arg5[%dma_start3A_66] : memref<1600xi32, #tpu.memory_space<vmem>> -> memref<128xi32, #tpu.memory_space<vmem>>
    %dma_start3A_68 = arith.constant 0 : i32
    %dma_start3A_69 = arith.constant 0 : i32
    %dma_start3A_70 = tpu.memref_slice %arg2[%dma_start3A_68, %dma_start3A_69] : memref<100000x300xf32, #tpu.memory_space<hbm>> -> memref<100000x256xf32, #tpu.memory_space<hbm>>
    tpu.enqueue_indirect_dma source(%dma_start3A_70 : memref<100000x256xf32, #tpu.memory_space<hbm>>) target(%dma_start3A_65 : memref<128x256xf32, #tpu.memory_space<vmem>>) offsets(%dma_start3A_67 : memref<128xi32, #tpu.memory_space<vmem>>) semaphore(%arg8 : memref<!tpu.dma_semaphore, #tpu.memory_space<semaphore_mem>>)
    %dma_wait3A_71 = arith.constant 0 : i32
    %dma_wait3A_72 = arith.constant 0 : i32
    %dma_wait3A_73 = tpu.memref_slice %arg7[%dma_wait3A_71, %dma_wait3A_72] : memref<128x256xf32, #tpu.memory_space<vmem>> -> memref<128x256xf32, #tpu.memory_space<vmem>>
    %dma_wait3A_74 = arith.constant 384 : i32
    %dma_wait3A_75 = tpu.memref_slice %arg5[%dma_wait3A_74] : memref<1600xi32, #tpu.memory_space<vmem>> -> memref<128xi32, #tpu.memory_space<vmem>>
    %dma_wait3A_76 = arith.constant 0 : i32
    %dma_wait3A_77 = arith.constant 0 : i32
    %dma_wait3A_78 = tpu.memref_slice %arg2[%dma_wait3A_76, %dma_wait3A_77] : memref<100000x300xf32, #tpu.memory_space<hbm>> -> memref<100000x256xf32, #tpu.memory_space<hbm>>
    tpu.wait_indirect_dma semaphore(%arg9 : memref<!tpu.dma_semaphore, #tpu.memory_space<semaphore_mem>>) src(%dma_wait3A_78 : memref<100000x256xf32, #tpu.memory_space<hbm>>) dst(%dma_wait3A_73 : memref<128x256xf32, #tpu.memory_space<vmem>>)
    %add3A_79 = arith.constant 384 : i32
    %add3A_80 = arith.addi %mul3A_2, %add3A_79 : i32
    "tpu.region"() ({
      %run_scoped3A = tpu.sem_alloc : memref<!tpu.dma_semaphore, #tpu.memory_space<semaphore_mem>>
      %dma_start3A_235 = arith.constant 0 : i32
      %dma_start3A_236 = arith.constant 0 : i32
      %dma_start3A_237 = tpu.memref_slice %arg7[%dma_start3A_235, %dma_start3A_236] : memref<128x256xf32, #tpu.memory_space<vmem>> -> memref<128x256xf32, #tpu.memory_space<vmem>>
      %dma_start3A_238 = arith.constant 0 : i32
      %dma_start3A_239 = tpu.memref_slice %arg4[%add3A_80, %dma_start3A_238] : memref<51200x256xf32, #tpu.memory_space<hbm>> -> memref<128x256xf32, #tpu.memory_space<hbm>>
      %dma_start3A_240 = arith.constant 0 : i32
      %dma_start3A_241 = tpu.memref_slice %arg4[%add3A_80, %dma_start3A_240] : memref<51200x256xf32, #tpu.memory_space<hbm>> -> memref<128x256xf32, #tpu.memory_space<hbm>>
      %dma_start3A_242 = arith.constant 0 : i32
      %dma_start3A_243 = arith.constant 0 : i32
      %dma_start3A_244 = tpu.memref_slice %arg7[%dma_start3A_242, %dma_start3A_243] : memref<128x256xf32, #tpu.memory_space<vmem>> -> memref<128x256xf32, #tpu.memory_space<vmem>>
      tpu.enqueue_dma source(%dma_start3A_244 : memref<128x256xf32, #tpu.memory_space<vmem>>) target(%dma_start3A_241 : memref<128x256xf32, #tpu.memory_space<hbm>>) target_semaphore(%run_scoped3A : memref<!tpu.dma_semaphore, #tpu.memory_space<semaphore_mem>>)
      %dma_wait3A_245 = arith.constant 0 : i32
      %dma_wait3A_246 = arith.constant 0 : i32
      %dma_wait3A_247 = tpu.memref_slice %arg7[%dma_wait3A_245, %dma_wait3A_246] : memref<128x256xf32, #tpu.memory_space<vmem>> -> memref<128x256xf32, #tpu.memory_space<vmem>>
      %dma_wait3A_248 = arith.constant 0 : i32
      %dma_wait3A_249 = tpu.memref_slice %arg4[%add3A_80, %dma_wait3A_248] : memref<51200x256xf32, #tpu.memory_space<hbm>> -> memref<128x256xf32, #tpu.memory_space<hbm>>
      %dma_wait3A_250 = arith.constant 0 : i32
      %dma_wait3A_251 = tpu.memref_slice %arg4[%add3A_80, %dma_wait3A_250] : memref<51200x256xf32, #tpu.memory_space<hbm>> -> memref<128x256xf32, #tpu.memory_space<hbm>>
      %dma_wait3A_252 = arith.constant 0 : i32
      %dma_wait3A_253 = arith.constant 0 : i32
      %dma_wait3A_254 = tpu.memref_slice %arg7[%dma_wait3A_252, %dma_wait3A_253] : memref<128x256xf32, #tpu.memory_space<vmem>> -> memref<128x256xf32, #tpu.memory_space<vmem>>
      tpu.wait_dma2 semaphore(%run_scoped3A : memref<!tpu.dma_semaphore, #tpu.memory_space<semaphore_mem>>) src(%dma_wait3A_254 : memref<128x256xf32, #tpu.memory_space<vmem>>) dst(%dma_wait3A_251 : memref<128x256xf32, #tpu.memory_space<hbm>>)
      tpu.yield
    }) : () -> ()
    %dma_start3A_81 = arith.constant 0 : i32
    %dma_start3A_82 = arith.constant 0 : i32
    %dma_start3A_83 = tpu.memref_slice %arg7[%dma_start3A_81, %dma_start3A_82] : memref<128x256xf32, #tpu.memory_space<vmem>> -> memref<128x256xf32, #tpu.memory_space<vmem>>
    %dma_start3A_84 = arith.constant 640 : i32
    %dma_start3A_85 = tpu.memref_slice %arg5[%dma_start3A_84] : memref<1600xi32, #tpu.memory_space<vmem>> -> memref<128xi32, #tpu.memory_space<vmem>>
    %dma_start3A_86 = arith.constant 0 : i32
    %dma_start3A_87 = arith.constant 0 : i32
    %dma_start3A_88 = tpu.memref_slice %arg2[%dma_start3A_86, %dma_start3A_87] : memref<100000x300xf32, #tpu.memory_space<hbm>> -> memref<100000x256xf32, #tpu.memory_space<hbm>>
    tpu.enqueue_indirect_dma source(%dma_start3A_88 : memref<100000x256xf32, #tpu.memory_space<hbm>>) target(%dma_start3A_83 : memref<128x256xf32, #tpu.memory_space<vmem>>) offsets(%dma_start3A_85 : memref<128xi32, #tpu.memory_space<vmem>>) semaphore(%arg9 : memref<!tpu.dma_semaphore, #tpu.memory_space<semaphore_mem>>)
    %dma_wait3A_89 = arith.constant 0 : i32
    %dma_wait3A_90 = arith.constant 0 : i32
    %dma_wait3A_91 = tpu.memref_slice %arg6[%dma_wait3A_89, %dma_wait3A_90] : memref<128x256xf32, #tpu.memory_space<vmem>> -> memref<128x256xf32, #tpu.memory_space<vmem>>
    %dma_wait3A_92 = arith.constant 512 : i32
    %dma_wait3A_93 = tpu.memref_slice %arg5[%dma_wait3A_92] : memref<1600xi32, #tpu.memory_space<vmem>> -> memref<128xi32, #tpu.memory_space<vmem>>
    %dma_wait3A_94 = arith.constant 0 : i32
    %dma_wait3A_95 = arith.constant 0 : i32
    %dma_wait3A_96 = tpu.memref_slice %arg2[%dma_wait3A_94, %dma_wait3A_95] : memref<100000x300xf32, #tpu.memory_space<hbm>> -> memref<100000x256xf32, #tpu.memory_space<hbm>>
    tpu.wait_indirect_dma semaphore(%arg8 : memref<!tpu.dma_semaphore, #tpu.memory_space<semaphore_mem>>) src(%dma_wait3A_96 : memref<100000x256xf32, #tpu.memory_space<hbm>>) dst(%dma_wait3A_91 : memref<128x256xf32, #tpu.memory_space<vmem>>)
    %add3A_97 = arith.constant 512 : i32
    %add3A_98 = arith.addi %mul3A_2, %add3A_97 : i32
    "tpu.region"() ({
      %run_scoped3A = tpu.sem_alloc : memref<!tpu.dma_semaphore, #tpu.memory_space<semaphore_mem>>
      %dma_start3A_235 = arith.constant 0 : i32
      %dma_start3A_236 = arith.constant 0 : i32
      %dma_start3A_237 = tpu.memref_slice %arg6[%dma_start3A_235, %dma_start3A_236] : memref<128x256xf32, #tpu.memory_space<vmem>> -> memref<128x256xf32, #tpu.memory_space<vmem>>
      %dma_start3A_238 = arith.constant 0 : i32
      %dma_start3A_239 = tpu.memref_slice %arg4[%add3A_98, %dma_start3A_238] : memref<51200x256xf32, #tpu.memory_space<hbm>> -> memref<128x256xf32, #tpu.memory_space<hbm>>
      %dma_start3A_240 = arith.constant 0 : i32
      %dma_start3A_241 = tpu.memref_slice %arg4[%add3A_98, %dma_start3A_240] : memref<51200x256xf32, #tpu.memory_space<hbm>> -> memref<128x256xf32, #tpu.memory_space<hbm>>
      %dma_start3A_242 = arith.constant 0 : i32
      %dma_start3A_243 = arith.constant 0 : i32
      %dma_start3A_244 = tpu.memref_slice %arg6[%dma_start3A_242, %dma_start3A_243] : memref<128x256xf32, #tpu.memory_space<vmem>> -> memref<128x256xf32, #tpu.memory_space<vmem>>
      tpu.enqueue_dma source(%dma_start3A_244 : memref<128x256xf32, #tpu.memory_space<vmem>>) target(%dma_start3A_241 : memref<128x256xf32, #tpu.memory_space<hbm>>) target_semaphore(%run_scoped3A : memref<!tpu.dma_semaphore, #tpu.memory_space<semaphore_mem>>)
      %dma_wait3A_245 = arith.constant 0 : i32
      %dma_wait3A_246 = arith.constant 0 : i32
      %dma_wait3A_247 = tpu.memref_slice %arg6[%dma_wait3A_245, %dma_wait3A_246] : memref<128x256xf32, #tpu.memory_space<vmem>> -> memref<128x256xf32, #tpu.memory_space<vmem>>
      %dma_wait3A_248 = arith.constant 0 : i32
      %dma_wait3A_249 = tpu.memref_slice %arg4[%add3A_98, %dma_wait3A_248] : memref<51200x256xf32, #tpu.memory_space<hbm>> -> memref<128x256xf32, #tpu.memory_space<hbm>>
      %dma_wait3A_250 = arith.constant 0 : i32
      %dma_wait3A_251 = tpu.memref_slice %arg4[%add3A_98, %dma_wait3A_250] : memref<51200x256xf32, #tpu.memory_space<hbm>> -> memref<128x256xf32, #tpu.memory_space<hbm>>
      %dma_wait3A_252 = arith.constant 0 : i32
      %dma_wait3A_253 = arith.constant 0 : i32
      %dma_wait3A_254 = tpu.memref_slice %arg6[%dma_wait3A_252, %dma_wait3A_253] : memref<128x256xf32, #tpu.memory_space<vmem>> -> memref<128x256xf32, #tpu.memory_space<vmem>>
      tpu.wait_dma2 semaphore(%run_scoped3A : memref<!tpu.dma_semaphore, #tpu.memory_space<semaphore_mem>>) src(%dma_wait3A_254 : memref<128x256xf32, #tpu.memory_space<vmem>>) dst(%dma_wait3A_251 : memref<128x256xf32, #tpu.memory_space<hbm>>)
      tpu.yield
    }) : () -> ()
    %dma_start3A_99 = arith.constant 0 : i32
    %dma_start3A_100 = arith.constant 0 : i32
    %dma_start3A_101 = tpu.memref_slice %arg6[%dma_start3A_99, %dma_start3A_100] : memref<128x256xf32, #tpu.memory_space<vmem>> -> memref<128x256xf32, #tpu.memory_space<vmem>>
    %dma_start3A_102 = arith.constant 768 : i32
    %dma_start3A_103 = tpu.memref_slice %arg5[%dma_start3A_102] : memref<1600xi32, #tpu.memory_space<vmem>> -> memref<128xi32, #tpu.memory_space<vmem>>
    %dma_start3A_104 = arith.constant 0 : i32
    %dma_start3A_105 = arith.constant 0 : i32
    %dma_start3A_106 = tpu.memref_slice %arg2[%dma_start3A_104, %dma_start3A_105] : memref<100000x300xf32, #tpu.memory_space<hbm>> -> memref<100000x256xf32, #tpu.memory_space<hbm>>
    tpu.enqueue_indirect_dma source(%dma_start3A_106 : memref<100000x256xf32, #tpu.memory_space<hbm>>) target(%dma_start3A_101 : memref<128x256xf32, #tpu.memory_space<vmem>>) offsets(%dma_start3A_103 : memref<128xi32, #tpu.memory_space<vmem>>) semaphore(%arg8 : memref<!tpu.dma_semaphore, #tpu.memory_space<semaphore_mem>>)
    %dma_wait3A_107 = arith.constant 0 : i32
    %dma_wait3A_108 = arith.constant 0 : i32
    %dma_wait3A_109 = tpu.memref_slice %arg7[%dma_wait3A_107, %dma_wait3A_108] : memref<128x256xf32, #tpu.memory_space<vmem>> -> memref<128x256xf32, #tpu.memory_space<vmem>>
    %dma_wait3A_110 = arith.constant 640 : i32
    %dma_wait3A_111 = tpu.memref_slice %arg5[%dma_wait3A_110] : memref<1600xi32, #tpu.memory_space<vmem>> -> memref<128xi32, #tpu.memory_space<vmem>>
    %dma_wait3A_112 = arith.constant 0 : i32
    %dma_wait3A_113 = arith.constant 0 : i32
    %dma_wait3A_114 = tpu.memref_slice %arg2[%dma_wait3A_112, %dma_wait3A_113] : memref<100000x300xf32, #tpu.memory_space<hbm>> -> memref<100000x256xf32, #tpu.memory_space<hbm>>
    tpu.wait_indirect_dma semaphore(%arg9 : memref<!tpu.dma_semaphore, #tpu.memory_space<semaphore_mem>>) src(%dma_wait3A_114 : memref<100000x256xf32, #tpu.memory_space<hbm>>) dst(%dma_wait3A_109 : memref<128x256xf32, #tpu.memory_space<vmem>>)
    %add3A_115 = arith.constant 640 : i32
    %add3A_116 = arith.addi %mul3A_2, %add3A_115 : i32
    "tpu.region"() ({
      %run_scoped3A = tpu.sem_alloc : memref<!tpu.dma_semaphore, #tpu.memory_space<semaphore_mem>>
      %dma_start3A_235 = arith.constant 0 : i32
      %dma_start3A_236 = arith.constant 0 : i32
      %dma_start3A_237 = tpu.memref_slice %arg7[%dma_start3A_235, %dma_start3A_236] : memref<128x256xf32, #tpu.memory_space<vmem>> -> memref<128x256xf32, #tpu.memory_space<vmem>>
      %dma_start3A_238 = arith.constant 0 : i32
      %dma_start3A_239 = tpu.memref_slice %arg4[%add3A_116, %dma_start3A_238] : memref<51200x256xf32, #tpu.memory_space<hbm>> -> memref<128x256xf32, #tpu.memory_space<hbm>>
      %dma_start3A_240 = arith.constant 0 : i32
      %dma_start3A_241 = tpu.memref_slice %arg4[%add3A_116, %dma_start3A_240] : memref<51200x256xf32, #tpu.memory_space<hbm>> -> memref<128x256xf32, #tpu.memory_space<hbm>>
      %dma_start3A_242 = arith.constant 0 : i32
      %dma_start3A_243 = arith.constant 0 : i32
      %dma_start3A_244 = tpu.memref_slice %arg7[%dma_start3A_242, %dma_start3A_243] : memref<128x256xf32, #tpu.memory_space<vmem>> -> memref<128x256xf32, #tpu.memory_space<vmem>>
      tpu.enqueue_dma source(%dma_start3A_244 : memref<128x256xf32, #tpu.memory_space<vmem>>) target(%dma_start3A_241 : memref<128x256xf32, #tpu.memory_space<hbm>>) target_semaphore(%run_scoped3A : memref<!tpu.dma_semaphore, #tpu.memory_space<semaphore_mem>>)
      %dma_wait3A_245 = arith.constant 0 : i32
      %dma_wait3A_246 = arith.constant 0 : i32
      %dma_wait3A_247 = tpu.memref_slice %arg7[%dma_wait3A_245, %dma_wait3A_246] : memref<128x256xf32, #tpu.memory_space<vmem>> -> memref<128x256xf32, #tpu.memory_space<vmem>>
      %dma_wait3A_248 = arith.constant 0 : i32
      %dma_wait3A_249 = tpu.memref_slice %arg4[%add3A_116, %dma_wait3A_248] : memref<51200x256xf32, #tpu.memory_space<hbm>> -> memref<128x256xf32, #tpu.memory_space<hbm>>
      %dma_wait3A_250 = arith.constant 0 : i32
      %dma_wait3A_251 = tpu.memref_slice %arg4[%add3A_116, %dma_wait3A_250] : memref<51200x256xf32, #tpu.memory_space<hbm>> -> memref<128x256xf32, #tpu.memory_space<hbm>>
      %dma_wait3A_252 = arith.constant 0 : i32
      %dma_wait3A_253 = arith.constant 0 : i32
      %dma_wait3A_254 = tpu.memref_slice %arg7[%dma_wait3A_252, %dma_wait3A_253] : memref<128x256xf32, #tpu.memory_space<vmem>> -> memref<128x256xf32, #tpu.memory_space<vmem>>
      tpu.wait_dma2 semaphore(%run_scoped3A : memref<!tpu.dma_semaphore, #tpu.memory_space<semaphore_mem>>) src(%dma_wait3A_254 : memref<128x256xf32, #tpu.memory_space<vmem>>) dst(%dma_wait3A_251 : memref<128x256xf32, #tpu.memory_space<hbm>>)
      tpu.yield
    }) : () -> ()
    %dma_start3A_117 = arith.constant 0 : i32
    %dma_start3A_118 = arith.constant 0 : i32
    %dma_start3A_119 = tpu.memref_slice %arg7[%dma_start3A_117, %dma_start3A_118] : memref<128x256xf32, #tpu.memory_space<vmem>> -> memref<128x256xf32, #tpu.memory_space<vmem>>
    %dma_start3A_120 = arith.constant 896 : i32
    %dma_start3A_121 = tpu.memref_slice %arg5[%dma_start3A_120] : memref<1600xi32, #tpu.memory_space<vmem>> -> memref<128xi32, #tpu.memory_space<vmem>>
    %dma_start3A_122 = arith.constant 0 : i32
    %dma_start3A_123 = arith.constant 0 : i32
    %dma_start3A_124 = tpu.memref_slice %arg2[%dma_start3A_122, %dma_start3A_123] : memref<100000x300xf32, #tpu.memory_space<hbm>> -> memref<100000x256xf32, #tpu.memory_space<hbm>>
    tpu.enqueue_indirect_dma source(%dma_start3A_124 : memref<100000x256xf32, #tpu.memory_space<hbm>>) target(%dma_start3A_119 : memref<128x256xf32, #tpu.memory_space<vmem>>) offsets(%dma_start3A_121 : memref<128xi32, #tpu.memory_space<vmem>>) semaphore(%arg9 : memref<!tpu.dma_semaphore, #tpu.memory_space<semaphore_mem>>)
    %dma_wait3A_125 = arith.constant 0 : i32
    %dma_wait3A_126 = arith.constant 0 : i32
    %dma_wait3A_127 = tpu.memref_slice %arg6[%dma_wait3A_125, %dma_wait3A_126] : memref<128x256xf32, #tpu.memory_space<vmem>> -> memref<128x256xf32, #tpu.memory_space<vmem>>
    %dma_wait3A_128 = arith.constant 768 : i32
    %dma_wait3A_129 = tpu.memref_slice %arg5[%dma_wait3A_128] : memref<1600xi32, #tpu.memory_space<vmem>> -> memref<128xi32, #tpu.memory_space<vmem>>
    %dma_wait3A_130 = arith.constant 0 : i32
    %dma_wait3A_131 = arith.constant 0 : i32
    %dma_wait3A_132 = tpu.memref_slice %arg2[%dma_wait3A_130, %dma_wait3A_131] : memref<100000x300xf32, #tpu.memory_space<hbm>> -> memref<100000x256xf32, #tpu.memory_space<hbm>>
    tpu.wait_indirect_dma semaphore(%arg8 : memref<!tpu.dma_semaphore, #tpu.memory_space<semaphore_mem>>) src(%dma_wait3A_132 : memref<100000x256xf32, #tpu.memory_space<hbm>>) dst(%dma_wait3A_127 : memref<128x256xf32, #tpu.memory_space<vmem>>)
    %add3A_133 = arith.constant 768 : i32
    %add3A_134 = arith.addi %mul3A_2, %add3A_133 : i32
    "tpu.region"() ({
      %run_scoped3A = tpu.sem_alloc : memref<!tpu.dma_semaphore, #tpu.memory_space<semaphore_mem>>
      %dma_start3A_235 = arith.constant 0 : i32
      %dma_start3A_236 = arith.constant 0 : i32
      %dma_start3A_237 = tpu.memref_slice %arg6[%dma_start3A_235, %dma_start3A_236] : memref<128x256xf32, #tpu.memory_space<vmem>> -> memref<128x256xf32, #tpu.memory_space<vmem>>
      %dma_start3A_238 = arith.constant 0 : i32
      %dma_start3A_239 = tpu.memref_slice %arg4[%add3A_134, %dma_start3A_238] : memref<51200x256xf32, #tpu.memory_space<hbm>> -> memref<128x256xf32, #tpu.memory_space<hbm>>
      %dma_start3A_240 = arith.constant 0 : i32
      %dma_start3A_241 = tpu.memref_slice %arg4[%add3A_134, %dma_start3A_240] : memref<51200x256xf32, #tpu.memory_space<hbm>> -> memref<128x256xf32, #tpu.memory_space<hbm>>
      %dma_start3A_242 = arith.constant 0 : i32
      %dma_start3A_243 = arith.constant 0 : i32
      %dma_start3A_244 = tpu.memref_slice %arg6[%dma_start3A_242, %dma_start3A_243] : memref<128x256xf32, #tpu.memory_space<vmem>> -> memref<128x256xf32, #tpu.memory_space<vmem>>
      tpu.enqueue_dma source(%dma_start3A_244 : memref<128x256xf32, #tpu.memory_space<vmem>>) target(%dma_start3A_241 : memref<128x256xf32, #tpu.memory_space<hbm>>) target_semaphore(%run_scoped3A : memref<!tpu.dma_semaphore, #tpu.memory_space<semaphore_mem>>)
      %dma_wait3A_245 = arith.constant 0 : i32
      %dma_wait3A_246 = arith.constant 0 : i32
      %dma_wait3A_247 = tpu.memref_slice %arg6[%dma_wait3A_245, %dma_wait3A_246] : memref<128x256xf32, #tpu.memory_space<vmem>> -> memref<128x256xf32, #tpu.memory_space<vmem>>
      %dma_wait3A_248 = arith.constant 0 : i32
      %dma_wait3A_249 = tpu.memref_slice %arg4[%add3A_134, %dma_wait3A_248] : memref<51200x256xf32, #tpu.memory_space<hbm>> -> memref<128x256xf32, #tpu.memory_space<hbm>>
      %dma_wait3A_250 = arith.constant 0 : i32
      %dma_wait3A_251 = tpu.memref_slice %arg4[%add3A_134, %dma_wait3A_250] : memref<51200x256xf32, #tpu.memory_space<hbm>> -> memref<128x256xf32, #tpu.memory_space<hbm>>
      %dma_wait3A_252 = arith.constant 0 : i32
      %dma_wait3A_253 = arith.constant 0 : i32
      %dma_wait3A_254 = tpu.memref_slice %arg6[%dma_wait3A_252, %dma_wait3A_253] : memref<128x256xf32, #tpu.memory_space<vmem>> -> memref<128x256xf32, #tpu.memory_space<vmem>>
      tpu.wait_dma2 semaphore(%run_scoped3A : memref<!tpu.dma_semaphore, #tpu.memory_space<semaphore_mem>>) src(%dma_wait3A_254 : memref<128x256xf32, #tpu.memory_space<vmem>>) dst(%dma_wait3A_251 : memref<128x256xf32, #tpu.memory_space<hbm>>)
      tpu.yield
    }) : () -> ()
    %dma_start3A_135 = arith.constant 0 : i32
    %dma_start3A_136 = arith.constant 0 : i32
    %dma_start3A_137 = tpu.memref_slice %arg6[%dma_start3A_135, %dma_start3A_136] : memref<128x256xf32, #tpu.memory_space<vmem>> -> memref<128x256xf32, #tpu.memory_space<vmem>>
    %dma_start3A_138 = arith.constant 1024 : i32
    %dma_start3A_139 = tpu.memref_slice %arg5[%dma_start3A_138] : memref<1600xi32, #tpu.memory_space<vmem>> -> memref<128xi32, #tpu.memory_space<vmem>>
    %dma_start3A_140 = arith.constant 0 : i32
    %dma_start3A_141 = arith.constant 0 : i32
    %dma_start3A_142 = tpu.memref_slice %arg2[%dma_start3A_140, %dma_start3A_141] : memref<100000x300xf32, #tpu.memory_space<hbm>> -> memref<100000x256xf32, #tpu.memory_space<hbm>>
    tpu.enqueue_indirect_dma source(%dma_start3A_142 : memref<100000x256xf32, #tpu.memory_space<hbm>>) target(%dma_start3A_137 : memref<128x256xf32, #tpu.memory_space<vmem>>) offsets(%dma_start3A_139 : memref<128xi32, #tpu.memory_space<vmem>>) semaphore(%arg8 : memref<!tpu.dma_semaphore, #tpu.memory_space<semaphore_mem>>)
    %dma_wait3A_143 = arith.constant 0 : i32
    %dma_wait3A_144 = arith.constant 0 : i32
    %dma_wait3A_145 = tpu.memref_slice %arg7[%dma_wait3A_143, %dma_wait3A_144] : memref<128x256xf32, #tpu.memory_space<vmem>> -> memref<128x256xf32, #tpu.memory_space<vmem>>
    %dma_wait3A_146 = arith.constant 896 : i32
    %dma_wait3A_147 = tpu.memref_slice %arg5[%dma_wait3A_146] : memref<1600xi32, #tpu.memory_space<vmem>> -> memref<128xi32, #tpu.memory_space<vmem>>
    %dma_wait3A_148 = arith.constant 0 : i32
    %dma_wait3A_149 = arith.constant 0 : i32
    %dma_wait3A_150 = tpu.memref_slice %arg2[%dma_wait3A_148, %dma_wait3A_149] : memref<100000x300xf32, #tpu.memory_space<hbm>> -> memref<100000x256xf32, #tpu.memory_space<hbm>>
    tpu.wait_indirect_dma semaphore(%arg9 : memref<!tpu.dma_semaphore, #tpu.memory_space<semaphore_mem>>) src(%dma_wait3A_150 : memref<100000x256xf32, #tpu.memory_space<hbm>>) dst(%dma_wait3A_145 : memref<128x256xf32, #tpu.memory_space<vmem>>)
    %add3A_151 = arith.constant 896 : i32
    %add3A_152 = arith.addi %mul3A_2, %add3A_151 : i32
    "tpu.region"() ({
      %run_scoped3A = tpu.sem_alloc : memref<!tpu.dma_semaphore, #tpu.memory_space<semaphore_mem>>
      %dma_start3A_235 = arith.constant 0 : i32
      %dma_start3A_236 = arith.constant 0 : i32
      %dma_start3A_237 = tpu.memref_slice %arg7[%dma_start3A_235, %dma_start3A_236] : memref<128x256xf32, #tpu.memory_space<vmem>> -> memref<128x256xf32, #tpu.memory_space<vmem>>
      %dma_start3A_238 = arith.constant 0 : i32
      %dma_start3A_239 = tpu.memref_slice %arg4[%add3A_152, %dma_start3A_238] : memref<51200x256xf32, #tpu.memory_space<hbm>> -> memref<128x256xf32, #tpu.memory_space<hbm>>
      %dma_start3A_240 = arith.constant 0 : i32
      %dma_start3A_241 = tpu.memref_slice %arg4[%add3A_152, %dma_start3A_240] : memref<51200x256xf32, #tpu.memory_space<hbm>> -> memref<128x256xf32, #tpu.memory_space<hbm>>
      %dma_start3A_242 = arith.constant 0 : i32
      %dma_start3A_243 = arith.constant 0 : i32
      %dma_start3A_244 = tpu.memref_slice %arg7[%dma_start3A_242, %dma_start3A_243] : memref<128x256xf32, #tpu.memory_space<vmem>> -> memref<128x256xf32, #tpu.memory_space<vmem>>
      tpu.enqueue_dma source(%dma_start3A_244 : memref<128x256xf32, #tpu.memory_space<vmem>>) target(%dma_start3A_241 : memref<128x256xf32, #tpu.memory_space<hbm>>) target_semaphore(%run_scoped3A : memref<!tpu.dma_semaphore, #tpu.memory_space<semaphore_mem>>)
      %dma_wait3A_245 = arith.constant 0 : i32
      %dma_wait3A_246 = arith.constant 0 : i32
      %dma_wait3A_247 = tpu.memref_slice %arg7[%dma_wait3A_245, %dma_wait3A_246] : memref<128x256xf32, #tpu.memory_space<vmem>> -> memref<128x256xf32, #tpu.memory_space<vmem>>
      %dma_wait3A_248 = arith.constant 0 : i32
      %dma_wait3A_249 = tpu.memref_slice %arg4[%add3A_152, %dma_wait3A_248] : memref<51200x256xf32, #tpu.memory_space<hbm>> -> memref<128x256xf32, #tpu.memory_space<hbm>>
      %dma_wait3A_250 = arith.constant 0 : i32
      %dma_wait3A_251 = tpu.memref_slice %arg4[%add3A_152, %dma_wait3A_250] : memref<51200x256xf32, #tpu.memory_space<hbm>> -> memref<128x256xf32, #tpu.memory_space<hbm>>
      %dma_wait3A_252 = arith.constant 0 : i32
      %dma_wait3A_253 = arith.constant 0 : i32
      %dma_wait3A_254 = tpu.memref_slice %arg7[%dma_wait3A_252, %dma_wait3A_253] : memref<128x256xf32, #tpu.memory_space<vmem>> -> memref<128x256xf32, #tpu.memory_space<vmem>>
      tpu.wait_dma2 semaphore(%run_scoped3A : memref<!tpu.dma_semaphore, #tpu.memory_space<semaphore_mem>>) src(%dma_wait3A_254 : memref<128x256xf32, #tpu.memory_space<vmem>>) dst(%dma_wait3A_251 : memref<128x256xf32, #tpu.memory_space<hbm>>)
      tpu.yield
    }) : () -> ()
    %dma_start3A_153 = arith.constant 0 : i32
    %dma_start3A_154 = arith.constant 0 : i32
    %dma_start3A_155 = tpu.memref_slice %arg7[%dma_start3A_153, %dma_start3A_154] : memref<128x256xf32, #tpu.memory_space<vmem>> -> memref<128x256xf32, #tpu.memory_space<vmem>>
    %dma_start3A_156 = arith.constant 1152 : i32
    %dma_start3A_157 = tpu.memref_slice %arg5[%dma_start3A_156] : memref<1600xi32, #tpu.memory_space<vmem>> -> memref<128xi32, #tpu.memory_space<vmem>>
    %dma_start3A_158 = arith.constant 0 : i32
    %dma_start3A_159 = arith.constant 0 : i32
    %dma_start3A_160 = tpu.memref_slice %arg2[%dma_start3A_158, %dma_start3A_159] : memref<100000x300xf32, #tpu.memory_space<hbm>> -> memref<100000x256xf32, #tpu.memory_space<hbm>>
    tpu.enqueue_indirect_dma source(%dma_start3A_160 : memref<100000x256xf32, #tpu.memory_space<hbm>>) target(%dma_start3A_155 : memref<128x256xf32, #tpu.memory_space<vmem>>) offsets(%dma_start3A_157 : memref<128xi32, #tpu.memory_space<vmem>>) semaphore(%arg9 : memref<!tpu.dma_semaphore, #tpu.memory_space<semaphore_mem>>)
    %dma_wait3A_161 = arith.constant 0 : i32
    %dma_wait3A_162 = arith.constant 0 : i32
    %dma_wait3A_163 = tpu.memref_slice %arg6[%dma_wait3A_161, %dma_wait3A_162] : memref<128x256xf32, #tpu.memory_space<vmem>> -> memref<128x256xf32, #tpu.memory_space<vmem>>
    %dma_wait3A_164 = arith.constant 1024 : i32
    %dma_wait3A_165 = tpu.memref_slice %arg5[%dma_wait3A_164] : memref<1600xi32, #tpu.memory_space<vmem>> -> memref<128xi32, #tpu.memory_space<vmem>>
    %dma_wait3A_166 = arith.constant 0 : i32
    %dma_wait3A_167 = arith.constant 0 : i32
    %dma_wait3A_168 = tpu.memref_slice %arg2[%dma_wait3A_166, %dma_wait3A_167] : memref<100000x300xf32, #tpu.memory_space<hbm>> -> memref<100000x256xf32, #tpu.memory_space<hbm>>
    tpu.wait_indirect_dma semaphore(%arg8 : memref<!tpu.dma_semaphore, #tpu.memory_space<semaphore_mem>>) src(%dma_wait3A_168 : memref<100000x256xf32, #tpu.memory_space<hbm>>) dst(%dma_wait3A_163 : memref<128x256xf32, #tpu.memory_space<vmem>>)
    %add3A_169 = arith.constant 1024 : i32
    %add3A_170 = arith.addi %mul3A_2, %add3A_169 : i32
    "tpu.region"() ({
      %run_scoped3A = tpu.sem_alloc : memref<!tpu.dma_semaphore, #tpu.memory_space<semaphore_mem>>
      %dma_start3A_235 = arith.constant 0 : i32
      %dma_start3A_236 = arith.constant 0 : i32
      %dma_start3A_237 = tpu.memref_slice %arg6[%dma_start3A_235, %dma_start3A_236] : memref<128x256xf32, #tpu.memory_space<vmem>> -> memref<128x256xf32, #tpu.memory_space<vmem>>
      %dma_start3A_238 = arith.constant 0 : i32
      %dma_start3A_239 = tpu.memref_slice %arg4[%add3A_170, %dma_start3A_238] : memref<51200x256xf32, #tpu.memory_space<hbm>> -> memref<128x256xf32, #tpu.memory_space<hbm>>
      %dma_start3A_240 = arith.constant 0 : i32
      %dma_start3A_241 = tpu.memref_slice %arg4[%add3A_170, %dma_start3A_240] : memref<51200x256xf32, #tpu.memory_space<hbm>> -> memref<128x256xf32, #tpu.memory_space<hbm>>
      %dma_start3A_242 = arith.constant 0 : i32
      %dma_start3A_243 = arith.constant 0 : i32
      %dma_start3A_244 = tpu.memref_slice %arg6[%dma_start3A_242, %dma_start3A_243] : memref<128x256xf32, #tpu.memory_space<vmem>> -> memref<128x256xf32, #tpu.memory_space<vmem>>
      tpu.enqueue_dma source(%dma_start3A_244 : memref<128x256xf32, #tpu.memory_space<vmem>>) target(%dma_start3A_241 : memref<128x256xf32, #tpu.memory_space<hbm>>) target_semaphore(%run_scoped3A : memref<!tpu.dma_semaphore, #tpu.memory_space<semaphore_mem>>)
      %dma_wait3A_245 = arith.constant 0 : i32
      %dma_wait3A_246 = arith.constant 0 : i32
      %dma_wait3A_247 = tpu.memref_slice %arg6[%dma_wait3A_245, %dma_wait3A_246] : memref<128x256xf32, #tpu.memory_space<vmem>> -> memref<128x256xf32, #tpu.memory_space<vmem>>
      %dma_wait3A_248 = arith.constant 0 : i32
      %dma_wait3A_249 = tpu.memref_slice %arg4[%add3A_170, %dma_wait3A_248] : memref<51200x256xf32, #tpu.memory_space<hbm>> -> memref<128x256xf32, #tpu.memory_space<hbm>>
      %dma_wait3A_250 = arith.constant 0 : i32
      %dma_wait3A_251 = tpu.memref_slice %arg4[%add3A_170, %dma_wait3A_250] : memref<51200x256xf32, #tpu.memory_space<hbm>> -> memref<128x256xf32, #tpu.memory_space<hbm>>
      %dma_wait3A_252 = arith.constant 0 : i32
      %dma_wait3A_253 = arith.constant 0 : i32
      %dma_wait3A_254 = tpu.memref_slice %arg6[%dma_wait3A_252, %dma_wait3A_253] : memref<128x256xf32, #tpu.memory_space<vmem>> -> memref<128x256xf32, #tpu.memory_space<vmem>>
      tpu.wait_dma2 semaphore(%run_scoped3A : memref<!tpu.dma_semaphore, #tpu.memory_space<semaphore_mem>>) src(%dma_wait3A_254 : memref<128x256xf32, #tpu.memory_space<vmem>>) dst(%dma_wait3A_251 : memref<128x256xf32, #tpu.memory_space<hbm>>)
      tpu.yield
    }) : () -> ()
    %dma_start3A_171 = arith.constant 0 : i32
    %dma_start3A_172 = arith.constant 0 : i32
    %dma_start3A_173 = tpu.memref_slice %arg6[%dma_start3A_171, %dma_start3A_172] : memref<128x256xf32, #tpu.memory_space<vmem>> -> memref<128x256xf32, #tpu.memory_space<vmem>>
    %dma_start3A_174 = arith.constant 1280 : i32
    %dma_start3A_175 = tpu.memref_slice %arg5[%dma_start3A_174] : memref<1600xi32, #tpu.memory_space<vmem>> -> memref<128xi32, #tpu.memory_space<vmem>>
    %dma_start3A_176 = arith.constant 0 : i32
    %dma_start3A_177 = arith.constant 0 : i32
    %dma_start3A_178 = tpu.memref_slice %arg2[%dma_start3A_176, %dma_start3A_177] : memref<100000x300xf32, #tpu.memory_space<hbm>> -> memref<100000x256xf32, #tpu.memory_space<hbm>>
    tpu.enqueue_indirect_dma source(%dma_start3A_178 : memref<100000x256xf32, #tpu.memory_space<hbm>>) target(%dma_start3A_173 : memref<128x256xf32, #tpu.memory_space<vmem>>) offsets(%dma_start3A_175 : memref<128xi32, #tpu.memory_space<vmem>>) semaphore(%arg8 : memref<!tpu.dma_semaphore, #tpu.memory_space<semaphore_mem>>)
    %dma_wait3A_179 = arith.constant 0 : i32
    %dma_wait3A_180 = arith.constant 0 : i32
    %dma_wait3A_181 = tpu.memref_slice %arg7[%dma_wait3A_179, %dma_wait3A_180] : memref<128x256xf32, #tpu.memory_space<vmem>> -> memref<128x256xf32, #tpu.memory_space<vmem>>
    %dma_wait3A_182 = arith.constant 1152 : i32
    %dma_wait3A_183 = tpu.memref_slice %arg5[%dma_wait3A_182] : memref<1600xi32, #tpu.memory_space<vmem>> -> memref<128xi32, #tpu.memory_space<vmem>>
    %dma_wait3A_184 = arith.constant 0 : i32
    %dma_wait3A_185 = arith.constant 0 : i32
    %dma_wait3A_186 = tpu.memref_slice %arg2[%dma_wait3A_184, %dma_wait3A_185] : memref<100000x300xf32, #tpu.memory_space<hbm>> -> memref<100000x256xf32, #tpu.memory_space<hbm>>
    tpu.wait_indirect_dma semaphore(%arg9 : memref<!tpu.dma_semaphore, #tpu.memory_space<semaphore_mem>>) src(%dma_wait3A_186 : memref<100000x256xf32, #tpu.memory_space<hbm>>) dst(%dma_wait3A_181 : memref<128x256xf32, #tpu.memory_space<vmem>>)
    %add3A_187 = arith.constant 1152 : i32
    %add3A_188 = arith.addi %mul3A_2, %add3A_187 : i32
    "tpu.region"() ({
      %run_scoped3A = tpu.sem_alloc : memref<!tpu.dma_semaphore, #tpu.memory_space<semaphore_mem>>
      %dma_start3A_235 = arith.constant 0 : i32
      %dma_start3A_236 = arith.constant 0 : i32
      %dma_start3A_237 = tpu.memref_slice %arg7[%dma_start3A_235, %dma_start3A_236] : memref<128x256xf32, #tpu.memory_space<vmem>> -> memref<128x256xf32, #tpu.memory_space<vmem>>
      %dma_start3A_238 = arith.constant 0 : i32
      %dma_start3A_239 = tpu.memref_slice %arg4[%add3A_188, %dma_start3A_238] : memref<51200x256xf32, #tpu.memory_space<hbm>> -> memref<128x256xf32, #tpu.memory_space<hbm>>
      %dma_start3A_240 = arith.constant 0 : i32
      %dma_start3A_241 = tpu.memref_slice %arg4[%add3A_188, %dma_start3A_240] : memref<51200x256xf32, #tpu.memory_space<hbm>> -> memref<128x256xf32, #tpu.memory_space<hbm>>
      %dma_start3A_242 = arith.constant 0 : i32
      %dma_start3A_243 = arith.constant 0 : i32
      %dma_start3A_244 = tpu.memref_slice %arg7[%dma_start3A_242, %dma_start3A_243] : memref<128x256xf32, #tpu.memory_space<vmem>> -> memref<128x256xf32, #tpu.memory_space<vmem>>
      tpu.enqueue_dma source(%dma_start3A_244 : memref<128x256xf32, #tpu.memory_space<vmem>>) target(%dma_start3A_241 : memref<128x256xf32, #tpu.memory_space<hbm>>) target_semaphore(%run_scoped3A : memref<!tpu.dma_semaphore, #tpu.memory_space<semaphore_mem>>)
      %dma_wait3A_245 = arith.constant 0 : i32
      %dma_wait3A_246 = arith.constant 0 : i32
      %dma_wait3A_247 = tpu.memref_slice %arg7[%dma_wait3A_245, %dma_wait3A_246] : memref<128x256xf32, #tpu.memory_space<vmem>> -> memref<128x256xf32, #tpu.memory_space<vmem>>
      %dma_wait3A_248 = arith.constant 0 : i32
      %dma_wait3A_249 = tpu.memref_slice %arg4[%add3A_188, %dma_wait3A_248] : memref<51200x256xf32, #tpu.memory_space<hbm>> -> memref<128x256xf32, #tpu.memory_space<hbm>>
      %dma_wait3A_250 = arith.constant 0 : i32
      %dma_wait3A_251 = tpu.memref_slice %arg4[%add3A_188, %dma_wait3A_250] : memref<51200x256xf32, #tpu.memory_space<hbm>> -> memref<128x256xf32, #tpu.memory_space<hbm>>
      %dma_wait3A_252 = arith.constant 0 : i32
      %dma_wait3A_253 = arith.constant 0 : i32
      %dma_wait3A_254 = tpu.memref_slice %arg7[%dma_wait3A_252, %dma_wait3A_253] : memref<128x256xf32, #tpu.memory_space<vmem>> -> memref<128x256xf32, #tpu.memory_space<vmem>>
      tpu.wait_dma2 semaphore(%run_scoped3A : memref<!tpu.dma_semaphore, #tpu.memory_space<semaphore_mem>>) src(%dma_wait3A_254 : memref<128x256xf32, #tpu.memory_space<vmem>>) dst(%dma_wait3A_251 : memref<128x256xf32, #tpu.memory_space<hbm>>)
      tpu.yield
    }) : () -> ()
    %dma_start3A_189 = arith.constant 0 : i32
    %dma_start3A_190 = arith.constant 0 : i32
    %dma_start3A_191 = tpu.memref_slice %arg7[%dma_start3A_189, %dma_start3A_190] : memref<128x256xf32, #tpu.memory_space<vmem>> -> memref<128x256xf32, #tpu.memory_space<vmem>>
    %dma_start3A_192 = arith.constant 1408 : i32
    %dma_start3A_193 = tpu.memref_slice %arg5[%dma_start3A_192] : memref<1600xi32, #tpu.memory_space<vmem>> -> memref<128xi32, #tpu.memory_space<vmem>>
    %dma_start3A_194 = arith.constant 0 : i32
    %dma_start3A_195 = arith.constant 0 : i32
    %dma_start3A_196 = tpu.memref_slice %arg2[%dma_start3A_194, %dma_start3A_195] : memref<100000x300xf32, #tpu.memory_space<hbm>> -> memref<100000x256xf32, #tpu.memory_space<hbm>>
    tpu.enqueue_indirect_dma source(%dma_start3A_196 : memref<100000x256xf32, #tpu.memory_space<hbm>>) target(%dma_start3A_191 : memref<128x256xf32, #tpu.memory_space<vmem>>) offsets(%dma_start3A_193 : memref<128xi32, #tpu.memory_space<vmem>>) semaphore(%arg9 : memref<!tpu.dma_semaphore, #tpu.memory_space<semaphore_mem>>)
    %dma_wait3A_197 = arith.constant 0 : i32
    %dma_wait3A_198 = arith.constant 0 : i32
    %dma_wait3A_199 = tpu.memref_slice %arg6[%dma_wait3A_197, %dma_wait3A_198] : memref<128x256xf32, #tpu.memory_space<vmem>> -> memref<128x256xf32, #tpu.memory_space<vmem>>
    %dma_wait3A_200 = arith.constant 1280 : i32
    %dma_wait3A_201 = tpu.memref_slice %arg5[%dma_wait3A_200] : memref<1600xi32, #tpu.memory_space<vmem>> -> memref<128xi32, #tpu.memory_space<vmem>>
    %dma_wait3A_202 = arith.constant 0 : i32
    %dma_wait3A_203 = arith.constant 0 : i32
    %dma_wait3A_204 = tpu.memref_slice %arg2[%dma_wait3A_202, %dma_wait3A_203] : memref<100000x300xf32, #tpu.memory_space<hbm>> -> memref<100000x256xf32, #tpu.memory_space<hbm>>
    tpu.wait_indirect_dma semaphore(%arg8 : memref<!tpu.dma_semaphore, #tpu.memory_space<semaphore_mem>>) src(%dma_wait3A_204 : memref<100000x256xf32, #tpu.memory_space<hbm>>) dst(%dma_wait3A_199 : memref<128x256xf32, #tpu.memory_space<vmem>>)
    %add3A_205 = arith.constant 1280 : i32
    %add3A_206 = arith.addi %mul3A_2, %add3A_205 : i32
    "tpu.region"() ({
      %run_scoped3A = tpu.sem_alloc : memref<!tpu.dma_semaphore, #tpu.memory_space<semaphore_mem>>
      %dma_start3A_235 = arith.constant 0 : i32
      %dma_start3A_236 = arith.constant 0 : i32
      %dma_start3A_237 = tpu.memref_slice %arg6[%dma_start3A_235, %dma_start3A_236] : memref<128x256xf32, #tpu.memory_space<vmem>> -> memref<128x256xf32, #tpu.memory_space<vmem>>
      %dma_start3A_238 = arith.constant 0 : i32
      %dma_start3A_239 = tpu.memref_slice %arg4[%add3A_206, %dma_start3A_238] : memref<51200x256xf32, #tpu.memory_space<hbm>> -> memref<128x256xf32, #tpu.memory_space<hbm>>
      %dma_start3A_240 = arith.constant 0 : i32
      %dma_start3A_241 = tpu.memref_slice %arg4[%add3A_206, %dma_start3A_240] : memref<51200x256xf32, #tpu.memory_space<hbm>> -> memref<128x256xf32, #tpu.memory_space<hbm>>
      %dma_start3A_242 = arith.constant 0 : i32
      %dma_start3A_243 = arith.constant 0 : i32
      %dma_start3A_244 = tpu.memref_slice %arg6[%dma_start3A_242, %dma_start3A_243] : memref<128x256xf32, #tpu.memory_space<vmem>> -> memref<128x256xf32, #tpu.memory_space<vmem>>
      tpu.enqueue_dma source(%dma_start3A_244 : memref<128x256xf32, #tpu.memory_space<vmem>>) target(%dma_start3A_241 : memref<128x256xf32, #tpu.memory_space<hbm>>) target_semaphore(%run_scoped3A : memref<!tpu.dma_semaphore, #tpu.memory_space<semaphore_mem>>)
      %dma_wait3A_245 = arith.constant 0 : i32
      %dma_wait3A_246 = arith.constant 0 : i32
      %dma_wait3A_247 = tpu.memref_slice %arg6[%dma_wait3A_245, %dma_wait3A_246] : memref<128x256xf32, #tpu.memory_space<vmem>> -> memref<128x256xf32, #tpu.memory_space<vmem>>
      %dma_wait3A_248 = arith.constant 0 : i32
      %dma_wait3A_249 = tpu.memref_slice %arg4[%add3A_206, %dma_wait3A_248] : memref<51200x256xf32, #tpu.memory_space<hbm>> -> memref<128x256xf32, #tpu.memory_space<hbm>>
      %dma_wait3A_250 = arith.constant 0 : i32
      %dma_wait3A_251 = tpu.memref_slice %arg4[%add3A_206, %dma_wait3A_250] : memref<51200x256xf32, #tpu.memory_space<hbm>> -> memref<128x256xf32, #tpu.memory_space<hbm>>
      %dma_wait3A_252 = arith.constant 0 : i32
      %dma_wait3A_253 = arith.constant 0 : i32
      %dma_wait3A_254 = tpu.memref_slice %arg6[%dma_wait3A_252, %dma_wait3A_253] : memref<128x256xf32, #tpu.memory_space<vmem>> -> memref<128x256xf32, #tpu.memory_space<vmem>>
      tpu.wait_dma2 semaphore(%run_scoped3A : memref<!tpu.dma_semaphore, #tpu.memory_space<semaphore_mem>>) src(%dma_wait3A_254 : memref<128x256xf32, #tpu.memory_space<vmem>>) dst(%dma_wait3A_251 : memref<128x256xf32, #tpu.memory_space<hbm>>)
      tpu.yield
    }) : () -> ()
    %dma_start3A_207 = arith.constant 0 : i32
    %dma_start3A_208 = arith.constant 0 : i32
    %dma_start3A_209 = tpu.memref_slice %arg6[%dma_start3A_207, %dma_start3A_208] : memref<128x256xf32, #tpu.memory_space<vmem>> -> memref<64x256xf32, #tpu.memory_space<vmem>>
    %dma_start3A_210 = arith.constant 1536 : i32
    %dma_start3A_211 = tpu.memref_slice %arg5[%dma_start3A_210] : memref<1600xi32, #tpu.memory_space<vmem>> -> memref<64xi32, #tpu.memory_space<vmem>>
    %dma_start3A_212 = arith.constant 0 : i32
    %dma_start3A_213 = arith.constant 0 : i32
    %dma_start3A_214 = tpu.memref_slice %arg2[%dma_start3A_212, %dma_start3A_213] : memref<100000x300xf32, #tpu.memory_space<hbm>> -> memref<100000x256xf32, #tpu.memory_space<hbm>>
    tpu.enqueue_indirect_dma source(%dma_start3A_214 : memref<100000x256xf32, #tpu.memory_space<hbm>>) target(%dma_start3A_209 : memref<64x256xf32, #tpu.memory_space<vmem>>) offsets(%dma_start3A_211 : memref<64xi32, #tpu.memory_space<vmem>>) semaphore(%arg8 : memref<!tpu.dma_semaphore, #tpu.memory_space<semaphore_mem>>)
    %dma_wait3A_215 = arith.constant 0 : i32
    %dma_wait3A_216 = arith.constant 0 : i32
    %dma_wait3A_217 = tpu.memref_slice %arg7[%dma_wait3A_215, %dma_wait3A_216] : memref<128x256xf32, #tpu.memory_space<vmem>> -> memref<128x256xf32, #tpu.memory_space<vmem>>
    %dma_wait3A_218 = arith.constant 1408 : i32
    %dma_wait3A_219 = tpu.memref_slice %arg5[%dma_wait3A_218] : memref<1600xi32, #tpu.memory_space<vmem>> -> memref<128xi32, #tpu.memory_space<vmem>>
    %dma_wait3A_220 = arith.constant 0 : i32
    %dma_wait3A_221 = arith.constant 0 : i32
    %dma_wait3A_222 = tpu.memref_slice %arg2[%dma_wait3A_220, %dma_wait3A_221] : memref<100000x300xf32, #tpu.memory_space<hbm>> -> memref<100000x256xf32, #tpu.memory_space<hbm>>
    tpu.wait_indirect_dma semaphore(%arg9 : memref<!tpu.dma_semaphore, #tpu.memory_space<semaphore_mem>>) src(%dma_wait3A_222 : memref<100000x256xf32, #tpu.memory_space<hbm>>) dst(%dma_wait3A_217 : memref<128x256xf32, #tpu.memory_space<vmem>>)
    %add3A_223 = arith.constant 1408 : i32
    %add3A_224 = arith.addi %mul3A_2, %add3A_223 : i32
    "tpu.region"() ({
      %run_scoped3A = tpu.sem_alloc : memref<!tpu.dma_semaphore, #tpu.memory_space<semaphore_mem>>
      %dma_start3A_235 = arith.constant 0 : i32
      %dma_start3A_236 = arith.constant 0 : i32
      %dma_start3A_237 = tpu.memref_slice %arg7[%dma_start3A_235, %dma_start3A_236] : memref<128x256xf32, #tpu.memory_space<vmem>> -> memref<128x256xf32, #tpu.memory_space<vmem>>
      %dma_start3A_238 = arith.constant 0 : i32
      %dma_start3A_239 = tpu.memref_slice %arg4[%add3A_224, %dma_start3A_238] : memref<51200x256xf32, #tpu.memory_space<hbm>> -> memref<128x256xf32, #tpu.memory_space<hbm>>
      %dma_start3A_240 = arith.constant 0 : i32
      %dma_start3A_241 = tpu.memref_slice %arg4[%add3A_224, %dma_start3A_240] : memref<51200x256xf32, #tpu.memory_space<hbm>> -> memref<128x256xf32, #tpu.memory_space<hbm>>
      %dma_start3A_242 = arith.constant 0 : i32
      %dma_start3A_243 = arith.constant 0 : i32
      %dma_start3A_244 = tpu.memref_slice %arg7[%dma_start3A_242, %dma_start3A_243] : memref<128x256xf32, #tpu.memory_space<vmem>> -> memref<128x256xf32, #tpu.memory_space<vmem>>
      tpu.enqueue_dma source(%dma_start3A_244 : memref<128x256xf32, #tpu.memory_space<vmem>>) target(%dma_start3A_241 : memref<128x256xf32, #tpu.memory_space<hbm>>) target_semaphore(%run_scoped3A : memref<!tpu.dma_semaphore, #tpu.memory_space<semaphore_mem>>)
      %dma_wait3A_245 = arith.constant 0 : i32
      %dma_wait3A_246 = arith.constant 0 : i32
      %dma_wait3A_247 = tpu.memref_slice %arg7[%dma_wait3A_245, %dma_wait3A_246] : memref<128x256xf32, #tpu.memory_space<vmem>> -> memref<128x256xf32, #tpu.memory_space<vmem>>
      %dma_wait3A_248 = arith.constant 0 : i32
      %dma_wait3A_249 = tpu.memref_slice %arg4[%add3A_224, %dma_wait3A_248] : memref<51200x256xf32, #tpu.memory_space<hbm>> -> memref<128x256xf32, #tpu.memory_space<hbm>>
      %dma_wait3A_250 = arith.constant 0 : i32
      %dma_wait3A_251 = tpu.memref_slice %arg4[%add3A_224, %dma_wait3A_250] : memref<51200x256xf32, #tpu.memory_space<hbm>> -> memref<128x256xf32, #tpu.memory_space<hbm>>
      %dma_wait3A_252 = arith.constant 0 : i32
      %dma_wait3A_253 = arith.constant 0 : i32
      %dma_wait3A_254 = tpu.memref_slice %arg7[%dma_wait3A_252, %dma_wait3A_253] : memref<128x256xf32, #tpu.memory_space<vmem>> -> memref<128x256xf32, #tpu.memory_space<vmem>>
      tpu.wait_dma2 semaphore(%run_scoped3A : memref<!tpu.dma_semaphore, #tpu.memory_space<semaphore_mem>>) src(%dma_wait3A_254 : memref<128x256xf32, #tpu.memory_space<vmem>>) dst(%dma_wait3A_251 : memref<128x256xf32, #tpu.memory_space<hbm>>)
      tpu.yield
    }) : () -> ()
    %dma_wait3A_225 = arith.constant 0 : i32
    %dma_wait3A_226 = arith.constant 0 : i32
    %dma_wait3A_227 = tpu.memref_slice %arg6[%dma_wait3A_225, %dma_wait3A_226] : memref<128x256xf32, #tpu.memory_space<vmem>> -> memref<64x256xf32, #tpu.memory_space<vmem>>
    %dma_wait3A_228 = arith.constant 1536 : i32
    %dma_wait3A_229 = tpu.memref_slice %arg5[%dma_wait3A_228] : memref<1600xi32, #tpu.memory_space<vmem>> -> memref<64xi32, #tpu.memory_space<vmem>>
    %dma_wait3A_230 = arith.constant 0 : i32
    %dma_wait3A_231 = arith.constant 0 : i32
    %dma_wait3A_232 = tpu.memref_slice %arg2[%dma_wait3A_230, %dma_wait3A_231] : memref<100000x300xf32, #tpu.memory_space<hbm>> -> memref<100000x256xf32, #tpu.memory_space<hbm>>
    tpu.wait_indirect_dma semaphore(%arg8 : memref<!tpu.dma_semaphore, #tpu.memory_space<semaphore_mem>>) src(%dma_wait3A_232 : memref<100000x256xf32, #tpu.memory_space<hbm>>) dst(%dma_wait3A_227 : memref<64x256xf32, #tpu.memory_space<vmem>>)
    %add3A_233 = arith.constant 1536 : i32
    %add3A_234 = arith.addi %mul3A_2, %add3A_233 : i32
    "tpu.region"() ({
      %run_scoped3A = tpu.sem_alloc : memref<!tpu.dma_semaphore, #tpu.memory_space<semaphore_mem>>
      %dma_start3A_235 = arith.constant 0 : i32
      %dma_start3A_236 = arith.constant 0 : i32
      %dma_start3A_237 = tpu.memref_slice %arg6[%dma_start3A_235, %dma_start3A_236] : memref<128x256xf32, #tpu.memory_space<vmem>> -> memref<64x256xf32, #tpu.memory_space<vmem>>
      %dma_start3A_238 = arith.constant 0 : i32
      %dma_start3A_239 = tpu.memref_slice %arg4[%add3A_234, %dma_start3A_238] : memref<51200x256xf32, #tpu.memory_space<hbm>> -> memref<64x256xf32, #tpu.memory_space<hbm>>
      %dma_start3A_240 = arith.constant 0 : i32
      %dma_start3A_241 = tpu.memref_slice %arg4[%add3A_234, %dma_start3A_240] : memref<51200x256xf32, #tpu.memory_space<hbm>> -> memref<64x256xf32, #tpu.memory_space<hbm>>
      %dma_start3A_242 = arith.constant 0 : i32
      %dma_start3A_243 = arith.constant 0 : i32
      %dma_start3A_244 = tpu.memref_slice %arg6[%dma_start3A_242, %dma_start3A_243] : memref<128x256xf32, #tpu.memory_space<vmem>> -> memref<64x256xf32, #tpu.memory_space<vmem>>
      tpu.enqueue_dma source(%dma_start3A_244 : memref<64x256xf32, #tpu.memory_space<vmem>>) target(%dma_start3A_241 : memref<64x256xf32, #tpu.memory_space<hbm>>) target_semaphore(%run_scoped3A : memref<!tpu.dma_semaphore, #tpu.memory_space<semaphore_mem>>)
      %dma_wait3A_245 = arith.constant 0 : i32
      %dma_wait3A_246 = arith.constant 0 : i32
      %dma_wait3A_247 = tpu.memref_slice %arg6[%dma_wait3A_245, %dma_wait3A_246] : memref<128x256xf32, #tpu.memory_space<vmem>> -> memref<64x256xf32, #tpu.memory_space<vmem>>
      %dma_wait3A_248 = arith.constant 0 : i32
      %dma_wait3A_249 = tpu.memref_slice %arg4[%add3A_234, %dma_wait3A_248] : memref<51200x256xf32, #tpu.memory_space<hbm>> -> memref<64x256xf32, #tpu.memory_space<hbm>>
      %dma_wait3A_250 = arith.constant 0 : i32
      %dma_wait3A_251 = tpu.memref_slice %arg4[%add3A_234, %dma_wait3A_250] : memref<51200x256xf32, #tpu.memory_space<hbm>> -> memref<64x256xf32, #tpu.memory_space<hbm>>
      %dma_wait3A_252 = arith.constant 0 : i32
      %dma_wait3A_253 = arith.constant 0 : i32
      %dma_wait3A_254 = tpu.memref_slice %arg6[%dma_wait3A_252, %dma_wait3A_253] : memref<128x256xf32, #tpu.memory_space<vmem>> -> memref<64x256xf32, #tpu.memory_space<vmem>>
      tpu.wait_dma2 semaphore(%run_scoped3A : memref<!tpu.dma_semaphore, #tpu.memory_space<semaphore_mem>>) src(%dma_wait3A_254 : memref<64x256xf32, #tpu.memory_space<vmem>>) dst(%dma_wait3A_251 : memref<64x256xf32, #tpu.memory_space<hbm>>)
      tpu.yield
    }) : () -> ()
    return
  }
}

#map = affine_map<(d0, d1) -> (0, 0)>
#map1 = affine_map<(d0, d1) -> (0)>
module attributes {stable_mosaic.version = 14 : i64} {
  func.func @gather_kernel(%arg0: i32, %arg1: i32, %arg2: memref<100000x128xf32, #tpu.memory_space<hbm>>, %arg3: memref<51200xi32, #tpu.memory_space<hbm>>, %arg4: memref<51200x128xf32, #tpu.memory_space<hbm>>, %arg5: memref<1600xi32, #tpu.memory_space<vmem>>, %arg6: memref<128x128xf32, #tpu.memory_space<vmem>>, %arg7: memref<128x128xf32, #tpu.memory_space<vmem>>, %arg8: memref<!tpu.dma_semaphore, #tpu.memory_space<semaphore_mem>>, %arg9: memref<!tpu.dma_semaphore, #tpu.memory_space<semaphore_mem>>) attributes {dimension_semantics = [#tpu.dimension_semantics<core_parallel>, #tpu.dimension_semantics<subcore_parallel>], iteration_bounds = array<i64: 2, 16>, scalar_prefetch = 0 : i64, scratch_operands = 5 : i64, tpu.core_type = #tpu.core_type<sc_vector_subcore>, window_params = [{transform_indices = #map}, {transform_indices = #map1}, {transform_indices = #map}]} {
    %mul3A = arith.constant 2 : i32
    %mul3A_0 = arith.muli %arg1, %mul3A : i32
    %add3A = arith.addi %mul3A_0, %arg0 : i32
    %mul3A_1 = arith.constant 1600 : i32
    %mul3A_2 = arith.muli %add3A, %mul3A_1 : i32
    "tpu.region"() ({
      %run_scoped3A = tpu.sem_alloc : memref<!tpu.dma_semaphore, #tpu.memory_space<semaphore_mem>>
      %dma_start3A_235 = tpu.memref_slice %arg3[%mul3A_2] : memref<51200xi32, #tpu.memory_space<hbm>> -> memref<1600xi32, #tpu.memory_space<hbm>>
      %dma_start3A_236 = tpu.memref_slice %arg3[%mul3A_2] : memref<51200xi32, #tpu.memory_space<hbm>> -> memref<1600xi32, #tpu.memory_space<hbm>>
      tpu.enqueue_dma source(%dma_start3A_236 : memref<1600xi32, #tpu.memory_space<hbm>>) target(%arg5 : memref<1600xi32, #tpu.memory_space<vmem>>) target_semaphore(%run_scoped3A : memref<!tpu.dma_semaphore, #tpu.memory_space<semaphore_mem>>)
      %dma_wait3A_237 = tpu.memref_slice %arg3[%mul3A_2] : memref<51200xi32, #tpu.memory_space<hbm>> -> memref<1600xi32, #tpu.memory_space<hbm>>
      %dma_wait3A_238 = tpu.memref_slice %arg3[%mul3A_2] : memref<51200xi32, #tpu.memory_space<hbm>> -> memref<1600xi32, #tpu.memory_space<hbm>>
      tpu.wait_dma2 semaphore(%run_scoped3A : memref<!tpu.dma_semaphore, #tpu.memory_space<semaphore_mem>>) src(%dma_wait3A_238 : memref<1600xi32, #tpu.memory_space<hbm>>) dst(%arg5 : memref<1600xi32, #tpu.memory_space<vmem>>)
      tpu.yield
    }) : () -> ()
    %dma_start3A = arith.constant 0 : i32
    %dma_start3A_3 = arith.constant 0 : i32
    %dma_start3A_4 = tpu.memref_slice %arg6[%dma_start3A, %dma_start3A_3] : memref<128x128xf32, #tpu.memory_space<vmem>> -> memref<128x128xf32, #tpu.memory_space<vmem>>
    %dma_start3A_5 = arith.constant 0 : i32
    %dma_start3A_6 = tpu.memref_slice %arg5[%dma_start3A_5] : memref<1600xi32, #tpu.memory_space<vmem>> -> memref<128xi32, #tpu.memory_space<vmem>>
    %dma_start3A_7 = arith.constant 0 : i32
    %dma_start3A_8 = arith.constant 0 : i32
    %dma_start3A_9 = tpu.memref_slice %arg2[%dma_start3A_7, %dma_start3A_8] : memref<100000x128xf32, #tpu.memory_space<hbm>> -> memref<100000x128xf32, #tpu.memory_space<hbm>>
    tpu.enqueue_indirect_dma source(%dma_start3A_9 : memref<100000x128xf32, #tpu.memory_space<hbm>>) target(%dma_start3A_4 : memref<128x128xf32, #tpu.memory_space<vmem>>) offsets(%dma_start3A_6 : memref<128xi32, #tpu.memory_space<vmem>>) semaphore(%arg8 : memref<!tpu.dma_semaphore, #tpu.memory_space<semaphore_mem>>)
    %dma_start3A_10 = arith.constant 0 : i32
    %dma_start3A_11 = arith.constant 0 : i32
    %dma_start3A_12 = tpu.memref_slice %arg7[%dma_start3A_10, %dma_start3A_11] : memref<128x128xf32, #tpu.memory_space<vmem>> -> memref<128x128xf32, #tpu.memory_space<vmem>>
    %dma_start3A_13 = arith.constant 128 : i32
    %dma_start3A_14 = tpu.memref_slice %arg5[%dma_start3A_13] : memref<1600xi32, #tpu.memory_space<vmem>> -> memref<128xi32, #tpu.memory_space<vmem>>
    %dma_start3A_15 = arith.constant 0 : i32
    %dma_start3A_16 = arith.constant 0 : i32
    %dma_start3A_17 = tpu.memref_slice %arg2[%dma_start3A_15, %dma_start3A_16] : memref<100000x128xf32, #tpu.memory_space<hbm>> -> memref<100000x128xf32, #tpu.memory_space<hbm>>
    tpu.enqueue_indirect_dma source(%dma_start3A_17 : memref<100000x128xf32, #tpu.memory_space<hbm>>) target(%dma_start3A_12 : memref<128x128xf32, #tpu.memory_space<vmem>>) offsets(%dma_start3A_14 : memref<128xi32, #tpu.memory_space<vmem>>) semaphore(%arg9 : memref<!tpu.dma_semaphore, #tpu.memory_space<semaphore_mem>>)
    %dma_wait3A = arith.constant 0 : i32
    %dma_wait3A_18 = arith.constant 0 : i32
    %dma_wait3A_19 = tpu.memref_slice %arg6[%dma_wait3A, %dma_wait3A_18] : memref<128x128xf32, #tpu.memory_space<vmem>> -> memref<128x128xf32, #tpu.memory_space<vmem>>
    %dma_wait3A_20 = arith.constant 0 : i32
    %dma_wait3A_21 = tpu.memref_slice %arg5[%dma_wait3A_20] : memref<1600xi32, #tpu.memory_space<vmem>> -> memref<128xi32, #tpu.memory_space<vmem>>
    %dma_wait3A_22 = arith.constant 0 : i32
    %dma_wait3A_23 = arith.constant 0 : i32
    %dma_wait3A_24 = tpu.memref_slice %arg2[%dma_wait3A_22, %dma_wait3A_23] : memref<100000x128xf32, #tpu.memory_space<hbm>> -> memref<100000x128xf32, #tpu.memory_space<hbm>>
    tpu.wait_indirect_dma semaphore(%arg8 : memref<!tpu.dma_semaphore, #tpu.memory_space<semaphore_mem>>) src(%dma_wait3A_24 : memref<100000x128xf32, #tpu.memory_space<hbm>>) dst(%dma_wait3A_19 : memref<128x128xf32, #tpu.memory_space<vmem>>)
    %add3A_25 = arith.constant 0 : i32
    %add3A_26 = arith.addi %mul3A_2, %add3A_25 : i32
    "tpu.region"() ({
      %run_scoped3A = tpu.sem_alloc : memref<!tpu.dma_semaphore, #tpu.memory_space<semaphore_mem>>
      %dma_start3A_235 = arith.constant 0 : i32
      %dma_start3A_236 = arith.constant 0 : i32
      %dma_start3A_237 = tpu.memref_slice %arg6[%dma_start3A_235, %dma_start3A_236] : memref<128x128xf32, #tpu.memory_space<vmem>> -> memref<128x128xf32, #tpu.memory_space<vmem>>
      %dma_start3A_238 = arith.constant 0 : i32
      %dma_start3A_239 = tpu.memref_slice %arg4[%add3A_26, %dma_start3A_238] : memref<51200x128xf32, #tpu.memory_space<hbm>> -> memref<128x128xf32, #tpu.memory_space<hbm>>
      %dma_start3A_240 = arith.constant 0 : i32
      %dma_start3A_241 = tpu.memref_slice %arg4[%add3A_26, %dma_start3A_240] : memref<51200x128xf32, #tpu.memory_space<hbm>> -> memref<128x128xf32, #tpu.memory_space<hbm>>
      %dma_start3A_242 = arith.constant 0 : i32
      %dma_start3A_243 = arith.constant 0 : i32
      %dma_start3A_244 = tpu.memref_slice %arg6[%dma_start3A_242, %dma_start3A_243] : memref<128x128xf32, #tpu.memory_space<vmem>> -> memref<128x128xf32, #tpu.memory_space<vmem>>
      tpu.enqueue_dma source(%dma_start3A_244 : memref<128x128xf32, #tpu.memory_space<vmem>>) target(%dma_start3A_241 : memref<128x128xf32, #tpu.memory_space<hbm>>) target_semaphore(%run_scoped3A : memref<!tpu.dma_semaphore, #tpu.memory_space<semaphore_mem>>)
      %dma_wait3A_245 = arith.constant 0 : i32
      %dma_wait3A_246 = arith.constant 0 : i32
      %dma_wait3A_247 = tpu.memref_slice %arg6[%dma_wait3A_245, %dma_wait3A_246] : memref<128x128xf32, #tpu.memory_space<vmem>> -> memref<128x128xf32, #tpu.memory_space<vmem>>
      %dma_wait3A_248 = arith.constant 0 : i32
      %dma_wait3A_249 = tpu.memref_slice %arg4[%add3A_26, %dma_wait3A_248] : memref<51200x128xf32, #tpu.memory_space<hbm>> -> memref<128x128xf32, #tpu.memory_space<hbm>>
      %dma_wait3A_250 = arith.constant 0 : i32
      %dma_wait3A_251 = tpu.memref_slice %arg4[%add3A_26, %dma_wait3A_250] : memref<51200x128xf32, #tpu.memory_space<hbm>> -> memref<128x128xf32, #tpu.memory_space<hbm>>
      %dma_wait3A_252 = arith.constant 0 : i32
      %dma_wait3A_253 = arith.constant 0 : i32
      %dma_wait3A_254 = tpu.memref_slice %arg6[%dma_wait3A_252, %dma_wait3A_253] : memref<128x128xf32, #tpu.memory_space<vmem>> -> memref<128x128xf32, #tpu.memory_space<vmem>>
      tpu.wait_dma2 semaphore(%run_scoped3A : memref<!tpu.dma_semaphore, #tpu.memory_space<semaphore_mem>>) src(%dma_wait3A_254 : memref<128x128xf32, #tpu.memory_space<vmem>>) dst(%dma_wait3A_251 : memref<128x128xf32, #tpu.memory_space<hbm>>)
      tpu.yield
    }) : () -> ()
    %dma_start3A_27 = arith.constant 0 : i32
    %dma_start3A_28 = arith.constant 0 : i32
    %dma_start3A_29 = tpu.memref_slice %arg6[%dma_start3A_27, %dma_start3A_28] : memref<128x128xf32, #tpu.memory_space<vmem>> -> memref<128x128xf32, #tpu.memory_space<vmem>>
    %dma_start3A_30 = arith.constant 256 : i32
    %dma_start3A_31 = tpu.memref_slice %arg5[%dma_start3A_30] : memref<1600xi32, #tpu.memory_space<vmem>> -> memref<128xi32, #tpu.memory_space<vmem>>
    %dma_start3A_32 = arith.constant 0 : i32
    %dma_start3A_33 = arith.constant 0 : i32
    %dma_start3A_34 = tpu.memref_slice %arg2[%dma_start3A_32, %dma_start3A_33] : memref<100000x128xf32, #tpu.memory_space<hbm>> -> memref<100000x128xf32, #tpu.memory_space<hbm>>
    tpu.enqueue_indirect_dma source(%dma_start3A_34 : memref<100000x128xf32, #tpu.memory_space<hbm>>) target(%dma_start3A_29 : memref<128x128xf32, #tpu.memory_space<vmem>>) offsets(%dma_start3A_31 : memref<128xi32, #tpu.memory_space<vmem>>) semaphore(%arg8 : memref<!tpu.dma_semaphore, #tpu.memory_space<semaphore_mem>>)
    %dma_wait3A_35 = arith.constant 0 : i32
    %dma_wait3A_36 = arith.constant 0 : i32
    %dma_wait3A_37 = tpu.memref_slice %arg7[%dma_wait3A_35, %dma_wait3A_36] : memref<128x128xf32, #tpu.memory_space<vmem>> -> memref<128x128xf32, #tpu.memory_space<vmem>>
    %dma_wait3A_38 = arith.constant 128 : i32
    %dma_wait3A_39 = tpu.memref_slice %arg5[%dma_wait3A_38] : memref<1600xi32, #tpu.memory_space<vmem>> -> memref<128xi32, #tpu.memory_space<vmem>>
    %dma_wait3A_40 = arith.constant 0 : i32
    %dma_wait3A_41 = arith.constant 0 : i32
    %dma_wait3A_42 = tpu.memref_slice %arg2[%dma_wait3A_40, %dma_wait3A_41] : memref<100000x128xf32, #tpu.memory_space<hbm>> -> memref<100000x128xf32, #tpu.memory_space<hbm>>
    tpu.wait_indirect_dma semaphore(%arg9 : memref<!tpu.dma_semaphore, #tpu.memory_space<semaphore_mem>>) src(%dma_wait3A_42 : memref<100000x128xf32, #tpu.memory_space<hbm>>) dst(%dma_wait3A_37 : memref<128x128xf32, #tpu.memory_space<vmem>>)
    %add3A_43 = arith.constant 128 : i32
    %add3A_44 = arith.addi %mul3A_2, %add3A_43 : i32
    "tpu.region"() ({
      %run_scoped3A = tpu.sem_alloc : memref<!tpu.dma_semaphore, #tpu.memory_space<semaphore_mem>>
      %dma_start3A_235 = arith.constant 0 : i32
      %dma_start3A_236 = arith.constant 0 : i32
      %dma_start3A_237 = tpu.memref_slice %arg7[%dma_start3A_235, %dma_start3A_236] : memref<128x128xf32, #tpu.memory_space<vmem>> -> memref<128x128xf32, #tpu.memory_space<vmem>>
      %dma_start3A_238 = arith.constant 0 : i32
      %dma_start3A_239 = tpu.memref_slice %arg4[%add3A_44, %dma_start3A_238] : memref<51200x128xf32, #tpu.memory_space<hbm>> -> memref<128x128xf32, #tpu.memory_space<hbm>>
      %dma_start3A_240 = arith.constant 0 : i32
      %dma_start3A_241 = tpu.memref_slice %arg4[%add3A_44, %dma_start3A_240] : memref<51200x128xf32, #tpu.memory_space<hbm>> -> memref<128x128xf32, #tpu.memory_space<hbm>>
      %dma_start3A_242 = arith.constant 0 : i32
      %dma_start3A_243 = arith.constant 0 : i32
      %dma_start3A_244 = tpu.memref_slice %arg7[%dma_start3A_242, %dma_start3A_243] : memref<128x128xf32, #tpu.memory_space<vmem>> -> memref<128x128xf32, #tpu.memory_space<vmem>>
      tpu.enqueue_dma source(%dma_start3A_244 : memref<128x128xf32, #tpu.memory_space<vmem>>) target(%dma_start3A_241 : memref<128x128xf32, #tpu.memory_space<hbm>>) target_semaphore(%run_scoped3A : memref<!tpu.dma_semaphore, #tpu.memory_space<semaphore_mem>>)
      %dma_wait3A_245 = arith.constant 0 : i32
      %dma_wait3A_246 = arith.constant 0 : i32
      %dma_wait3A_247 = tpu.memref_slice %arg7[%dma_wait3A_245, %dma_wait3A_246] : memref<128x128xf32, #tpu.memory_space<vmem>> -> memref<128x128xf32, #tpu.memory_space<vmem>>
      %dma_wait3A_248 = arith.constant 0 : i32
      %dma_wait3A_249 = tpu.memref_slice %arg4[%add3A_44, %dma_wait3A_248] : memref<51200x128xf32, #tpu.memory_space<hbm>> -> memref<128x128xf32, #tpu.memory_space<hbm>>
      %dma_wait3A_250 = arith.constant 0 : i32
      %dma_wait3A_251 = tpu.memref_slice %arg4[%add3A_44, %dma_wait3A_250] : memref<51200x128xf32, #tpu.memory_space<hbm>> -> memref<128x128xf32, #tpu.memory_space<hbm>>
      %dma_wait3A_252 = arith.constant 0 : i32
      %dma_wait3A_253 = arith.constant 0 : i32
      %dma_wait3A_254 = tpu.memref_slice %arg7[%dma_wait3A_252, %dma_wait3A_253] : memref<128x128xf32, #tpu.memory_space<vmem>> -> memref<128x128xf32, #tpu.memory_space<vmem>>
      tpu.wait_dma2 semaphore(%run_scoped3A : memref<!tpu.dma_semaphore, #tpu.memory_space<semaphore_mem>>) src(%dma_wait3A_254 : memref<128x128xf32, #tpu.memory_space<vmem>>) dst(%dma_wait3A_251 : memref<128x128xf32, #tpu.memory_space<hbm>>)
      tpu.yield
    }) : () -> ()
    %dma_start3A_45 = arith.constant 0 : i32
    %dma_start3A_46 = arith.constant 0 : i32
    %dma_start3A_47 = tpu.memref_slice %arg7[%dma_start3A_45, %dma_start3A_46] : memref<128x128xf32, #tpu.memory_space<vmem>> -> memref<128x128xf32, #tpu.memory_space<vmem>>
    %dma_start3A_48 = arith.constant 384 : i32
    %dma_start3A_49 = tpu.memref_slice %arg5[%dma_start3A_48] : memref<1600xi32, #tpu.memory_space<vmem>> -> memref<128xi32, #tpu.memory_space<vmem>>
    %dma_start3A_50 = arith.constant 0 : i32
    %dma_start3A_51 = arith.constant 0 : i32
    %dma_start3A_52 = tpu.memref_slice %arg2[%dma_start3A_50, %dma_start3A_51] : memref<100000x128xf32, #tpu.memory_space<hbm>> -> memref<100000x128xf32, #tpu.memory_space<hbm>>
    tpu.enqueue_indirect_dma source(%dma_start3A_52 : memref<100000x128xf32, #tpu.memory_space<hbm>>) target(%dma_start3A_47 : memref<128x128xf32, #tpu.memory_space<vmem>>) offsets(%dma_start3A_49 : memref<128xi32, #tpu.memory_space<vmem>>) semaphore(%arg9 : memref<!tpu.dma_semaphore, #tpu.memory_space<semaphore_mem>>)
    %dma_wait3A_53 = arith.constant 0 : i32
    %dma_wait3A_54 = arith.constant 0 : i32
    %dma_wait3A_55 = tpu.memref_slice %arg6[%dma_wait3A_53, %dma_wait3A_54] : memref<128x128xf32, #tpu.memory_space<vmem>> -> memref<128x128xf32, #tpu.memory_space<vmem>>
    %dma_wait3A_56 = arith.constant 256 : i32
    %dma_wait3A_57 = tpu.memref_slice %arg5[%dma_wait3A_56] : memref<1600xi32, #tpu.memory_space<vmem>> -> memref<128xi32, #tpu.memory_space<vmem>>
    %dma_wait3A_58 = arith.constant 0 : i32
    %dma_wait3A_59 = arith.constant 0 : i32
    %dma_wait3A_60 = tpu.memref_slice %arg2[%dma_wait3A_58, %dma_wait3A_59] : memref<100000x128xf32, #tpu.memory_space<hbm>> -> memref<100000x128xf32, #tpu.memory_space<hbm>>
    tpu.wait_indirect_dma semaphore(%arg8 : memref<!tpu.dma_semaphore, #tpu.memory_space<semaphore_mem>>) src(%dma_wait3A_60 : memref<100000x128xf32, #tpu.memory_space<hbm>>) dst(%dma_wait3A_55 : memref<128x128xf32, #tpu.memory_space<vmem>>)
    %add3A_61 = arith.constant 256 : i32
    %add3A_62 = arith.addi %mul3A_2, %add3A_61 : i32
    "tpu.region"() ({
      %run_scoped3A = tpu.sem_alloc : memref<!tpu.dma_semaphore, #tpu.memory_space<semaphore_mem>>
      %dma_start3A_235 = arith.constant 0 : i32
      %dma_start3A_236 = arith.constant 0 : i32
      %dma_start3A_237 = tpu.memref_slice %arg6[%dma_start3A_235, %dma_start3A_236] : memref<128x128xf32, #tpu.memory_space<vmem>> -> memref<128x128xf32, #tpu.memory_space<vmem>>
      %dma_start3A_238 = arith.constant 0 : i32
      %dma_start3A_239 = tpu.memref_slice %arg4[%add3A_62, %dma_start3A_238] : memref<51200x128xf32, #tpu.memory_space<hbm>> -> memref<128x128xf32, #tpu.memory_space<hbm>>
      %dma_start3A_240 = arith.constant 0 : i32
      %dma_start3A_241 = tpu.memref_slice %arg4[%add3A_62, %dma_start3A_240] : memref<51200x128xf32, #tpu.memory_space<hbm>> -> memref<128x128xf32, #tpu.memory_space<hbm>>
      %dma_start3A_242 = arith.constant 0 : i32
      %dma_start3A_243 = arith.constant 0 : i32
      %dma_start3A_244 = tpu.memref_slice %arg6[%dma_start3A_242, %dma_start3A_243] : memref<128x128xf32, #tpu.memory_space<vmem>> -> memref<128x128xf32, #tpu.memory_space<vmem>>
      tpu.enqueue_dma source(%dma_start3A_244 : memref<128x128xf32, #tpu.memory_space<vmem>>) target(%dma_start3A_241 : memref<128x128xf32, #tpu.memory_space<hbm>>) target_semaphore(%run_scoped3A : memref<!tpu.dma_semaphore, #tpu.memory_space<semaphore_mem>>)
      %dma_wait3A_245 = arith.constant 0 : i32
      %dma_wait3A_246 = arith.constant 0 : i32
      %dma_wait3A_247 = tpu.memref_slice %arg6[%dma_wait3A_245, %dma_wait3A_246] : memref<128x128xf32, #tpu.memory_space<vmem>> -> memref<128x128xf32, #tpu.memory_space<vmem>>
      %dma_wait3A_248 = arith.constant 0 : i32
      %dma_wait3A_249 = tpu.memref_slice %arg4[%add3A_62, %dma_wait3A_248] : memref<51200x128xf32, #tpu.memory_space<hbm>> -> memref<128x128xf32, #tpu.memory_space<hbm>>
      %dma_wait3A_250 = arith.constant 0 : i32
      %dma_wait3A_251 = tpu.memref_slice %arg4[%add3A_62, %dma_wait3A_250] : memref<51200x128xf32, #tpu.memory_space<hbm>> -> memref<128x128xf32, #tpu.memory_space<hbm>>
      %dma_wait3A_252 = arith.constant 0 : i32
      %dma_wait3A_253 = arith.constant 0 : i32
      %dma_wait3A_254 = tpu.memref_slice %arg6[%dma_wait3A_252, %dma_wait3A_253] : memref<128x128xf32, #tpu.memory_space<vmem>> -> memref<128x128xf32, #tpu.memory_space<vmem>>
      tpu.wait_dma2 semaphore(%run_scoped3A : memref<!tpu.dma_semaphore, #tpu.memory_space<semaphore_mem>>) src(%dma_wait3A_254 : memref<128x128xf32, #tpu.memory_space<vmem>>) dst(%dma_wait3A_251 : memref<128x128xf32, #tpu.memory_space<hbm>>)
      tpu.yield
    }) : () -> ()
    %dma_start3A_63 = arith.constant 0 : i32
    %dma_start3A_64 = arith.constant 0 : i32
    %dma_start3A_65 = tpu.memref_slice %arg6[%dma_start3A_63, %dma_start3A_64] : memref<128x128xf32, #tpu.memory_space<vmem>> -> memref<128x128xf32, #tpu.memory_space<vmem>>
    %dma_start3A_66 = arith.constant 512 : i32
    %dma_start3A_67 = tpu.memref_slice %arg5[%dma_start3A_66] : memref<1600xi32, #tpu.memory_space<vmem>> -> memref<128xi32, #tpu.memory_space<vmem>>
    %dma_start3A_68 = arith.constant 0 : i32
    %dma_start3A_69 = arith.constant 0 : i32
    %dma_start3A_70 = tpu.memref_slice %arg2[%dma_start3A_68, %dma_start3A_69] : memref<100000x128xf32, #tpu.memory_space<hbm>> -> memref<100000x128xf32, #tpu.memory_space<hbm>>
    tpu.enqueue_indirect_dma source(%dma_start3A_70 : memref<100000x128xf32, #tpu.memory_space<hbm>>) target(%dma_start3A_65 : memref<128x128xf32, #tpu.memory_space<vmem>>) offsets(%dma_start3A_67 : memref<128xi32, #tpu.memory_space<vmem>>) semaphore(%arg8 : memref<!tpu.dma_semaphore, #tpu.memory_space<semaphore_mem>>)
    %dma_wait3A_71 = arith.constant 0 : i32
    %dma_wait3A_72 = arith.constant 0 : i32
    %dma_wait3A_73 = tpu.memref_slice %arg7[%dma_wait3A_71, %dma_wait3A_72] : memref<128x128xf32, #tpu.memory_space<vmem>> -> memref<128x128xf32, #tpu.memory_space<vmem>>
    %dma_wait3A_74 = arith.constant 384 : i32
    %dma_wait3A_75 = tpu.memref_slice %arg5[%dma_wait3A_74] : memref<1600xi32, #tpu.memory_space<vmem>> -> memref<128xi32, #tpu.memory_space<vmem>>
    %dma_wait3A_76 = arith.constant 0 : i32
    %dma_wait3A_77 = arith.constant 0 : i32
    %dma_wait3A_78 = tpu.memref_slice %arg2[%dma_wait3A_76, %dma_wait3A_77] : memref<100000x128xf32, #tpu.memory_space<hbm>> -> memref<100000x128xf32, #tpu.memory_space<hbm>>
    tpu.wait_indirect_dma semaphore(%arg9 : memref<!tpu.dma_semaphore, #tpu.memory_space<semaphore_mem>>) src(%dma_wait3A_78 : memref<100000x128xf32, #tpu.memory_space<hbm>>) dst(%dma_wait3A_73 : memref<128x128xf32, #tpu.memory_space<vmem>>)
    %add3A_79 = arith.constant 384 : i32
    %add3A_80 = arith.addi %mul3A_2, %add3A_79 : i32
    "tpu.region"() ({
      %run_scoped3A = tpu.sem_alloc : memref<!tpu.dma_semaphore, #tpu.memory_space<semaphore_mem>>
      %dma_start3A_235 = arith.constant 0 : i32
      %dma_start3A_236 = arith.constant 0 : i32
      %dma_start3A_237 = tpu.memref_slice %arg7[%dma_start3A_235, %dma_start3A_236] : memref<128x128xf32, #tpu.memory_space<vmem>> -> memref<128x128xf32, #tpu.memory_space<vmem>>
      %dma_start3A_238 = arith.constant 0 : i32
      %dma_start3A_239 = tpu.memref_slice %arg4[%add3A_80, %dma_start3A_238] : memref<51200x128xf32, #tpu.memory_space<hbm>> -> memref<128x128xf32, #tpu.memory_space<hbm>>
      %dma_start3A_240 = arith.constant 0 : i32
      %dma_start3A_241 = tpu.memref_slice %arg4[%add3A_80, %dma_start3A_240] : memref<51200x128xf32, #tpu.memory_space<hbm>> -> memref<128x128xf32, #tpu.memory_space<hbm>>
      %dma_start3A_242 = arith.constant 0 : i32
      %dma_start3A_243 = arith.constant 0 : i32
      %dma_start3A_244 = tpu.memref_slice %arg7[%dma_start3A_242, %dma_start3A_243] : memref<128x128xf32, #tpu.memory_space<vmem>> -> memref<128x128xf32, #tpu.memory_space<vmem>>
      tpu.enqueue_dma source(%dma_start3A_244 : memref<128x128xf32, #tpu.memory_space<vmem>>) target(%dma_start3A_241 : memref<128x128xf32, #tpu.memory_space<hbm>>) target_semaphore(%run_scoped3A : memref<!tpu.dma_semaphore, #tpu.memory_space<semaphore_mem>>)
      %dma_wait3A_245 = arith.constant 0 : i32
      %dma_wait3A_246 = arith.constant 0 : i32
      %dma_wait3A_247 = tpu.memref_slice %arg7[%dma_wait3A_245, %dma_wait3A_246] : memref<128x128xf32, #tpu.memory_space<vmem>> -> memref<128x128xf32, #tpu.memory_space<vmem>>
      %dma_wait3A_248 = arith.constant 0 : i32
      %dma_wait3A_249 = tpu.memref_slice %arg4[%add3A_80, %dma_wait3A_248] : memref<51200x128xf32, #tpu.memory_space<hbm>> -> memref<128x128xf32, #tpu.memory_space<hbm>>
      %dma_wait3A_250 = arith.constant 0 : i32
      %dma_wait3A_251 = tpu.memref_slice %arg4[%add3A_80, %dma_wait3A_250] : memref<51200x128xf32, #tpu.memory_space<hbm>> -> memref<128x128xf32, #tpu.memory_space<hbm>>
      %dma_wait3A_252 = arith.constant 0 : i32
      %dma_wait3A_253 = arith.constant 0 : i32
      %dma_wait3A_254 = tpu.memref_slice %arg7[%dma_wait3A_252, %dma_wait3A_253] : memref<128x128xf32, #tpu.memory_space<vmem>> -> memref<128x128xf32, #tpu.memory_space<vmem>>
      tpu.wait_dma2 semaphore(%run_scoped3A : memref<!tpu.dma_semaphore, #tpu.memory_space<semaphore_mem>>) src(%dma_wait3A_254 : memref<128x128xf32, #tpu.memory_space<vmem>>) dst(%dma_wait3A_251 : memref<128x128xf32, #tpu.memory_space<hbm>>)
      tpu.yield
    }) : () -> ()
    %dma_start3A_81 = arith.constant 0 : i32
    %dma_start3A_82 = arith.constant 0 : i32
    %dma_start3A_83 = tpu.memref_slice %arg7[%dma_start3A_81, %dma_start3A_82] : memref<128x128xf32, #tpu.memory_space<vmem>> -> memref<128x128xf32, #tpu.memory_space<vmem>>
    %dma_start3A_84 = arith.constant 640 : i32
    %dma_start3A_85 = tpu.memref_slice %arg5[%dma_start3A_84] : memref<1600xi32, #tpu.memory_space<vmem>> -> memref<128xi32, #tpu.memory_space<vmem>>
    %dma_start3A_86 = arith.constant 0 : i32
    %dma_start3A_87 = arith.constant 0 : i32
    %dma_start3A_88 = tpu.memref_slice %arg2[%dma_start3A_86, %dma_start3A_87] : memref<100000x128xf32, #tpu.memory_space<hbm>> -> memref<100000x128xf32, #tpu.memory_space<hbm>>
    tpu.enqueue_indirect_dma source(%dma_start3A_88 : memref<100000x128xf32, #tpu.memory_space<hbm>>) target(%dma_start3A_83 : memref<128x128xf32, #tpu.memory_space<vmem>>) offsets(%dma_start3A_85 : memref<128xi32, #tpu.memory_space<vmem>>) semaphore(%arg9 : memref<!tpu.dma_semaphore, #tpu.memory_space<semaphore_mem>>)
    %dma_wait3A_89 = arith.constant 0 : i32
    %dma_wait3A_90 = arith.constant 0 : i32
    %dma_wait3A_91 = tpu.memref_slice %arg6[%dma_wait3A_89, %dma_wait3A_90] : memref<128x128xf32, #tpu.memory_space<vmem>> -> memref<128x128xf32, #tpu.memory_space<vmem>>
    %dma_wait3A_92 = arith.constant 512 : i32
    %dma_wait3A_93 = tpu.memref_slice %arg5[%dma_wait3A_92] : memref<1600xi32, #tpu.memory_space<vmem>> -> memref<128xi32, #tpu.memory_space<vmem>>
    %dma_wait3A_94 = arith.constant 0 : i32
    %dma_wait3A_95 = arith.constant 0 : i32
    %dma_wait3A_96 = tpu.memref_slice %arg2[%dma_wait3A_94, %dma_wait3A_95] : memref<100000x128xf32, #tpu.memory_space<hbm>> -> memref<100000x128xf32, #tpu.memory_space<hbm>>
    tpu.wait_indirect_dma semaphore(%arg8 : memref<!tpu.dma_semaphore, #tpu.memory_space<semaphore_mem>>) src(%dma_wait3A_96 : memref<100000x128xf32, #tpu.memory_space<hbm>>) dst(%dma_wait3A_91 : memref<128x128xf32, #tpu.memory_space<vmem>>)
    %add3A_97 = arith.constant 512 : i32
    %add3A_98 = arith.addi %mul3A_2, %add3A_97 : i32
    "tpu.region"() ({
      %run_scoped3A = tpu.sem_alloc : memref<!tpu.dma_semaphore, #tpu.memory_space<semaphore_mem>>
      %dma_start3A_235 = arith.constant 0 : i32
      %dma_start3A_236 = arith.constant 0 : i32
      %dma_start3A_237 = tpu.memref_slice %arg6[%dma_start3A_235, %dma_start3A_236] : memref<128x128xf32, #tpu.memory_space<vmem>> -> memref<128x128xf32, #tpu.memory_space<vmem>>
      %dma_start3A_238 = arith.constant 0 : i32
      %dma_start3A_239 = tpu.memref_slice %arg4[%add3A_98, %dma_start3A_238] : memref<51200x128xf32, #tpu.memory_space<hbm>> -> memref<128x128xf32, #tpu.memory_space<hbm>>
      %dma_start3A_240 = arith.constant 0 : i32
      %dma_start3A_241 = tpu.memref_slice %arg4[%add3A_98, %dma_start3A_240] : memref<51200x128xf32, #tpu.memory_space<hbm>> -> memref<128x128xf32, #tpu.memory_space<hbm>>
      %dma_start3A_242 = arith.constant 0 : i32
      %dma_start3A_243 = arith.constant 0 : i32
      %dma_start3A_244 = tpu.memref_slice %arg6[%dma_start3A_242, %dma_start3A_243] : memref<128x128xf32, #tpu.memory_space<vmem>> -> memref<128x128xf32, #tpu.memory_space<vmem>>
      tpu.enqueue_dma source(%dma_start3A_244 : memref<128x128xf32, #tpu.memory_space<vmem>>) target(%dma_start3A_241 : memref<128x128xf32, #tpu.memory_space<hbm>>) target_semaphore(%run_scoped3A : memref<!tpu.dma_semaphore, #tpu.memory_space<semaphore_mem>>)
      %dma_wait3A_245 = arith.constant 0 : i32
      %dma_wait3A_246 = arith.constant 0 : i32
      %dma_wait3A_247 = tpu.memref_slice %arg6[%dma_wait3A_245, %dma_wait3A_246] : memref<128x128xf32, #tpu.memory_space<vmem>> -> memref<128x128xf32, #tpu.memory_space<vmem>>
      %dma_wait3A_248 = arith.constant 0 : i32
      %dma_wait3A_249 = tpu.memref_slice %arg4[%add3A_98, %dma_wait3A_248] : memref<51200x128xf32, #tpu.memory_space<hbm>> -> memref<128x128xf32, #tpu.memory_space<hbm>>
      %dma_wait3A_250 = arith.constant 0 : i32
      %dma_wait3A_251 = tpu.memref_slice %arg4[%add3A_98, %dma_wait3A_250] : memref<51200x128xf32, #tpu.memory_space<hbm>> -> memref<128x128xf32, #tpu.memory_space<hbm>>
      %dma_wait3A_252 = arith.constant 0 : i32
      %dma_wait3A_253 = arith.constant 0 : i32
      %dma_wait3A_254 = tpu.memref_slice %arg6[%dma_wait3A_252, %dma_wait3A_253] : memref<128x128xf32, #tpu.memory_space<vmem>> -> memref<128x128xf32, #tpu.memory_space<vmem>>
      tpu.wait_dma2 semaphore(%run_scoped3A : memref<!tpu.dma_semaphore, #tpu.memory_space<semaphore_mem>>) src(%dma_wait3A_254 : memref<128x128xf32, #tpu.memory_space<vmem>>) dst(%dma_wait3A_251 : memref<128x128xf32, #tpu.memory_space<hbm>>)
      tpu.yield
    }) : () -> ()
    %dma_start3A_99 = arith.constant 0 : i32
    %dma_start3A_100 = arith.constant 0 : i32
    %dma_start3A_101 = tpu.memref_slice %arg6[%dma_start3A_99, %dma_start3A_100] : memref<128x128xf32, #tpu.memory_space<vmem>> -> memref<128x128xf32, #tpu.memory_space<vmem>>
    %dma_start3A_102 = arith.constant 768 : i32
    %dma_start3A_103 = tpu.memref_slice %arg5[%dma_start3A_102] : memref<1600xi32, #tpu.memory_space<vmem>> -> memref<128xi32, #tpu.memory_space<vmem>>
    %dma_start3A_104 = arith.constant 0 : i32
    %dma_start3A_105 = arith.constant 0 : i32
    %dma_start3A_106 = tpu.memref_slice %arg2[%dma_start3A_104, %dma_start3A_105] : memref<100000x128xf32, #tpu.memory_space<hbm>> -> memref<100000x128xf32, #tpu.memory_space<hbm>>
    tpu.enqueue_indirect_dma source(%dma_start3A_106 : memref<100000x128xf32, #tpu.memory_space<hbm>>) target(%dma_start3A_101 : memref<128x128xf32, #tpu.memory_space<vmem>>) offsets(%dma_start3A_103 : memref<128xi32, #tpu.memory_space<vmem>>) semaphore(%arg8 : memref<!tpu.dma_semaphore, #tpu.memory_space<semaphore_mem>>)
    %dma_wait3A_107 = arith.constant 0 : i32
    %dma_wait3A_108 = arith.constant 0 : i32
    %dma_wait3A_109 = tpu.memref_slice %arg7[%dma_wait3A_107, %dma_wait3A_108] : memref<128x128xf32, #tpu.memory_space<vmem>> -> memref<128x128xf32, #tpu.memory_space<vmem>>
    %dma_wait3A_110 = arith.constant 640 : i32
    %dma_wait3A_111 = tpu.memref_slice %arg5[%dma_wait3A_110] : memref<1600xi32, #tpu.memory_space<vmem>> -> memref<128xi32, #tpu.memory_space<vmem>>
    %dma_wait3A_112 = arith.constant 0 : i32
    %dma_wait3A_113 = arith.constant 0 : i32
    %dma_wait3A_114 = tpu.memref_slice %arg2[%dma_wait3A_112, %dma_wait3A_113] : memref<100000x128xf32, #tpu.memory_space<hbm>> -> memref<100000x128xf32, #tpu.memory_space<hbm>>
    tpu.wait_indirect_dma semaphore(%arg9 : memref<!tpu.dma_semaphore, #tpu.memory_space<semaphore_mem>>) src(%dma_wait3A_114 : memref<100000x128xf32, #tpu.memory_space<hbm>>) dst(%dma_wait3A_109 : memref<128x128xf32, #tpu.memory_space<vmem>>)
    %add3A_115 = arith.constant 640 : i32
    %add3A_116 = arith.addi %mul3A_2, %add3A_115 : i32
    "tpu.region"() ({
      %run_scoped3A = tpu.sem_alloc : memref<!tpu.dma_semaphore, #tpu.memory_space<semaphore_mem>>
      %dma_start3A_235 = arith.constant 0 : i32
      %dma_start3A_236 = arith.constant 0 : i32
      %dma_start3A_237 = tpu.memref_slice %arg7[%dma_start3A_235, %dma_start3A_236] : memref<128x128xf32, #tpu.memory_space<vmem>> -> memref<128x128xf32, #tpu.memory_space<vmem>>
      %dma_start3A_238 = arith.constant 0 : i32
      %dma_start3A_239 = tpu.memref_slice %arg4[%add3A_116, %dma_start3A_238] : memref<51200x128xf32, #tpu.memory_space<hbm>> -> memref<128x128xf32, #tpu.memory_space<hbm>>
      %dma_start3A_240 = arith.constant 0 : i32
      %dma_start3A_241 = tpu.memref_slice %arg4[%add3A_116, %dma_start3A_240] : memref<51200x128xf32, #tpu.memory_space<hbm>> -> memref<128x128xf32, #tpu.memory_space<hbm>>
      %dma_start3A_242 = arith.constant 0 : i32
      %dma_start3A_243 = arith.constant 0 : i32
      %dma_start3A_244 = tpu.memref_slice %arg7[%dma_start3A_242, %dma_start3A_243] : memref<128x128xf32, #tpu.memory_space<vmem>> -> memref<128x128xf32, #tpu.memory_space<vmem>>
      tpu.enqueue_dma source(%dma_start3A_244 : memref<128x128xf32, #tpu.memory_space<vmem>>) target(%dma_start3A_241 : memref<128x128xf32, #tpu.memory_space<hbm>>) target_semaphore(%run_scoped3A : memref<!tpu.dma_semaphore, #tpu.memory_space<semaphore_mem>>)
      %dma_wait3A_245 = arith.constant 0 : i32
      %dma_wait3A_246 = arith.constant 0 : i32
      %dma_wait3A_247 = tpu.memref_slice %arg7[%dma_wait3A_245, %dma_wait3A_246] : memref<128x128xf32, #tpu.memory_space<vmem>> -> memref<128x128xf32, #tpu.memory_space<vmem>>
      %dma_wait3A_248 = arith.constant 0 : i32
      %dma_wait3A_249 = tpu.memref_slice %arg4[%add3A_116, %dma_wait3A_248] : memref<51200x128xf32, #tpu.memory_space<hbm>> -> memref<128x128xf32, #tpu.memory_space<hbm>>
      %dma_wait3A_250 = arith.constant 0 : i32
      %dma_wait3A_251 = tpu.memref_slice %arg4[%add3A_116, %dma_wait3A_250] : memref<51200x128xf32, #tpu.memory_space<hbm>> -> memref<128x128xf32, #tpu.memory_space<hbm>>
      %dma_wait3A_252 = arith.constant 0 : i32
      %dma_wait3A_253 = arith.constant 0 : i32
      %dma_wait3A_254 = tpu.memref_slice %arg7[%dma_wait3A_252, %dma_wait3A_253] : memref<128x128xf32, #tpu.memory_space<vmem>> -> memref<128x128xf32, #tpu.memory_space<vmem>>
      tpu.wait_dma2 semaphore(%run_scoped3A : memref<!tpu.dma_semaphore, #tpu.memory_space<semaphore_mem>>) src(%dma_wait3A_254 : memref<128x128xf32, #tpu.memory_space<vmem>>) dst(%dma_wait3A_251 : memref<128x128xf32, #tpu.memory_space<hbm>>)
      tpu.yield
    }) : () -> ()
    %dma_start3A_117 = arith.constant 0 : i32
    %dma_start3A_118 = arith.constant 0 : i32
    %dma_start3A_119 = tpu.memref_slice %arg7[%dma_start3A_117, %dma_start3A_118] : memref<128x128xf32, #tpu.memory_space<vmem>> -> memref<128x128xf32, #tpu.memory_space<vmem>>
    %dma_start3A_120 = arith.constant 896 : i32
    %dma_start3A_121 = tpu.memref_slice %arg5[%dma_start3A_120] : memref<1600xi32, #tpu.memory_space<vmem>> -> memref<128xi32, #tpu.memory_space<vmem>>
    %dma_start3A_122 = arith.constant 0 : i32
    %dma_start3A_123 = arith.constant 0 : i32
    %dma_start3A_124 = tpu.memref_slice %arg2[%dma_start3A_122, %dma_start3A_123] : memref<100000x128xf32, #tpu.memory_space<hbm>> -> memref<100000x128xf32, #tpu.memory_space<hbm>>
    tpu.enqueue_indirect_dma source(%dma_start3A_124 : memref<100000x128xf32, #tpu.memory_space<hbm>>) target(%dma_start3A_119 : memref<128x128xf32, #tpu.memory_space<vmem>>) offsets(%dma_start3A_121 : memref<128xi32, #tpu.memory_space<vmem>>) semaphore(%arg9 : memref<!tpu.dma_semaphore, #tpu.memory_space<semaphore_mem>>)
    %dma_wait3A_125 = arith.constant 0 : i32
    %dma_wait3A_126 = arith.constant 0 : i32
    %dma_wait3A_127 = tpu.memref_slice %arg6[%dma_wait3A_125, %dma_wait3A_126] : memref<128x128xf32, #tpu.memory_space<vmem>> -> memref<128x128xf32, #tpu.memory_space<vmem>>
    %dma_wait3A_128 = arith.constant 768 : i32
    %dma_wait3A_129 = tpu.memref_slice %arg5[%dma_wait3A_128] : memref<1600xi32, #tpu.memory_space<vmem>> -> memref<128xi32, #tpu.memory_space<vmem>>
    %dma_wait3A_130 = arith.constant 0 : i32
    %dma_wait3A_131 = arith.constant 0 : i32
    %dma_wait3A_132 = tpu.memref_slice %arg2[%dma_wait3A_130, %dma_wait3A_131] : memref<100000x128xf32, #tpu.memory_space<hbm>> -> memref<100000x128xf32, #tpu.memory_space<hbm>>
    tpu.wait_indirect_dma semaphore(%arg8 : memref<!tpu.dma_semaphore, #tpu.memory_space<semaphore_mem>>) src(%dma_wait3A_132 : memref<100000x128xf32, #tpu.memory_space<hbm>>) dst(%dma_wait3A_127 : memref<128x128xf32, #tpu.memory_space<vmem>>)
    %add3A_133 = arith.constant 768 : i32
    %add3A_134 = arith.addi %mul3A_2, %add3A_133 : i32
    "tpu.region"() ({
      %run_scoped3A = tpu.sem_alloc : memref<!tpu.dma_semaphore, #tpu.memory_space<semaphore_mem>>
      %dma_start3A_235 = arith.constant 0 : i32
      %dma_start3A_236 = arith.constant 0 : i32
      %dma_start3A_237 = tpu.memref_slice %arg6[%dma_start3A_235, %dma_start3A_236] : memref<128x128xf32, #tpu.memory_space<vmem>> -> memref<128x128xf32, #tpu.memory_space<vmem>>
      %dma_start3A_238 = arith.constant 0 : i32
      %dma_start3A_239 = tpu.memref_slice %arg4[%add3A_134, %dma_start3A_238] : memref<51200x128xf32, #tpu.memory_space<hbm>> -> memref<128x128xf32, #tpu.memory_space<hbm>>
      %dma_start3A_240 = arith.constant 0 : i32
      %dma_start3A_241 = tpu.memref_slice %arg4[%add3A_134, %dma_start3A_240] : memref<51200x128xf32, #tpu.memory_space<hbm>> -> memref<128x128xf32, #tpu.memory_space<hbm>>
      %dma_start3A_242 = arith.constant 0 : i32
      %dma_start3A_243 = arith.constant 0 : i32
      %dma_start3A_244 = tpu.memref_slice %arg6[%dma_start3A_242, %dma_start3A_243] : memref<128x128xf32, #tpu.memory_space<vmem>> -> memref<128x128xf32, #tpu.memory_space<vmem>>
      tpu.enqueue_dma source(%dma_start3A_244 : memref<128x128xf32, #tpu.memory_space<vmem>>) target(%dma_start3A_241 : memref<128x128xf32, #tpu.memory_space<hbm>>) target_semaphore(%run_scoped3A : memref<!tpu.dma_semaphore, #tpu.memory_space<semaphore_mem>>)
      %dma_wait3A_245 = arith.constant 0 : i32
      %dma_wait3A_246 = arith.constant 0 : i32
      %dma_wait3A_247 = tpu.memref_slice %arg6[%dma_wait3A_245, %dma_wait3A_246] : memref<128x128xf32, #tpu.memory_space<vmem>> -> memref<128x128xf32, #tpu.memory_space<vmem>>
      %dma_wait3A_248 = arith.constant 0 : i32
      %dma_wait3A_249 = tpu.memref_slice %arg4[%add3A_134, %dma_wait3A_248] : memref<51200x128xf32, #tpu.memory_space<hbm>> -> memref<128x128xf32, #tpu.memory_space<hbm>>
      %dma_wait3A_250 = arith.constant 0 : i32
      %dma_wait3A_251 = tpu.memref_slice %arg4[%add3A_134, %dma_wait3A_250] : memref<51200x128xf32, #tpu.memory_space<hbm>> -> memref<128x128xf32, #tpu.memory_space<hbm>>
      %dma_wait3A_252 = arith.constant 0 : i32
      %dma_wait3A_253 = arith.constant 0 : i32
      %dma_wait3A_254 = tpu.memref_slice %arg6[%dma_wait3A_252, %dma_wait3A_253] : memref<128x128xf32, #tpu.memory_space<vmem>> -> memref<128x128xf32, #tpu.memory_space<vmem>>
      tpu.wait_dma2 semaphore(%run_scoped3A : memref<!tpu.dma_semaphore, #tpu.memory_space<semaphore_mem>>) src(%dma_wait3A_254 : memref<128x128xf32, #tpu.memory_space<vmem>>) dst(%dma_wait3A_251 : memref<128x128xf32, #tpu.memory_space<hbm>>)
      tpu.yield
    }) : () -> ()
    %dma_start3A_135 = arith.constant 0 : i32
    %dma_start3A_136 = arith.constant 0 : i32
    %dma_start3A_137 = tpu.memref_slice %arg6[%dma_start3A_135, %dma_start3A_136] : memref<128x128xf32, #tpu.memory_space<vmem>> -> memref<128x128xf32, #tpu.memory_space<vmem>>
    %dma_start3A_138 = arith.constant 1024 : i32
    %dma_start3A_139 = tpu.memref_slice %arg5[%dma_start3A_138] : memref<1600xi32, #tpu.memory_space<vmem>> -> memref<128xi32, #tpu.memory_space<vmem>>
    %dma_start3A_140 = arith.constant 0 : i32
    %dma_start3A_141 = arith.constant 0 : i32
    %dma_start3A_142 = tpu.memref_slice %arg2[%dma_start3A_140, %dma_start3A_141] : memref<100000x128xf32, #tpu.memory_space<hbm>> -> memref<100000x128xf32, #tpu.memory_space<hbm>>
    tpu.enqueue_indirect_dma source(%dma_start3A_142 : memref<100000x128xf32, #tpu.memory_space<hbm>>) target(%dma_start3A_137 : memref<128x128xf32, #tpu.memory_space<vmem>>) offsets(%dma_start3A_139 : memref<128xi32, #tpu.memory_space<vmem>>) semaphore(%arg8 : memref<!tpu.dma_semaphore, #tpu.memory_space<semaphore_mem>>)
    %dma_wait3A_143 = arith.constant 0 : i32
    %dma_wait3A_144 = arith.constant 0 : i32
    %dma_wait3A_145 = tpu.memref_slice %arg7[%dma_wait3A_143, %dma_wait3A_144] : memref<128x128xf32, #tpu.memory_space<vmem>> -> memref<128x128xf32, #tpu.memory_space<vmem>>
    %dma_wait3A_146 = arith.constant 896 : i32
    %dma_wait3A_147 = tpu.memref_slice %arg5[%dma_wait3A_146] : memref<1600xi32, #tpu.memory_space<vmem>> -> memref<128xi32, #tpu.memory_space<vmem>>
    %dma_wait3A_148 = arith.constant 0 : i32
    %dma_wait3A_149 = arith.constant 0 : i32
    %dma_wait3A_150 = tpu.memref_slice %arg2[%dma_wait3A_148, %dma_wait3A_149] : memref<100000x128xf32, #tpu.memory_space<hbm>> -> memref<100000x128xf32, #tpu.memory_space<hbm>>
    tpu.wait_indirect_dma semaphore(%arg9 : memref<!tpu.dma_semaphore, #tpu.memory_space<semaphore_mem>>) src(%dma_wait3A_150 : memref<100000x128xf32, #tpu.memory_space<hbm>>) dst(%dma_wait3A_145 : memref<128x128xf32, #tpu.memory_space<vmem>>)
    %add3A_151 = arith.constant 896 : i32
    %add3A_152 = arith.addi %mul3A_2, %add3A_151 : i32
    "tpu.region"() ({
      %run_scoped3A = tpu.sem_alloc : memref<!tpu.dma_semaphore, #tpu.memory_space<semaphore_mem>>
      %dma_start3A_235 = arith.constant 0 : i32
      %dma_start3A_236 = arith.constant 0 : i32
      %dma_start3A_237 = tpu.memref_slice %arg7[%dma_start3A_235, %dma_start3A_236] : memref<128x128xf32, #tpu.memory_space<vmem>> -> memref<128x128xf32, #tpu.memory_space<vmem>>
      %dma_start3A_238 = arith.constant 0 : i32
      %dma_start3A_239 = tpu.memref_slice %arg4[%add3A_152, %dma_start3A_238] : memref<51200x128xf32, #tpu.memory_space<hbm>> -> memref<128x128xf32, #tpu.memory_space<hbm>>
      %dma_start3A_240 = arith.constant 0 : i32
      %dma_start3A_241 = tpu.memref_slice %arg4[%add3A_152, %dma_start3A_240] : memref<51200x128xf32, #tpu.memory_space<hbm>> -> memref<128x128xf32, #tpu.memory_space<hbm>>
      %dma_start3A_242 = arith.constant 0 : i32
      %dma_start3A_243 = arith.constant 0 : i32
      %dma_start3A_244 = tpu.memref_slice %arg7[%dma_start3A_242, %dma_start3A_243] : memref<128x128xf32, #tpu.memory_space<vmem>> -> memref<128x128xf32, #tpu.memory_space<vmem>>
      tpu.enqueue_dma source(%dma_start3A_244 : memref<128x128xf32, #tpu.memory_space<vmem>>) target(%dma_start3A_241 : memref<128x128xf32, #tpu.memory_space<hbm>>) target_semaphore(%run_scoped3A : memref<!tpu.dma_semaphore, #tpu.memory_space<semaphore_mem>>)
      %dma_wait3A_245 = arith.constant 0 : i32
      %dma_wait3A_246 = arith.constant 0 : i32
      %dma_wait3A_247 = tpu.memref_slice %arg7[%dma_wait3A_245, %dma_wait3A_246] : memref<128x128xf32, #tpu.memory_space<vmem>> -> memref<128x128xf32, #tpu.memory_space<vmem>>
      %dma_wait3A_248 = arith.constant 0 : i32
      %dma_wait3A_249 = tpu.memref_slice %arg4[%add3A_152, %dma_wait3A_248] : memref<51200x128xf32, #tpu.memory_space<hbm>> -> memref<128x128xf32, #tpu.memory_space<hbm>>
      %dma_wait3A_250 = arith.constant 0 : i32
      %dma_wait3A_251 = tpu.memref_slice %arg4[%add3A_152, %dma_wait3A_250] : memref<51200x128xf32, #tpu.memory_space<hbm>> -> memref<128x128xf32, #tpu.memory_space<hbm>>
      %dma_wait3A_252 = arith.constant 0 : i32
      %dma_wait3A_253 = arith.constant 0 : i32
      %dma_wait3A_254 = tpu.memref_slice %arg7[%dma_wait3A_252, %dma_wait3A_253] : memref<128x128xf32, #tpu.memory_space<vmem>> -> memref<128x128xf32, #tpu.memory_space<vmem>>
      tpu.wait_dma2 semaphore(%run_scoped3A : memref<!tpu.dma_semaphore, #tpu.memory_space<semaphore_mem>>) src(%dma_wait3A_254 : memref<128x128xf32, #tpu.memory_space<vmem>>) dst(%dma_wait3A_251 : memref<128x128xf32, #tpu.memory_space<hbm>>)
      tpu.yield
    }) : () -> ()
    %dma_start3A_153 = arith.constant 0 : i32
    %dma_start3A_154 = arith.constant 0 : i32
    %dma_start3A_155 = tpu.memref_slice %arg7[%dma_start3A_153, %dma_start3A_154] : memref<128x128xf32, #tpu.memory_space<vmem>> -> memref<128x128xf32, #tpu.memory_space<vmem>>
    %dma_start3A_156 = arith.constant 1152 : i32
    %dma_start3A_157 = tpu.memref_slice %arg5[%dma_start3A_156] : memref<1600xi32, #tpu.memory_space<vmem>> -> memref<128xi32, #tpu.memory_space<vmem>>
    %dma_start3A_158 = arith.constant 0 : i32
    %dma_start3A_159 = arith.constant 0 : i32
    %dma_start3A_160 = tpu.memref_slice %arg2[%dma_start3A_158, %dma_start3A_159] : memref<100000x128xf32, #tpu.memory_space<hbm>> -> memref<100000x128xf32, #tpu.memory_space<hbm>>
    tpu.enqueue_indirect_dma source(%dma_start3A_160 : memref<100000x128xf32, #tpu.memory_space<hbm>>) target(%dma_start3A_155 : memref<128x128xf32, #tpu.memory_space<vmem>>) offsets(%dma_start3A_157 : memref<128xi32, #tpu.memory_space<vmem>>) semaphore(%arg9 : memref<!tpu.dma_semaphore, #tpu.memory_space<semaphore_mem>>)
    %dma_wait3A_161 = arith.constant 0 : i32
    %dma_wait3A_162 = arith.constant 0 : i32
    %dma_wait3A_163 = tpu.memref_slice %arg6[%dma_wait3A_161, %dma_wait3A_162] : memref<128x128xf32, #tpu.memory_space<vmem>> -> memref<128x128xf32, #tpu.memory_space<vmem>>
    %dma_wait3A_164 = arith.constant 1024 : i32
    %dma_wait3A_165 = tpu.memref_slice %arg5[%dma_wait3A_164] : memref<1600xi32, #tpu.memory_space<vmem>> -> memref<128xi32, #tpu.memory_space<vmem>>
    %dma_wait3A_166 = arith.constant 0 : i32
    %dma_wait3A_167 = arith.constant 0 : i32
    %dma_wait3A_168 = tpu.memref_slice %arg2[%dma_wait3A_166, %dma_wait3A_167] : memref<100000x128xf32, #tpu.memory_space<hbm>> -> memref<100000x128xf32, #tpu.memory_space<hbm>>
    tpu.wait_indirect_dma semaphore(%arg8 : memref<!tpu.dma_semaphore, #tpu.memory_space<semaphore_mem>>) src(%dma_wait3A_168 : memref<100000x128xf32, #tpu.memory_space<hbm>>) dst(%dma_wait3A_163 : memref<128x128xf32, #tpu.memory_space<vmem>>)
    %add3A_169 = arith.constant 1024 : i32
    %add3A_170 = arith.addi %mul3A_2, %add3A_169 : i32
    "tpu.region"() ({
      %run_scoped3A = tpu.sem_alloc : memref<!tpu.dma_semaphore, #tpu.memory_space<semaphore_mem>>
      %dma_start3A_235 = arith.constant 0 : i32
      %dma_start3A_236 = arith.constant 0 : i32
      %dma_start3A_237 = tpu.memref_slice %arg6[%dma_start3A_235, %dma_start3A_236] : memref<128x128xf32, #tpu.memory_space<vmem>> -> memref<128x128xf32, #tpu.memory_space<vmem>>
      %dma_start3A_238 = arith.constant 0 : i32
      %dma_start3A_239 = tpu.memref_slice %arg4[%add3A_170, %dma_start3A_238] : memref<51200x128xf32, #tpu.memory_space<hbm>> -> memref<128x128xf32, #tpu.memory_space<hbm>>
      %dma_start3A_240 = arith.constant 0 : i32
      %dma_start3A_241 = tpu.memref_slice %arg4[%add3A_170, %dma_start3A_240] : memref<51200x128xf32, #tpu.memory_space<hbm>> -> memref<128x128xf32, #tpu.memory_space<hbm>>
      %dma_start3A_242 = arith.constant 0 : i32
      %dma_start3A_243 = arith.constant 0 : i32
      %dma_start3A_244 = tpu.memref_slice %arg6[%dma_start3A_242, %dma_start3A_243] : memref<128x128xf32, #tpu.memory_space<vmem>> -> memref<128x128xf32, #tpu.memory_space<vmem>>
      tpu.enqueue_dma source(%dma_start3A_244 : memref<128x128xf32, #tpu.memory_space<vmem>>) target(%dma_start3A_241 : memref<128x128xf32, #tpu.memory_space<hbm>>) target_semaphore(%run_scoped3A : memref<!tpu.dma_semaphore, #tpu.memory_space<semaphore_mem>>)
      %dma_wait3A_245 = arith.constant 0 : i32
      %dma_wait3A_246 = arith.constant 0 : i32
      %dma_wait3A_247 = tpu.memref_slice %arg6[%dma_wait3A_245, %dma_wait3A_246] : memref<128x128xf32, #tpu.memory_space<vmem>> -> memref<128x128xf32, #tpu.memory_space<vmem>>
      %dma_wait3A_248 = arith.constant 0 : i32
      %dma_wait3A_249 = tpu.memref_slice %arg4[%add3A_170, %dma_wait3A_248] : memref<51200x128xf32, #tpu.memory_space<hbm>> -> memref<128x128xf32, #tpu.memory_space<hbm>>
      %dma_wait3A_250 = arith.constant 0 : i32
      %dma_wait3A_251 = tpu.memref_slice %arg4[%add3A_170, %dma_wait3A_250] : memref<51200x128xf32, #tpu.memory_space<hbm>> -> memref<128x128xf32, #tpu.memory_space<hbm>>
      %dma_wait3A_252 = arith.constant 0 : i32
      %dma_wait3A_253 = arith.constant 0 : i32
      %dma_wait3A_254 = tpu.memref_slice %arg6[%dma_wait3A_252, %dma_wait3A_253] : memref<128x128xf32, #tpu.memory_space<vmem>> -> memref<128x128xf32, #tpu.memory_space<vmem>>
      tpu.wait_dma2 semaphore(%run_scoped3A : memref<!tpu.dma_semaphore, #tpu.memory_space<semaphore_mem>>) src(%dma_wait3A_254 : memref<128x128xf32, #tpu.memory_space<vmem>>) dst(%dma_wait3A_251 : memref<128x128xf32, #tpu.memory_space<hbm>>)
      tpu.yield
    }) : () -> ()
    %dma_start3A_171 = arith.constant 0 : i32
    %dma_start3A_172 = arith.constant 0 : i32
    %dma_start3A_173 = tpu.memref_slice %arg6[%dma_start3A_171, %dma_start3A_172] : memref<128x128xf32, #tpu.memory_space<vmem>> -> memref<128x128xf32, #tpu.memory_space<vmem>>
    %dma_start3A_174 = arith.constant 1280 : i32
    %dma_start3A_175 = tpu.memref_slice %arg5[%dma_start3A_174] : memref<1600xi32, #tpu.memory_space<vmem>> -> memref<128xi32, #tpu.memory_space<vmem>>
    %dma_start3A_176 = arith.constant 0 : i32
    %dma_start3A_177 = arith.constant 0 : i32
    %dma_start3A_178 = tpu.memref_slice %arg2[%dma_start3A_176, %dma_start3A_177] : memref<100000x128xf32, #tpu.memory_space<hbm>> -> memref<100000x128xf32, #tpu.memory_space<hbm>>
    tpu.enqueue_indirect_dma source(%dma_start3A_178 : memref<100000x128xf32, #tpu.memory_space<hbm>>) target(%dma_start3A_173 : memref<128x128xf32, #tpu.memory_space<vmem>>) offsets(%dma_start3A_175 : memref<128xi32, #tpu.memory_space<vmem>>) semaphore(%arg8 : memref<!tpu.dma_semaphore, #tpu.memory_space<semaphore_mem>>)
    %dma_wait3A_179 = arith.constant 0 : i32
    %dma_wait3A_180 = arith.constant 0 : i32
    %dma_wait3A_181 = tpu.memref_slice %arg7[%dma_wait3A_179, %dma_wait3A_180] : memref<128x128xf32, #tpu.memory_space<vmem>> -> memref<128x128xf32, #tpu.memory_space<vmem>>
    %dma_wait3A_182 = arith.constant 1152 : i32
    %dma_wait3A_183 = tpu.memref_slice %arg5[%dma_wait3A_182] : memref<1600xi32, #tpu.memory_space<vmem>> -> memref<128xi32, #tpu.memory_space<vmem>>
    %dma_wait3A_184 = arith.constant 0 : i32
    %dma_wait3A_185 = arith.constant 0 : i32
    %dma_wait3A_186 = tpu.memref_slice %arg2[%dma_wait3A_184, %dma_wait3A_185] : memref<100000x128xf32, #tpu.memory_space<hbm>> -> memref<100000x128xf32, #tpu.memory_space<hbm>>
    tpu.wait_indirect_dma semaphore(%arg9 : memref<!tpu.dma_semaphore, #tpu.memory_space<semaphore_mem>>) src(%dma_wait3A_186 : memref<100000x128xf32, #tpu.memory_space<hbm>>) dst(%dma_wait3A_181 : memref<128x128xf32, #tpu.memory_space<vmem>>)
    %add3A_187 = arith.constant 1152 : i32
    %add3A_188 = arith.addi %mul3A_2, %add3A_187 : i32
    "tpu.region"() ({
      %run_scoped3A = tpu.sem_alloc : memref<!tpu.dma_semaphore, #tpu.memory_space<semaphore_mem>>
      %dma_start3A_235 = arith.constant 0 : i32
      %dma_start3A_236 = arith.constant 0 : i32
      %dma_start3A_237 = tpu.memref_slice %arg7[%dma_start3A_235, %dma_start3A_236] : memref<128x128xf32, #tpu.memory_space<vmem>> -> memref<128x128xf32, #tpu.memory_space<vmem>>
      %dma_start3A_238 = arith.constant 0 : i32
      %dma_start3A_239 = tpu.memref_slice %arg4[%add3A_188, %dma_start3A_238] : memref<51200x128xf32, #tpu.memory_space<hbm>> -> memref<128x128xf32, #tpu.memory_space<hbm>>
      %dma_start3A_240 = arith.constant 0 : i32
      %dma_start3A_241 = tpu.memref_slice %arg4[%add3A_188, %dma_start3A_240] : memref<51200x128xf32, #tpu.memory_space<hbm>> -> memref<128x128xf32, #tpu.memory_space<hbm>>
      %dma_start3A_242 = arith.constant 0 : i32
      %dma_start3A_243 = arith.constant 0 : i32
      %dma_start3A_244 = tpu.memref_slice %arg7[%dma_start3A_242, %dma_start3A_243] : memref<128x128xf32, #tpu.memory_space<vmem>> -> memref<128x128xf32, #tpu.memory_space<vmem>>
      tpu.enqueue_dma source(%dma_start3A_244 : memref<128x128xf32, #tpu.memory_space<vmem>>) target(%dma_start3A_241 : memref<128x128xf32, #tpu.memory_space<hbm>>) target_semaphore(%run_scoped3A : memref<!tpu.dma_semaphore, #tpu.memory_space<semaphore_mem>>)
      %dma_wait3A_245 = arith.constant 0 : i32
      %dma_wait3A_246 = arith.constant 0 : i32
      %dma_wait3A_247 = tpu.memref_slice %arg7[%dma_wait3A_245, %dma_wait3A_246] : memref<128x128xf32, #tpu.memory_space<vmem>> -> memref<128x128xf32, #tpu.memory_space<vmem>>
      %dma_wait3A_248 = arith.constant 0 : i32
      %dma_wait3A_249 = tpu.memref_slice %arg4[%add3A_188, %dma_wait3A_248] : memref<51200x128xf32, #tpu.memory_space<hbm>> -> memref<128x128xf32, #tpu.memory_space<hbm>>
      %dma_wait3A_250 = arith.constant 0 : i32
      %dma_wait3A_251 = tpu.memref_slice %arg4[%add3A_188, %dma_wait3A_250] : memref<51200x128xf32, #tpu.memory_space<hbm>> -> memref<128x128xf32, #tpu.memory_space<hbm>>
      %dma_wait3A_252 = arith.constant 0 : i32
      %dma_wait3A_253 = arith.constant 0 : i32
      %dma_wait3A_254 = tpu.memref_slice %arg7[%dma_wait3A_252, %dma_wait3A_253] : memref<128x128xf32, #tpu.memory_space<vmem>> -> memref<128x128xf32, #tpu.memory_space<vmem>>
      tpu.wait_dma2 semaphore(%run_scoped3A : memref<!tpu.dma_semaphore, #tpu.memory_space<semaphore_mem>>) src(%dma_wait3A_254 : memref<128x128xf32, #tpu.memory_space<vmem>>) dst(%dma_wait3A_251 : memref<128x128xf32, #tpu.memory_space<hbm>>)
      tpu.yield
    }) : () -> ()
    %dma_start3A_189 = arith.constant 0 : i32
    %dma_start3A_190 = arith.constant 0 : i32
    %dma_start3A_191 = tpu.memref_slice %arg7[%dma_start3A_189, %dma_start3A_190] : memref<128x128xf32, #tpu.memory_space<vmem>> -> memref<128x128xf32, #tpu.memory_space<vmem>>
    %dma_start3A_192 = arith.constant 1408 : i32
    %dma_start3A_193 = tpu.memref_slice %arg5[%dma_start3A_192] : memref<1600xi32, #tpu.memory_space<vmem>> -> memref<128xi32, #tpu.memory_space<vmem>>
    %dma_start3A_194 = arith.constant 0 : i32
    %dma_start3A_195 = arith.constant 0 : i32
    %dma_start3A_196 = tpu.memref_slice %arg2[%dma_start3A_194, %dma_start3A_195] : memref<100000x128xf32, #tpu.memory_space<hbm>> -> memref<100000x128xf32, #tpu.memory_space<hbm>>
    tpu.enqueue_indirect_dma source(%dma_start3A_196 : memref<100000x128xf32, #tpu.memory_space<hbm>>) target(%dma_start3A_191 : memref<128x128xf32, #tpu.memory_space<vmem>>) offsets(%dma_start3A_193 : memref<128xi32, #tpu.memory_space<vmem>>) semaphore(%arg9 : memref<!tpu.dma_semaphore, #tpu.memory_space<semaphore_mem>>)
    %dma_wait3A_197 = arith.constant 0 : i32
    %dma_wait3A_198 = arith.constant 0 : i32
    %dma_wait3A_199 = tpu.memref_slice %arg6[%dma_wait3A_197, %dma_wait3A_198] : memref<128x128xf32, #tpu.memory_space<vmem>> -> memref<128x128xf32, #tpu.memory_space<vmem>>
    %dma_wait3A_200 = arith.constant 1280 : i32
    %dma_wait3A_201 = tpu.memref_slice %arg5[%dma_wait3A_200] : memref<1600xi32, #tpu.memory_space<vmem>> -> memref<128xi32, #tpu.memory_space<vmem>>
    %dma_wait3A_202 = arith.constant 0 : i32
    %dma_wait3A_203 = arith.constant 0 : i32
    %dma_wait3A_204 = tpu.memref_slice %arg2[%dma_wait3A_202, %dma_wait3A_203] : memref<100000x128xf32, #tpu.memory_space<hbm>> -> memref<100000x128xf32, #tpu.memory_space<hbm>>
    tpu.wait_indirect_dma semaphore(%arg8 : memref<!tpu.dma_semaphore, #tpu.memory_space<semaphore_mem>>) src(%dma_wait3A_204 : memref<100000x128xf32, #tpu.memory_space<hbm>>) dst(%dma_wait3A_199 : memref<128x128xf32, #tpu.memory_space<vmem>>)
    %add3A_205 = arith.constant 1280 : i32
    %add3A_206 = arith.addi %mul3A_2, %add3A_205 : i32
    "tpu.region"() ({
      %run_scoped3A = tpu.sem_alloc : memref<!tpu.dma_semaphore, #tpu.memory_space<semaphore_mem>>
      %dma_start3A_235 = arith.constant 0 : i32
      %dma_start3A_236 = arith.constant 0 : i32
      %dma_start3A_237 = tpu.memref_slice %arg6[%dma_start3A_235, %dma_start3A_236] : memref<128x128xf32, #tpu.memory_space<vmem>> -> memref<128x128xf32, #tpu.memory_space<vmem>>
      %dma_start3A_238 = arith.constant 0 : i32
      %dma_start3A_239 = tpu.memref_slice %arg4[%add3A_206, %dma_start3A_238] : memref<51200x128xf32, #tpu.memory_space<hbm>> -> memref<128x128xf32, #tpu.memory_space<hbm>>
      %dma_start3A_240 = arith.constant 0 : i32
      %dma_start3A_241 = tpu.memref_slice %arg4[%add3A_206, %dma_start3A_240] : memref<51200x128xf32, #tpu.memory_space<hbm>> -> memref<128x128xf32, #tpu.memory_space<hbm>>
      %dma_start3A_242 = arith.constant 0 : i32
      %dma_start3A_243 = arith.constant 0 : i32
      %dma_start3A_244 = tpu.memref_slice %arg6[%dma_start3A_242, %dma_start3A_243] : memref<128x128xf32, #tpu.memory_space<vmem>> -> memref<128x128xf32, #tpu.memory_space<vmem>>
      tpu.enqueue_dma source(%dma_start3A_244 : memref<128x128xf32, #tpu.memory_space<vmem>>) target(%dma_start3A_241 : memref<128x128xf32, #tpu.memory_space<hbm>>) target_semaphore(%run_scoped3A : memref<!tpu.dma_semaphore, #tpu.memory_space<semaphore_mem>>)
      %dma_wait3A_245 = arith.constant 0 : i32
      %dma_wait3A_246 = arith.constant 0 : i32
      %dma_wait3A_247 = tpu.memref_slice %arg6[%dma_wait3A_245, %dma_wait3A_246] : memref<128x128xf32, #tpu.memory_space<vmem>> -> memref<128x128xf32, #tpu.memory_space<vmem>>
      %dma_wait3A_248 = arith.constant 0 : i32
      %dma_wait3A_249 = tpu.memref_slice %arg4[%add3A_206, %dma_wait3A_248] : memref<51200x128xf32, #tpu.memory_space<hbm>> -> memref<128x128xf32, #tpu.memory_space<hbm>>
      %dma_wait3A_250 = arith.constant 0 : i32
      %dma_wait3A_251 = tpu.memref_slice %arg4[%add3A_206, %dma_wait3A_250] : memref<51200x128xf32, #tpu.memory_space<hbm>> -> memref<128x128xf32, #tpu.memory_space<hbm>>
      %dma_wait3A_252 = arith.constant 0 : i32
      %dma_wait3A_253 = arith.constant 0 : i32
      %dma_wait3A_254 = tpu.memref_slice %arg6[%dma_wait3A_252, %dma_wait3A_253] : memref<128x128xf32, #tpu.memory_space<vmem>> -> memref<128x128xf32, #tpu.memory_space<vmem>>
      tpu.wait_dma2 semaphore(%run_scoped3A : memref<!tpu.dma_semaphore, #tpu.memory_space<semaphore_mem>>) src(%dma_wait3A_254 : memref<128x128xf32, #tpu.memory_space<vmem>>) dst(%dma_wait3A_251 : memref<128x128xf32, #tpu.memory_space<hbm>>)
      tpu.yield
    }) : () -> ()
    %dma_start3A_207 = arith.constant 0 : i32
    %dma_start3A_208 = arith.constant 0 : i32
    %dma_start3A_209 = tpu.memref_slice %arg6[%dma_start3A_207, %dma_start3A_208] : memref<128x128xf32, #tpu.memory_space<vmem>> -> memref<64x128xf32, #tpu.memory_space<vmem>>
    %dma_start3A_210 = arith.constant 1536 : i32
    %dma_start3A_211 = tpu.memref_slice %arg5[%dma_start3A_210] : memref<1600xi32, #tpu.memory_space<vmem>> -> memref<64xi32, #tpu.memory_space<vmem>>
    %dma_start3A_212 = arith.constant 0 : i32
    %dma_start3A_213 = arith.constant 0 : i32
    %dma_start3A_214 = tpu.memref_slice %arg2[%dma_start3A_212, %dma_start3A_213] : memref<100000x128xf32, #tpu.memory_space<hbm>> -> memref<100000x128xf32, #tpu.memory_space<hbm>>
    tpu.enqueue_indirect_dma source(%dma_start3A_214 : memref<100000x128xf32, #tpu.memory_space<hbm>>) target(%dma_start3A_209 : memref<64x128xf32, #tpu.memory_space<vmem>>) offsets(%dma_start3A_211 : memref<64xi32, #tpu.memory_space<vmem>>) semaphore(%arg8 : memref<!tpu.dma_semaphore, #tpu.memory_space<semaphore_mem>>)
    %dma_wait3A_215 = arith.constant 0 : i32
    %dma_wait3A_216 = arith.constant 0 : i32
    %dma_wait3A_217 = tpu.memref_slice %arg7[%dma_wait3A_215, %dma_wait3A_216] : memref<128x128xf32, #tpu.memory_space<vmem>> -> memref<128x128xf32, #tpu.memory_space<vmem>>
    %dma_wait3A_218 = arith.constant 1408 : i32
    %dma_wait3A_219 = tpu.memref_slice %arg5[%dma_wait3A_218] : memref<1600xi32, #tpu.memory_space<vmem>> -> memref<128xi32, #tpu.memory_space<vmem>>
    %dma_wait3A_220 = arith.constant 0 : i32
    %dma_wait3A_221 = arith.constant 0 : i32
    %dma_wait3A_222 = tpu.memref_slice %arg2[%dma_wait3A_220, %dma_wait3A_221] : memref<100000x128xf32, #tpu.memory_space<hbm>> -> memref<100000x128xf32, #tpu.memory_space<hbm>>
    tpu.wait_indirect_dma semaphore(%arg9 : memref<!tpu.dma_semaphore, #tpu.memory_space<semaphore_mem>>) src(%dma_wait3A_222 : memref<100000x128xf32, #tpu.memory_space<hbm>>) dst(%dma_wait3A_217 : memref<128x128xf32, #tpu.memory_space<vmem>>)
    %add3A_223 = arith.constant 1408 : i32
    %add3A_224 = arith.addi %mul3A_2, %add3A_223 : i32
    "tpu.region"() ({
      %run_scoped3A = tpu.sem_alloc : memref<!tpu.dma_semaphore, #tpu.memory_space<semaphore_mem>>
      %dma_start3A_235 = arith.constant 0 : i32
      %dma_start3A_236 = arith.constant 0 : i32
      %dma_start3A_237 = tpu.memref_slice %arg7[%dma_start3A_235, %dma_start3A_236] : memref<128x128xf32, #tpu.memory_space<vmem>> -> memref<128x128xf32, #tpu.memory_space<vmem>>
      %dma_start3A_238 = arith.constant 0 : i32
      %dma_start3A_239 = tpu.memref_slice %arg4[%add3A_224, %dma_start3A_238] : memref<51200x128xf32, #tpu.memory_space<hbm>> -> memref<128x128xf32, #tpu.memory_space<hbm>>
      %dma_start3A_240 = arith.constant 0 : i32
      %dma_start3A_241 = tpu.memref_slice %arg4[%add3A_224, %dma_start3A_240] : memref<51200x128xf32, #tpu.memory_space<hbm>> -> memref<128x128xf32, #tpu.memory_space<hbm>>
      %dma_start3A_242 = arith.constant 0 : i32
      %dma_start3A_243 = arith.constant 0 : i32
      %dma_start3A_244 = tpu.memref_slice %arg7[%dma_start3A_242, %dma_start3A_243] : memref<128x128xf32, #tpu.memory_space<vmem>> -> memref<128x128xf32, #tpu.memory_space<vmem>>
      tpu.enqueue_dma source(%dma_start3A_244 : memref<128x128xf32, #tpu.memory_space<vmem>>) target(%dma_start3A_241 : memref<128x128xf32, #tpu.memory_space<hbm>>) target_semaphore(%run_scoped3A : memref<!tpu.dma_semaphore, #tpu.memory_space<semaphore_mem>>)
      %dma_wait3A_245 = arith.constant 0 : i32
      %dma_wait3A_246 = arith.constant 0 : i32
      %dma_wait3A_247 = tpu.memref_slice %arg7[%dma_wait3A_245, %dma_wait3A_246] : memref<128x128xf32, #tpu.memory_space<vmem>> -> memref<128x128xf32, #tpu.memory_space<vmem>>
      %dma_wait3A_248 = arith.constant 0 : i32
      %dma_wait3A_249 = tpu.memref_slice %arg4[%add3A_224, %dma_wait3A_248] : memref<51200x128xf32, #tpu.memory_space<hbm>> -> memref<128x128xf32, #tpu.memory_space<hbm>>
      %dma_wait3A_250 = arith.constant 0 : i32
      %dma_wait3A_251 = tpu.memref_slice %arg4[%add3A_224, %dma_wait3A_250] : memref<51200x128xf32, #tpu.memory_space<hbm>> -> memref<128x128xf32, #tpu.memory_space<hbm>>
      %dma_wait3A_252 = arith.constant 0 : i32
      %dma_wait3A_253 = arith.constant 0 : i32
      %dma_wait3A_254 = tpu.memref_slice %arg7[%dma_wait3A_252, %dma_wait3A_253] : memref<128x128xf32, #tpu.memory_space<vmem>> -> memref<128x128xf32, #tpu.memory_space<vmem>>
      tpu.wait_dma2 semaphore(%run_scoped3A : memref<!tpu.dma_semaphore, #tpu.memory_space<semaphore_mem>>) src(%dma_wait3A_254 : memref<128x128xf32, #tpu.memory_space<vmem>>) dst(%dma_wait3A_251 : memref<128x128xf32, #tpu.memory_space<hbm>>)
      tpu.yield
    }) : () -> ()
    %dma_wait3A_225 = arith.constant 0 : i32
    %dma_wait3A_226 = arith.constant 0 : i32
    %dma_wait3A_227 = tpu.memref_slice %arg6[%dma_wait3A_225, %dma_wait3A_226] : memref<128x128xf32, #tpu.memory_space<vmem>> -> memref<64x128xf32, #tpu.memory_space<vmem>>
    %dma_wait3A_228 = arith.constant 1536 : i32
    %dma_wait3A_229 = tpu.memref_slice %arg5[%dma_wait3A_228] : memref<1600xi32, #tpu.memory_space<vmem>> -> memref<64xi32, #tpu.memory_space<vmem>>
    %dma_wait3A_230 = arith.constant 0 : i32
    %dma_wait3A_231 = arith.constant 0 : i32
    %dma_wait3A_232 = tpu.memref_slice %arg2[%dma_wait3A_230, %dma_wait3A_231] : memref<100000x128xf32, #tpu.memory_space<hbm>> -> memref<100000x128xf32, #tpu.memory_space<hbm>>
    tpu.wait_indirect_dma semaphore(%arg8 : memref<!tpu.dma_semaphore, #tpu.memory_space<semaphore_mem>>) src(%dma_wait3A_232 : memref<100000x128xf32, #tpu.memory_space<hbm>>) dst(%dma_wait3A_227 : memref<64x128xf32, #tpu.memory_space<vmem>>)
    %add3A_233 = arith.constant 1536 : i32
    %add3A_234 = arith.addi %mul3A_2, %add3A_233 : i32
    "tpu.region"() ({
      %run_scoped3A = tpu.sem_alloc : memref<!tpu.dma_semaphore, #tpu.memory_space<semaphore_mem>>
      %dma_start3A_235 = arith.constant 0 : i32
      %dma_start3A_236 = arith.constant 0 : i32
      %dma_start3A_237 = tpu.memref_slice %arg6[%dma_start3A_235, %dma_start3A_236] : memref<128x128xf32, #tpu.memory_space<vmem>> -> memref<64x128xf32, #tpu.memory_space<vmem>>
      %dma_start3A_238 = arith.constant 0 : i32
      %dma_start3A_239 = tpu.memref_slice %arg4[%add3A_234, %dma_start3A_238] : memref<51200x128xf32, #tpu.memory_space<hbm>> -> memref<64x128xf32, #tpu.memory_space<hbm>>
      %dma_start3A_240 = arith.constant 0 : i32
      %dma_start3A_241 = tpu.memref_slice %arg4[%add3A_234, %dma_start3A_240] : memref<51200x128xf32, #tpu.memory_space<hbm>> -> memref<64x128xf32, #tpu.memory_space<hbm>>
      %dma_start3A_242 = arith.constant 0 : i32
      %dma_start3A_243 = arith.constant 0 : i32
      %dma_start3A_244 = tpu.memref_slice %arg6[%dma_start3A_242, %dma_start3A_243] : memref<128x128xf32, #tpu.memory_space<vmem>> -> memref<64x128xf32, #tpu.memory_space<vmem>>
      tpu.enqueue_dma source(%dma_start3A_244 : memref<64x128xf32, #tpu.memory_space<vmem>>) target(%dma_start3A_241 : memref<64x128xf32, #tpu.memory_space<hbm>>) target_semaphore(%run_scoped3A : memref<!tpu.dma_semaphore, #tpu.memory_space<semaphore_mem>>)
      %dma_wait3A_245 = arith.constant 0 : i32
      %dma_wait3A_246 = arith.constant 0 : i32
      %dma_wait3A_247 = tpu.memref_slice %arg6[%dma_wait3A_245, %dma_wait3A_246] : memref<128x128xf32, #tpu.memory_space<vmem>> -> memref<64x128xf32, #tpu.memory_space<vmem>>
      %dma_wait3A_248 = arith.constant 0 : i32
      %dma_wait3A_249 = tpu.memref_slice %arg4[%add3A_234, %dma_wait3A_248] : memref<51200x128xf32, #tpu.memory_space<hbm>> -> memref<64x128xf32, #tpu.memory_space<hbm>>
      %dma_wait3A_250 = arith.constant 0 : i32
      %dma_wait3A_251 = tpu.memref_slice %arg4[%add3A_234, %dma_wait3A_250] : memref<51200x128xf32, #tpu.memory_space<hbm>> -> memref<64x128xf32, #tpu.memory_space<hbm>>
      %dma_wait3A_252 = arith.constant 0 : i32
      %dma_wait3A_253 = arith.constant 0 : i32
      %dma_wait3A_254 = tpu.memref_slice %arg6[%dma_wait3A_252, %dma_wait3A_253] : memref<128x128xf32, #tpu.memory_space<vmem>> -> memref<64x128xf32, #tpu.memory_space<vmem>>
      tpu.wait_dma2 semaphore(%run_scoped3A : memref<!tpu.dma_semaphore, #tpu.memory_space<semaphore_mem>>) src(%dma_wait3A_254 : memref<64x128xf32, #tpu.memory_space<vmem>>) dst(%dma_wait3A_251 : memref<64x128xf32, #tpu.memory_space<hbm>>)
      tpu.yield
    }) : () -> ()
    return
  }
}

module attributes {stable_mosaic.version = 14 : i64} {
  func.func @body(%arg0: i32, %arg1: memref<2000x128xf32, #tpu.memory_space<vmem>>, %arg2: memref<2000x128xf32, #tpu.memory_space<vmem>>) attributes {dimension_semantics = [#tpu.dimension_semantics<arbitrary>], iteration_bounds = array<i64: 50>, scalar_prefetch = 0 : i64, scratch_operands = 0 : i64, tpu.core_type = #tpu.core_type<tc>, window_params = [{transform_indices = @transform_0, window_bounds = array<i64: 2000, 128>}, {transform_indices = @transform_1, window_bounds = array<i64: 2000, 128>}]} {
    %iota3A = tpu.iota {dimensions = array<i32: 1>} : vector<2000x128xi32>
    %lt3A = arith.constant 44 : i32
    %lt3A_0 = vector.broadcast %lt3A : i32 to vector<2000x128xi32>
    %lt3A_1 = arith.cmpi slt, %iota3A, %lt3A_0 : vector<2000x128xi32>
    %get3A = arith.constant 0 : index
    %get3A_2 = arith.constant 0 : index
    %get3A_3 = vector.load %arg1[%get3A, %get3A_2] : memref<2000x128xf32, #tpu.memory_space<vmem>>, vector<2000x128xf32>
    %jit3A = arith.constant 0.000000e+00 : f32
    %broadcast_in_dim3A = vector.broadcast %jit3A : f32 to vector<2000x128xf32>
    %select_n3A = arith.select %lt3A_1, %get3A_3, %broadcast_in_dim3A : vector<2000x128xi1>, vector<2000x128xf32>
    %eq3A = arith.constant 44 : i32
    %eq3A_4 = vector.broadcast %eq3A : i32 to vector<2000x128xi32>
    %eq3A_5 = arith.cmpi eq, %iota3A, %eq3A_4 : vector<2000x128xi32>
    %jit3A_6 = arith.constant 1.000000e+00 : f32
    %broadcast_in_dim3A_7 = vector.broadcast %jit3A_6 : f32 to vector<2000x128xf32>
    %select_n3A_8 = arith.select %eq3A_5, %broadcast_in_dim3A_7, %select_n3A : vector<2000x128xi1>, vector<2000x128xf32>
    %swap3A = arith.constant 0 : index
    %swap3A_9 = arith.constant 0 : index
    %swap3A_10 = vector.load %arg2[%swap3A, %swap3A_9] : memref<2000x128xf32, #tpu.memory_space<vmem>>, vector<2000x128xf32>
    tpu.vector_store %arg2[%swap3A, %swap3A_9], %select_n3A_8 {strides = array<i32>} : memref<2000x128xf32, #tpu.memory_space<vmem>>, vector<2000x128xf32>,
    return
  }
  func.func @transform_0(%arg0: i32) -> (i32, i32) {
    %c2_i32 = arith.constant 2 : i32
    %c0_i32 = arith.constant 0 : i32
    return %arg0, %c2_i32 : i32, i32
  }
  func.func @transform_1(%arg0: i32) -> (i32, i32) {
    %c0_i32 = arith.constant 0 : i32
    %c0_i32_0 = arith.constant 0 : i32
    return %arg0, %c0_i32 : i32, i32
  }
}

module attributes {stable_mosaic.version = 14 : i64} {
  func.func @body(%arg0: i32, %arg1: memref<1x1024x256xf32, #tpu.memory_space<vmem>>, %arg2: memref<1x1024x128xf32, #tpu.memory_space<vmem>>, %arg3: memref<1x1024x256xf32, #tpu.memory_space<vmem>>, %arg4: memref<1x1024x128xf32, #tpu.memory_space<vmem>>, %arg5: memref<2x256x1152xbf16, #tpu.memory_space<vmem>>, %arg6: memref<2x128x384xbf16, #tpu.memory_space<vmem>>, %arg7: memref<2x512x1152xbf16, #tpu.memory_space<vmem>>, %arg8: memref<1x1024x300xf32, #tpu.memory_space<vmem>>, %arg9: memref<1x1024x300xf32, #tpu.memory_space<vmem>>, %arg10: memref<2x1024x300xf32, #tpu.memory_space<vmem>>, %arg11: memref<1024x512xf32, #tpu.memory_space<vmem>>, %arg12: memref<1024x512xf32, #tpu.memory_space<vmem>>) attributes {dimension_semantics = [#tpu.dimension_semantics<arbitrary>], iteration_bounds = array<i64: 50>, scalar_prefetch = 0 : i64, scratch_operands = 2 : i64, tpu.core_type = #tpu.core_type<tc>, window_params = [{transform_indices = @transform_0, window_bounds = array<i64: 1, 1024, 256>}, {transform_indices = @transform_1, window_bounds = array<i64: 1, 1024, 128>}, {transform_indices = @transform_2, window_bounds = array<i64: 1, 1024, 256>}, {transform_indices = @transform_3, window_bounds = array<i64: 1, 1024, 128>}, {pipeline_mode = #tpu.pipeline_mode<synchronous>, transform_indices = @transform_4, window_bounds = array<i64: 2, 256, 1152>}, {pipeline_mode = #tpu.pipeline_mode<synchronous>, transform_indices = @transform_5, window_bounds = array<i64: 2, 128, 384>}, {pipeline_mode = #tpu.pipeline_mode<synchronous>, transform_indices = @transform_6, window_bounds = array<i64: 2, 512, 1152>}, {transform_indices = @transform_7, window_bounds = array<i64: 1, 1024, 300>}, {transform_indices = @transform_8, window_bounds = array<i64: 1, 1024, 300>}, {pipeline_mode = #tpu.pipeline_mode<synchronous>, transform_indices = @transform_9, window_bounds = array<i64: 2, 1024, 300>}]} {
    %eq3A = arith.constant 0 : i32
    %eq3A_0 = arith.cmpi eq, %arg0, %eq3A : i32
    %convert_element_type3A = arith.extui %eq3A_0 : i1 to i32
    %cond3A = arith.constant 0 : i32
    %cond3A_1 = arith.cmpi ne, %convert_element_type3A, %cond3A : i32
    scf.if %cond3A_1 {
      %iota3A = tpu.iota {dimensions = array<i32: 1>} : vector<1024x512xi32>
      %eq3A_169 = arith.constant 428 : i32
      %eq3A_170 = vector.broadcast %eq3A_169 : i32 to vector<1024x512xi32>
      %eq3A_171 = arith.cmpi eq, %iota3A, %eq3A_170 : vector<1024x512xi32>
      %jit3A = arith.constant 1.000000e+00 : f32
      %jit3A_172 = arith.constant 0.000000e+00 : f32
      %broadcast_in_dim3A = vector.broadcast %jit3A : f32 to vector<1024x512xf32>
      %broadcast_in_dim3A_173 = vector.broadcast %jit3A_172 : f32 to vector<1024x512xf32>
      %select_n3A = arith.select %eq3A_171, %broadcast_in_dim3A, %broadcast_in_dim3A_173 : vector<1024x512xi1>, vector<1024x512xf32>
      %swap3A_174 = arith.constant 0 : index
      %swap3A_175 = arith.constant 0 : index
      %swap3A_176 = vector.load %arg11[%swap3A_174, %swap3A_175] : memref<1024x512xf32, #tpu.memory_space<vmem>>, vector<1024x512xf32>
      tpu.vector_store %arg11[%swap3A_174, %swap3A_175], %select_n3A {strides = array<i32>} : memref<1024x512xf32, #tpu.memory_space<vmem>>, vector<1024x512xf32>,
      %swap3A_177 = arith.constant 0 : index
      %swap3A_178 = arith.constant 0 : index
      %swap3A_179 = vector.load %arg12[%swap3A_177, %swap3A_178] : memref<1024x512xf32, #tpu.memory_space<vmem>>, vector<1024x512xf32>
      tpu.vector_store %arg12[%swap3A_177, %swap3A_178], %select_n3A {strides = array<i32>} : memref<1024x512xf32, #tpu.memory_space<vmem>>, vector<1024x512xf32>,
    } else {
    }
    %get3A = arith.constant 0 : index
    %get3A_2 = arith.constant 0 : index
    %get3A_3 = arith.constant 0 : index
    %get3A_4 = vector.load %arg2[%get3A, %get3A_2, %get3A_3] : memref<1x1024x128xf32, #tpu.memory_space<vmem>>, vector<1x1024x128xf32>
    %get3A_5 = vector.shape_cast %get3A_4 : vector<1x1024x128xf32> to vector<1024x128xf32>
    %swap3A = arith.constant 0 : index
    %swap3A_6 = arith.constant 0 : index
    %swap3A_7 = vector.load %arg11[%swap3A, %swap3A_6] : memref<1024x512xf32, #tpu.memory_space<vmem>>, vector<1024x128xf32>
    tpu.vector_store %arg11[%swap3A, %swap3A_6], %get3A_5 {strides = array<i32>} : memref<1024x512xf32, #tpu.memory_space<vmem>>, vector<1024x128xf32>,
    %get3A_8 = arith.constant 0 : index
    %get3A_9 = arith.constant 0 : index
    %get3A_10 = arith.constant 0 : index
    %get3A_11 = vector.load %arg4[%get3A_8, %get3A_9, %get3A_10] : memref<1x1024x128xf32, #tpu.memory_space<vmem>>, vector<1x1024x128xf32>
    %get3A_12 = vector.shape_cast %get3A_11 : vector<1x1024x128xf32> to vector<1024x128xf32>
    %swap3A_13 = arith.constant 0 : index
    %swap3A_14 = arith.constant 0 : index
    %swap3A_15 = vector.load %arg12[%swap3A_13, %swap3A_14] : memref<1024x512xf32, #tpu.memory_space<vmem>>, vector<1024x128xf32>
    tpu.vector_store %arg12[%swap3A_13, %swap3A_14], %get3A_12 {strides = array<i32>} : memref<1024x512xf32, #tpu.memory_space<vmem>>, vector<1024x128xf32>,
    %get3A_16 = arith.constant 0 : index
    %get3A_17 = arith.constant 0 : index
    %get3A_18 = arith.constant 0 : index
    %get3A_19 = vector.load %arg1[%get3A_16, %get3A_17, %get3A_18] : memref<1x1024x256xf32, #tpu.memory_space<vmem>>, vector<1x1024x256xf32>
    %get3A_20 = vector.shape_cast %get3A_19 : vector<1x1024x256xf32> to vector<1024x256xf32>
    %convert_element_type3A_21 = arith.truncf %get3A_20 : vector<1024x256xf32> to vector<1024x256xbf16>
    %get3A_22 = arith.constant 0 : index
    %get3A_23 = arith.constant 0 : index
    %get3A_24 = arith.constant 0 : index
    %get3A_25 = vector.load %arg2[%get3A_22, %get3A_23, %get3A_24] : memref<1x1024x128xf32, #tpu.memory_space<vmem>>, vector<1x1024x128xf32>
    %get3A_26 = vector.shape_cast %get3A_25 : vector<1x1024x128xf32> to vector<1024x128xf32>
    %convert_element_type3A_27 = arith.truncf %get3A_26 : vector<1024x128xf32> to vector<1024x128xbf16>
    %get3A_28 = arith.constant 0 : index
    %get3A_29 = arith.constant 0 : index
    %get3A_30 = arith.constant 0 : index
    %get3A_31 = vector.load %arg5[%get3A_28, %get3A_29, %get3A_30] : memref<2x256x1152xbf16, #tpu.memory_space<vmem>>, vector<1x256x1152xbf16>
    %get3A_32 = vector.shape_cast %get3A_31 : vector<1x256x1152xbf16> to vector<256x1152xbf16>
    %get3A_33 = arith.constant 0 : index
    %get3A_34 = arith.constant 0 : index
    %get3A_35 = arith.constant 0 : index
    %get3A_36 = vector.load %arg6[%get3A_33, %get3A_34, %get3A_35] : memref<2x128x384xbf16, #tpu.memory_space<vmem>>, vector<1x128x384xbf16>
    %get3A_37 = vector.shape_cast %get3A_36 : vector<1x128x384xbf16> to vector<128x384xbf16>
    %get3A_38 = arith.constant 0 : index
    %get3A_39 = arith.constant 0 : index
    %get3A_40 = arith.constant 0 : index
    %get3A_41 = vector.load %arg7[%get3A_38, %get3A_39, %get3A_40] : memref<2x512x1152xbf16, #tpu.memory_space<vmem>>, vector<1x512x1152xbf16>
    %get3A_42 = vector.shape_cast %get3A_41 : vector<1x512x1152xbf16> to vector<512x1152xbf16>
    %get3A_43 = arith.constant 0 : index
    %get3A_44 = arith.constant 0 : index
    %get3A_45 = vector.load %arg11[%get3A_43, %get3A_44] : memref<1024x512xf32, #tpu.memory_space<vmem>>, vector<1024x512xf32>
    %dot_general3A = arith.constant dense<0.000000e+00> : vector<1024x1152xf32>
    %dot_general3A_46 = tpu.matmul %convert_element_type3A_21, %get3A_32, %dot_general3A {dimension_numbers = #tpu.dot_dimension_numbers<[1], [0], [0], [1], [0, 0, 1, 1], [], []>, transpose_lhs_hint = false} : vector<1024x256xbf16>, vector<256x1152xbf16>, vector<1024x1152xf32> -> vector<1024x1152xf32>
    %dot_general3A_47 = arith.constant dense<0.000000e+00> : vector<1024x384xf32>
    %dot_general3A_48 = tpu.matmul %convert_element_type3A_27, %get3A_37, %dot_general3A_47 {dimension_numbers = #tpu.dot_dimension_numbers<[1], [0], [0], [1], [0, 0, 1, 1], [], []>, transpose_lhs_hint = false} : vector<1024x128xbf16>, vector<128x384xbf16>, vector<1024x384xf32> -> vector<1024x384xf32>
    %convert_element_type3A_49 = arith.truncf %get3A_45 : vector<1024x512xf32> to vector<1024x512xbf16>
    %dot_general3A_50 = arith.constant dense<0.000000e+00> : vector<1024x1152xf32>
    %dot_general3A_51 = tpu.matmul %convert_element_type3A_49, %get3A_42, %dot_general3A_50 {dimension_numbers = #tpu.dot_dimension_numbers<[1], [0], [0], [1], [0, 0, 1, 1], [], []>, transpose_lhs_hint = false} : vector<1024x512xbf16>, vector<512x1152xbf16>, vector<1024x1152xf32> -> vector<1024x1152xf32>
    %slice3A = vector.extract_strided_slice %dot_general3A_46 {offsets = [0, 0], sizes = [1024, 300], strides = [1, 1]} : vector<1024x1152xf32> to vector<1024x300xf32>
    %slice3A_52 = vector.extract_strided_slice %dot_general3A_46 {offsets = [0, 384], sizes = [1024, 300], strides = [1, 1]} : vector<1024x1152xf32> to vector<1024x300xf32>
    %slice3A_53 = vector.extract_strided_slice %dot_general3A_46 {offsets = [0, 768], sizes = [1024, 300], strides = [1, 1]} : vector<1024x1152xf32> to vector<1024x300xf32>
    %slice3A_54 = vector.extract_strided_slice %dot_general3A_51 {offsets = [0, 0], sizes = [1024, 300], strides = [1, 1]} : vector<1024x1152xf32> to vector<1024x300xf32>
    %slice3A_55 = vector.extract_strided_slice %dot_general3A_51 {offsets = [0, 384], sizes = [1024, 300], strides = [1, 1]} : vector<1024x1152xf32> to vector<1024x300xf32>
    %slice3A_56 = vector.extract_strided_slice %dot_general3A_51 {offsets = [0, 768], sizes = [1024, 300], strides = [1, 1]} : vector<1024x1152xf32> to vector<1024x300xf32>
    %add3A = arith.addf %slice3A, %slice3A_54 : vector<1024x300xf32>
    %tanh3A = math.tanh %add3A : vector<1024x300xf32>
    %mul3A = arith.constant 5.000000e-01 : f32
    %mul3A_57 = vector.broadcast %mul3A : f32 to vector<1024x300xf32>
    %mul3A_58 = arith.mulf %mul3A_57, %tanh3A : vector<1024x300xf32>
    %add3A_59 = arith.constant 5.000000e-01 : f32
    %add3A_60 = vector.broadcast %add3A_59 : f32 to vector<1024x300xf32>
    %add3A_61 = arith.addf %add3A_60, %mul3A_58 : vector<1024x300xf32>
    %add3A_62 = arith.addf %slice3A_52, %slice3A_55 : vector<1024x300xf32>
    %tanh3A_63 = math.tanh %add3A_62 : vector<1024x300xf32>
    %mul3A_64 = arith.constant 5.000000e-01 : f32
    %mul3A_65 = vector.broadcast %mul3A_64 : f32 to vector<1024x300xf32>
    %mul3A_66 = arith.mulf %mul3A_65, %tanh3A_63 : vector<1024x300xf32>
    %add3A_67 = arith.constant 5.000000e-01 : f32
    %add3A_68 = vector.broadcast %add3A_67 : f32 to vector<1024x300xf32>
    %add3A_69 = arith.addf %add3A_68, %mul3A_66 : vector<1024x300xf32>
    %slice3A_70 = vector.extract_strided_slice %dot_general3A_48 {offsets = [0, 0], sizes = [1024, 300], strides = [1, 1]} : vector<1024x384xf32> to vector<1024x300xf32>
    %add3A_71 = arith.addf %slice3A_53, %slice3A_70 : vector<1024x300xf32>
    %mul3A_72 = arith.mulf %add3A_61, %slice3A_56 : vector<1024x300xf32>
    %add3A_73 = arith.addf %add3A_71, %mul3A_72 : vector<1024x300xf32>
    %tanh3A_74 = math.tanh %add3A_73 : vector<1024x300xf32>
    %slice3A_75 = vector.extract_strided_slice %get3A_45 {offsets = [0, 128], sizes = [1024, 300], strides = [1, 1]} : vector<1024x512xf32> to vector<1024x300xf32>
    %sub3A = arith.subf %slice3A_75, %tanh3A_74 : vector<1024x300xf32>
    %mul3A_76 = arith.mulf %add3A_69, %sub3A : vector<1024x300xf32>
    %add3A_77 = arith.addf %tanh3A_74, %mul3A_76 : vector<1024x300xf32>
    %get3A_78 = arith.constant 0 : index
    %get3A_79 = arith.constant 0 : index
    %get3A_80 = arith.constant 0 : index
    %get3A_81 = vector.load %arg3[%get3A_78, %get3A_79, %get3A_80] : memref<1x1024x256xf32, #tpu.memory_space<vmem>>, vector<1x1024x256xf32>
    %get3A_82 = vector.shape_cast %get3A_81 : vector<1x1024x256xf32> to vector<1024x256xf32>
    %convert_element_type3A_83 = arith.truncf %get3A_82 : vector<1024x256xf32> to vector<1024x256xbf16>
    %get3A_84 = arith.constant 0 : index
    %get3A_85 = arith.constant 0 : index
    %get3A_86 = arith.constant 0 : index
    %get3A_87 = vector.load %arg4[%get3A_84, %get3A_85, %get3A_86] : memref<1x1024x128xf32, #tpu.memory_space<vmem>>, vector<1x1024x128xf32>
    %get3A_88 = vector.shape_cast %get3A_87 : vector<1x1024x128xf32> to vector<1024x128xf32>
    %convert_element_type3A_89 = arith.truncf %get3A_88 : vector<1024x128xf32> to vector<1024x128xbf16>
    %get3A_90 = arith.constant 1 : index
    %get3A_91 = arith.constant 0 : index
    %get3A_92 = arith.constant 0 : index
    %get3A_93 = vector.load %arg5[%get3A_90, %get3A_91, %get3A_92] : memref<2x256x1152xbf16, #tpu.memory_space<vmem>>, vector<1x256x1152xbf16>
    %get3A_94 = vector.shape_cast %get3A_93 : vector<1x256x1152xbf16> to vector<256x1152xbf16>
    %get3A_95 = arith.constant 1 : index
    %get3A_96 = arith.constant 0 : index
    %get3A_97 = arith.constant 0 : index
    %get3A_98 = vector.load %arg6[%get3A_95, %get3A_96, %get3A_97] : memref<2x128x384xbf16, #tpu.memory_space<vmem>>, vector<1x128x384xbf16>
    %get3A_99 = vector.shape_cast %get3A_98 : vector<1x128x384xbf16> to vector<128x384xbf16>
    %get3A_100 = arith.constant 1 : index
    %get3A_101 = arith.constant 0 : index
    %get3A_102 = arith.constant 0 : index
    %get3A_103 = vector.load %arg7[%get3A_100, %get3A_101, %get3A_102] : memref<2x512x1152xbf16, #tpu.memory_space<vmem>>, vector<1x512x1152xbf16>
    %get3A_104 = vector.shape_cast %get3A_103 : vector<1x512x1152xbf16> to vector<512x1152xbf16>
    %get3A_105 = arith.constant 0 : index
    %get3A_106 = arith.constant 0 : index
    %get3A_107 = vector.load %arg12[%get3A_105, %get3A_106] : memref<1024x512xf32, #tpu.memory_space<vmem>>, vector<1024x512xf32>
    %dot_general3A_108 = arith.constant dense<0.000000e+00> : vector<1024x1152xf32>
    %dot_general3A_109 = tpu.matmul %convert_element_type3A_83, %get3A_94, %dot_general3A_108 {dimension_numbers = #tpu.dot_dimension_numbers<[1], [0], [0], [1], [0, 0, 1, 1], [], []>, transpose_lhs_hint = false} : vector<1024x256xbf16>, vector<256x1152xbf16>, vector<1024x1152xf32> -> vector<1024x1152xf32>
    %dot_general3A_110 = arith.constant dense<0.000000e+00> : vector<1024x384xf32>
    %dot_general3A_111 = tpu.matmul %convert_element_type3A_89, %get3A_99, %dot_general3A_110 {dimension_numbers = #tpu.dot_dimension_numbers<[1], [0], [0], [1], [0, 0, 1, 1], [], []>, transpose_lhs_hint = false} : vector<1024x128xbf16>, vector<128x384xbf16>, vector<1024x384xf32> -> vector<1024x384xf32>
    %convert_element_type3A_112 = arith.truncf %get3A_107 : vector<1024x512xf32> to vector<1024x512xbf16>
    %dot_general3A_113 = arith.constant dense<0.000000e+00> : vector<1024x1152xf32>
    %dot_general3A_114 = tpu.matmul %convert_element_type3A_112, %get3A_104, %dot_general3A_113 {dimension_numbers = #tpu.dot_dimension_numbers<[1], [0], [0], [1], [0, 0, 1, 1], [], []>, transpose_lhs_hint = false} : vector<1024x512xbf16>, vector<512x1152xbf16>, vector<1024x1152xf32> -> vector<1024x1152xf32>
    %slice3A_115 = vector.extract_strided_slice %dot_general3A_109 {offsets = [0, 0], sizes = [1024, 300], strides = [1, 1]} : vector<1024x1152xf32> to vector<1024x300xf32>
    %slice3A_116 = vector.extract_strided_slice %dot_general3A_109 {offsets = [0, 384], sizes = [1024, 300], strides = [1, 1]} : vector<1024x1152xf32> to vector<1024x300xf32>
    %slice3A_117 = vector.extract_strided_slice %dot_general3A_109 {offsets = [0, 768], sizes = [1024, 300], strides = [1, 1]} : vector<1024x1152xf32> to vector<1024x300xf32>
    %slice3A_118 = vector.extract_strided_slice %dot_general3A_114 {offsets = [0, 0], sizes = [1024, 300], strides = [1, 1]} : vector<1024x1152xf32> to vector<1024x300xf32>
    %slice3A_119 = vector.extract_strided_slice %dot_general3A_114 {offsets = [0, 384], sizes = [1024, 300], strides = [1, 1]} : vector<1024x1152xf32> to vector<1024x300xf32>
    %slice3A_120 = vector.extract_strided_slice %dot_general3A_114 {offsets = [0, 768], sizes = [1024, 300], strides = [1, 1]} : vector<1024x1152xf32> to vector<1024x300xf32>
    %add3A_121 = arith.addf %slice3A_115, %slice3A_118 : vector<1024x300xf32>
    %tanh3A_122 = math.tanh %add3A_121 : vector<1024x300xf32>
    %mul3A_123 = arith.constant 5.000000e-01 : f32
    %mul3A_124 = vector.broadcast %mul3A_123 : f32 to vector<1024x300xf32>
    %mul3A_125 = arith.mulf %mul3A_124, %tanh3A_122 : vector<1024x300xf32>
    %add3A_126 = arith.constant 5.000000e-01 : f32
    %add3A_127 = vector.broadcast %add3A_126 : f32 to vector<1024x300xf32>
    %add3A_128 = arith.addf %add3A_127, %mul3A_125 : vector<1024x300xf32>
    %add3A_129 = arith.addf %slice3A_116, %slice3A_119 : vector<1024x300xf32>
    %tanh3A_130 = math.tanh %add3A_129 : vector<1024x300xf32>
    %mul3A_131 = arith.constant 5.000000e-01 : f32
    %mul3A_132 = vector.broadcast %mul3A_131 : f32 to vector<1024x300xf32>
    %mul3A_133 = arith.mulf %mul3A_132, %tanh3A_130 : vector<1024x300xf32>
    %add3A_134 = arith.constant 5.000000e-01 : f32
    %add3A_135 = vector.broadcast %add3A_134 : f32 to vector<1024x300xf32>
    %add3A_136 = arith.addf %add3A_135, %mul3A_133 : vector<1024x300xf32>
    %slice3A_137 = vector.extract_strided_slice %dot_general3A_111 {offsets = [0, 0], sizes = [1024, 300], strides = [1, 1]} : vector<1024x384xf32> to vector<1024x300xf32>
    %add3A_138 = arith.addf %slice3A_117, %slice3A_137 : vector<1024x300xf32>
    %mul3A_139 = arith.mulf %add3A_128, %slice3A_120 : vector<1024x300xf32>
    %add3A_140 = arith.addf %add3A_138, %mul3A_139 : vector<1024x300xf32>
    %tanh3A_141 = math.tanh %add3A_140 : vector<1024x300xf32>
    %slice3A_142 = vector.extract_strided_slice %get3A_107 {offsets = [0, 128], sizes = [1024, 300], strides = [1, 1]} : vector<1024x512xf32> to vector<1024x300xf32>
    %sub3A_143 = arith.subf %slice3A_142, %tanh3A_141 : vector<1024x300xf32>
    %mul3A_144 = arith.mulf %add3A_136, %sub3A_143 : vector<1024x300xf32>
    %add3A_145 = arith.addf %tanh3A_141, %mul3A_144 : vector<1024x300xf32>
    %swap3A_146 = arith.constant 0 : index
    %swap3A_147 = arith.constant 128 : index
    %swap3A_148 = vector.load %arg11[%swap3A_146, %swap3A_147] : memref<1024x512xf32, #tpu.memory_space<vmem>>, vector<1024x300xf32>
    tpu.vector_store %arg11[%swap3A_146, %swap3A_147], %add3A_77 {strides = array<i32>} : memref<1024x512xf32, #tpu.memory_space<vmem>>, vector<1024x300xf32>,
    %swap3A_149 = arith.constant 0 : index
    %swap3A_150 = arith.constant 128 : index
    %swap3A_151 = vector.load %arg12[%swap3A_149, %swap3A_150] : memref<1024x512xf32, #tpu.memory_space<vmem>>, vector<1024x300xf32>
    tpu.vector_store %arg12[%swap3A_149, %swap3A_150], %add3A_145 {strides = array<i32>} : memref<1024x512xf32, #tpu.memory_space<vmem>>, vector<1024x300xf32>,
    %swap3A_152 = arith.constant 0 : index
    %swap3A_153 = arith.constant 0 : index
    %swap3A_154 = arith.constant 0 : index
    %swap3A_155 = vector.load %arg8[%swap3A_152, %swap3A_153, %swap3A_154] : memref<1x1024x300xf32, #tpu.memory_space<vmem>>, vector<1x1024x300xf32>
    %swap3A_156 = vector.shape_cast %swap3A_155 : vector<1x1024x300xf32> to vector<1024x300xf32>
    %swap3A_157 = vector.shape_cast %add3A_77 : vector<1024x300xf32> to vector<1x1024x300xf32>
    tpu.vector_store %arg8[%swap3A_152, %swap3A_153, %swap3A_154], %swap3A_157 {strides = array<i32>} : memref<1x1024x300xf32, #tpu.memory_space<vmem>>, vector<1x1024x300xf32>,
    %swap3A_158 = arith.constant 0 : index
    %swap3A_159 = arith.constant 0 : index
    %swap3A_160 = arith.constant 0 : index
    %swap3A_161 = vector.load %arg9[%swap3A_158, %swap3A_159, %swap3A_160] : memref<1x1024x300xf32, #tpu.memory_space<vmem>>, vector<1x1024x300xf32>
    %swap3A_162 = vector.shape_cast %swap3A_161 : vector<1x1024x300xf32> to vector<1024x300xf32>
    %swap3A_163 = vector.shape_cast %add3A_145 : vector<1024x300xf32> to vector<1x1024x300xf32>
    tpu.vector_store %arg9[%swap3A_158, %swap3A_159, %swap3A_160], %swap3A_163 {strides = array<i32>} : memref<1x1024x300xf32, #tpu.memory_space<vmem>>, vector<1x1024x300xf32>,
    %eq3A_164 = arith.constant 49 : i32
    %eq3A_165 = arith.cmpi eq, %arg0, %eq3A_164 : i32
    %convert_element_type3A_166 = arith.extui %eq3A_165 : i1 to i32
    %cond3A_167 = arith.constant 0 : i32
    %cond3A_168 = arith.cmpi ne, %convert_element_type3A_166, %cond3A_167 : i32
    scf.if %cond3A_168 {
      %swap3A_169 = arith.constant 0 : index
      %swap3A_170 = arith.constant 0 : index
      %swap3A_171 = arith.constant 0 : index
      %swap3A_172 = vector.load %arg10[%swap3A_169, %swap3A_170, %swap3A_171] : memref<2x1024x300xf32, #tpu.memory_space<vmem>>, vector<1x1024x300xf32>
      %swap3A_173 = vector.shape_cast %swap3A_172 : vector<1x1024x300xf32> to vector<1024x300xf32>
      %swap3A_174 = vector.shape_cast %add3A_77 : vector<1024x300xf32> to vector<1x1024x300xf32>
      tpu.vector_store %arg10[%swap3A_169, %swap3A_170, %swap3A_171], %swap3A_174 {strides = array<i32>} : memref<2x1024x300xf32, #tpu.memory_space<vmem>>, vector<1x1024x300xf32>,
      %swap3A_175 = arith.constant 1 : index
      %swap3A_176 = arith.constant 0 : index
      %swap3A_177 = arith.constant 0 : index
      %swap3A_178 = vector.load %arg10[%swap3A_175, %swap3A_176, %swap3A_177] : memref<2x1024x300xf32, #tpu.memory_space<vmem>>, vector<1x1024x300xf32>
      %swap3A_179 = vector.shape_cast %swap3A_178 : vector<1x1024x300xf32> to vector<1024x300xf32>
      %swap3A_180 = vector.shape_cast %add3A_145 : vector<1024x300xf32> to vector<1x1024x300xf32>
      tpu.vector_store %arg10[%swap3A_175, %swap3A_176, %swap3A_177], %swap3A_180 {strides = array<i32>} : memref<2x1024x300xf32, #tpu.memory_space<vmem>>, vector<1x1024x300xf32>,
    } else {
    }
    return
  }
  func.func @transform_0(%arg0: i32) -> (i32, i32, i32) {
    %c0_i32 = arith.constant 0 : i32
    %c0_i32_0 = arith.constant 0 : i32
    %c0_i32_1 = arith.constant 0 : i32
    return %arg0, %c0_i32, %c0_i32_0 : i32, i32, i32
  }
  func.func @transform_1(%arg0: i32) -> (i32, i32, i32) {
    %c0_i32 = arith.constant 0 : i32
    %c0_i32_0 = arith.constant 0 : i32
    %c0_i32_1 = arith.constant 0 : i32
    return %arg0, %c0_i32, %c0_i32_0 : i32, i32, i32
  }
  func.func @transform_2(%arg0: i32) -> (i32, i32, i32) {
    %sub3A = arith.constant 49 : i32
    %sub3A_0 = arith.subi %sub3A, %arg0 : i32
    %c0_i32 = arith.constant 0 : i32
    %c0_i32_1 = arith.constant 0 : i32
    %c0_i32_2 = arith.constant 0 : i32
    return %sub3A_0, %c0_i32, %c0_i32_1 : i32, i32, i32
  }
  func.func @transform_3(%arg0: i32) -> (i32, i32, i32) {
    %sub3A = arith.constant 49 : i32
    %sub3A_0 = arith.subi %sub3A, %arg0 : i32
    %c0_i32 = arith.constant 0 : i32
    %c0_i32_1 = arith.constant 0 : i32
    %c0_i32_2 = arith.constant 0 : i32
    return %sub3A_0, %c0_i32, %c0_i32_1 : i32, i32, i32
  }
  func.func @transform_4(%arg0: i32) -> (i32, i32, i32) {
    %c0_i32 = arith.constant 0 : i32
    %c0_i32_0 = arith.constant 0 : i32
    %c0_i32_1 = arith.constant 0 : i32
    %c0_i32_2 = arith.constant 0 : i32
    return %c0_i32, %c0_i32_0, %c0_i32_1 : i32, i32, i32
  }
  func.func @transform_5(%arg0: i32) -> (i32, i32, i32) {
    %c0_i32 = arith.constant 0 : i32
    %c0_i32_0 = arith.constant 0 : i32
    %c0_i32_1 = arith.constant 0 : i32
    %c0_i32_2 = arith.constant 0 : i32
    return %c0_i32, %c0_i32_0, %c0_i32_1 : i32, i32, i32
  }
  func.func @transform_6(%arg0: i32) -> (i32, i32, i32) {
    %c0_i32 = arith.constant 0 : i32
    %c0_i32_0 = arith.constant 0 : i32
    %c0_i32_1 = arith.constant 0 : i32
    %c0_i32_2 = arith.constant 0 : i32
    return %c0_i32, %c0_i32_0, %c0_i32_1 : i32, i32, i32
  }
  func.func @transform_7(%arg0: i32) -> (i32, i32, i32) {
    %c0_i32 = arith.constant 0 : i32
    %c0_i32_0 = arith.constant 0 : i32
    %c0_i32_1 = arith.constant 0 : i32
    return %arg0, %c0_i32, %c0_i32_0 : i32, i32, i32
  }
  func.func @transform_8(%arg0: i32) -> (i32, i32, i32) {
    %sub3A = arith.constant 49 : i32
    %sub3A_0 = arith.subi %sub3A, %arg0 : i32
    %c0_i32 = arith.constant 0 : i32
    %c0_i32_1 = arith.constant 0 : i32
    %c0_i32_2 = arith.constant 0 : i32
    return %sub3A_0, %c0_i32, %c0_i32_1 : i32, i32, i32
  }
  func.func @transform_9(%arg0: i32) -> (i32, i32, i32) {
    %c0_i32 = arith.constant 0 : i32
    %c0_i32_0 = arith.constant 0 : i32
    %c0_i32_1 = arith.constant 0 : i32
    %c0_i32_2 = arith.constant 0 : i32
    return %c0_i32, %c0_i32_0, %c0_i32_1 : i32, i32, i32
  }
}

</mosaic_0001>

<sc_bundles>
// kernel: kernel.6.cloned.1.call-start
scs
__scs_entry_jumppad:
0x0: {  	(pc) =	sbr.rel $0x88, $3  }
0x1: {  	(tag) =	ssettag $0x0;
	lr =	simm.s32 $0x1  }
0x2: {  	[smem:$0x3F97] =	sst lr;
	_ =	strace $0xD0000000  }
0x3: {  	_ = 	snop  }
0x4: {  	_ = 	snop  }
0x5: {  	_ = 	snop  }
0x6: {  	_ = 	snop  }
0x7: {  	_ = 	snop  }
__scs_overlays_trampoline_lowered:
0x8: {  	[smem:$0x3FA6] =	sst s0  }
0x9: {  	[smem:$0x3FA7] =	sst s1  }
0xa: {  	[smem:$0x3FA8] =	sst s2  }
0xb: {  	[smem:$0x3FA9] =	sst s3  }
0xc: {  	[smem:$0x3FAA] =	sst s4  }
0xd: {  	[smem:$0x3FAB] =	sst s5  }
0xe: {  	[smem:$0x3FAC] =	sst s6  }
0xf: {  	[smem:$0x3FAD] =	sst s7  }
0x10: {  	[smem:$0x3FAE] =	sst s8  }
0x11: {  	[smem:$0x3FAF] =	sst s9;
	s0 =	simm.s32 @!p0 $0x0  }
0x12: {  	s1 =	sld [smem:$0x3F95];
	s0 =	simm.s32 @p0 $0x1  }
0x13: {  	[smem:$0x3FB0] =	sst s0;
	s0 =	simm.s32 @!p1 $0x0  }
0x14: {  	s2 =	sld [smem:$0x3F94];
	s0 =	simm.s32 @p1 $0x1  }
0x15: {  	[smem:$0x3FB1] =	sst s0;
	s0 =	simm.s32 @!p2 $0x0  }
0x16: {  	s3 =	sld [smem:$0x3FDB];
	s0 =	simm.s32 @p2 $0x1  }
0x17: {  	s4 =	simm.s32 $0x1BF5;
	[smem:$0x3FB3] =	sst s0  }
0x18: {  	s0 =	sld [smem:$0x3F96];
	_ =	swait.ge [sflag:s4], $0x0  }
0x19: {  	s7 =	sld [smem:$0x3F97]  }
0x1a: {  	s8 =	sadd.s32 $0xFFFFE003, lr  }
0x1b: {  	s9 =	sadd.s32 $0xFFFFFEF7, lr;
	s5 =	simm.s32 $0xFFFFFFFF;
	p2 =	slt.u32 s8, $0xFFFFF086  }
0x1c: {  	p1 =	slt.u32 s9, $0xF7A;
	s5 =	simm.s32 @!p2 $0x0  }
0x1d: {  	s5 =	simm.s32 @p1 $0x1;
	p0 =	seq.s32 s7, s2  }
0x1e: {  	s7 =	smul.u32 @!p0 $0xF7A, s2;
	p2 =	seq.s32 @!p0 s5, $0x0  }
0x1f: {  	s9 =	smul.u32 $0xF7A, s1;
	s8 =	simm.s32 @!p0 $0x1BF5;
	p2 =	por !p2, p0  }
0x20: {  	[sflag:s8] =	ssyncset.s32 @!p0 $0xFFFFF086;
	s6 =	sadd.s32 @!p0 s3, s7;
	s7 =	simm.s32 @!p0 $0x108  }
0x21: {  	s3 =	sadd.s32 s3, s9;
	s6 =	sadd.s32 @!p0 $0x88, s6;
	s7 =	simm.s32 @p2 $0x1082  }
0x22: {  	[simem:s7], [sflag:s8] =	dma.local @!p0 [hbm:s6], $0xF7A  }
0x23: {  	s9 =	sor.u32 $0xD0000000, s2;
	s6 =	simm.s32 $0x108;
	_ =	swait.ge @!p0 [sflag:s8], $0x0  }
0x24: {  	s3 =	sadd.s32 $0x88, s3;
	s6 =	simm.s32 @!p1 $0x1082;
	[sflag:s4] =	ssyncset.s32 $0xFFFFF086  }
0x25: {  	[simem:s6], [sflag:s4] =	dma.local [hbm:s3], $0xF7A  }
0x26: {  	[smem:$0x3F97] =	sst s1;
	(tag) =	ssettag s2;
	_ =	strace s9  }
0x27: {  	s1 =	sld [smem:$0x3FA7]  }
0x28: {  	s2 =	sld [smem:$0x3FA8]  }
0x29: {  	s4 =	sld [smem:$0x3FAA]  }
0x2a: {  	p0 =	seq.s32 s5, $0x0;
	s5 =	sld [smem:$0x3FAB]  }
0x2b: {  	s6 =	sld [smem:$0x3FAC]  }
0x2c: {  	s7 =	sld [smem:$0x3FAD]  }
0x2d: {  	s3 =	simm.s32 $0x108;
	s8 =	sld [smem:$0x3FAE]  }
0x2e: {  	s3 =	simm.s32 @!p0 $0x1082;
	s9 =	sld [smem:$0x3FAF]  }
0x2f: {  	lr =	sadd.s32 s0, s3;
	s0 =	sld [smem:$0x3FA6]  }
0x30: {  	s3 =	sld [smem:$0x3FA9]  }
0x31: {  	[smem:$0x3FB2] =	sst s10  }
0x32: {  	s10 =	sld [smem:$0x3FB0];
	_ =	sdelay $0x3  }
0x33: {  	p0 =	seq.s32 s10, $0x1;
	s10 =	sld [smem:$0x3FB2];
	_ =	sdelay $0x3  }
0x34: {  	[smem:$0x3FB2] =	sst s10  }
0x35: {  	s10 =	sld [smem:$0x3FB1];
	_ =	sdelay $0x3  }
0x36: {  	p1 =	seq.s32 s10, $0x1;
	s10 =	sld [smem:$0x3FB2];
	_ =	sdelay $0x3  }
0x37: {  	[smem:$0x3FB2] =	sst s10  }
0x38: {  	s10 =	sld [smem:$0x3FB3]  }
0x39: {  	_ = 	snop;
	(pc) =	sbr.ind lr, $3  }
0x3a: {  	_ = 	snop  }
0x3b: {  	_ = 	snop  }
0x3c: {  	p2 =	seq.s32 s10, $0x1;
	s10 =	sld [smem:$0x3FB2]  }
0x3d: {  	_ =	shalt  }
0x3e: {  	_ =	shalt  }
0x3f: {  	_ =	shalt  }
0x40: {  	_ =	shalt  }
0x41: {  	_ =	shalt  }
0x42: {  	_ =	shalt  }
0x43: {  	_ =	shalt  }
0x44: {  	_ =	shalt  }
0x45: {  	_ =	shalt  }
0x46: {  	_ =	shalt  }
0x47: {  	_ =	shalt  }
0x48: {  	_ =	shalt  }
0x49: {  	_ =	shalt  }
0x4a: {  	_ =	shalt  }
0x4b: {  	_ =	shalt  }
0x4c: {  	_ =	shalt  }
0x4d: {  	_ =	shalt  }
0x4e: {  	_ =	shalt  }
0x4f: {  	_ =	shalt  }
0x50: {  	_ =	shalt  }
0x51: {  	_ =	shalt  }
0x52: {  	_ =	shalt  }
0x53: {  	_ =	shalt  }
0x54: {  	_ =	shalt  }
0x55: {  	_ =	shalt  }
0x56: {  	_ =	shalt  }
0x57: {  	_ =	shalt  }
0x58: {  	_ =	shalt  }
0x59: {  	_ =	shalt  }
0x5a: {  	_ =	shalt  }
0x5b: {  	_ =	shalt  }
0x5c: {  	_ =	shalt  }
0x5d: {  	_ =	shalt  }
0x5e: {  	_ =	shalt  }
0x5f: {  	_ =	shalt  }
0x60: {  	_ =	shalt  }
0x61: {  	_ =	shalt  }
0x62: {  	_ =	shalt  }
0x63: {  	_ =	shalt  }
0x64: {  	_ =	shalt  }
0x65: {  	_ =	shalt  }
0x66: {  	_ =	shalt  }
0x67: {  	_ =	shalt  }
0x68: {  	_ =	shalt  }
0x69: {  	_ =	shalt  }
0x6a: {  	_ =	shalt  }
0x6b: {  	_ =	shalt  }
0x6c: {  	_ =	shalt  }
0x6d: {  	_ =	shalt  }
0x6e: {  	_ =	shalt  }
0x6f: {  	_ =	shalt  }
0x70: {  	_ =	shalt  }
0x71: {  	_ =	shalt  }
0x72: {  	_ =	shalt  }
0x73: {  	_ =	shalt  }
0x74: {  	_ =	shalt  }
0x75: {  	_ =	shalt  }
0x76: {  	_ =	shalt  }
0x77: {  	_ =	shalt  }
0x78: {  	_ =	shalt  }
0x79: {  	_ =	shalt  }
0x7a: {  	_ =	shalt  }
0x7b: {  	_ =	shalt  }
0x7c: {  	_ =	shalt  }
0x7d: {  	_ =	shalt  }
0x7e: {  	_ =	shalt  }
0x7f: {  	_ =	shalt  }
0x80: {  	_ =	shalt  }
0x81: {  	_ =	shalt  }
0x82: {  	_ =	shalt  }
0x83: {  	_ =	shalt  }
0x84: {  	_ =	shalt  }
0x85: {  	_ =	shalt  }
0x86: {  	_ =	shalt  }
0x87: {  	_ =	shalt  }
.Lfunc_end0:
.L_simem_size_0:
called_computation.1_lowered:
.L_overlay_start_0:
0x88: {  	s2 =	sld [smem:$0x3FD9]  }
0x89: {  	s3 =	sld [smem:$0x3FFE];
	_ =	sdelay $0x1  }
0x8a: {  	s1 =	srdreg.scid  }
0x8b: {  	s0 =	sand.u32 $0x1, s1  }
0x8c: {  	s15 =	sshll.u32 s0, $0xA;
	s2 =	sadd.s32 s3, s2  }
0x8d: {  	s2 =	sadd.s32 s2, s15  }
0x8e: {  	[smem:$0x3FBE] =	sst s2  }
0x8f: {  	_ = 	snop  }
0x90: {  	s2 =	sld [smem:$0x3FD0];
	_ =	sdelay $0x2  }
0x91: {  	s16 =	simm.s32 $0xB;
	s4 =	simm.s32 $0x10  }
0x92: {  	[smem:s4], [sflag:s16] =	dma.local [hbm:s2], $0x1  }
0x93: {  	_ =	swait.eq [sflag:s16], $0x1  }
0x94: {  	[sflag:s16] =	ssyncset.done $0x0  }
0x95: {  	[sflag:s16] =	ssyncadd.s32 $0xFFFFFFFF  }
0x96: {  	s17 =	sld [smem:$0x11];
	(tm) =	ssettm $0x1  }
0x97: {  	s18 =	sld [smem:$0x3FFB];
	_ =	sdelay $0x3  }
0x98: {  	_ =	strace s18  }
0x99: {  	s2 =	sld [smem:$0x3FFC];
	_ =	sdelay $0x3  }
0x9a: {  	_ =	strace s2  }
0x9b: {  	s2 =	sld [smem:$0x3FFD];
	_ =	sdelay $0x3  }
0x9c: {  	_ =	strace s2  }
0x9d: {  	_ =	strace $0x8FFFFFFF  }
0x9e: {  	s19 =	sld [smem:$0x3FDB];
	_ =	sdelay $0x1  }
0x9f: {  	s20 =	simm.s32 $_scs_section_size  }
0xa0: {  	s5 =	simm.s32 $_size__tile_overlayer_lowered;
	s6 =	simm.s32 $_tile_overlayer_lowered  }
0xa1: {  	s7 =	simm.s32 $0x1BFF;
	s21 =	sshll.u32 s6, $0x1;
	s4 =	sadd.s32 s20, s19  }
0xa2: {  	s22 =	simm.s32 $0x0;
	s5 =	sshll.u32 s5, $0x1;
	s6 =	sadd.s32 s21, s4  }
0xa3: {  	[timem:s22], [sflag:s7] =	dma.local [hbm:s6], s5  }
0xa4: {  	_ =	swait.ge [sflag:s7], s5  }
0xa5: {  	s5 =	ssub.s32 $0x0, s5;
	[sflag:s7] =	ssyncset.done $0x0  }
0xa6: {  	[sflag:s7] =	ssyncadd.s32 s5;
	_ =	sdelay $0x1  }
0xa7: {  	s23 =	simm.s32 $0x1B8B  }
0xa8: {  	_ =	swait.ge [sflag:s23], $0x1  }
0xa9: {  	[sflag:s23] =	ssyncset.done $0x0  }
0xaa: {  	[sflag:s23] =	ssyncadd.s32 $0xFFFFFFFF  }
0xab: {  	s5 =	sld [smem:$0x0]  }
0xac: {  	s6 =	sand.u32 $0xFFFFFFFE, s1  }
0xad: {  	p0 =	sne.s32 s1, s6  }
0xae: {  	s6 =	sshll.u32 @p0 s6, $0xE  }
0xaf: {  	s6 =	sadd.s32 @p0 $0x11B8D, s6;
	s7 =	sshll.u32 @p0 s5, $0x11  }
0xb0: {  	s6 =	sor.u32 @p0 s7, s6  }
0xb1: {  	[sflag:s6] =	ssyncadd.remote.s32 @p0 $0x1;
	_ =	sdelay $0x1  }
0xb2: {  	s6 =	simm.s32 @p0 $0x1B8D  }
0xb3: {  	_ =	swait.eq @p0 [sflag:s6], $0x1  }
0xb4: {  	[sflag:s6] =	ssyncadd.s32 @p0 $0xFFFFFFFF  }
0xb5: {  	s7 =	sshll.u32 @!p0 s1, $0xE  }
0xb6: {  	s7 =	sor.u32 @!p0 $0x4000, s7;
	s6 =	simm.s32 @!p0 $0x1B8D  }
0xb7: {  	s5 =	sshll.u32 @!p0 s5, $0x11;
	s7 =	sadd.s32 @!p0 $0x11B8D, s7;
	_ =	swait.eq @!p0 [sflag:s6], $0x1  }
0xb8: {  	s5 =	sor.u32 @!p0 s5, s7;
	[sflag:s6] =	ssyncadd.s32 @!p0 $0xFFFFFFFF  }
0xb9: {  	s25 =	simm.s32 $0x1B8E;
	s24 =	sld [smem:$0x3FFE];
	[sflag:s5] =	ssyncadd.remote.s32 @!p0 $0x1  }
0xba: {  	s26 =	simm.s32 $execute0_lowered;
	[smem:$0x3FD2] =	sst s25  }
0xbb: {  	s6 =	sshll.u32 s26, $0x1;
	_ =	strace $0x80000049;
	[dreg:$0x1] =	wrdreg $0xFFFFFFFF  }
0xbc: {  	s28 =	simm.s32 $_size_execute0_lowered;
	s4 =	sadd.s32 s4, s6;
	[dreg:$0x0] =	wrdreg $0x0  }
0xbd: {  	s6 =	sshll.u32 s28, $0x1;
	[dreg:$0x2] =	wrdreg s4  }
0xbe: {  	[dreg:$0x3] =	wrdreg s6  }
0xbf: {  	[dreg:$0x4] =	wrdreg $0xC0  }
0xc0: {  	_ =	task [dreg:s22], $0x5FFFF  }
0xc1: {  	[dreg:$0x1] =	wrdreg $0xFFFFFFFF  }
0xc2: {  	[dreg:$0x0] =	wrdreg $0x60  }
0xc3: {  	[dreg:$0x2] =	wrdreg s24  }
0xc4: {  	[dreg:$0x3] =	wrdreg s17  }
0xc5: {  	[dreg:$0x4] =	wrdreg $0x9  }
0xc6: {  	_ =	task.clear_ibuf [dreg:s22], $0x5FFFF;
	_ =	strace $0x90000049  }
0xc7: {  	s29 =	simm.s32 $0x9;
	_ =	strace $0x8000004B  }
0xc8: {  	_ =	swait.ge [sflag:s29], $0x1  }
0xc9: {  	[sflag:s29] =	ssyncadd.s32 $0xFFFFFFFF  }
0xca: {  	_ =	strace $0x9000004B  }
0xcb: {  	_ =	sfence  }
0xcc: {  	s30 =	sld [smem:$0x0];
	_ =	sdelay $0x2  }
0xcd: {  	s31 =	sshll.u32 s1, $0xD;
	s1 =	sshrl.u32 s1, $0x2  }
0xce: {  	s4 =	sand.u32 $0x4000, s31;
	s1 =	sadd.s32 s1, s30  }
0xcf: {  	s0 =	sor.u32 s4, s0;
	s1 =	sshll.u32 s1, $0x11  }
0xd0: {  	s0 =	sor.u32 s1, s0  }
0xd1: {  	s0 =	sadd.s32 $0x8F2B, s0  }
0xd2: {  	[sflag:s0] =	ssyncadd.remote.s32 $0x1  }
0xd3: {  	_ =	sfence.sel $0xFFFF  }
0xd4: {  	[dreg:$0x0] =	wrdreg $0xFFFFFFFF;
	(pc) =	sbr.abs _section_cstart, $3  }
0xd5: {  	[dreg:$0x1] =	wrdreg $0xFFFFFFFF  }
0xd6: {  	_ =	task.clear_ibuf [dreg:s22], $0x2FFFF;
	_ =	strace $0x9FFFFFFF  }
0xd7: {  	(tm) =	ssettm $0x7FFFFFFF  }
tec
execute0_lowered:
.L_overlay_start_1:
0x0: {  	(tag) =	ssettag $0x1  }
0x1: {  	s0 =	srdreg.scid;
	s2 =	stileid.u32  }
0x2: {  	s0 =	sand.u32 $0x1, s0;
	s2 =	sshll.u32 s2, $0x1  }
0x3: {  	s4 =	sor.u32 s0, s2  }
0x4: {  	s1 =	rddreg [dreg:$0x0];
	s5 =	smul.u32 $0xC8, s4  }
0x5: {  	s3 =	rddreg [dreg:$0x1];
	s2 =	simm.s32 $0x0;
	s6 =	smul.u32 $0x64000, s4  }
0x6: {  	s7 =	sadd.s32 $0x55E800, s1;
	[smem:$0x7FF] =	sst s2;
	s4 =	smul.u32 $0xC800, s4  }
0x7: {  	_ =	strace $0x8000004A;
	s3 =	sadd.s32 s3, s5;
	s16 =	sshrl.u32 s6, $0x3  }
0x8: {  	s17 =	sadd.s32 s7, s4;
	[dreg:$0x3] =	wrdreg s3;
	s18 =	sadd.s32 s7, s16  }
0x9: {  	[dreg:$0x4] =	wrdreg s17;
	s19 =	sadd.s32 $0x1000, s18  }
0xa: {  	s20 =	sadd.s32 $0x2000, s18;
	[dreg:$0x5] =	wrdreg s19  }
0xb: {  	s21 =	sadd.s32 $0x3000, s18;
	[dreg:$0x6] =	wrdreg s20  }
0xc: {  	s22 =	sadd.s32 $0x4000, s18;
	[dreg:$0x7] =	wrdreg s21  }
0xd: {  	s23 =	sadd.s32 $0x5000, s18;
	[dreg:$0x8] =	wrdreg s22  }
0xe: {  	s24 =	sadd.s32 $0x6000, s18;
	[dreg:$0x9] =	wrdreg s23  }
0xf: {  	s25 =	sadd.s32 $0x7000, s18;
	[dreg:$0xa] =	wrdreg s24  }
0x10: {  	s13 =	simm.s32 $0x8680;
	s26 =	sadd.s32 $0x8000, s18;
	[dreg:$0xb] =	wrdreg s25  }
0x11: {  	s0 =	ssub.s32 $0x2, s0;
	s28 =	sadd.s32 $0x9000, s18;
	[dreg:$0xc] =	wrdreg s26  }
0x12: {  	s31 =	sshrl.u32 s0, $0x1;
	s29 =	sadd.s32 $0xA000, s18;
	[dreg:$0xd] =	wrdreg s28  }
0x13: {  	s0 =	ssub.s32 s0, s31;
	s30 =	sadd.s32 $0xB000, s18;
	[dreg:$0xe] =	wrdreg s29  }
0x14: {  	v2 =	vlaneseq.u32;
	s5 =	simm.s32 $0x3;
	s4 =	sadd.s32 $0xC000, s18;
	[dreg:$0xf] =	wrdreg s30  }
0x15: {  	vm0 =	vmmov $0xffff;
	v1 =	vshrl.u32 v2, $0x3;
	s6 =	simm.s32 $0x680;
	s3 =	sadd.s32 $0x2A00, s1;
	[dreg:$0x10] =	wrdreg s4  }
0x16: {  	v0 =	vand.u32 $0x7, v2;
	v2 =	vor.u32 $0x8, v2;
	v1 =	vmul.u32 $0x8, v1;
	s4 =	smax.u32 s0, $0x1;
	s19 =	simm.s32 $0x1;
	s20 =	simm.s32 $0x2  }
.LBB2_1:
0x17: {  	s21 =	rddreg [dreg:$0x3]  }
0x18: {  	[tilespmem:s2], [sflag:$0x3] =	stream.linear.gather [hbm4b:s21+s2], $0x640, $0x38;
	[tilespmem:$0x10680] =	vst v63  }
0x19: {  	_ =	swait.ge [sflag:s5], $0x640  }
0x1a: {  	[sflag:s5] =	ssyncset.done $0x0  }
0x1b: {  	[sflag:s5] =	ssyncadd.s32 $0xFFFFF9C0  }
0x1c: {  	v3 =	vld [tilespmem:$0x0];
	_ =	sdelay $0x4  }
0x1d: {  	v4 =	vshrl.u32 v3, $0x3  }
0x1e: {  	v4 =	vmul.u32 $0x18, v4  }
0x1f: {  	v3 =	vand.u32 $0x7, v3  }
0x20: {  	v3 =	vor.u32 v3, v4  }
0x21: {  	v4 =	vperm.xlane v3, v0;
	_ =	sdelay $0x1  }
0x22: {  	v3 =	vperm.xlane v3, v2;
	v4 =	vadd.s32 v1, v4;
	_ =	sdelay $0x1  }
0x23: {  	v3 =	vadd.s32 v1, v3;
	_ =	sdelay $0x2  }
0x24: {  	[tilespmem:s6], [sflag:$0x1] =	stream.indirect_vreg.gather [hbm4b:s3+s2], $0x80, v4, vm0, $0xb8;
	[tilespmem:$0x10680] =	vst v63  }
0x25: {  	s0 =	simm.s32 $0xE80  }
0x26: {  	[tilespmem:s0], [sflag:$0x1] =	stream.indirect_vreg.gather [hbm4b:s3+s2], $0x80, v3, vm0, $0xb8;
	[tilespmem:$0x10680] =	vst v63  }
0x27: {  	v3 =	vld [tilespmem:$0x10];
	_ =	sdelay $0x4  }
0x28: {  	v21 =	vshrl.u32 v3, $0x3  }
0x29: {  	v4 =	vmul.u32 $0x18, v21  }
0x2a: {  	v3 =	vand.u32 $0x7, v3  }
0x2b: {  	v3 =	vor.u32 v3, v4  }
0x2c: {  	v4 =	vperm.xlane v3, v0;
	_ =	sdelay $0x1  }
0x2d: {  	v3 =	vperm.xlane v3, v2;
	v4 =	vadd.s32 v1, v4;
	_ =	sdelay $0x1  }
0x2e: {  	v3 =	vadd.s32 v1, v3;
	_ =	sdelay $0x1  }
0x2f: {  	s14 =	simm.s32 $0x1680  }
0x30: {  	[tilespmem:s14], [sflag:$0x1] =	stream.indirect_vreg.gather [hbm4b:s3+s2], $0x80, v4, vm0, $0xb8;
	[tilespmem:$0x10680] =	vst v63  }
0x31: {  	s15 =	simm.s32 $0x1E80  }
0x32: {  	[tilespmem:s15], [sflag:$0x1] =	stream.indirect_vreg.gather [hbm4b:s3+s2], $0x80, v3, vm0, $0xb8;
	[tilespmem:$0x10680] =	vst v63  }
0x33: {  	v3 =	vld [tilespmem:$0x20];
	_ =	sdelay $0x4  }
0x34: {  	v22 =	vshrl.u32 v3, $0x3  }
0x35: {  	v4 =	vmul.u32 $0x18, v22  }
0x36: {  	v3 =	vand.u32 $0x7, v3  }
0x37: {  	v3 =	vor.u32 v3, v4  }
0x38: {  	v4 =	vperm.xlane v3, v0;
	_ =	sdelay $0x1  }
0x39: {  	v3 =	vperm.xlane v3, v2;
	v4 =	vadd.s32 v1, v4;
	_ =	sdelay $0x1  }
0x3a: {  	v3 =	vadd.s32 v1, v3;
	_ =	sdelay $0x1  }
0x3b: {  	s16 =	simm.s32 $0x2680  }
0x3c: {  	[tilespmem:s16], [sflag:$0x1] =	stream.indirect_vreg.gather [hbm4b:s3+s2], $0x80, v4, vm0, $0xb8;
	[tilespmem:$0x10680] =	vst v63  }
0x3d: {  	s17 =	simm.s32 $0x2E80  }
0x3e: {  	[tilespmem:s17], [sflag:$0x1] =	stream.indirect_vreg.gather [hbm4b:s3+s2], $0x80, v3, vm0, $0xb8;
	[tilespmem:$0x10680] =	vst v63  }
0x3f: {  	v3 =	vld [tilespmem:$0x30];
	_ =	sdelay $0x4  }
0x40: {  	v23 =	vshrl.u32 v3, $0x3  }
0x41: {  	v4 =	vmul.u32 $0x18, v23  }
0x42: {  	v3 =	vand.u32 $0x7, v3  }
0x43: {  	v3 =	vor.u32 v3, v4  }
0x44: {  	v4 =	vperm.xlane v3, v0;
	_ =	sdelay $0x1  }
0x45: {  	v3 =	vperm.xlane v3, v2;
	v4 =	vadd.s32 v1, v4;
	_ =	sdelay $0x1  }
0x46: {  	v3 =	vadd.s32 v1, v3;
	_ =	sdelay $0x1  }
0x47: {  	s18 =	simm.s32 $0x3680  }
0x48: {  	[tilespmem:s18], [sflag:$0x1] =	stream.indirect_vreg.gather [hbm4b:s3+s2], $0x80, v4, vm0, $0xb8;
	[tilespmem:$0x10680] =	vst v63  }
0x49: {  	s21 =	simm.s32 $0x3E80  }
0x4a: {  	[tilespmem:s21], [sflag:$0x1] =	stream.indirect_vreg.gather [hbm4b:s3+s2], $0x80, v3, vm0, $0xb8;
	[tilespmem:$0x10680] =	vst v63  }
0x4b: {  	v3 =	vld [tilespmem:$0x40];
	_ =	sdelay $0x4  }
0x4c: {  	v24 =	vshrl.u32 v3, $0x3  }
0x4d: {  	v4 =	vmul.u32 $0x18, v24  }
0x4e: {  	v3 =	vand.u32 $0x7, v3  }
0x4f: {  	v3 =	vor.u32 v3, v4  }
0x50: {  	v4 =	vperm.xlane v3, v0;
	_ =	sdelay $0x1  }
0x51: {  	v3 =	vperm.xlane v3, v2;
	v4 =	vadd.s32 v1, v4;
	_ =	sdelay $0x1  }
0x52: {  	v3 =	vadd.s32 v1, v3;
	_ =	sdelay $0x1  }
0x53: {  	s23 =	simm.s32 $0x4680  }
0x54: {  	[tilespmem:s23], [sflag:$0x1] =	stream.indirect_vreg.gather [hbm4b:s3+s2], $0x80, v4, vm0, $0xb8;
	[tilespmem:$0x10680] =	vst v63  }
0x55: {  	s24 =	simm.s32 $0x4E80  }
0x56: {  	[tilespmem:s24], [sflag:$0x1] =	stream.indirect_vreg.gather [hbm4b:s3+s2], $0x80, v3, vm0, $0xb8;
	[tilespmem:$0x10680] =	vst v63  }
0x57: {  	v3 =	vld [tilespmem:$0x50];
	_ =	sdelay $0x4  }
0x58: {  	v25 =	vshrl.u32 v3, $0x3  }
0x59: {  	v4 =	vmul.u32 $0x18, v25  }
0x5a: {  	v3 =	vand.u32 $0x7, v3  }
0x5b: {  	v3 =	vor.u32 v3, v4  }
0x5c: {  	v4 =	vperm.xlane v3, v0;
	_ =	sdelay $0x1  }
0x5d: {  	v3 =	vperm.xlane v3, v2;
	v4 =	vadd.s32 v1, v4;
	_ =	sdelay $0x1  }
0x5e: {  	v3 =	vadd.s32 v1, v3;
	_ =	sdelay $0x1  }
0x5f: {  	s25 =	simm.s32 $0x5680  }
0x60: {  	[tilespmem:s25], [sflag:$0x1] =	stream.indirect_vreg.gather [hbm4b:s3+s2], $0x80, v4, vm0, $0xb8;
	[tilespmem:$0x10680] =	vst v63  }
0x61: {  	s26 =	simm.s32 $0x5E80  }
0x62: {  	[tilespmem:s26], [sflag:$0x1] =	stream.indirect_vreg.gather [hbm4b:s3+s2], $0x80, v3, vm0, $0xb8;
	[tilespmem:$0x10680] =	vst v63  }
0x63: {  	v3 =	vld [tilespmem:$0x60];
	_ =	sdelay $0x4  }
0x64: {  	v26 =	vshrl.u32 v3, $0x3  }
0x65: {  	v4 =	vmul.u32 $0x18, v26  }
0x66: {  	v3 =	vand.u32 $0x7, v3  }
0x67: {  	v3 =	vor.u32 v3, v4  }
0x68: {  	v4 =	vperm.xlane v3, v0;
	_ =	sdelay $0x1  }
0x69: {  	v3 =	vperm.xlane v3, v2;
	v4 =	vadd.s32 v1, v4;
	_ =	sdelay $0x1  }
0x6a: {  	v3 =	vadd.s32 v1, v3;
	_ =	sdelay $0x1  }
0x6b: {  	s28 =	simm.s32 $0x6680  }
0x6c: {  	[tilespmem:s28], [sflag:$0x1] =	stream.indirect_vreg.gather [hbm4b:s3+s2], $0x80, v4, vm0, $0xb8;
	[tilespmem:$0x10680] =	vst v63  }
0x6d: {  	s29 =	simm.s32 $0x6E80  }
0x6e: {  	[tilespmem:s29], [sflag:$0x1] =	stream.indirect_vreg.gather [hbm4b:s3+s2], $0x80, v3, vm0, $0xb8;
	[tilespmem:$0x10680] =	vst v63  }
0x6f: {  	v3 =	vld [tilespmem:$0x70];
	_ =	sdelay $0x4  }
0x70: {  	v27 =	vshrl.u32 v3, $0x3  }
0x71: {  	v4 =	vmul.u32 $0x18, v27  }
0x72: {  	v3 =	vand.u32 $0x7, v3  }
0x73: {  	v3 =	vor.u32 v3, v4  }
0x74: {  	v4 =	vperm.xlane v3, v0;
	_ =	sdelay $0x1  }
0x75: {  	v3 =	vperm.xlane v3, v2;
	v4 =	vadd.s32 v1, v4;
	_ =	sdelay $0x1  }
0x76: {  	v3 =	vadd.s32 v1, v3;
	_ =	sdelay $0x1  }
0x77: {  	s30 =	simm.s32 $0x7680  }
0x78: {  	[tilespmem:s30], [sflag:$0x1] =	stream.indirect_vreg.gather [hbm4b:s3+s2], $0x80, v4, vm0, $0xb8;
	[tilespmem:$0x10680] =	vst v63  }
0x79: {  	s31 =	simm.s32 $0x7E80  }
0x7a: {  	[tilespmem:s31], [sflag:$0x1] =	stream.indirect_vreg.gather [hbm4b:s3+s2], $0x80, v3, vm0, $0xb8;
	[tilespmem:$0x10680] =	vst v63  }
0x7b: {  	v3 =	vld [tilespmem:$0x80];
	_ =	sdelay $0x4  }
0x7c: {  	v28 =	vshrl.u32 v3, $0x3  }
0x7d: {  	v4 =	vmul.u32 $0x18, v28  }
0x7e: {  	v3 =	vand.u32 $0x7, v3  }
0x7f: {  	v3 =	vor.u32 v3, v4  }
0x80: {  	v4 =	vperm.xlane v3, v0;
	_ =	sdelay $0x1  }
0x81: {  	v3 =	vperm.xlane v3, v2;
	v4 =	vadd.s32 v1, v4;
	_ =	sdelay $0x1  }
0x82: {  	v3 =	vadd.s32 v1, v3;
	_ =	sdelay $0x2  }
0x83: {  	[tilespmem:s13], [sflag:$0x2] =	stream.indirect_vreg.gather [hbm4b:s3+s2], $0x80, v4, vm0, $0xb8;
	[tilespmem:$0x10680] =	vst v63  }
0x84: {  	s7 =	simm.s32 $0x8E80  }
0x85: {  	[tilespmem:s7], [sflag:$0x2] =	stream.indirect_vreg.gather [hbm4b:s3+s2], $0x80, v3, vm0, $0xb8;
	[tilespmem:$0x10680] =	vst v63  }
0x86: {  	v3 =	vld [tilespmem:$0x90];
	_ =	sdelay $0x4  }
0x87: {  	v29 =	vshrl.u32 v3, $0x3  }
0x88: {  	v4 =	vmul.u32 $0x18, v29  }
0x89: {  	v3 =	vand.u32 $0x7, v3  }
0x8a: {  	v3 =	vor.u32 v3, v4  }
0x8b: {  	v4 =	vperm.xlane v3, v0;
	_ =	sdelay $0x1  }
0x8c: {  	v3 =	vperm.xlane v3, v2;
	v4 =	vadd.s32 v1, v4;
	_ =	sdelay $0x1  }
0x8d: {  	v3 =	vadd.s32 v1, v3;
	_ =	sdelay $0x1  }
0x8e: {  	s9 =	simm.s32 $0x9680  }
0x8f: {  	[tilespmem:s9], [sflag:$0x2] =	stream.indirect_vreg.gather [hbm4b:s3+s2], $0x80, v4, vm0, $0xb8;
	[tilespmem:$0x10680] =	vst v63  }
0x90: {  	s11 =	simm.s32 $0x9E80  }
0x91: {  	[tilespmem:s11], [sflag:$0x2] =	stream.indirect_vreg.gather [hbm4b:s3+s2], $0x80, v3, vm0, $0xb8;
	[tilespmem:$0x10680] =	vst v63  }
0x92: {  	v3 =	vld [tilespmem:$0xA0];
	_ =	sdelay $0x4  }
0x93: {  	v30 =	vshrl.u32 v3, $0x3  }
0x94: {  	v4 =	vmul.u32 $0x18, v30  }
0x95: {  	v3 =	vand.u32 $0x7, v3  }
0x96: {  	v3 =	vor.u32 v3, v4  }
0x97: {  	v4 =	vperm.xlane v3, v0;
	_ =	sdelay $0x1  }
0x98: {  	v3 =	vperm.xlane v3, v2;
	v4 =	vadd.s32 v1, v4;
	_ =	sdelay $0x1  }
0x99: {  	v3 =	vadd.s32 v1, v3;
	_ =	sdelay $0x1  }
0x9a: {  	s12 =	simm.s32 $0xA680  }
0x9b: {  	[tilespmem:s12], [sflag:$0x2] =	stream.indirect_vreg.gather [hbm4b:s3+s2], $0x80, v4, vm0, $0xb8;
	[tilespmem:$0x10680] =	vst v63  }
0x9c: {  	s15 =	simm.s32 $0xAE80  }
0x9d: {  	[tilespmem:s15], [sflag:$0x2] =	stream.indirect_vreg.gather [hbm4b:s3+s2], $0x80, v3, vm0, $0xb8;
	[tilespmem:$0x10680] =	vst v63  }
0x9e: {  	v3 =	vld [tilespmem:$0xB0];
	_ =	sdelay $0x4  }
0x9f: {  	v31 =	vshrl.u32 v3, $0x3  }
0xa0: {  	v4 =	vmul.u32 $0x18, v31  }
0xa1: {  	v3 =	vand.u32 $0x7, v3  }
0xa2: {  	v3 =	vor.u32 v3, v4  }
0xa3: {  	v4 =	vperm.xlane v3, v0;
	_ =	sdelay $0x1  }
0xa4: {  	v3 =	vperm.xlane v3, v2;
	v4 =	vadd.s32 v1, v4;
	_ =	sdelay $0x1  }
0xa5: {  	v3 =	vadd.s32 v1, v3;
	_ =	sdelay $0x1  }
0xa6: {  	s16 =	simm.s32 $0xB680  }
0xa7: {  	[tilespmem:s16], [sflag:$0x2] =	stream.indirect_vreg.gather [hbm4b:s3+s2], $0x80, v4, vm0, $0xb8;
	[tilespmem:$0x10680] =	vst v63  }
0xa8: {  	s17 =	simm.s32 $0xBE80  }
0xa9: {  	[tilespmem:s17], [sflag:$0x2] =	stream.indirect_vreg.gather [hbm4b:s3+s2], $0x80, v3, vm0, $0xb8;
	[tilespmem:$0x10680] =	vst v63  }
0xaa: {  	v3 =	vld [tilespmem:$0xC0];
	_ =	sdelay $0x4  }
0xab: {  	v32 =	vshrl.u32 v3, $0x3  }
0xac: {  	v4 =	vmul.u32 $0x18, v32  }
0xad: {  	v3 =	vand.u32 $0x7, v3  }
0xae: {  	v3 =	vor.u32 v3, v4  }
0xaf: {  	v4 =	vperm.xlane v3, v0;
	_ =	sdelay $0x1  }
0xb0: {  	v3 =	vperm.xlane v3, v2;
	v4 =	vadd.s32 v1, v4;
	_ =	sdelay $0x1  }
0xb1: {  	v3 =	vadd.s32 v1, v3;
	_ =	sdelay $0x1  }
0xb2: {  	s21 =	simm.s32 $0xC680  }
0xb3: {  	[tilespmem:s21], [sflag:$0x2] =	stream.indirect_vreg.gather [hbm4b:s3+s2], $0x80, v4, vm0, $0xb8;
	[tilespmem:$0x10680] =	vst v63  }
0xb4: {  	s24 =	simm.s32 $0xCE80  }
0xb5: {  	[tilespmem:s24], [sflag:$0x2] =	stream.indirect_vreg.gather [hbm4b:s3+s2], $0x80, v3, vm0, $0xb8;
	[tilespmem:$0x10680] =	vst v63  }
0xb6: {  	v3 =	vld [tilespmem:$0xD0];
	_ =	sdelay $0x4  }
0xb7: {  	v33 =	vshrl.u32 v3, $0x3  }
0xb8: {  	v4 =	vmul.u32 $0x18, v33  }
0xb9: {  	v3 =	vand.u32 $0x7, v3  }
0xba: {  	v3 =	vor.u32 v3, v4  }
0xbb: {  	v4 =	vperm.xlane v3, v0;
	_ =	sdelay $0x1  }
0xbc: {  	v3 =	vperm.xlane v3, v2;
	v4 =	vadd.s32 v1, v4;
	_ =	sdelay $0x1  }
0xbd: {  	v3 =	vadd.s32 v1, v3;
	_ =	sdelay $0x1  }
0xbe: {  	s25 =	simm.s32 $0xD680  }
0xbf: {  	[tilespmem:s25], [sflag:$0x2] =	stream.indirect_vreg.gather [hbm4b:s3+s2], $0x80, v4, vm0, $0xb8;
	[tilespmem:$0x10680] =	vst v63  }
0xc0: {  	s26 =	simm.s32 $0xDE80  }
0xc1: {  	[tilespmem:s26], [sflag:$0x2] =	stream.indirect_vreg.gather [hbm4b:s3+s2], $0x80, v3, vm0, $0xb8;
	[tilespmem:$0x10680] =	vst v63  }
0xc2: {  	v3 =	vld [tilespmem:$0xE0];
	_ =	sdelay $0x4  }
0xc3: {  	v34 =	vshrl.u32 v3, $0x3  }
0xc4: {  	v4 =	vmul.u32 $0x18, v34  }
0xc5: {  	v3 =	vand.u32 $0x7, v3  }
0xc6: {  	v3 =	vor.u32 v3, v4  }
0xc7: {  	v4 =	vperm.xlane v3, v0;
	_ =	sdelay $0x1  }
0xc8: {  	v3 =	vperm.xlane v3, v2;
	v4 =	vadd.s32 v1, v4;
	_ =	sdelay $0x1  }
0xc9: {  	v3 =	vadd.s32 v1, v3;
	_ =	sdelay $0x1  }
0xca: {  	s28 =	simm.s32 $0xE680  }
0xcb: {  	[tilespmem:s28], [sflag:$0x2] =	stream.indirect_vreg.gather [hbm4b:s3+s2], $0x80, v4, vm0, $0xb8;
	[tilespmem:$0x10680] =	vst v63  }
0xcc: {  	s29 =	simm.s32 $0xEE80  }
0xcd: {  	[tilespmem:s29], [sflag:$0x2] =	stream.indirect_vreg.gather [hbm4b:s3+s2], $0x80, v3, vm0, $0xb8;
	[tilespmem:$0x10680] =	vst v63  }
0xce: {  	v3 =	vld [tilespmem:$0xF0];
	_ =	sdelay $0x4  }
0xcf: {  	v35 =	vshrl.u32 v3, $0x3  }
0xd0: {  	v4 =	vmul.u32 $0x18, v35  }
0xd1: {  	v3 =	vand.u32 $0x7, v3  }
0xd2: {  	v3 =	vor.u32 v3, v4  }
0xd3: {  	v4 =	vperm.xlane v3, v0;
	_ =	sdelay $0x1  }
0xd4: {  	v3 =	vperm.xlane v3, v2;
	v4 =	vadd.s32 v1, v4;
	_ =	sdelay $0x1  }
0xd5: {  	v3 =	vadd.s32 v1, v3;
	_ =	sdelay $0x1  }
0xd6: {  	s30 =	simm.s32 $0xF680  }
0xd7: {  	[tilespmem:s30], [sflag:$0x2] =	stream.indirect_vreg.gather [hbm4b:s3+s2], $0x80, v4, vm0, $0xb8;
	[tilespmem:$0x10680] =	vst v63  }
0xd8: {  	s31 =	simm.s32 $0xFE80  }
0xd9: {  	[tilespmem:s31], [sflag:$0x2] =	stream.indirect_vreg.gather [hbm4b:s3+s2], $0x80, v3, vm0, $0xb8;
	[tilespmem:$0x10680] =	vst v63  }
0xda: {  	_ =	swait.ge [sflag:s19], $0x8000  }
0xdb: {  	[sflag:s19] =	ssyncset.done $0x0  }
0xdc: {  	s7 =	rddreg [dreg:$0x4];
	[sflag:s19] =	ssyncadd.s32 $0xFFFF8000  }
0xdd: {  	[hbm4b:s7+s2] =	stream.linear.scatter [tilespmem:s6], [sflag:$0x3], $0x8000, $0x38;
	[tilespmem:$0x10680] =	vst v63  }
0xde: {  	_ =	swait.ge [sflag:s5], $0x8000  }
0xdf: {  	[sflag:s5] =	ssyncset.done $0x0  }
0xe0: {  	[sflag:s5] =	ssyncadd.s32 $0xFFFF8000  }
0xe1: {  	v3 =	vld [tilespmem:$0x100];
	_ =	sdelay $0x4  }
0xe2: {  	v36 =	vshrl.u32 v3, $0x3  }
0xe3: {  	v4 =	vmul.u32 $0x18, v36  }
0xe4: {  	v3 =	vand.u32 $0x7, v3  }
0xe5: {  	v3 =	vor.u32 v3, v4  }
0xe6: {  	v4 =	vperm.xlane v3, v0;
	_ =	sdelay $0x1  }
0xe7: {  	v3 =	vperm.xlane v3, v2;
	v4 =	vadd.s32 v1, v4;
	_ =	sdelay $0x1  }
0xe8: {  	v3 =	vadd.s32 v1, v3;
	_ =	sdelay $0x2  }
0xe9: {  	[tilespmem:s6], [sflag:$0x1] =	stream.indirect_vreg.gather [hbm4b:s3+s2], $0x80, v4, vm0, $0xb8;
	[tilespmem:$0x10680] =	vst v63  }
0xea: {  	s1 =	simm.s32 $0xE80  }
0xeb: {  	[tilespmem:s1], [sflag:$0x1] =	stream.indirect_vreg.gather [hbm4b:s3+s2], $0x80, v3, vm0, $0xb8;
	[tilespmem:$0x10680] =	vst v63  }
0xec: {  	v3 =	vld [tilespmem:$0x110];
	_ =	sdelay $0x4  }
0xed: {  	v37 =	vshrl.u32 v3, $0x3  }
0xee: {  	v4 =	vmul.u32 $0x18, v37  }
0xef: {  	v3 =	vand.u32 $0x7, v3  }
0xf0: {  	v3 =	vor.u32 v3, v4  }
0xf1: {  	v4 =	vperm.xlane v3, v0;
	_ =	sdelay $0x1  }
0xf2: {  	v3 =	vperm.xlane v3, v2;
	v4 =	vadd.s32 v1, v4;
	_ =	sdelay $0x1  }
0xf3: {  	v3 =	vadd.s32 v1, v3;
	_ =	sdelay $0x1  }
0xf4: {  	s0 =	simm.s32 $0x1680  }
0xf5: {  	[tilespmem:s0], [sflag:$0x1] =	stream.indirect_vreg.gather [hbm4b:s3+s2], $0x80, v4, vm0, $0xb8;
	[tilespmem:$0x10680] =	vst v63  }
0xf6: {  	s22 =	simm.s32 $0x1E80  }
0xf7: {  	[tilespmem:s22], [sflag:$0x1] =	stream.indirect_vreg.gather [hbm4b:s3+s2], $0x80, v3, vm0, $0xb8;
	[tilespmem:$0x10680] =	vst v63  }
0xf8: {  	v3 =	vld [tilespmem:$0x120];
	_ =	sdelay $0x4  }
0xf9: {  	v38 =	vshrl.u32 v3, $0x3  }
0xfa: {  	v4 =	vmul.u32 $0x18, v38  }
0xfb: {  	v3 =	vand.u32 $0x7, v3  }
0xfc: {  	v3 =	vor.u32 v3, v4  }
0xfd: {  	v4 =	vperm.xlane v3, v0;
	_ =	sdelay $0x1  }
0xfe: {  	v3 =	vperm.xlane v3, v2;
	v4 =	vadd.s32 v1, v4;
	_ =	sdelay $0x1  }
0xff: {  	v3 =	vadd.s32 v1, v3;
	_ =	sdelay $0x1  }
0x100: {  	s1 =	simm.s32 $0x2680  }
0x101: {  	[tilespmem:s1], [sflag:$0x1] =	stream.indirect_vreg.gather [hbm4b:s3+s2], $0x80, v4, vm0, $0xb8;
	[tilespmem:$0x10680] =	vst v63  }
0x102: {  	s7 =	simm.s32 $0x2E80  }
0x103: {  	[tilespmem:s7], [sflag:$0x1] =	stream.indirect_vreg.gather [hbm4b:s3+s2], $0x80, v3, vm0, $0xb8;
	[tilespmem:$0x10680] =	vst v63  }
0x104: {  	v3 =	vld [tilespmem:$0x130];
	_ =	sdelay $0x4  }
0x105: {  	v39 =	vshrl.u32 v3, $0x3  }
0x106: {  	v4 =	vmul.u32 $0x18, v39  }
0x107: {  	v3 =	vand.u32 $0x7, v3  }
0x108: {  	v3 =	vor.u32 v3, v4  }
0x109: {  	v4 =	vperm.xlane v3, v0;
	_ =	sdelay $0x1  }
0x10a: {  	v3 =	vperm.xlane v3, v2;
	v4 =	vadd.s32 v1, v4;
	_ =	sdelay $0x1  }
0x10b: {  	v3 =	vadd.s32 v1, v3;
	_ =	sdelay $0x1  }
0x10c: {  	s22 =	simm.s32 $0x3680  }
0x10d: {  	[tilespmem:s22], [sflag:$0x1] =	stream.indirect_vreg.gather [hbm4b:s3+s2], $0x80, v4, vm0, $0xb8;
	[tilespmem:$0x10680] =	vst v63  }
0x10e: {  	s8 =	simm.s32 $0x3E80  }
0x10f: {  	[tilespmem:s8], [sflag:$0x1] =	stream.indirect_vreg.gather [hbm4b:s3+s2], $0x80, v3, vm0, $0xb8;
	[tilespmem:$0x10680] =	vst v63  }
0x110: {  	v3 =	vld [tilespmem:$0x140];
	_ =	sdelay $0x4  }
0x111: {  	v40 =	vshrl.u32 v3, $0x3  }
0x112: {  	v4 =	vmul.u32 $0x18, v40  }
0x113: {  	v3 =	vand.u32 $0x7, v3  }
0x114: {  	v3 =	vor.u32 v3, v4  }
0x115: {  	v4 =	vperm.xlane v3, v0;
	_ =	sdelay $0x1  }
0x116: {  	v3 =	vperm.xlane v3, v2;
	v4 =	vadd.s32 v1, v4;
	_ =	sdelay $0x1  }
0x117: {  	v3 =	vadd.s32 v1, v3;
	_ =	sdelay $0x1  }
0x118: {  	s23 =	simm.s32 $0x4680  }
0x119: {  	[tilespmem:s23], [sflag:$0x1] =	stream.indirect_vreg.gather [hbm4b:s3+s2], $0x80, v4, vm0, $0xb8;
	[tilespmem:$0x10680] =	vst v63  }
0x11a: {  	s24 =	simm.s32 $0x4E80  }
0x11b: {  	[tilespmem:s24], [sflag:$0x1] =	stream.indirect_vreg.gather [hbm4b:s3+s2], $0x80, v3, vm0, $0xb8;
	[tilespmem:$0x10680] =	vst v63  }
0x11c: {  	v3 =	vld [tilespmem:$0x150];
	_ =	sdelay $0x4  }
0x11d: {  	v41 =	vshrl.u32 v3, $0x3  }
0x11e: {  	v4 =	vmul.u32 $0x18, v41  }
0x11f: {  	v3 =	vand.u32 $0x7, v3  }
0x120: {  	v3 =	vor.u32 v3, v4  }
0x121: {  	v4 =	vperm.xlane v3, v0;
	_ =	sdelay $0x1  }
0x122: {  	v3 =	vperm.xlane v3, v2;
	v4 =	vadd.s32 v1, v4;
	_ =	sdelay $0x1  }
0x123: {  	v3 =	vadd.s32 v1, v3;
	_ =	sdelay $0x1  }
0x124: {  	s25 =	simm.s32 $0x5680  }
0x125: {  	[tilespmem:s25], [sflag:$0x1] =	stream.indirect_vreg.gather [hbm4b:s3+s2], $0x80, v4, vm0, $0xb8;
	[tilespmem:$0x10680] =	vst v63  }
0x126: {  	s26 =	simm.s32 $0x5E80  }
0x127: {  	[tilespmem:s26], [sflag:$0x1] =	stream.indirect_vreg.gather [hbm4b:s3+s2], $0x80, v3, vm0, $0xb8;
	[tilespmem:$0x10680] =	vst v63  }
0x128: {  	v3 =	vld [tilespmem:$0x160];
	_ =	sdelay $0x4  }
0x129: {  	v42 =	vshrl.u32 v3, $0x3  }
0x12a: {  	v4 =	vmul.u32 $0x18, v42  }
0x12b: {  	v3 =	vand.u32 $0x7, v3  }
0x12c: {  	v3 =	vor.u32 v3, v4  }
0x12d: {  	v4 =	vperm.xlane v3, v0;
	_ =	sdelay $0x1  }
0x12e: {  	v3 =	vperm.xlane v3, v2;
	v4 =	vadd.s32 v1, v4;
	_ =	sdelay $0x1  }
0x12f: {  	v3 =	vadd.s32 v1, v3;
	_ =	sdelay $0x1  }
0x130: {  	s28 =	simm.s32 $0x6680  }
0x131: {  	[tilespmem:s28], [sflag:$0x1] =	stream.indirect_vreg.gather [hbm4b:s3+s2], $0x80, v4, vm0, $0xb8;
	[tilespmem:$0x10680] =	vst v63  }
0x132: {  	s29 =	simm.s32 $0x6E80  }
0x133: {  	[tilespmem:s29], [sflag:$0x1] =	stream.indirect_vreg.gather [hbm4b:s3+s2], $0x80, v3, vm0, $0xb8;
	[tilespmem:$0x10680] =	vst v63  }
0x134: {  	v3 =	vld [tilespmem:$0x170];
	_ =	sdelay $0x4  }
0x135: {  	v43 =	vshrl.u32 v3, $0x3  }
0x136: {  	v4 =	vmul.u32 $0x18, v43  }
0x137: {  	v3 =	vand.u32 $0x7, v3  }
0x138: {  	v3 =	vor.u32 v3, v4  }
0x139: {  	v4 =	vperm.xlane v3, v0;
	_ =	sdelay $0x1  }
0x13a: {  	v3 =	vperm.xlane v3, v2;
	v4 =	vadd.s32 v1, v4;
	_ =	sdelay $0x1  }
0x13b: {  	v3 =	vadd.s32 v1, v3;
	_ =	sdelay $0x1  }
0x13c: {  	s30 =	simm.s32 $0x7680  }
0x13d: {  	[tilespmem:s30], [sflag:$0x1] =	stream.indirect_vreg.gather [hbm4b:s3+s2], $0x80, v4, vm0, $0xb8;
	[tilespmem:$0x10680] =	vst v63  }
0x13e: {  	s31 =	simm.s32 $0x7E80  }
0x13f: {  	[tilespmem:s31], [sflag:$0x1] =	stream.indirect_vreg.gather [hbm4b:s3+s2], $0x80, v3, vm0, $0xb8;
	[tilespmem:$0x10680] =	vst v63  }
0x140: {  	_ =	swait.ge [sflag:s20], $0x8000  }
0x141: {  	[sflag:s20] =	ssyncset.done $0x0  }
0x142: {  	s8 =	rddreg [dreg:$0x5];
	[sflag:s20] =	ssyncadd.s32 $0xFFFF8000  }
0x143: {  	[hbm4b:s8+s2] =	stream.linear.scatter [tilespmem:s13], [sflag:$0x3], $0x8000, $0x38;
	[tilespmem:$0x10680] =	vst v63  }
0x144: {  	_ =	swait.ge [sflag:s5], $0x8000  }
0x145: {  	[sflag:s5] =	ssyncset.done $0x0  }
0x146: {  	[sflag:s5] =	ssyncadd.s32 $0xFFFF8000  }
0x147: {  	v3 =	vld [tilespmem:$0x180];
	_ =	sdelay $0x4  }
0x148: {  	v44 =	vshrl.u32 v3, $0x3  }
0x149: {  	v4 =	vmul.u32 $0x18, v44  }
0x14a: {  	v3 =	vand.u32 $0x7, v3  }
0x14b: {  	v3 =	vor.u32 v3, v4  }
0x14c: {  	v4 =	vperm.xlane v3, v0;
	_ =	sdelay $0x1  }
0x14d: {  	v3 =	vperm.xlane v3, v2;
	v4 =	vadd.s32 v1, v4;
	_ =	sdelay $0x1  }
0x14e: {  	v3 =	vadd.s32 v1, v3;
	_ =	sdelay $0x2  }
0x14f: {  	[tilespmem:s13], [sflag:$0x2] =	stream.indirect_vreg.gather [hbm4b:s3+s2], $0x80, v4, vm0, $0xb8;
	[tilespmem:$0x10680] =	vst v63  }
0x150: {  	s10 =	simm.s32 $0x8E80  }
0x151: {  	[tilespmem:s10], [sflag:$0x2] =	stream.indirect_vreg.gather [hbm4b:s3+s2], $0x80, v3, vm0, $0xb8;
	[tilespmem:$0x10680] =	vst v63  }
0x152: {  	v3 =	vld [tilespmem:$0x190];
	_ =	sdelay $0x4  }
0x153: {  	v45 =	vshrl.u32 v3, $0x3  }
0x154: {  	v4 =	vmul.u32 $0x18, v45  }
0x155: {  	v3 =	vand.u32 $0x7, v3  }
0x156: {  	v3 =	vor.u32 v3, v4  }
0x157: {  	v4 =	vperm.xlane v3, v0;
	_ =	sdelay $0x1  }
0x158: {  	v3 =	vperm.xlane v3, v2;
	v4 =	vadd.s32 v1, v4;
	_ =	sdelay $0x1  }
0x159: {  	v3 =	vadd.s32 v1, v3;
	_ =	sdelay $0x1  }
0x15a: {  	s8 =	simm.s32 $0x9680  }
0x15b: {  	[tilespmem:s8], [sflag:$0x2] =	stream.indirect_vreg.gather [hbm4b:s3+s2], $0x80, v4, vm0, $0xb8;
	[tilespmem:$0x10680] =	vst v63  }
0x15c: {  	s14 =	simm.s32 $0x9E80  }
0x15d: {  	[tilespmem:s14], [sflag:$0x2] =	stream.indirect_vreg.gather [hbm4b:s3+s2], $0x80, v3, vm0, $0xb8;
	[tilespmem:$0x10680] =	vst v63  }
0x15e: {  	v3 =	vld [tilespmem:$0x1A0];
	_ =	sdelay $0x4  }
0x15f: {  	v46 =	vshrl.u32 v3, $0x3  }
0x160: {  	v4 =	vmul.u32 $0x18, v46  }
0x161: {  	v3 =	vand.u32 $0x7, v3  }
0x162: {  	v3 =	vor.u32 v3, v4  }
0x163: {  	v4 =	vperm.xlane v3, v0;
	_ =	sdelay $0x1  }
0x164: {  	v3 =	vperm.xlane v3, v2;
	v4 =	vadd.s32 v1, v4;
	_ =	sdelay $0x1  }
0x165: {  	v3 =	vadd.s32 v1, v3;
	_ =	sdelay $0x1  }
0x166: {  	s9 =	simm.s32 $0xA680  }
0x167: {  	[tilespmem:s9], [sflag:$0x2] =	stream.indirect_vreg.gather [hbm4b:s3+s2], $0x80, v4, vm0, $0xb8;
	[tilespmem:$0x10680] =	vst v63  }
0x168: {  	s18 =	simm.s32 $0xAE80  }
0x169: {  	[tilespmem:s18], [sflag:$0x2] =	stream.indirect_vreg.gather [hbm4b:s3+s2], $0x80, v3, vm0, $0xb8;
	[tilespmem:$0x10680] =	vst v63  }
0x16a: {  	v3 =	vld [tilespmem:$0x1B0];
	_ =	sdelay $0x4  }
0x16b: {  	v47 =	vshrl.u32 v3, $0x3  }
0x16c: {  	v4 =	vmul.u32 $0x18, v47  }
0x16d: {  	v3 =	vand.u32 $0x7, v3  }
0x16e: {  	v3 =	vor.u32 v3, v4  }
0x16f: {  	v4 =	vperm.xlane v3, v0;
	_ =	sdelay $0x1  }
0x170: {  	v3 =	vperm.xlane v3, v2;
	v4 =	vadd.s32 v1, v4;
	_ =	sdelay $0x1  }
0x171: {  	v3 =	vadd.s32 v1, v3;
	_ =	sdelay $0x1  }
0x172: {  	s12 =	simm.s32 $0xB680  }
0x173: {  	[tilespmem:s12], [sflag:$0x2] =	stream.indirect_vreg.gather [hbm4b:s3+s2], $0x80, v4, vm0, $0xb8;
	[tilespmem:$0x10680] =	vst v63  }
0x174: {  	s23 =	simm.s32 $0xBE80  }
0x175: {  	[tilespmem:s23], [sflag:$0x2] =	stream.indirect_vreg.gather [hbm4b:s3+s2], $0x80, v3, vm0, $0xb8;
	[tilespmem:$0x10680] =	vst v63  }
0x176: {  	v3 =	vld [tilespmem:$0x1C0];
	_ =	sdelay $0x4  }
0x177: {  	v48 =	vshrl.u32 v3, $0x3  }
0x178: {  	v4 =	vmul.u32 $0x18, v48  }
0x179: {  	v3 =	vand.u32 $0x7, v3  }
0x17a: {  	v3 =	vor.u32 v3, v4  }
0x17b: {  	v4 =	vperm.xlane v3, v0;
	_ =	sdelay $0x1  }
0x17c: {  	v3 =	vperm.xlane v3, v2;
	v4 =	vadd.s32 v1, v4;
	_ =	sdelay $0x1  }
0x17d: {  	v3 =	vadd.s32 v1, v3;
	_ =	sdelay $0x1  }
0x17e: {  	s9 =	simm.s32 $0xC680  }
0x17f: {  	[tilespmem:s9], [sflag:$0x2] =	stream.indirect_vreg.gather [hbm4b:s3+s2], $0x80, v4, vm0, $0xb8;
	[tilespmem:$0x10680] =	vst v63  }
0x180: {  	s11 =	simm.s32 $0xCE80  }
0x181: {  	[tilespmem:s11], [sflag:$0x2] =	stream.indirect_vreg.gather [hbm4b:s3+s2], $0x80, v3, vm0, $0xb8;
	[tilespmem:$0x10680] =	vst v63  }
0x182: {  	v3 =	vld [tilespmem:$0x1D0];
	_ =	sdelay $0x4  }
0x183: {  	v49 =	vshrl.u32 v3, $0x3  }
0x184: {  	v4 =	vmul.u32 $0x18, v49  }
0x185: {  	v3 =	vand.u32 $0x7, v3  }
0x186: {  	v3 =	vor.u32 v3, v4  }
0x187: {  	v4 =	vperm.xlane v3, v0;
	_ =	sdelay $0x1  }
0x188: {  	v3 =	vperm.xlane v3, v2;
	v4 =	vadd.s32 v1, v4;
	_ =	sdelay $0x1  }
0x189: {  	v3 =	vadd.s32 v1, v3;
	_ =	sdelay $0x1  }
0x18a: {  	s10 =	simm.s32 $0xD680  }
0x18b: {  	[tilespmem:s10], [sflag:$0x2] =	stream.indirect_vreg.gather [hbm4b:s3+s2], $0x80, v4, vm0, $0xb8;
	[tilespmem:$0x10680] =	vst v63  }
0x18c: {  	s14 =	simm.s32 $0xDE80  }
0x18d: {  	[tilespmem:s14], [sflag:$0x2] =	stream.indirect_vreg.gather [hbm4b:s3+s2], $0x80, v3, vm0, $0xb8;
	[tilespmem:$0x10680] =	vst v63  }
0x18e: {  	v3 =	vld [tilespmem:$0x1E0];
	_ =	sdelay $0x4  }
0x18f: {  	v50 =	vshrl.u32 v3, $0x3  }
0x190: {  	v4 =	vmul.u32 $0x18, v50  }
0x191: {  	v3 =	vand.u32 $0x7, v3  }
0x192: {  	v3 =	vor.u32 v3, v4  }
0x193: {  	v4 =	vperm.xlane v3, v0;
	_ =	sdelay $0x1  }
0x194: {  	v3 =	vperm.xlane v3, v2;
	v4 =	vadd.s32 v1, v4;
	_ =	sdelay $0x1  }
0x195: {  	v3 =	vadd.s32 v1, v3;
	_ =	sdelay $0x1  }
0x196: {  	s11 =	simm.s32 $0xE680  }
0x197: {  	[tilespmem:s11], [sflag:$0x2] =	stream.indirect_vreg.gather [hbm4b:s3+s2], $0x80, v4, vm0, $0xb8;
	[tilespmem:$0x10680] =	vst v63  }
0x198: {  	s18 =	simm.s32 $0xEE80  }
0x199: {  	[tilespmem:s18], [sflag:$0x2] =	stream.indirect_vreg.gather [hbm4b:s3+s2], $0x80, v3, vm0, $0xb8;
	[tilespmem:$0x10680] =	vst v63  }
0x19a: {  	v3 =	vld [tilespmem:$0x1F0];
	_ =	sdelay $0x4  }
0x19b: {  	v51 =	vshrl.u32 v3, $0x3  }
0x19c: {  	v4 =	vmul.u32 $0x18, v51  }
0x19d: {  	v3 =	vand.u32 $0x7, v3  }
0x19e: {  	v3 =	vor.u32 v3, v4  }
0x19f: {  	v4 =	vperm.xlane v3, v0;
	_ =	sdelay $0x1  }
0x1a0: {  	v3 =	vperm.xlane v3, v2;
	v4 =	vadd.s32 v1, v4;
	_ =	sdelay $0x1  }
0x1a1: {  	v3 =	vadd.s32 v1, v3;
	_ =	sdelay $0x1  }
0x1a2: {  	s12 =	simm.s32 $0xF680  }
0x1a3: {  	[tilespmem:s12], [sflag:$0x2] =	stream.indirect_vreg.gather [hbm4b:s3+s2], $0x80, v4, vm0, $0xb8;
	[tilespmem:$0x10680] =	vst v63  }
0x1a4: {  	s17 =	simm.s32 $0xFE80  }
0x1a5: {  	[tilespmem:s17], [sflag:$0x2] =	stream.indirect_vreg.gather [hbm4b:s3+s2], $0x80, v3, vm0, $0xb8;
	[tilespmem:$0x10680] =	vst v63  }
0x1a6: {  	_ =	swait.ge [sflag:s19], $0x8000  }
0x1a7: {  	[sflag:s19] =	ssyncset.done $0x0  }
0x1a8: {  	s17 =	rddreg [dreg:$0x6];
	[sflag:s19] =	ssyncadd.s32 $0xFFFF8000  }
0x1a9: {  	[hbm4b:s17+s2] =	stream.linear.scatter [tilespmem:s6], [sflag:$0x3], $0x8000, $0x38;
	[tilespmem:$0x10680] =	vst v63  }
0x1aa: {  	_ =	swait.ge [sflag:s5], $0x8000  }
0x1ab: {  	[sflag:s5] =	ssyncset.done $0x0  }
0x1ac: {  	[sflag:s5] =	ssyncadd.s32 $0xFFFF8000  }
0x1ad: {  	v3 =	vld [tilespmem:$0x200];
	_ =	sdelay $0x4  }
0x1ae: {  	v52 =	vshrl.u32 v3, $0x3  }
0x1af: {  	v4 =	vmul.u32 $0x18, v52  }
0x1b0: {  	v3 =	vand.u32 $0x7, v3  }
0x1b1: {  	v3 =	vor.u32 v3, v4  }
0x1b2: {  	v4 =	vperm.xlane v3, v0;
	_ =	sdelay $0x1  }
0x1b3: {  	v3 =	vperm.xlane v3, v2;
	v4 =	vadd.s32 v1, v4;
	_ =	sdelay $0x1  }
0x1b4: {  	v3 =	vadd.s32 v1, v3;
	_ =	sdelay $0x2  }
0x1b5: {  	[tilespmem:s6], [sflag:$0x1] =	stream.indirect_vreg.gather [hbm4b:s3+s2], $0x80, v4, vm0, $0xb8;
	[tilespmem:$0x10680] =	vst v63  }
0x1b6: {  	s21 =	simm.s32 $0xE80  }
0x1b7: {  	[tilespmem:s21], [sflag:$0x1] =	stream.indirect_vreg.gather [hbm4b:s3+s2], $0x80, v3, vm0, $0xb8;
	[tilespmem:$0x10680] =	vst v63  }
0x1b8: {  	v3 =	vld [tilespmem:$0x210];
	_ =	sdelay $0x4  }
0x1b9: {  	v53 =	vshrl.u32 v3, $0x3  }
0x1ba: {  	v4 =	vmul.u32 $0x18, v53  }
0x1bb: {  	v3 =	vand.u32 $0x7, v3  }
0x1bc: {  	v3 =	vor.u32 v3, v4  }
0x1bd: {  	v4 =	vperm.xlane v3, v0;
	_ =	sdelay $0x1  }
0x1be: {  	v3 =	vperm.xlane v3, v2;
	v4 =	vadd.s32 v1, v4;
	_ =	sdelay $0x1  }
0x1bf: {  	v3 =	vadd.s32 v1, v3;
	_ =	sdelay $0x2  }
0x1c0: {  	[tilespmem:s0], [sflag:$0x1] =	stream.indirect_vreg.gather [hbm4b:s3+s2], $0x80, v4, vm0, $0xb8;
	[tilespmem:$0x10680] =	vst v63  }
0x1c1: {  	s15 =	simm.s32 $0x1E80  }
0x1c2: {  	[tilespmem:s15], [sflag:$0x1] =	stream.indirect_vreg.gather [hbm4b:s3+s2], $0x80, v3, vm0, $0xb8;
	[tilespmem:$0x10680] =	vst v63  }
0x1c3: {  	v3 =	vld [tilespmem:$0x220];
	_ =	sdelay $0x4  }
0x1c4: {  	v54 =	vshrl.u32 v3, $0x3  }
0x1c5: {  	v4 =	vmul.u32 $0x18, v54  }
0x1c6: {  	v3 =	vand.u32 $0x7, v3  }
0x1c7: {  	v3 =	vor.u32 v3, v4  }
0x1c8: {  	v4 =	vperm.xlane v3, v0;
	_ =	sdelay $0x1  }
0x1c9: {  	v3 =	vperm.xlane v3, v2;
	v4 =	vadd.s32 v1, v4;
	_ =	sdelay $0x1  }
0x1ca: {  	v3 =	vadd.s32 v1, v3;
	_ =	sdelay $0x2  }
0x1cb: {  	[tilespmem:s1], [sflag:$0x1] =	stream.indirect_vreg.gather [hbm4b:s3+s2], $0x80, v4, vm0, $0xb8;
	[tilespmem:$0x10680] =	vst v63  }
0x1cc: {  	_ = 	snop  }
0x1cd: {  	[tilespmem:s7], [sflag:$0x1] =	stream.indirect_vreg.gather [hbm4b:s3+s2], $0x80, v3, vm0, $0xb8;
	[tilespmem:$0x10680] =	vst v63  }
0x1ce: {  	v3 =	vld [tilespmem:$0x230];
	_ =	sdelay $0x4  }
0x1cf: {  	v55 =	vshrl.u32 v3, $0x3  }
0x1d0: {  	v4 =	vmul.u32 $0x18, v55  }
0x1d1: {  	v3 =	vand.u32 $0x7, v3  }
0x1d2: {  	v3 =	vor.u32 v3, v4  }
0x1d3: {  	v4 =	vperm.xlane v3, v0;
	_ =	sdelay $0x1  }
0x1d4: {  	v3 =	vperm.xlane v3, v2;
	v4 =	vadd.s32 v1, v4;
	_ =	sdelay $0x1  }
0x1d5: {  	v3 =	vadd.s32 v1, v3;
	_ =	sdelay $0x2  }
0x1d6: {  	[tilespmem:s22], [sflag:$0x1] =	stream.indirect_vreg.gather [hbm4b:s3+s2], $0x80, v4, vm0, $0xb8;
	[tilespmem:$0x10680] =	vst v63  }
0x1d7: {  	s16 =	simm.s32 $0x3E80  }
0x1d8: {  	[tilespmem:s16], [sflag:$0x1] =	stream.indirect_vreg.gather [hbm4b:s3+s2], $0x80, v3, vm0, $0xb8;
	[tilespmem:$0x10680] =	vst v63  }
0x1d9: {  	v3 =	vld [tilespmem:$0x240];
	_ =	sdelay $0x4  }
0x1da: {  	v56 =	vshrl.u32 v3, $0x3  }
0x1db: {  	v4 =	vmul.u32 $0x18, v56  }
0x1dc: {  	v3 =	vand.u32 $0x7, v3  }
0x1dd: {  	v3 =	vor.u32 v3, v4  }
0x1de: {  	v4 =	vperm.xlane v3, v0;
	_ =	sdelay $0x1  }
0x1df: {  	v3 =	vperm.xlane v3, v2;
	v4 =	vadd.s32 v1, v4;
	_ =	sdelay $0x1  }
0x1e0: {  	v3 =	vadd.s32 v1, v3;
	_ =	sdelay $0x1  }
0x1e1: {  	s22 =	simm.s32 $0x4680  }
0x1e2: {  	[tilespmem:s22], [sflag:$0x1] =	stream.indirect_vreg.gather [hbm4b:s3+s2], $0x80, v4, vm0, $0xb8;
	[tilespmem:$0x10680] =	vst v63  }
0x1e3: {  	_ = 	snop  }
0x1e4: {  	[tilespmem:s24], [sflag:$0x1] =	stream.indirect_vreg.gather [hbm4b:s3+s2], $0x80, v3, vm0, $0xb8;
	[tilespmem:$0x10680] =	vst v63  }
0x1e5: {  	v3 =	vld [tilespmem:$0x250];
	_ =	sdelay $0x4  }
0x1e6: {  	v57 =	vshrl.u32 v3, $0x3  }
0x1e7: {  	v4 =	vmul.u32 $0x18, v57  }
0x1e8: {  	v3 =	vand.u32 $0x7, v3  }
0x1e9: {  	v3 =	vor.u32 v3, v4  }
0x1ea: {  	v4 =	vperm.xlane v3, v0;
	_ =	sdelay $0x1  }
0x1eb: {  	v3 =	vperm.xlane v3, v2;
	v4 =	vadd.s32 v1, v4;
	_ =	sdelay $0x1  }
0x1ec: {  	v3 =	vadd.s32 v1, v3;
	_ =	sdelay $0x2  }
0x1ed: {  	[tilespmem:s25], [sflag:$0x1] =	stream.indirect_vreg.gather [hbm4b:s3+s2], $0x80, v4, vm0, $0xb8;
	[tilespmem:$0x10680] =	vst v63  }
0x1ee: {  	_ = 	snop  }
0x1ef: {  	[tilespmem:s26], [sflag:$0x1] =	stream.indirect_vreg.gather [hbm4b:s3+s2], $0x80, v3, vm0, $0xb8;
	[tilespmem:$0x10680] =	vst v63  }
0x1f0: {  	v3 =	vld [tilespmem:$0x260];
	_ =	sdelay $0x4  }
0x1f1: {  	v58 =	vshrl.u32 v3, $0x3  }
0x1f2: {  	v4 =	vmul.u32 $0x18, v58  }
0x1f3: {  	v3 =	vand.u32 $0x7, v3  }
0x1f4: {  	v3 =	vor.u32 v3, v4  }
0x1f5: {  	v4 =	vperm.xlane v3, v0;
	_ =	sdelay $0x1  }
0x1f6: {  	v3 =	vperm.xlane v3, v2;
	v4 =	vadd.s32 v1, v4;
	_ =	sdelay $0x1  }
0x1f7: {  	v3 =	vadd.s32 v1, v3;
	_ =	sdelay $0x2  }
0x1f8: {  	[tilespmem:s28], [sflag:$0x1] =	stream.indirect_vreg.gather [hbm4b:s3+s2], $0x80, v4, vm0, $0xb8;
	[tilespmem:$0x10680] =	vst v63  }
0x1f9: {  	_ = 	snop  }
0x1fa: {  	[tilespmem:s29], [sflag:$0x1] =	stream.indirect_vreg.gather [hbm4b:s3+s2], $0x80, v3, vm0, $0xb8;
	[tilespmem:$0x10680] =	vst v63  }
0x1fb: {  	v3 =	vld [tilespmem:$0x270];
	_ =	sdelay $0x4  }
0x1fc: {  	v59 =	vshrl.u32 v3, $0x3  }
0x1fd: {  	v4 =	vmul.u32 $0x18, v59  }
0x1fe: {  	v3 =	vand.u32 $0x7, v3  }
0x1ff: {  	v3 =	vor.u32 v3, v4  }
0x200: {  	v4 =	vperm.xlane v3, v0;
	_ =	sdelay $0x1  }
0x201: {  	v3 =	vperm.xlane v3, v2;
	v4 =	vadd.s32 v1, v4;
	_ =	sdelay $0x1  }
0x202: {  	v3 =	vadd.s32 v1, v3;
	_ =	sdelay $0x2  }
0x203: {  	[tilespmem:s30], [sflag:$0x1] =	stream.indirect_vreg.gather [hbm4b:s3+s2], $0x80, v4, vm0, $0xb8;
	[tilespmem:$0x10680] =	vst v63  }
0x204: {  	_ = 	snop  }
0x205: {  	[tilespmem:s31], [sflag:$0x1] =	stream.indirect_vreg.gather [hbm4b:s3+s2], $0x80, v3, vm0, $0xb8;
	[tilespmem:$0x10680] =	vst v63  }
0x206: {  	_ =	swait.ge [sflag:s20], $0x8000  }
0x207: {  	[sflag:s20] =	ssyncset.done $0x0  }
0x208: {  	s22 =	rddreg [dreg:$0x7];
	[sflag:s20] =	ssyncadd.s32 $0xFFFF8000  }
0x209: {  	[hbm4b:s22+s2] =	stream.linear.scatter [tilespmem:s13], [sflag:$0x3], $0x8000, $0x38;
	[tilespmem:$0x10680] =	vst v63  }
0x20a: {  	_ =	swait.ge [sflag:s5], $0x8000  }
0x20b: {  	[sflag:s5] =	ssyncset.done $0x0  }
0x20c: {  	[sflag:s5] =	ssyncadd.s32 $0xFFFF8000  }
0x20d: {  	v3 =	vld [tilespmem:$0x280];
	_ =	sdelay $0x4  }
0x20e: {  	v60 =	vshrl.u32 v3, $0x3  }
0x20f: {  	v4 =	vmul.u32 $0x18, v60  }
0x210: {  	v3 =	vand.u32 $0x7, v3  }
0x211: {  	v3 =	vor.u32 v3, v4  }
0x212: {  	v4 =	vperm.xlane v3, v0;
	_ =	sdelay $0x1  }
0x213: {  	v3 =	vperm.xlane v3, v2;
	v4 =	vadd.s32 v1, v4;
	_ =	sdelay $0x1  }
0x214: {  	v3 =	vadd.s32 v1, v3;
	_ =	sdelay $0x2  }
0x215: {  	[tilespmem:s13], [sflag:$0x2] =	stream.indirect_vreg.gather [hbm4b:s3+s2], $0x80, v4, vm0, $0xb8;
	[tilespmem:$0x10680] =	vst v63  }
0x216: {  	s22 =	simm.s32 $0x8E80  }
0x217: {  	[tilespmem:s22], [sflag:$0x2] =	stream.indirect_vreg.gather [hbm4b:s3+s2], $0x80, v3, vm0, $0xb8;
	[tilespmem:$0x10680] =	vst v63  }
0x218: {  	v3 =	vld [tilespmem:$0x290];
	_ =	sdelay $0x4  }
0x219: {  	v61 =	vshrl.u32 v3, $0x3  }
0x21a: {  	v4 =	vmul.u32 $0x18, v61  }
0x21b: {  	v3 =	vand.u32 $0x7, v3  }
0x21c: {  	v3 =	vor.u32 v3, v4  }
0x21d: {  	v4 =	vperm.xlane v3, v0;
	_ =	sdelay $0x1  }
0x21e: {  	v3 =	vperm.xlane v3, v2;
	v4 =	vadd.s32 v1, v4;
	_ =	sdelay $0x1  }
0x21f: {  	v3 =	vadd.s32 v1, v3;
	_ =	sdelay $0x2  }
0x220: {  	[tilespmem:s8], [sflag:$0x2] =	stream.indirect_vreg.gather [hbm4b:s3+s2], $0x80, v4, vm0, $0xb8;
	[tilespmem:$0x10680] =	vst v63  }
0x221: {  	s21 =	simm.s32 $0x9E80  }
0x222: {  	[tilespmem:s21], [sflag:$0x2] =	stream.indirect_vreg.gather [hbm4b:s3+s2], $0x80, v3, vm0, $0xb8;
	[tilespmem:$0x10680] =	vst v63  }
0x223: {  	v3 =	vld [tilespmem:$0x2A0];
	_ =	sdelay $0x4  }
0x224: {  	v62 =	vshrl.u32 v3, $0x3  }
0x225: {  	v4 =	vmul.u32 $0x18, v62  }
0x226: {  	v3 =	vand.u32 $0x7, v3  }
0x227: {  	v3 =	vor.u32 v3, v4  }
0x228: {  	v4 =	vperm.xlane v3, v0;
	_ =	sdelay $0x1  }
0x229: {  	v3 =	vperm.xlane v3, v2;
	v4 =	vadd.s32 v1, v4;
	_ =	sdelay $0x1  }
0x22a: {  	v3 =	vadd.s32 v1, v3;
	_ =	sdelay $0x1  }
0x22b: {  	s22 =	simm.s32 $0xA680  }
0x22c: {  	[tilespmem:s22], [sflag:$0x2] =	stream.indirect_vreg.gather [hbm4b:s3+s2], $0x80, v4, vm0, $0xb8;
	[tilespmem:$0x10680] =	vst v63  }
0x22d: {  	s21 =	simm.s32 $0xAE80  }
0x22e: {  	[tilespmem:s21], [sflag:$0x2] =	stream.indirect_vreg.gather [hbm4b:s3+s2], $0x80, v3, vm0, $0xb8;
	[tilespmem:$0x10680] =	vst v63  }
0x22f: {  	v3 =	vld [tilespmem:$0x2B0];
	_ =	sdelay $0x4  }
0x230: {  	v63 =	vshrl.u32 v3, $0x3  }
0x231: {  	v4 =	vmul.u32 $0x18, v63  }
0x232: {  	v3 =	vand.u32 $0x7, v3  }
0x233: {  	v3 =	vor.u32 v3, v4  }
0x234: {  	v4 =	vperm.xlane v3, v0;
	_ =	sdelay $0x1  }
0x235: {  	v3 =	vperm.xlane v3, v2;
	v4 =	vadd.s32 v1, v4;
	_ =	sdelay $0x1  }
0x236: {  	v3 =	vadd.s32 v1, v3;
	_ =	sdelay $0x1  }
0x237: {  	s22 =	simm.s32 $0xB680  }
0x238: {  	[tilespmem:s22], [sflag:$0x2] =	stream.indirect_vreg.gather [hbm4b:s3+s2], $0x80, v4, vm0, $0xb8;
	[tilespmem:$0x10680] =	vst v63  }
0x239: {  	_ = 	snop  }
0x23a: {  	[tilespmem:s23], [sflag:$0x2] =	stream.indirect_vreg.gather [hbm4b:s3+s2], $0x80, v3, vm0, $0xb8;
	[tilespmem:$0x10680] =	vst v63  }
0x23b: {  	v3 =	vld [tilespmem:$0x2C0];
	_ =	sdelay $0x4  }
0x23c: {  	v8 =	vshrl.u32 v3, $0x3  }
0x23d: {  	v4 =	vmul.u32 $0x18, v8  }
0x23e: {  	v3 =	vand.u32 $0x7, v3  }
0x23f: {  	v3 =	vor.u32 v3, v4  }
0x240: {  	v4 =	vperm.xlane v3, v0;
	_ =	sdelay $0x1  }
0x241: {  	v3 =	vperm.xlane v3, v2;
	v4 =	vadd.s32 v1, v4;
	_ =	sdelay $0x1  }
0x242: {  	v3 =	vadd.s32 v1, v3;
	_ =	sdelay $0x2  }
0x243: {  	[tilespmem:s9], [sflag:$0x2] =	stream.indirect_vreg.gather [hbm4b:s3+s2], $0x80, v4, vm0, $0xb8;
	[tilespmem:$0x10680] =	vst v63  }
0x244: {  	s23 =	simm.s32 $0xCE80  }
0x245: {  	[tilespmem:s23], [sflag:$0x2] =	stream.indirect_vreg.gather [hbm4b:s3+s2], $0x80, v3, vm0, $0xb8;
	[tilespmem:$0x10680] =	vst v63  }
0x246: {  	v3 =	vld [tilespmem:$0x2D0];
	_ =	sdelay $0x4  }
0x247: {  	v9 =	vshrl.u32 v3, $0x3  }
0x248: {  	v4 =	vmul.u32 $0x18, v9  }
0x249: {  	v3 =	vand.u32 $0x7, v3  }
0x24a: {  	v3 =	vor.u32 v3, v4  }
0x24b: {  	v4 =	vperm.xlane v3, v0;
	_ =	sdelay $0x1  }
0x24c: {  	v3 =	vperm.xlane v3, v2;
	v4 =	vadd.s32 v1, v4;
	_ =	sdelay $0x1  }
0x24d: {  	v3 =	vadd.s32 v1, v3;
	_ =	sdelay $0x2  }
0x24e: {  	[tilespmem:s10], [sflag:$0x2] =	stream.indirect_vreg.gather [hbm4b:s3+s2], $0x80, v4, vm0, $0xb8;
	[tilespmem:$0x10680] =	vst v63  }
0x24f: {  	_ = 	snop  }
0x250: {  	[tilespmem:s14], [sflag:$0x2] =	stream.indirect_vreg.gather [hbm4b:s3+s2], $0x80, v3, vm0, $0xb8;
	[tilespmem:$0x10680] =	vst v63  }
0x251: {  	v3 =	vld [tilespmem:$0x2E0];
	_ =	sdelay $0x4  }
0x252: {  	v10 =	vshrl.u32 v3, $0x3  }
0x253: {  	v4 =	vmul.u32 $0x18, v10  }
0x254: {  	v3 =	vand.u32 $0x7, v3  }
0x255: {  	v3 =	vor.u32 v3, v4  }
0x256: {  	v4 =	vperm.xlane v3, v0;
	_ =	sdelay $0x1  }
0x257: {  	v3 =	vperm.xlane v3, v2;
	v4 =	vadd.s32 v1, v4;
	_ =	sdelay $0x1  }
0x258: {  	v3 =	vadd.s32 v1, v3;
	_ =	sdelay $0x2  }
0x259: {  	[tilespmem:s11], [sflag:$0x2] =	stream.indirect_vreg.gather [hbm4b:s3+s2], $0x80, v4, vm0, $0xb8;
	[tilespmem:$0x10680] =	vst v63  }
0x25a: {  	_ = 	snop  }
0x25b: {  	[tilespmem:s18], [sflag:$0x2] =	stream.indirect_vreg.gather [hbm4b:s3+s2], $0x80, v3, vm0, $0xb8;
	[tilespmem:$0x10680] =	vst v63  }
0x25c: {  	v3 =	vld [tilespmem:$0x2F0];
	_ =	sdelay $0x4  }
0x25d: {  	v11 =	vshrl.u32 v3, $0x3  }
0x25e: {  	v4 =	vmul.u32 $0x18, v11  }
0x25f: {  	v3 =	vand.u32 $0x7, v3  }
0x260: {  	v3 =	vor.u32 v3, v4  }
0x261: {  	v4 =	vperm.xlane v3, v0;
	_ =	sdelay $0x1  }
0x262: {  	v3 =	vperm.xlane v3, v2;
	v4 =	vadd.s32 v1, v4;
	_ =	sdelay $0x1  }
0x263: {  	v3 =	vadd.s32 v1, v3;
	_ =	sdelay $0x2  }
0x264: {  	[tilespmem:s12], [sflag:$0x2] =	stream.indirect_vreg.gather [hbm4b:s3+s2], $0x80, v4, vm0, $0xb8;
	[tilespmem:$0x10680] =	vst v63  }
0x265: {  	s21 =	simm.s32 $0xFE80  }
0x266: {  	[tilespmem:s21], [sflag:$0x2] =	stream.indirect_vreg.gather [hbm4b:s3+s2], $0x80, v3, vm0, $0xb8;
	[tilespmem:$0x10680] =	vst v63  }
0x267: {  	_ =	swait.ge [sflag:s19], $0x8000  }
0x268: {  	[sflag:s19] =	ssyncset.done $0x0  }
0x269: {  	s18 =	rddreg [dreg:$0x8];
	[sflag:s19] =	ssyncadd.s32 $0xFFFF8000  }
0x26a: {  	[hbm4b:s18+s2] =	stream.linear.scatter [tilespmem:s6], [sflag:$0x3], $0x8000, $0x38;
	[tilespmem:$0x10680] =	vst v63  }
0x26b: {  	_ =	swait.ge [sflag:s5], $0x8000  }
0x26c: {  	[sflag:s5] =	ssyncset.done $0x0  }
0x26d: {  	[sflag:s5] =	ssyncadd.s32 $0xFFFF8000  }
0x26e: {  	v3 =	vld [tilespmem:$0x300];
	_ =	sdelay $0x4  }
0x26f: {  	v12 =	vshrl.u32 v3, $0x3  }
0x270: {  	v4 =	vmul.u32 $0x18, v12  }
0x271: {  	v3 =	vand.u32 $0x7, v3  }
0x272: {  	v3 =	vor.u32 v3, v4  }
0x273: {  	v4 =	vperm.xlane v3, v0;
	_ =	sdelay $0x1  }
0x274: {  	v3 =	vperm.xlane v3, v2;
	v4 =	vadd.s32 v1, v4;
	_ =	sdelay $0x1  }
0x275: {  	v3 =	vadd.s32 v1, v3;
	_ =	sdelay $0x2  }
0x276: {  	[tilespmem:s6], [sflag:$0x1] =	stream.indirect_vreg.gather [hbm4b:s3+s2], $0x80, v4, vm0, $0xb8;
	[tilespmem:$0x10680] =	vst v63  }
0x277: {  	s17 =	simm.s32 $0xE80  }
0x278: {  	[tilespmem:s17], [sflag:$0x1] =	stream.indirect_vreg.gather [hbm4b:s3+s2], $0x80, v3, vm0, $0xb8;
	[tilespmem:$0x10680] =	vst v63  }
0x279: {  	v3 =	vld [tilespmem:$0x310];
	_ =	sdelay $0x4  }
0x27a: {  	v13 =	vshrl.u32 v3, $0x3  }
0x27b: {  	v4 =	vmul.u32 $0x18, v13  }
0x27c: {  	v3 =	vand.u32 $0x7, v3  }
0x27d: {  	v3 =	vor.u32 v3, v4  }
0x27e: {  	v4 =	vperm.xlane v3, v0;
	_ =	sdelay $0x1  }
0x27f: {  	v3 =	vperm.xlane v3, v2;
	v4 =	vadd.s32 v1, v4;
	_ =	sdelay $0x1  }
0x280: {  	v3 =	vadd.s32 v1, v3;
	_ =	sdelay $0x1  }
0x281: {  	s0 =	simm.s32 $0x1680  }
0x282: {  	[tilespmem:s0], [sflag:$0x1] =	stream.indirect_vreg.gather [hbm4b:s3+s2], $0x80, v4, vm0, $0xb8;
	[tilespmem:$0x10680] =	vst v63  }
0x283: {  	s21 =	simm.s32 $0x1E80  }
0x284: {  	[tilespmem:s21], [sflag:$0x1] =	stream.indirect_vreg.gather [hbm4b:s3+s2], $0x80, v3, vm0, $0xb8;
	[tilespmem:$0x10680] =	vst v63  }
0x285: {  	v3 =	vld [tilespmem:$0x320];
	_ =	sdelay $0x4  }
0x286: {  	v14 =	vshrl.u32 v3, $0x3  }
0x287: {  	v4 =	vmul.u32 $0x18, v14  }
0x288: {  	v3 =	vand.u32 $0x7, v3  }
0x289: {  	v3 =	vor.u32 v3, v4  }
0x28a: {  	v4 =	vperm.xlane v3, v0;
	_ =	sdelay $0x1  }
0x28b: {  	v3 =	vperm.xlane v3, v2;
	v4 =	vadd.s32 v1, v4;
	_ =	sdelay $0x1  }
0x28c: {  	v3 =	vadd.s32 v1, v3;
	_ =	sdelay $0x1  }
0x28d: {  	s1 =	simm.s32 $0x2680  }
0x28e: {  	[tilespmem:s1], [sflag:$0x1] =	stream.indirect_vreg.gather [hbm4b:s3+s2], $0x80, v4, vm0, $0xb8;
	[tilespmem:$0x10680] =	vst v63  }
0x28f: {  	s15 =	simm.s32 $0x2E80  }
0x290: {  	[tilespmem:s15], [sflag:$0x1] =	stream.indirect_vreg.gather [hbm4b:s3+s2], $0x80, v3, vm0, $0xb8;
	[tilespmem:$0x10680] =	vst v63  }
0x291: {  	v3 =	vld [tilespmem:$0x330];
	_ =	sdelay $0x4  }
0x292: {  	v15 =	vshrl.u32 v3, $0x3  }
0x293: {  	v4 =	vmul.u32 $0x18, v15  }
0x294: {  	v3 =	vand.u32 $0x7, v3  }
0x295: {  	v3 =	vor.u32 v3, v4  }
0x296: {  	v4 =	vperm.xlane v3, v0;
	_ =	sdelay $0x1  }
0x297: {  	v3 =	vperm.xlane v3, v2;
	v4 =	vadd.s32 v1, v4;
	_ =	sdelay $0x1  }
0x298: {  	v3 =	vadd.s32 v1, v3;
	_ =	sdelay $0x1  }
0x299: {  	s7 =	simm.s32 $0x3680  }
0x29a: {  	[tilespmem:s7], [sflag:$0x1] =	stream.indirect_vreg.gather [hbm4b:s3+s2], $0x80, v4, vm0, $0xb8;
	[tilespmem:$0x10680] =	vst v63  }
0x29b: {  	s16 =	simm.s32 $0x3E80  }
0x29c: {  	[tilespmem:s16], [sflag:$0x1] =	stream.indirect_vreg.gather [hbm4b:s3+s2], $0x80, v3, vm0, $0xb8;
	[tilespmem:$0x10680] =	vst v63  }
0x29d: {  	v3 =	vld [tilespmem:$0x340];
	_ =	sdelay $0x4  }
0x29e: {  	v16 =	vshrl.u32 v3, $0x3  }
0x29f: {  	v4 =	vmul.u32 $0x18, v16  }
0x2a0: {  	v3 =	vand.u32 $0x7, v3  }
0x2a1: {  	v3 =	vor.u32 v3, v4  }
0x2a2: {  	v4 =	vperm.xlane v3, v0;
	_ =	sdelay $0x1  }
0x2a3: {  	v3 =	vperm.xlane v3, v2;
	v4 =	vadd.s32 v1, v4;
	_ =	sdelay $0x1  }
0x2a4: {  	v3 =	vadd.s32 v1, v3;
	_ =	sdelay $0x1  }
0x2a5: {  	s21 =	simm.s32 $0x4680  }
0x2a6: {  	[tilespmem:s21], [sflag:$0x1] =	stream.indirect_vreg.gather [hbm4b:s3+s2], $0x80, v4, vm0, $0xb8;
	[tilespmem:$0x10680] =	vst v63  }
0x2a7: {  	s24 =	simm.s32 $0x4E80  }
0x2a8: {  	[tilespmem:s24], [sflag:$0x1] =	stream.indirect_vreg.gather [hbm4b:s3+s2], $0x80, v3, vm0, $0xb8;
	[tilespmem:$0x10680] =	vst v63  }
0x2a9: {  	v3 =	vld [tilespmem:$0x350];
	_ =	sdelay $0x4  }
0x2aa: {  	v17 =	vshrl.u32 v3, $0x3  }
0x2ab: {  	v4 =	vmul.u32 $0x18, v17  }
0x2ac: {  	v3 =	vand.u32 $0x7, v3  }
0x2ad: {  	v3 =	vor.u32 v3, v4  }
0x2ae: {  	v4 =	vperm.xlane v3, v0;
	_ =	sdelay $0x1  }
0x2af: {  	v3 =	vperm.xlane v3, v2;
	v4 =	vadd.s32 v1, v4;
	_ =	sdelay $0x1  }
0x2b0: {  	v3 =	vadd.s32 v1, v3;
	_ =	sdelay $0x1  }
0x2b1: {  	s25 =	simm.s32 $0x5680  }
0x2b2: {  	[tilespmem:s25], [sflag:$0x1] =	stream.indirect_vreg.gather [hbm4b:s3+s2], $0x80, v4, vm0, $0xb8;
	[tilespmem:$0x10680] =	vst v63  }
0x2b3: {  	s26 =	simm.s32 $0x5E80  }
0x2b4: {  	[tilespmem:s26], [sflag:$0x1] =	stream.indirect_vreg.gather [hbm4b:s3+s2], $0x80, v3, vm0, $0xb8;
	[tilespmem:$0x10680] =	vst v63  }
0x2b5: {  	v3 =	vld [tilespmem:$0x360];
	_ =	sdelay $0x4  }
0x2b6: {  	v18 =	vshrl.u32 v3, $0x3  }
0x2b7: {  	v4 =	vmul.u32 $0x18, v18  }
0x2b8: {  	v3 =	vand.u32 $0x7, v3  }
0x2b9: {  	v3 =	vor.u32 v3, v4  }
0x2ba: {  	v4 =	vperm.xlane v3, v0;
	_ =	sdelay $0x1  }
0x2bb: {  	v3 =	vperm.xlane v3, v2;
	v4 =	vadd.s32 v1, v4;
	_ =	sdelay $0x1  }
0x2bc: {  	v3 =	vadd.s32 v1, v3;
	_ =	sdelay $0x1  }
0x2bd: {  	s28 =	simm.s32 $0x6680  }
0x2be: {  	[tilespmem:s28], [sflag:$0x1] =	stream.indirect_vreg.gather [hbm4b:s3+s2], $0x80, v4, vm0, $0xb8;
	[tilespmem:$0x10680] =	vst v63  }
0x2bf: {  	s29 =	simm.s32 $0x6E80  }
0x2c0: {  	[tilespmem:s29], [sflag:$0x1] =	stream.indirect_vreg.gather [hbm4b:s3+s2], $0x80, v3, vm0, $0xb8;
	[tilespmem:$0x10680] =	vst v63  }
0x2c1: {  	v3 =	vld [tilespmem:$0x370];
	_ =	sdelay $0x4  }
0x2c2: {  	v19 =	vshrl.u32 v3, $0x3  }
0x2c3: {  	v4 =	vmul.u32 $0x18, v19  }
0x2c4: {  	v3 =	vand.u32 $0x7, v3  }
0x2c5: {  	v3 =	vor.u32 v3, v4  }
0x2c6: {  	v4 =	vperm.xlane v3, v0;
	_ =	sdelay $0x1  }
0x2c7: {  	v3 =	vperm.xlane v3, v2;
	v4 =	vadd.s32 v1, v4;
	_ =	sdelay $0x1  }
0x2c8: {  	v3 =	vadd.s32 v1, v3;
	_ =	sdelay $0x1  }
0x2c9: {  	s30 =	simm.s32 $0x7680  }
0x2ca: {  	[tilespmem:s30], [sflag:$0x1] =	stream.indirect_vreg.gather [hbm4b:s3+s2], $0x80, v4, vm0, $0xb8;
	[tilespmem:$0x10680] =	vst v63  }
0x2cb: {  	s31 =	simm.s32 $0x7E80  }
0x2cc: {  	[tilespmem:s31], [sflag:$0x1] =	stream.indirect_vreg.gather [hbm4b:s3+s2], $0x80, v3, vm0, $0xb8;
	[tilespmem:$0x10680] =	vst v63  }
0x2cd: {  	_ =	swait.ge [sflag:s20], $0x8000  }
0x2ce: {  	[sflag:s20] =	ssyncset.done $0x0  }
0x2cf: {  	s21 =	rddreg [dreg:$0x9];
	[sflag:s20] =	ssyncadd.s32 $0xFFFF8000  }
0x2d0: {  	[hbm4b:s21+s2] =	stream.linear.scatter [tilespmem:s13], [sflag:$0x3], $0x8000, $0x38;
	[tilespmem:$0x10680] =	vst v63  }
0x2d1: {  	_ =	swait.ge [sflag:s5], $0x8000  }
0x2d2: {  	[sflag:s5] =	ssyncset.done $0x0  }
0x2d3: {  	[sflag:s5] =	ssyncadd.s32 $0xFFFF8000  }
0x2d4: {  	v3 =	vld [tilespmem:$0x380];
	_ =	sdelay $0x4  }
0x2d5: {  	v20 =	vshrl.u32 v3, $0x3  }
0x2d6: {  	v4 =	vmul.u32 $0x18, v20  }
0x2d7: {  	v3 =	vand.u32 $0x7, v3  }
0x2d8: {  	v3 =	vor.u32 v3, v4  }
0x2d9: {  	v4 =	vperm.xlane v3, v0;
	_ =	sdelay $0x1  }
0x2da: {  	v3 =	vperm.xlane v3, v2;
	v4 =	vadd.s32 v1, v4;
	_ =	sdelay $0x1  }
0x2db: {  	v3 =	vadd.s32 v1, v3;
	_ =	sdelay $0x2  }
0x2dc: {  	[tilespmem:s13], [sflag:$0x2] =	stream.indirect_vreg.gather [hbm4b:s3+s2], $0x80, v4, vm0, $0xb8;
	[tilespmem:$0x10680] =	vst v63  }
0x2dd: {  	s21 =	simm.s32 $0x8E80  }
0x2de: {  	[tilespmem:s21], [sflag:$0x2] =	stream.indirect_vreg.gather [hbm4b:s3+s2], $0x80, v3, vm0, $0xb8;
	[tilespmem:$0x10680] =	vst v63  }
0x2df: {  	v3 =	vld [tilespmem:$0x390];
	_ =	sdelay $0x4  }
0x2e0: {  	v21 =	vshrl.u32 v3, $0x3  }
0x2e1: {  	v4 =	vmul.u32 $0x18, v21  }
0x2e2: {  	v3 =	vand.u32 $0x7, v3  }
0x2e3: {  	v3 =	vor.u32 v3, v4  }
0x2e4: {  	v4 =	vperm.xlane v3, v0;
	_ =	sdelay $0x1  }
0x2e5: {  	v3 =	vperm.xlane v3, v2;
	v4 =	vadd.s32 v1, v4;
	_ =	sdelay $0x1  }
0x2e6: {  	v3 =	vadd.s32 v1, v3;
	_ =	sdelay $0x1  }
0x2e7: {  	s21 =	simm.s32 $0x9680  }
0x2e8: {  	[tilespmem:s21], [sflag:$0x2] =	stream.indirect_vreg.gather [hbm4b:s3+s2], $0x80, v4, vm0, $0xb8;
	[tilespmem:$0x10680] =	vst v63  }
0x2e9: {  	s21 =	simm.s32 $0x9E80  }
0x2ea: {  	[tilespmem:s21], [sflag:$0x2] =	stream.indirect_vreg.gather [hbm4b:s3+s2], $0x80, v3, vm0, $0xb8;
	[tilespmem:$0x10680] =	vst v63  }
0x2eb: {  	v3 =	vld [tilespmem:$0x3A0];
	_ =	sdelay $0x4  }
0x2ec: {  	v22 =	vshrl.u32 v3, $0x3  }
0x2ed: {  	v4 =	vmul.u32 $0x18, v22  }
0x2ee: {  	v3 =	vand.u32 $0x7, v3  }
0x2ef: {  	v3 =	vor.u32 v3, v4  }
0x2f0: {  	v4 =	vperm.xlane v3, v0;
	_ =	sdelay $0x1  }
0x2f1: {  	v3 =	vperm.xlane v3, v2;
	v4 =	vadd.s32 v1, v4;
	_ =	sdelay $0x1  }
0x2f2: {  	v3 =	vadd.s32 v1, v3;
	_ =	sdelay $0x1  }
0x2f3: {  	s21 =	simm.s32 $0xA680  }
0x2f4: {  	[tilespmem:s21], [sflag:$0x2] =	stream.indirect_vreg.gather [hbm4b:s3+s2], $0x80, v4, vm0, $0xb8;
	[tilespmem:$0x10680] =	vst v63  }
0x2f5: {  	s21 =	simm.s32 $0xAE80  }
0x2f6: {  	[tilespmem:s21], [sflag:$0x2] =	stream.indirect_vreg.gather [hbm4b:s3+s2], $0x80, v3, vm0, $0xb8;
	[tilespmem:$0x10680] =	vst v63  }
0x2f7: {  	v3 =	vld [tilespmem:$0x3B0];
	_ =	sdelay $0x4  }
0x2f8: {  	v23 =	vshrl.u32 v3, $0x3  }
0x2f9: {  	v4 =	vmul.u32 $0x18, v23  }
0x2fa: {  	v3 =	vand.u32 $0x7, v3  }
0x2fb: {  	v3 =	vor.u32 v3, v4  }
0x2fc: {  	v4 =	vperm.xlane v3, v0;
	_ =	sdelay $0x1  }
0x2fd: {  	v3 =	vperm.xlane v3, v2;
	v4 =	vadd.s32 v1, v4;
	_ =	sdelay $0x1  }
0x2fe: {  	v3 =	vadd.s32 v1, v3;
	_ =	sdelay $0x1  }
0x2ff: {  	s21 =	simm.s32 $0xB680  }
0x300: {  	[tilespmem:s21], [sflag:$0x2] =	stream.indirect_vreg.gather [hbm4b:s3+s2], $0x80, v4, vm0, $0xb8;
	[tilespmem:$0x10680] =	vst v63  }
0x301: {  	s22 =	simm.s32 $0xBE80  }
0x302: {  	[tilespmem:s22], [sflag:$0x2] =	stream.indirect_vreg.gather [hbm4b:s3+s2], $0x80, v3, vm0, $0xb8;
	[tilespmem:$0x10680] =	vst v63  }
0x303: {  	v3 =	vld [tilespmem:$0x3C0];
	_ =	sdelay $0x4  }
0x304: {  	v24 =	vshrl.u32 v3, $0x3  }
0x305: {  	v4 =	vmul.u32 $0x18, v24  }
0x306: {  	v3 =	vand.u32 $0x7, v3  }
0x307: {  	v3 =	vor.u32 v3, v4  }
0x308: {  	v4 =	vperm.xlane v3, v0;
	_ =	sdelay $0x1  }
0x309: {  	v3 =	vperm.xlane v3, v2;
	v4 =	vadd.s32 v1, v4;
	_ =	sdelay $0x1  }
0x30a: {  	v3 =	vadd.s32 v1, v3;
	_ =	sdelay $0x1  }
0x30b: {  	s9 =	simm.s32 $0xC680  }
0x30c: {  	[tilespmem:s9], [sflag:$0x2] =	stream.indirect_vreg.gather [hbm4b:s3+s2], $0x80, v4, vm0, $0xb8;
	[tilespmem:$0x10680] =	vst v63  }
0x30d: {  	s23 =	simm.s32 $0xCE80  }
0x30e: {  	[tilespmem:s23], [sflag:$0x2] =	stream.indirect_vreg.gather [hbm4b:s3+s2], $0x80, v3, vm0, $0xb8;
	[tilespmem:$0x10680] =	vst v63  }
0x30f: {  	v3 =	vld [tilespmem:$0x3D0];
	_ =	sdelay $0x4  }
0x310: {  	v25 =	vshrl.u32 v3, $0x3  }
0x311: {  	v4 =	vmul.u32 $0x18, v25  }
0x312: {  	v3 =	vand.u32 $0x7, v3  }
0x313: {  	v3 =	vor.u32 v3, v4  }
0x314: {  	v4 =	vperm.xlane v3, v0;
	_ =	sdelay $0x1  }
0x315: {  	v3 =	vperm.xlane v3, v2;
	v4 =	vadd.s32 v1, v4;
	_ =	sdelay $0x1  }
0x316: {  	v3 =	vadd.s32 v1, v3;
	_ =	sdelay $0x1  }
0x317: {  	s10 =	simm.s32 $0xD680  }
0x318: {  	[tilespmem:s10], [sflag:$0x2] =	stream.indirect_vreg.gather [hbm4b:s3+s2], $0x80, v4, vm0, $0xb8;
	[tilespmem:$0x10680] =	vst v63  }
0x319: {  	s8 =	simm.s32 $0xDE80  }
0x31a: {  	[tilespmem:s8], [sflag:$0x2] =	stream.indirect_vreg.gather [hbm4b:s3+s2], $0x80, v3, vm0, $0xb8;
	[tilespmem:$0x10680] =	vst v63  }
0x31b: {  	v3 =	vld [tilespmem:$0x3E0];
	_ =	sdelay $0x4  }
0x31c: {  	v26 =	vshrl.u32 v3, $0x3  }
0x31d: {  	v4 =	vmul.u32 $0x18, v26  }
0x31e: {  	v3 =	vand.u32 $0x7, v3  }
0x31f: {  	v3 =	vor.u32 v3, v4  }
0x320: {  	v4 =	vperm.xlane v3, v0;
	_ =	sdelay $0x1  }
0x321: {  	v3 =	vperm.xlane v3, v2;
	v4 =	vadd.s32 v1, v4;
	_ =	sdelay $0x1  }
0x322: {  	v3 =	vadd.s32 v1, v3;
	_ =	sdelay $0x1  }
0x323: {  	s11 =	simm.s32 $0xE680  }
0x324: {  	[tilespmem:s11], [sflag:$0x2] =	stream.indirect_vreg.gather [hbm4b:s3+s2], $0x80, v4, vm0, $0xb8;
	[tilespmem:$0x10680] =	vst v63  }
0x325: {  	s14 =	simm.s32 $0xEE80  }
0x326: {  	[tilespmem:s14], [sflag:$0x2] =	stream.indirect_vreg.gather [hbm4b:s3+s2], $0x80, v3, vm0, $0xb8;
	[tilespmem:$0x10680] =	vst v63  }
0x327: {  	v3 =	vld [tilespmem:$0x3F0];
	_ =	sdelay $0x4  }
0x328: {  	v27 =	vshrl.u32 v3, $0x3  }
0x329: {  	v4 =	vmul.u32 $0x18, v27  }
0x32a: {  	v3 =	vand.u32 $0x7, v3  }
0x32b: {  	v3 =	vor.u32 v3, v4  }
0x32c: {  	v4 =	vperm.xlane v3, v0;
	_ =	sdelay $0x1  }
0x32d: {  	v3 =	vperm.xlane v3, v2;
	v4 =	vadd.s32 v1, v4;
	_ =	sdelay $0x1  }
0x32e: {  	v3 =	vadd.s32 v1, v3;
	_ =	sdelay $0x1  }
0x32f: {  	s12 =	simm.s32 $0xF680  }
0x330: {  	[tilespmem:s12], [sflag:$0x2] =	stream.indirect_vreg.gather [hbm4b:s3+s2], $0x80, v4, vm0, $0xb8;
	[tilespmem:$0x10680] =	vst v63  }
0x331: {  	s21 =	simm.s32 $0xFE80  }
0x332: {  	[tilespmem:s21], [sflag:$0x2] =	stream.indirect_vreg.gather [hbm4b:s3+s2], $0x80, v3, vm0, $0xb8;
	[tilespmem:$0x10680] =	vst v63  }
0x333: {  	_ =	swait.ge [sflag:s19], $0x8000  }
0x334: {  	[sflag:s19] =	ssyncset.done $0x0  }
0x335: {  	s22 =	rddreg [dreg:$0xa];
	[sflag:s19] =	ssyncadd.s32 $0xFFFF8000  }
0x336: {  	[hbm4b:s22+s2] =	stream.linear.scatter [tilespmem:s6], [sflag:$0x3], $0x8000, $0x38;
	[tilespmem:$0x10680] =	vst v63  }
0x337: {  	_ =	swait.ge [sflag:s5], $0x8000  }
0x338: {  	[sflag:s5] =	ssyncset.done $0x0  }
0x339: {  	[sflag:s5] =	ssyncadd.s32 $0xFFFF8000  }
0x33a: {  	v3 =	vld [tilespmem:$0x400];
	_ =	sdelay $0x4  }
0x33b: {  	v28 =	vshrl.u32 v3, $0x3  }
0x33c: {  	v4 =	vmul.u32 $0x18, v28  }
0x33d: {  	v3 =	vand.u32 $0x7, v3  }
0x33e: {  	v3 =	vor.u32 v3, v4  }
0x33f: {  	v4 =	vperm.xlane v3, v0;
	_ =	sdelay $0x1  }
0x340: {  	v3 =	vperm.xlane v3, v2;
	v4 =	vadd.s32 v1, v4;
	_ =	sdelay $0x1  }
0x341: {  	v3 =	vadd.s32 v1, v3;
	_ =	sdelay $0x2  }
0x342: {  	[tilespmem:s6], [sflag:$0x1] =	stream.indirect_vreg.gather [hbm4b:s3+s2], $0x80, v4, vm0, $0xb8;
	[tilespmem:$0x10680] =	vst v63  }
0x343: {  	s17 =	simm.s32 $0xE80  }
0x344: {  	[tilespmem:s17], [sflag:$0x1] =	stream.indirect_vreg.gather [hbm4b:s3+s2], $0x80, v3, vm0, $0xb8;
	[tilespmem:$0x10680] =	vst v63  }
0x345: {  	v3 =	vld [tilespmem:$0x410];
	_ =	sdelay $0x4  }
0x346: {  	v29 =	vshrl.u32 v3, $0x3  }
0x347: {  	v4 =	vmul.u32 $0x18, v29  }
0x348: {  	v3 =	vand.u32 $0x7, v3  }
0x349: {  	v3 =	vor.u32 v3, v4  }
0x34a: {  	v4 =	vperm.xlane v3, v0;
	_ =	sdelay $0x1  }
0x34b: {  	v3 =	vperm.xlane v3, v2;
	v4 =	vadd.s32 v1, v4;
	_ =	sdelay $0x1  }
0x34c: {  	v3 =	vadd.s32 v1, v3;
	_ =	sdelay $0x1  }
0x34d: {  	s0 =	simm.s32 $0x1680  }
0x34e: {  	[tilespmem:s0], [sflag:$0x1] =	stream.indirect_vreg.gather [hbm4b:s3+s2], $0x80, v4, vm0, $0xb8;
	[tilespmem:$0x10680] =	vst v63  }
0x34f: {  	s18 =	simm.s32 $0x1E80  }
0x350: {  	[tilespmem:s18], [sflag:$0x1] =	stream.indirect_vreg.gather [hbm4b:s3+s2], $0x80, v3, vm0, $0xb8;
	[tilespmem:$0x10680] =	vst v63  }
0x351: {  	v3 =	vld [tilespmem:$0x420];
	_ =	sdelay $0x4  }
0x352: {  	v30 =	vshrl.u32 v3, $0x3  }
0x353: {  	v4 =	vmul.u32 $0x18, v30  }
0x354: {  	v3 =	vand.u32 $0x7, v3  }
0x355: {  	v3 =	vor.u32 v3, v4  }
0x356: {  	v4 =	vperm.xlane v3, v0;
	_ =	sdelay $0x1  }
0x357: {  	v3 =	vperm.xlane v3, v2;
	v4 =	vadd.s32 v1, v4;
	_ =	sdelay $0x1  }
0x358: {  	v3 =	vadd.s32 v1, v3;
	_ =	sdelay $0x1  }
0x359: {  	s1 =	simm.s32 $0x2680  }
0x35a: {  	[tilespmem:s1], [sflag:$0x1] =	stream.indirect_vreg.gather [hbm4b:s3+s2], $0x80, v4, vm0, $0xb8;
	[tilespmem:$0x10680] =	vst v63  }
0x35b: {  	s15 =	simm.s32 $0x2E80  }
0x35c: {  	[tilespmem:s15], [sflag:$0x1] =	stream.indirect_vreg.gather [hbm4b:s3+s2], $0x80, v3, vm0, $0xb8;
	[tilespmem:$0x10680] =	vst v63  }
0x35d: {  	v3 =	vld [tilespmem:$0x430];
	_ =	sdelay $0x4  }
0x35e: {  	v31 =	vshrl.u32 v3, $0x3  }
0x35f: {  	v4 =	vmul.u32 $0x18, v31  }
0x360: {  	v3 =	vand.u32 $0x7, v3  }
0x361: {  	v3 =	vor.u32 v3, v4  }
0x362: {  	v4 =	vperm.xlane v3, v0;
	_ =	sdelay $0x1  }
0x363: {  	v3 =	vperm.xlane v3, v2;
	v4 =	vadd.s32 v1, v4;
	_ =	sdelay $0x1  }
0x364: {  	v3 =	vadd.s32 v1, v3;
	_ =	sdelay $0x1  }
0x365: {  	s7 =	simm.s32 $0x3680  }
0x366: {  	[tilespmem:s7], [sflag:$0x1] =	stream.indirect_vreg.gather [hbm4b:s3+s2], $0x80, v4, vm0, $0xb8;
	[tilespmem:$0x10680] =	vst v63  }
0x367: {  	s16 =	simm.s32 $0x3E80  }
0x368: {  	[tilespmem:s16], [sflag:$0x1] =	stream.indirect_vreg.gather [hbm4b:s3+s2], $0x80, v3, vm0, $0xb8;
	[tilespmem:$0x10680] =	vst v63  }
0x369: {  	v3 =	vld [tilespmem:$0x440];
	_ =	sdelay $0x4  }
0x36a: {  	v32 =	vshrl.u32 v3, $0x3  }
0x36b: {  	v4 =	vmul.u32 $0x18, v32  }
0x36c: {  	v3 =	vand.u32 $0x7, v3  }
0x36d: {  	v3 =	vor.u32 v3, v4  }
0x36e: {  	v4 =	vperm.xlane v3, v0;
	_ =	sdelay $0x1  }
0x36f: {  	v3 =	vperm.xlane v3, v2;
	v4 =	vadd.s32 v1, v4;
	_ =	sdelay $0x1  }
0x370: {  	v3 =	vadd.s32 v1, v3;
	_ =	sdelay $0x1  }
0x371: {  	s23 =	simm.s32 $0x4680  }
0x372: {  	[tilespmem:s23], [sflag:$0x1] =	stream.indirect_vreg.gather [hbm4b:s3+s2], $0x80, v4, vm0, $0xb8;
	[tilespmem:$0x10680] =	vst v63  }
0x373: {  	s24 =	simm.s32 $0x4E80  }
0x374: {  	[tilespmem:s24], [sflag:$0x1] =	stream.indirect_vreg.gather [hbm4b:s3+s2], $0x80, v3, vm0, $0xb8;
	[tilespmem:$0x10680] =	vst v63  }
0x375: {  	v3 =	vld [tilespmem:$0x450];
	_ =	sdelay $0x4  }
0x376: {  	v33 =	vshrl.u32 v3, $0x3  }
0x377: {  	v4 =	vmul.u32 $0x18, v33  }
0x378: {  	v3 =	vand.u32 $0x7, v3  }
0x379: {  	v3 =	vor.u32 v3, v4  }
0x37a: {  	v4 =	vperm.xlane v3, v0;
	_ =	sdelay $0x1  }
0x37b: {  	v3 =	vperm.xlane v3, v2;
	v4 =	vadd.s32 v1, v4;
	_ =	sdelay $0x1  }
0x37c: {  	v3 =	vadd.s32 v1, v3;
	_ =	sdelay $0x1  }
0x37d: {  	s25 =	simm.s32 $0x5680  }
0x37e: {  	[tilespmem:s25], [sflag:$0x1] =	stream.indirect_vreg.gather [hbm4b:s3+s2], $0x80, v4, vm0, $0xb8;
	[tilespmem:$0x10680] =	vst v63  }
0x37f: {  	s26 =	simm.s32 $0x5E80  }
0x380: {  	[tilespmem:s26], [sflag:$0x1] =	stream.indirect_vreg.gather [hbm4b:s3+s2], $0x80, v3, vm0, $0xb8;
	[tilespmem:$0x10680] =	vst v63  }
0x381: {  	v3 =	vld [tilespmem:$0x460];
	_ =	sdelay $0x4  }
0x382: {  	v34 =	vshrl.u32 v3, $0x3  }
0x383: {  	v4 =	vmul.u32 $0x18, v34  }
0x384: {  	v3 =	vand.u32 $0x7, v3  }
0x385: {  	v3 =	vor.u32 v3, v4  }
0x386: {  	v4 =	vperm.xlane v3, v0;
	_ =	sdelay $0x1  }
0x387: {  	v3 =	vperm.xlane v3, v2;
	v4 =	vadd.s32 v1, v4;
	_ =	sdelay $0x1  }
0x388: {  	v3 =	vadd.s32 v1, v3;
	_ =	sdelay $0x1  }
0x389: {  	s28 =	simm.s32 $0x6680  }
0x38a: {  	[tilespmem:s28], [sflag:$0x1] =	stream.indirect_vreg.gather [hbm4b:s3+s2], $0x80, v4, vm0, $0xb8;
	[tilespmem:$0x10680] =	vst v63  }
0x38b: {  	s29 =	simm.s32 $0x6E80  }
0x38c: {  	[tilespmem:s29], [sflag:$0x1] =	stream.indirect_vreg.gather [hbm4b:s3+s2], $0x80, v3, vm0, $0xb8;
	[tilespmem:$0x10680] =	vst v63  }
0x38d: {  	v3 =	vld [tilespmem:$0x470];
	_ =	sdelay $0x4  }
0x38e: {  	v35 =	vshrl.u32 v3, $0x3  }
0x38f: {  	v4 =	vmul.u32 $0x18, v35  }
0x390: {  	v3 =	vand.u32 $0x7, v3  }
0x391: {  	v3 =	vor.u32 v3, v4  }
0x392: {  	v4 =	vperm.xlane v3, v0;
	_ =	sdelay $0x1  }
0x393: {  	v3 =	vperm.xlane v3, v2;
	v4 =	vadd.s32 v1, v4;
	_ =	sdelay $0x1  }
0x394: {  	v3 =	vadd.s32 v1, v3;
	_ =	sdelay $0x1  }
0x395: {  	s30 =	simm.s32 $0x7680  }
0x396: {  	[tilespmem:s30], [sflag:$0x1] =	stream.indirect_vreg.gather [hbm4b:s3+s2], $0x80, v4, vm0, $0xb8;
	[tilespmem:$0x10680] =	vst v63  }
0x397: {  	s31 =	simm.s32 $0x7E80  }
0x398: {  	[tilespmem:s31], [sflag:$0x1] =	stream.indirect_vreg.gather [hbm4b:s3+s2], $0x80, v3, vm0, $0xb8;
	[tilespmem:$0x10680] =	vst v63  }
0x399: {  	_ =	swait.ge [sflag:s20], $0x8000  }
0x39a: {  	[sflag:s20] =	ssyncset.done $0x0  }
0x39b: {  	s15 =	rddreg [dreg:$0xb];
	[sflag:s20] =	ssyncadd.s32 $0xFFFF8000  }
0x39c: {  	[hbm4b:s15+s2] =	stream.linear.scatter [tilespmem:s13], [sflag:$0x3], $0x8000, $0x38;
	[tilespmem:$0x10680] =	vst v63  }
0x39d: {  	_ =	swait.ge [sflag:s5], $0x8000  }
0x39e: {  	[sflag:s5] =	ssyncset.done $0x0  }
0x39f: {  	[sflag:s5] =	ssyncadd.s32 $0xFFFF8000  }
0x3a0: {  	v3 =	vld [tilespmem:$0x480];
	_ =	sdelay $0x4  }
0x3a1: {  	v36 =	vshrl.u32 v3, $0x3  }
0x3a2: {  	v4 =	vmul.u32 $0x18, v36  }
0x3a3: {  	v3 =	vand.u32 $0x7, v3  }
0x3a4: {  	v3 =	vor.u32 v3, v4  }
0x3a5: {  	v4 =	vperm.xlane v3, v0;
	_ =	sdelay $0x1  }
0x3a6: {  	v3 =	vperm.xlane v3, v2;
	v4 =	vadd.s32 v1, v4;
	_ =	sdelay $0x1  }
0x3a7: {  	v3 =	vadd.s32 v1, v3;
	_ =	sdelay $0x2  }
0x3a8: {  	[tilespmem:s13], [sflag:$0x2] =	stream.indirect_vreg.gather [hbm4b:s3+s2], $0x80, v4, vm0, $0xb8;
	[tilespmem:$0x10680] =	vst v63  }
0x3a9: {  	s16 =	simm.s32 $0x8E80  }
0x3aa: {  	[tilespmem:s16], [sflag:$0x2] =	stream.indirect_vreg.gather [hbm4b:s3+s2], $0x80, v3, vm0, $0xb8;
	[tilespmem:$0x10680] =	vst v63  }
0x3ab: {  	v3 =	vld [tilespmem:$0x490];
	_ =	sdelay $0x4  }
0x3ac: {  	v37 =	vshrl.u32 v3, $0x3  }
0x3ad: {  	v4 =	vmul.u32 $0x18, v37  }
0x3ae: {  	v3 =	vand.u32 $0x7, v3  }
0x3af: {  	v3 =	vor.u32 v3, v4  }
0x3b0: {  	v4 =	vperm.xlane v3, v0;
	_ =	sdelay $0x1  }
0x3b1: {  	v3 =	vperm.xlane v3, v2;
	v4 =	vadd.s32 v1, v4;
	_ =	sdelay $0x1  }
0x3b2: {  	v3 =	vadd.s32 v1, v3;
	_ =	sdelay $0x1  }
0x3b3: {  	s21 =	simm.s32 $0x9680  }
0x3b4: {  	[tilespmem:s21], [sflag:$0x2] =	stream.indirect_vreg.gather [hbm4b:s3+s2], $0x80, v4, vm0, $0xb8;
	[tilespmem:$0x10680] =	vst v63  }
0x3b5: {  	s23 =	simm.s32 $0x9E80  }
0x3b6: {  	[tilespmem:s23], [sflag:$0x2] =	stream.indirect_vreg.gather [hbm4b:s3+s2], $0x80, v3, vm0, $0xb8;
	[tilespmem:$0x10680] =	vst v63  }
0x3b7: {  	v3 =	vld [tilespmem:$0x4A0];
	_ =	sdelay $0x4  }
0x3b8: {  	v38 =	vshrl.u32 v3, $0x3  }
0x3b9: {  	v4 =	vmul.u32 $0x18, v38  }
0x3ba: {  	v3 =	vand.u32 $0x7, v3  }
0x3bb: {  	v3 =	vor.u32 v3, v4  }
0x3bc: {  	v4 =	vperm.xlane v3, v0;
	_ =	sdelay $0x1  }
0x3bd: {  	v3 =	vperm.xlane v3, v2;
	v4 =	vadd.s32 v1, v4;
	_ =	sdelay $0x1  }
0x3be: {  	v3 =	vadd.s32 v1, v3;
	_ =	sdelay $0x1  }
0x3bf: {  	s16 =	simm.s32 $0xA680  }
0x3c0: {  	[tilespmem:s16], [sflag:$0x2] =	stream.indirect_vreg.gather [hbm4b:s3+s2], $0x80, v4, vm0, $0xb8;
	[tilespmem:$0x10680] =	vst v63  }
0x3c1: {  	s21 =	simm.s32 $0xAE80  }
0x3c2: {  	[tilespmem:s21], [sflag:$0x2] =	stream.indirect_vreg.gather [hbm4b:s3+s2], $0x80, v3, vm0, $0xb8;
	[tilespmem:$0x10680] =	vst v63  }
0x3c3: {  	v3 =	vld [tilespmem:$0x4B0];
	_ =	sdelay $0x4  }
0x3c4: {  	v39 =	vshrl.u32 v3, $0x3  }
0x3c5: {  	v4 =	vmul.u32 $0x18, v39  }
0x3c6: {  	v3 =	vand.u32 $0x7, v3  }
0x3c7: {  	v3 =	vor.u32 v3, v4  }
0x3c8: {  	v4 =	vperm.xlane v3, v0;
	_ =	sdelay $0x1  }
0x3c9: {  	v3 =	vperm.xlane v3, v2;
	v4 =	vadd.s32 v1, v4;
	_ =	sdelay $0x1  }
0x3ca: {  	v3 =	vadd.s32 v1, v3;
	_ =	sdelay $0x1  }
0x3cb: {  	s23 =	simm.s32 $0xB680  }
0x3cc: {  	[tilespmem:s23], [sflag:$0x2] =	stream.indirect_vreg.gather [hbm4b:s3+s2], $0x80, v4, vm0, $0xb8;
	[tilespmem:$0x10680] =	vst v63  }
0x3cd: {  	s16 =	simm.s32 $0xBE80  }
0x3ce: {  	[tilespmem:s16], [sflag:$0x2] =	stream.indirect_vreg.gather [hbm4b:s3+s2], $0x80, v3, vm0, $0xb8;
	[tilespmem:$0x10680] =	vst v63  }
0x3cf: {  	v3 =	vld [tilespmem:$0x4C0];
	_ =	sdelay $0x4  }
0x3d0: {  	v40 =	vshrl.u32 v3, $0x3  }
0x3d1: {  	v4 =	vmul.u32 $0x18, v40  }
0x3d2: {  	v3 =	vand.u32 $0x7, v3  }
0x3d3: {  	v3 =	vor.u32 v3, v4  }
0x3d4: {  	v4 =	vperm.xlane v3, v0;
	_ =	sdelay $0x1  }
0x3d5: {  	v3 =	vperm.xlane v3, v2;
	v4 =	vadd.s32 v1, v4;
	_ =	sdelay $0x1  }
0x3d6: {  	v3 =	vadd.s32 v1, v3;
	_ =	sdelay $0x1  }
0x3d7: {  	s9 =	simm.s32 $0xC680  }
0x3d8: {  	[tilespmem:s9], [sflag:$0x2] =	stream.indirect_vreg.gather [hbm4b:s3+s2], $0x80, v4, vm0, $0xb8;
	[tilespmem:$0x10680] =	vst v63  }
0x3d9: {  	s21 =	simm.s32 $0xCE80  }
0x3da: {  	[tilespmem:s21], [sflag:$0x2] =	stream.indirect_vreg.gather [hbm4b:s3+s2], $0x80, v3, vm0, $0xb8;
	[tilespmem:$0x10680] =	vst v63  }
0x3db: {  	v3 =	vld [tilespmem:$0x4D0];
	_ =	sdelay $0x4  }
0x3dc: {  	v41 =	vshrl.u32 v3, $0x3  }
0x3dd: {  	v4 =	vmul.u32 $0x18, v41  }
0x3de: {  	v3 =	vand.u32 $0x7, v3  }
0x3df: {  	v3 =	vor.u32 v3, v4  }
0x3e0: {  	v4 =	vperm.xlane v3, v0;
	_ =	sdelay $0x1  }
0x3e1: {  	v3 =	vperm.xlane v3, v2;
	v4 =	vadd.s32 v1, v4;
	_ =	sdelay $0x1  }
0x3e2: {  	v3 =	vadd.s32 v1, v3;
	_ =	sdelay $0x1  }
0x3e3: {  	s10 =	simm.s32 $0xD680  }
0x3e4: {  	[tilespmem:s10], [sflag:$0x2] =	stream.indirect_vreg.gather [hbm4b:s3+s2], $0x80, v4, vm0, $0xb8;
	[tilespmem:$0x10680] =	vst v63  }
0x3e5: {  	s16 =	simm.s32 $0xDE80  }
0x3e6: {  	[tilespmem:s16], [sflag:$0x2] =	stream.indirect_vreg.gather [hbm4b:s3+s2], $0x80, v3, vm0, $0xb8;
	[tilespmem:$0x10680] =	vst v63  }
0x3e7: {  	v3 =	vld [tilespmem:$0x4E0];
	_ =	sdelay $0x4  }
0x3e8: {  	v42 =	vshrl.u32 v3, $0x3  }
0x3e9: {  	v4 =	vmul.u32 $0x18, v42  }
0x3ea: {  	v3 =	vand.u32 $0x7, v3  }
0x3eb: {  	v3 =	vor.u32 v3, v4  }
0x3ec: {  	v4 =	vperm.xlane v3, v0;
	_ =	sdelay $0x1  }
0x3ed: {  	v3 =	vperm.xlane v3, v2;
	v4 =	vadd.s32 v1, v4;
	_ =	sdelay $0x1  }
0x3ee: {  	v3 =	vadd.s32 v1, v3;
	_ =	sdelay $0x1  }
0x3ef: {  	s11 =	simm.s32 $0xE680  }
0x3f0: {  	[tilespmem:s11], [sflag:$0x2] =	stream.indirect_vreg.gather [hbm4b:s3+s2], $0x80, v4, vm0, $0xb8;
	[tilespmem:$0x10680] =	vst v63  }
0x3f1: {  	s14 =	simm.s32 $0xEE80  }
0x3f2: {  	[tilespmem:s14], [sflag:$0x2] =	stream.indirect_vreg.gather [hbm4b:s3+s2], $0x80, v3, vm0, $0xb8;
	[tilespmem:$0x10680] =	vst v63  }
0x3f3: {  	v3 =	vld [tilespmem:$0x4F0];
	_ =	sdelay $0x4  }
0x3f4: {  	v43 =	vshrl.u32 v3, $0x3  }
0x3f5: {  	v4 =	vmul.u32 $0x18, v43  }
0x3f6: {  	v3 =	vand.u32 $0x7, v3  }
0x3f7: {  	v3 =	vor.u32 v3, v4  }
0x3f8: {  	v4 =	vperm.xlane v3, v0;
	_ =	sdelay $0x1  }
0x3f9: {  	v3 =	vperm.xlane v3, v2;
	v4 =	vadd.s32 v1, v4;
	_ =	sdelay $0x1  }
0x3fa: {  	v3 =	vadd.s32 v1, v3;
	_ =	sdelay $0x1  }
0x3fb: {  	s8 =	simm.s32 $0xF680  }
0x3fc: {  	[tilespmem:s8], [sflag:$0x2] =	stream.indirect_vreg.gather [hbm4b:s3+s2], $0x80, v4, vm0, $0xb8;
	[tilespmem:$0x10680] =	vst v63  }
0x3fd: {  	s21 =	simm.s32 $0xFE80  }
0x3fe: {  	[tilespmem:s21], [sflag:$0x2] =	stream.indirect_vreg.gather [hbm4b:s3+s2], $0x80, v3, vm0, $0xb8;
	[tilespmem:$0x10680] =	vst v63  }
0x3ff: {  	_ =	swait.ge [sflag:s19], $0x8000  }
0x400: {  	[sflag:s19] =	ssyncset.done $0x0  }
0x401: {  	s14 =	rddreg [dreg:$0xc];
	[sflag:s19] =	ssyncadd.s32 $0xFFFF8000  }
0x402: {  	[hbm4b:s14+s2] =	stream.linear.scatter [tilespmem:s6], [sflag:$0x3], $0x8000, $0x38;
	[tilespmem:$0x10680] =	vst v63  }
0x403: {  	_ =	swait.ge [sflag:s5], $0x8000  }
0x404: {  	[sflag:s5] =	ssyncset.done $0x0  }
0x405: {  	[sflag:s5] =	ssyncadd.s32 $0xFFFF8000  }
0x406: {  	v3 =	vld [tilespmem:$0x500];
	_ =	sdelay $0x4  }
0x407: {  	v44 =	vshrl.u32 v3, $0x3  }
0x408: {  	v4 =	vmul.u32 $0x18, v44  }
0x409: {  	v3 =	vand.u32 $0x7, v3  }
0x40a: {  	v3 =	vor.u32 v3, v4  }
0x40b: {  	v4 =	vperm.xlane v3, v0;
	_ =	sdelay $0x1  }
0x40c: {  	v3 =	vperm.xlane v3, v2;
	v4 =	vadd.s32 v1, v4;
	_ =	sdelay $0x1  }
0x40d: {  	v3 =	vadd.s32 v1, v3;
	_ =	sdelay $0x2  }
0x40e: {  	[tilespmem:s6], [sflag:$0x1] =	stream.indirect_vreg.gather [hbm4b:s3+s2], $0x80, v4, vm0, $0xb8;
	[tilespmem:$0x10680] =	vst v63  }
0x40f: {  	s12 =	simm.s32 $0xE80  }
0x410: {  	[tilespmem:s12], [sflag:$0x1] =	stream.indirect_vreg.gather [hbm4b:s3+s2], $0x80, v3, vm0, $0xb8;
	[tilespmem:$0x10680] =	vst v63  }
0x411: {  	v3 =	vld [tilespmem:$0x510];
	_ =	sdelay $0x4  }
0x412: {  	v45 =	vshrl.u32 v3, $0x3  }
0x413: {  	v4 =	vmul.u32 $0x18, v45  }
0x414: {  	v3 =	vand.u32 $0x7, v3  }
0x415: {  	v3 =	vor.u32 v3, v4  }
0x416: {  	v4 =	vperm.xlane v3, v0;
	_ =	sdelay $0x1  }
0x417: {  	v3 =	vperm.xlane v3, v2;
	v4 =	vadd.s32 v1, v4;
	_ =	sdelay $0x1  }
0x418: {  	v3 =	vadd.s32 v1, v3;
	_ =	sdelay $0x1  }
0x419: {  	s0 =	simm.s32 $0x1680  }
0x41a: {  	[tilespmem:s0], [sflag:$0x1] =	stream.indirect_vreg.gather [hbm4b:s3+s2], $0x80, v4, vm0, $0xb8;
	[tilespmem:$0x10680] =	vst v63  }
0x41b: {  	s22 =	simm.s32 $0x1E80  }
0x41c: {  	[tilespmem:s22], [sflag:$0x1] =	stream.indirect_vreg.gather [hbm4b:s3+s2], $0x80, v3, vm0, $0xb8;
	[tilespmem:$0x10680] =	vst v63  }
0x41d: {  	v3 =	vld [tilespmem:$0x520];
	_ =	sdelay $0x4  }
0x41e: {  	v46 =	vshrl.u32 v3, $0x3  }
0x41f: {  	v4 =	vmul.u32 $0x18, v46  }
0x420: {  	v3 =	vand.u32 $0x7, v3  }
0x421: {  	v3 =	vor.u32 v3, v4  }
0x422: {  	v4 =	vperm.xlane v3, v0;
	_ =	sdelay $0x1  }
0x423: {  	v3 =	vperm.xlane v3, v2;
	v4 =	vadd.s32 v1, v4;
	_ =	sdelay $0x1  }
0x424: {  	v3 =	vadd.s32 v1, v3;
	_ =	sdelay $0x1  }
0x425: {  	s1 =	simm.s32 $0x2680  }
0x426: {  	[tilespmem:s1], [sflag:$0x1] =	stream.indirect_vreg.gather [hbm4b:s3+s2], $0x80, v4, vm0, $0xb8;
	[tilespmem:$0x10680] =	vst v63  }
0x427: {  	s17 =	simm.s32 $0x2E80  }
0x428: {  	[tilespmem:s17], [sflag:$0x1] =	stream.indirect_vreg.gather [hbm4b:s3+s2], $0x80, v3, vm0, $0xb8;
	[tilespmem:$0x10680] =	vst v63  }
0x429: {  	v3 =	vld [tilespmem:$0x530];
	_ =	sdelay $0x4  }
0x42a: {  	v47 =	vshrl.u32 v3, $0x3  }
0x42b: {  	v4 =	vmul.u32 $0x18, v47  }
0x42c: {  	v3 =	vand.u32 $0x7, v3  }
0x42d: {  	v3 =	vor.u32 v3, v4  }
0x42e: {  	v4 =	vperm.xlane v3, v0;
	_ =	sdelay $0x1  }
0x42f: {  	v3 =	vperm.xlane v3, v2;
	v4 =	vadd.s32 v1, v4;
	_ =	sdelay $0x1  }
0x430: {  	v3 =	vadd.s32 v1, v3;
	_ =	sdelay $0x1  }
0x431: {  	s7 =	simm.s32 $0x3680  }
0x432: {  	[tilespmem:s7], [sflag:$0x1] =	stream.indirect_vreg.gather [hbm4b:s3+s2], $0x80, v4, vm0, $0xb8;
	[tilespmem:$0x10680] =	vst v63  }
0x433: {  	s17 =	simm.s32 $0x3E80  }
0x434: {  	[tilespmem:s17], [sflag:$0x1] =	stream.indirect_vreg.gather [hbm4b:s3+s2], $0x80, v3, vm0, $0xb8;
	[tilespmem:$0x10680] =	vst v63  }
0x435: {  	v3 =	vld [tilespmem:$0x540];
	_ =	sdelay $0x4  }
0x436: {  	v48 =	vshrl.u32 v3, $0x3  }
0x437: {  	v4 =	vmul.u32 $0x18, v48  }
0x438: {  	v3 =	vand.u32 $0x7, v3  }
0x439: {  	v3 =	vor.u32 v3, v4  }
0x43a: {  	v4 =	vperm.xlane v3, v0;
	_ =	sdelay $0x1  }
0x43b: {  	v3 =	vperm.xlane v3, v2;
	v4 =	vadd.s32 v1, v4;
	_ =	sdelay $0x1  }
0x43c: {  	v3 =	vadd.s32 v1, v3;
	_ =	sdelay $0x1  }
0x43d: {  	s21 =	simm.s32 $0x4680  }
0x43e: {  	[tilespmem:s21], [sflag:$0x1] =	stream.indirect_vreg.gather [hbm4b:s3+s2], $0x80, v4, vm0, $0xb8;
	[tilespmem:$0x10680] =	vst v63  }
0x43f: {  	s18 =	simm.s32 $0x4E80  }
0x440: {  	[tilespmem:s18], [sflag:$0x1] =	stream.indirect_vreg.gather [hbm4b:s3+s2], $0x80, v3, vm0, $0xb8;
	[tilespmem:$0x10680] =	vst v63  }
0x441: {  	v3 =	vld [tilespmem:$0x550];
	_ =	sdelay $0x4  }
0x442: {  	v49 =	vshrl.u32 v3, $0x3  }
0x443: {  	v4 =	vmul.u32 $0x18, v49  }
0x444: {  	v3 =	vand.u32 $0x7, v3  }
0x445: {  	v3 =	vor.u32 v3, v4  }
0x446: {  	v4 =	vperm.xlane v3, v0;
	_ =	sdelay $0x1  }
0x447: {  	v3 =	vperm.xlane v3, v2;
	v4 =	vadd.s32 v1, v4;
	_ =	sdelay $0x1  }
0x448: {  	v3 =	vadd.s32 v1, v3;
	_ =	sdelay $0x1  }
0x449: {  	s24 =	simm.s32 $0x5680  }
0x44a: {  	[tilespmem:s24], [sflag:$0x1] =	stream.indirect_vreg.gather [hbm4b:s3+s2], $0x80, v4, vm0, $0xb8;
	[tilespmem:$0x10680] =	vst v63  }
0x44b: {  	s25 =	simm.s32 $0x5E80  }
0x44c: {  	[tilespmem:s25], [sflag:$0x1] =	stream.indirect_vreg.gather [hbm4b:s3+s2], $0x80, v3, vm0, $0xb8;
	[tilespmem:$0x10680] =	vst v63  }
0x44d: {  	v3 =	vld [tilespmem:$0x560];
	_ =	sdelay $0x4  }
0x44e: {  	v50 =	vshrl.u32 v3, $0x3  }
0x44f: {  	v4 =	vmul.u32 $0x18, v50  }
0x450: {  	v3 =	vand.u32 $0x7, v3  }
0x451: {  	v3 =	vor.u32 v3, v4  }
0x452: {  	v4 =	vperm.xlane v3, v0;
	_ =	sdelay $0x1  }
0x453: {  	v3 =	vperm.xlane v3, v2;
	v4 =	vadd.s32 v1, v4;
	_ =	sdelay $0x1  }
0x454: {  	v3 =	vadd.s32 v1, v3;
	_ =	sdelay $0x1  }
0x455: {  	s26 =	simm.s32 $0x6680  }
0x456: {  	[tilespmem:s26], [sflag:$0x1] =	stream.indirect_vreg.gather [hbm4b:s3+s2], $0x80, v4, vm0, $0xb8;
	[tilespmem:$0x10680] =	vst v63  }
0x457: {  	s28 =	simm.s32 $0x6E80  }
0x458: {  	[tilespmem:s28], [sflag:$0x1] =	stream.indirect_vreg.gather [hbm4b:s3+s2], $0x80, v3, vm0, $0xb8;
	[tilespmem:$0x10680] =	vst v63  }
0x459: {  	v3 =	vld [tilespmem:$0x570];
	_ =	sdelay $0x4  }
0x45a: {  	v51 =	vshrl.u32 v3, $0x3  }
0x45b: {  	v4 =	vmul.u32 $0x18, v51  }
0x45c: {  	v3 =	vand.u32 $0x7, v3  }
0x45d: {  	v3 =	vor.u32 v3, v4  }
0x45e: {  	v4 =	vperm.xlane v3, v0;
	_ =	sdelay $0x1  }
0x45f: {  	v3 =	vperm.xlane v3, v2;
	v4 =	vadd.s32 v1, v4;
	_ =	sdelay $0x1  }
0x460: {  	v3 =	vadd.s32 v1, v3;
	_ =	sdelay $0x1  }
0x461: {  	s29 =	simm.s32 $0x7680  }
0x462: {  	[tilespmem:s29], [sflag:$0x1] =	stream.indirect_vreg.gather [hbm4b:s3+s2], $0x80, v4, vm0, $0xb8;
	[tilespmem:$0x10680] =	vst v63  }
0x463: {  	s30 =	simm.s32 $0x7E80  }
0x464: {  	[tilespmem:s30], [sflag:$0x1] =	stream.indirect_vreg.gather [hbm4b:s3+s2], $0x80, v3, vm0, $0xb8;
	[tilespmem:$0x10680] =	vst v63  }
0x465: {  	_ =	swait.ge [sflag:s20], $0x8000  }
0x466: {  	[sflag:s20] =	ssyncset.done $0x0  }
0x467: {  	s29 =	rddreg [dreg:$0xd];
	[sflag:s20] =	ssyncadd.s32 $0xFFFF8000  }
0x468: {  	[hbm4b:s29+s2] =	stream.linear.scatter [tilespmem:s13], [sflag:$0x3], $0x8000, $0x38;
	[tilespmem:$0x10680] =	vst v63  }
0x469: {  	_ =	swait.ge [sflag:s5], $0x8000  }
0x46a: {  	[sflag:s5] =	ssyncset.done $0x0  }
0x46b: {  	[sflag:s5] =	ssyncadd.s32 $0xFFFF8000  }
0x46c: {  	v3 =	vld [tilespmem:$0x580];
	_ =	sdelay $0x4  }
0x46d: {  	v52 =	vshrl.u32 v3, $0x3  }
0x46e: {  	v4 =	vmul.u32 $0x18, v52  }
0x46f: {  	v3 =	vand.u32 $0x7, v3  }
0x470: {  	v3 =	vor.u32 v3, v4  }
0x471: {  	v4 =	vperm.xlane v3, v0;
	_ =	sdelay $0x1  }
0x472: {  	v3 =	vperm.xlane v3, v2;
	v4 =	vadd.s32 v1, v4;
	_ =	sdelay $0x1  }
0x473: {  	v3 =	vadd.s32 v1, v3;
	_ =	sdelay $0x2  }
0x474: {  	[tilespmem:s13], [sflag:$0x2] =	stream.indirect_vreg.gather [hbm4b:s3+s2], $0x80, v4, vm0, $0xb8;
	[tilespmem:$0x10680] =	vst v63  }
0x475: {  	s30 =	simm.s32 $0x8E80  }
0x476: {  	[tilespmem:s30], [sflag:$0x2] =	stream.indirect_vreg.gather [hbm4b:s3+s2], $0x80, v3, vm0, $0xb8;
	[tilespmem:$0x10680] =	vst v63  }
0x477: {  	v3 =	vld [tilespmem:$0x590];
	_ =	sdelay $0x4  }
0x478: {  	v53 =	vshrl.u32 v3, $0x3  }
0x479: {  	v4 =	vmul.u32 $0x18, v53  }
0x47a: {  	v3 =	vand.u32 $0x7, v3  }
0x47b: {  	v3 =	vor.u32 v3, v4  }
0x47c: {  	v4 =	vperm.xlane v3, v0;
	_ =	sdelay $0x1  }
0x47d: {  	v3 =	vperm.xlane v3, v2;
	v4 =	vadd.s32 v1, v4;
	_ =	sdelay $0x1  }
0x47e: {  	v3 =	vadd.s32 v1, v3;
	_ =	sdelay $0x1  }
0x47f: {  	s31 =	simm.s32 $0x9680  }
0x480: {  	[tilespmem:s31], [sflag:$0x2] =	stream.indirect_vreg.gather [hbm4b:s3+s2], $0x80, v4, vm0, $0xb8;
	[tilespmem:$0x10680] =	vst v63  }
0x481: {  	s31 =	simm.s32 $0x9E80  }
0x482: {  	[tilespmem:s31], [sflag:$0x2] =	stream.indirect_vreg.gather [hbm4b:s3+s2], $0x80, v3, vm0, $0xb8;
	[tilespmem:$0x10680] =	vst v63  }
0x483: {  	v3 =	vld [tilespmem:$0x5A0];
	_ =	sdelay $0x4  }
0x484: {  	v54 =	vshrl.u32 v3, $0x3  }
0x485: {  	v4 =	vmul.u32 $0x18, v54  }
0x486: {  	v3 =	vand.u32 $0x7, v3  }
0x487: {  	v3 =	vor.u32 v3, v4  }
0x488: {  	v4 =	vperm.xlane v3, v0;
	_ =	sdelay $0x1  }
0x489: {  	v3 =	vperm.xlane v3, v2;
	v4 =	vadd.s32 v1, v4;
	_ =	sdelay $0x1  }
0x48a: {  	v3 =	vadd.s32 v1, v3;
	_ =	sdelay $0x1  }
0x48b: {  	s18 =	simm.s32 $0xA680  }
0x48c: {  	[tilespmem:s18], [sflag:$0x2] =	stream.indirect_vreg.gather [hbm4b:s3+s2], $0x80, v4, vm0, $0xb8;
	[tilespmem:$0x10680] =	vst v63  }
0x48d: {  	s21 =	simm.s32 $0xAE80  }
0x48e: {  	[tilespmem:s21], [sflag:$0x2] =	stream.indirect_vreg.gather [hbm4b:s3+s2], $0x80, v3, vm0, $0xb8;
	[tilespmem:$0x10680] =	vst v63  }
0x48f: {  	v3 =	vld [tilespmem:$0x5B0];
	_ =	sdelay $0x4  }
0x490: {  	v55 =	vshrl.u32 v3, $0x3  }
0x491: {  	v4 =	vmul.u32 $0x18, v55  }
0x492: {  	v3 =	vand.u32 $0x7, v3  }
0x493: {  	v3 =	vor.u32 v3, v4  }
0x494: {  	v4 =	vperm.xlane v3, v0;
	_ =	sdelay $0x1  }
0x495: {  	v3 =	vperm.xlane v3, v2;
	v4 =	vadd.s32 v1, v4;
	_ =	sdelay $0x1  }
0x496: {  	v3 =	vadd.s32 v1, v3;
	_ =	sdelay $0x1  }
0x497: {  	s24 =	simm.s32 $0xB680  }
0x498: {  	[tilespmem:s24], [sflag:$0x2] =	stream.indirect_vreg.gather [hbm4b:s3+s2], $0x80, v4, vm0, $0xb8;
	[tilespmem:$0x10680] =	vst v63  }
0x499: {  	s23 =	simm.s32 $0xBE80  }
0x49a: {  	[tilespmem:s23], [sflag:$0x2] =	stream.indirect_vreg.gather [hbm4b:s3+s2], $0x80, v3, vm0, $0xb8;
	[tilespmem:$0x10680] =	vst v63  }
0x49b: {  	v3 =	vld [tilespmem:$0x5C0];
	_ =	sdelay $0x4  }
0x49c: {  	v56 =	vshrl.u32 v3, $0x3  }
0x49d: {  	v4 =	vmul.u32 $0x18, v56  }
0x49e: {  	v3 =	vand.u32 $0x7, v3  }
0x49f: {  	v3 =	vor.u32 v3, v4  }
0x4a0: {  	v4 =	vperm.xlane v3, v0;
	_ =	sdelay $0x1  }
0x4a1: {  	v3 =	vperm.xlane v3, v2;
	v4 =	vadd.s32 v1, v4;
	_ =	sdelay $0x1  }
0x4a2: {  	v3 =	vadd.s32 v1, v3;
	_ =	sdelay $0x1  }
0x4a3: {  	s15 =	simm.s32 $0xC680  }
0x4a4: {  	[tilespmem:s15], [sflag:$0x2] =	stream.indirect_vreg.gather [hbm4b:s3+s2], $0x80, v4, vm0, $0xb8;
	[tilespmem:$0x10680] =	vst v63  }
0x4a5: {  	s25 =	simm.s32 $0xCE80  }
0x4a6: {  	[tilespmem:s25], [sflag:$0x2] =	stream.indirect_vreg.gather [hbm4b:s3+s2], $0x80, v3, vm0, $0xb8;
	[tilespmem:$0x10680] =	vst v63  }
0x4a7: {  	v3 =	vld [tilespmem:$0x5D0];
	_ =	sdelay $0x4  }
0x4a8: {  	v57 =	vshrl.u32 v3, $0x3  }
0x4a9: {  	v4 =	vmul.u32 $0x18, v57  }
0x4aa: {  	v3 =	vand.u32 $0x7, v3  }
0x4ab: {  	v3 =	vor.u32 v3, v4  }
0x4ac: {  	v4 =	vperm.xlane v3, v0;
	_ =	sdelay $0x1  }
0x4ad: {  	v3 =	vperm.xlane v3, v2;
	v4 =	vadd.s32 v1, v4;
	_ =	sdelay $0x1  }
0x4ae: {  	v3 =	vadd.s32 v1, v3;
	_ =	sdelay $0x1  }
0x4af: {  	s9 =	simm.s32 $0xD680  }
0x4b0: {  	[tilespmem:s9], [sflag:$0x2] =	stream.indirect_vreg.gather [hbm4b:s3+s2], $0x80, v4, vm0, $0xb8;
	[tilespmem:$0x10680] =	vst v63  }
0x4b1: {  	s26 =	simm.s32 $0xDE80  }
0x4b2: {  	[tilespmem:s26], [sflag:$0x2] =	stream.indirect_vreg.gather [hbm4b:s3+s2], $0x80, v3, vm0, $0xb8;
	[tilespmem:$0x10680] =	vst v63  }
0x4b3: {  	v3 =	vld [tilespmem:$0x5E0];
	_ =	sdelay $0x4  }
0x4b4: {  	v58 =	vshrl.u32 v3, $0x3  }
0x4b5: {  	v4 =	vmul.u32 $0x18, v58  }
0x4b6: {  	v3 =	vand.u32 $0x7, v3  }
0x4b7: {  	v3 =	vor.u32 v3, v4  }
0x4b8: {  	v4 =	vperm.xlane v3, v0;
	_ =	sdelay $0x1  }
0x4b9: {  	v3 =	vperm.xlane v3, v2;
	v4 =	vadd.s32 v1, v4;
	_ =	sdelay $0x1  }
0x4ba: {  	v3 =	vadd.s32 v1, v3;
	_ =	sdelay $0x1  }
0x4bb: {  	s16 =	simm.s32 $0xE680  }
0x4bc: {  	[tilespmem:s16], [sflag:$0x2] =	stream.indirect_vreg.gather [hbm4b:s3+s2], $0x80, v4, vm0, $0xb8;
	[tilespmem:$0x10680] =	vst v63  }
0x4bd: {  	s11 =	simm.s32 $0xEE80  }
0x4be: {  	[tilespmem:s11], [sflag:$0x2] =	stream.indirect_vreg.gather [hbm4b:s3+s2], $0x80, v3, vm0, $0xb8;
	[tilespmem:$0x10680] =	vst v63  }
0x4bf: {  	v3 =	vld [tilespmem:$0x5F0];
	_ =	sdelay $0x4  }
0x4c0: {  	v59 =	vshrl.u32 v3, $0x3  }
0x4c1: {  	v4 =	vmul.u32 $0x18, v59  }
0x4c2: {  	v3 =	vand.u32 $0x7, v3  }
0x4c3: {  	v3 =	vor.u32 v3, v4  }
0x4c4: {  	v4 =	vperm.xlane v3, v0;
	_ =	sdelay $0x1  }
0x4c5: {  	v3 =	vperm.xlane v3, v2;
	v4 =	vadd.s32 v1, v4;
	_ =	sdelay $0x1  }
0x4c6: {  	v3 =	vadd.s32 v1, v3;
	_ =	sdelay $0x1  }
0x4c7: {  	s10 =	simm.s32 $0xF680  }
0x4c8: {  	[tilespmem:s10], [sflag:$0x2] =	stream.indirect_vreg.gather [hbm4b:s3+s2], $0x80, v4, vm0, $0xb8;
	[tilespmem:$0x10680] =	vst v63  }
0x4c9: {  	s28 =	simm.s32 $0xFE80  }
0x4ca: {  	[tilespmem:s28], [sflag:$0x2] =	stream.indirect_vreg.gather [hbm4b:s3+s2], $0x80, v3, vm0, $0xb8;
	[tilespmem:$0x10680] =	vst v63  }
0x4cb: {  	_ =	swait.ge [sflag:s19], $0x8000  }
0x4cc: {  	[sflag:s19] =	ssyncset.done $0x0  }
0x4cd: {  	s29 =	rddreg [dreg:$0xe];
	[sflag:s19] =	ssyncadd.s32 $0xFFFF8000  }
0x4ce: {  	[hbm4b:s29+s2] =	stream.linear.scatter [tilespmem:s6], [sflag:$0x3], $0x8000, $0x38;
	[tilespmem:$0x10680] =	vst v63  }
0x4cf: {  	_ =	swait.ge [sflag:s5], $0x8000  }
0x4d0: {  	[sflag:s5] =	ssyncset.done $0x0  }
0x4d1: {  	[sflag:s5] =	ssyncadd.s32 $0xFFFF8000  }
0x4d2: {  	v3 =	vld [tilespmem:$0x600];
	_ =	sdelay $0x4  }
0x4d3: {  	v60 =	vshrl.u32 v3, $0x3  }
0x4d4: {  	v4 =	vmul.u32 $0x18, v60  }
0x4d5: {  	v3 =	vand.u32 $0x7, v3  }
0x4d6: {  	v3 =	vor.u32 v3, v4  }
0x4d7: {  	v4 =	vperm.xlane v3, v0;
	_ =	sdelay $0x1  }
0x4d8: {  	v3 =	vperm.xlane v3, v2;
	v4 =	vadd.s32 v1, v4;
	_ =	sdelay $0x1  }
0x4d9: {  	v3 =	vadd.s32 v1, v3;
	_ =	sdelay $0x2  }
0x4da: {  	[tilespmem:s6], [sflag:$0x1] =	stream.indirect_vreg.gather [hbm4b:s3+s2], $0x80, v4, vm0, $0xb8;
	[tilespmem:$0x10680] =	vst v63  }
0x4db: {  	s14 =	simm.s32 $0xE80  }
0x4dc: {  	[tilespmem:s14], [sflag:$0x1] =	stream.indirect_vreg.gather [hbm4b:s3+s2], $0x80, v3, vm0, $0xb8;
	[tilespmem:$0x10680] =	vst v63  }
0x4dd: {  	v3 =	vld [tilespmem:$0x610];
	_ =	sdelay $0x4  }
0x4de: {  	v61 =	vshrl.u32 v3, $0x3  }
0x4df: {  	v4 =	vmul.u32 $0x18, v61  }
0x4e0: {  	v3 =	vand.u32 $0x7, v3  }
0x4e1: {  	v3 =	vor.u32 v3, v4  }
0x4e2: {  	v4 =	vperm.xlane v3, v0;
	_ =	sdelay $0x1  }
0x4e3: {  	v3 =	vperm.xlane v3, v2;
	v4 =	vadd.s32 v1, v4;
	_ =	sdelay $0x1  }
0x4e4: {  	v3 =	vadd.s32 v1, v3;
	_ =	sdelay $0x1  }
0x4e5: {  	s8 =	simm.s32 $0x1680  }
0x4e6: {  	[tilespmem:s8], [sflag:$0x1] =	stream.indirect_vreg.gather [hbm4b:s3+s2], $0x80, v4, vm0, $0xb8;
	[tilespmem:$0x10680] =	vst v63  }
0x4e7: {  	s22 =	simm.s32 $0x1E80  }
0x4e8: {  	[tilespmem:s22], [sflag:$0x1] =	stream.indirect_vreg.gather [hbm4b:s3+s2], $0x80, v3, vm0, $0xb8;
	[tilespmem:$0x10680] =	vst v63  }
0x4e9: {  	v3 =	vld [tilespmem:$0x620];
	_ =	sdelay $0x4  }
0x4ea: {  	v62 =	vshrl.u32 v3, $0x3  }
0x4eb: {  	v4 =	vmul.u32 $0x18, v62  }
0x4ec: {  	v3 =	vand.u32 $0x7, v3  }
0x4ed: {  	v3 =	vor.u32 v3, v4  }
0x4ee: {  	v4 =	vperm.xlane v3, v0;
	_ =	sdelay $0x1  }
0x4ef: {  	v3 =	vperm.xlane v3, v2;
	v4 =	vadd.s32 v1, v4;
	_ =	sdelay $0x1  }
0x4f0: {  	v3 =	vadd.s32 v1, v3;
	_ =	sdelay $0x1  }
0x4f1: {  	s0 =	simm.s32 $0x2680  }
0x4f2: {  	[tilespmem:s0], [sflag:$0x1] =	stream.indirect_vreg.gather [hbm4b:s3+s2], $0x80, v4, vm0, $0xb8;
	[tilespmem:$0x10680] =	vst v63  }
0x4f3: {  	s12 =	simm.s32 $0x2E80  }
0x4f4: {  	[tilespmem:s12], [sflag:$0x1] =	stream.indirect_vreg.gather [hbm4b:s3+s2], $0x80, v3, vm0, $0xb8;
	[tilespmem:$0x10680] =	vst v63  }
0x4f5: {  	v3 =	vld [tilespmem:$0x630];
	_ =	sdelay $0x4  }
0x4f6: {  	v63 =	vshrl.u32 v3, $0x3  }
0x4f7: {  	v4 =	vmul.u32 $0x18, v63  }
0x4f8: {  	v3 =	vand.u32 $0x7, v3  }
0x4f9: {  	v3 =	vor.u32 v3, v4  }
0x4fa: {  	v4 =	vperm.xlane v3, v0;
	_ =	sdelay $0x1  }
0x4fb: {  	v3 =	vperm.xlane v3, v2;
	v4 =	vadd.s32 v1, v4;
	_ =	sdelay $0x1  }
0x4fc: {  	v3 =	vadd.s32 v1, v3;
	_ =	sdelay $0x1  }
0x4fd: {  	s1 =	simm.s32 $0x3680  }
0x4fe: {  	[tilespmem:s1], [sflag:$0x1] =	stream.indirect_vreg.gather [hbm4b:s3+s2], $0x80, v4, vm0, $0xb8;
	[tilespmem:$0x10680] =	vst v63  }
0x4ff: {  	s7 =	simm.s32 $0x3E80  }
0x500: {  	[tilespmem:s7], [sflag:$0x1] =	stream.indirect_vreg.gather [hbm4b:s3+s2], $0x80, v3, vm0, $0xb8;
	[tilespmem:$0x10680] =	vst v63  }
0x501: {  	_ =	swait.ge [sflag:s20], $0x8000  }
0x502: {  	[sflag:s20] =	ssyncset.done $0x0  }
0x503: {  	s30 =	rddreg [dreg:$0xf];
	[sflag:s20] =	ssyncadd.s32 $0xFFFF8000  }
0x504: {  	[hbm4b:s30+s2] =	stream.linear.scatter [tilespmem:s13], [sflag:$0x3], $0x8000, $0x38;
	[tilespmem:$0x10680] =	vst v63  }
0x505: {  	_ =	swait.ge [sflag:s5], $0x8000  }
0x506: {  	[sflag:s5] =	ssyncset.done $0x0  }
0x507: {  	[sflag:s5] =	ssyncadd.s32 $0xFFFF8000  }
0x508: {  	_ =	swait.ge [sflag:s19], $0x4000  }
0x509: {  	p0 =	sne.s32 s4, $0x1;
	[sflag:s19] =	ssyncset.done $0x0  }
.Ltmp0:
0x50a: {  	s31 =	rddreg [dreg:$0x10];
	[sflag:s19] =	ssyncadd.s32 $0xFFFFC000;
	(pc) =	sbr.rel @p0 .LBB2_1-.Ltmp0, $4  }
0x50b: {  	[hbm4b:s31+s2] =	stream.linear.scatter [tilespmem:s6], [sflag:$0x3], $0x4000, $0x38;
	[tilespmem:$0x10680] =	vst v63  }
0x50c: {  	_ =	swait.ge [sflag:s5], $0x4000  }
0x50d: {  	[sflag:s5] =	ssyncset.done $0x0  }
0x50e: {  	s4 =	sadd.s32 $0xFFFFFFFF, s4;
	[sflag:s5] =	ssyncadd.s32 $0xFFFFC000  }
0x50f: {  	_ =	sfence.sel $0x180000  }
0x510: {  	[bflag:$0x0] =	sbarrier.arrive $0xFFFF  }
0x511: {  	_ =	strace $0x9000004A  }
0x512: {  	s0 =	stileid.u32;
	[bflag:$0x2] =	sbarrier.arrive $0xFFFF  }
0x513: {  	p0 =	sne.s32 s0, $0x0;
	s0 =	rddreg [dreg:$0x2]  }
0x514: {  	s0 =	sadd.s32 @!p0 $0x100000, s0  }
0x515: {  	[sflag:s0] =	ssyncadd.tile.s32 @!p0 $0x1;
	_ =	shalt  }
.Lfunc_end2:
_tile_overlayer_lowered:
.L_overlay_start_2:
0x516: {  	(tag) =	ssettag $0x2  }
0x517: {  	s0 =	rddreg [dreg:$0x0];
	s2 =	stileid.u32  }
0x518: {  	s1 =	rddreg [dreg:$0x1];
	p0 =	sne.s32 s2, $0x0  }
0x519: {  	s3 =	rddreg [dreg:$0x2];
	[bflag:$0x3] =	sbarrier.arrive $0xFFFF;
	s2 =	simm.s32 @!p0 $0x1C03  }
0x51a: {  	[timem:s3], [sflag:s2] =	dma.local @!p0 [hbm:s0], s1  }
0x51b: {  	s0 =	simm.s32 @!p0 $0x3  }
0x51c: {  	_ =	swait.ge @!p0 [sflag:s0], s1  }
0x51d: {  	s1 =	ssub.s32 @!p0 $0x0, s1;
	[sflag:s0] =	ssyncset.done @!p0 $0x0  }
0x51e: {  	[sflag:s0] =	ssyncadd.s32 @!p0 s1  }
0x51f: {  	[bflag:$0x3] =	sbarrier.arrive $0xFFFF  }
0x520: {  	_ =	shalt  }

// kernel: kernel.9.cloned.1.call-start
scs
__scs_entry_jumppad:
0x0: {  	(pc) =	sbr.rel $0x88, $3  }
0x1: {  	(tag) =	ssettag $0x0;
	lr =	simm.s32 $0x1  }
0x2: {  	[smem:$0x3F97] =	sst lr;
	_ =	strace $0xD0000000  }
0x3: {  	_ = 	snop  }
0x4: {  	_ = 	snop  }
0x5: {  	_ = 	snop  }
0x6: {  	_ = 	snop  }
0x7: {  	_ = 	snop  }
__scs_overlays_trampoline_lowered:
0x8: {  	[smem:$0x3FA6] =	sst s0  }
0x9: {  	[smem:$0x3FA7] =	sst s1  }
0xa: {  	[smem:$0x3FA8] =	sst s2  }
0xb: {  	[smem:$0x3FA9] =	sst s3  }
0xc: {  	[smem:$0x3FAA] =	sst s4  }
0xd: {  	[smem:$0x3FAB] =	sst s5  }
0xe: {  	[smem:$0x3FAC] =	sst s6  }
0xf: {  	[smem:$0x3FAD] =	sst s7  }
0x10: {  	[smem:$0x3FAE] =	sst s8  }
0x11: {  	[smem:$0x3FAF] =	sst s9;
	s0 =	simm.s32 @!p0 $0x0  }
0x12: {  	s1 =	sld [smem:$0x3F95];
	s0 =	simm.s32 @p0 $0x1  }
0x13: {  	[smem:$0x3FB0] =	sst s0;
	s0 =	simm.s32 @!p1 $0x0  }
0x14: {  	s2 =	sld [smem:$0x3F94];
	s0 =	simm.s32 @p1 $0x1  }
0x15: {  	[smem:$0x3FB1] =	sst s0;
	s0 =	simm.s32 @!p2 $0x0  }
0x16: {  	s3 =	sld [smem:$0x3FDB];
	s0 =	simm.s32 @p2 $0x1  }
0x17: {  	s4 =	simm.s32 $0x1BF5;
	[smem:$0x3FB3] =	sst s0  }
0x18: {  	s0 =	sld [smem:$0x3F96];
	_ =	swait.ge [sflag:s4], $0x0  }
0x19: {  	s7 =	sld [smem:$0x3F97]  }
0x1a: {  	s8 =	sadd.s32 $0xFFFFE003, lr  }
0x1b: {  	s9 =	sadd.s32 $0xFFFFFEF7, lr;
	s5 =	simm.s32 $0xFFFFFFFF;
	p2 =	slt.u32 s8, $0xFFFFF086  }
0x1c: {  	p1 =	slt.u32 s9, $0xF7A;
	s5 =	simm.s32 @!p2 $0x0  }
0x1d: {  	s5 =	simm.s32 @p1 $0x1;
	p0 =	seq.s32 s7, s2  }
0x1e: {  	s7 =	smul.u32 @!p0 $0xF7A, s2;
	p2 =	seq.s32 @!p0 s5, $0x0  }
0x1f: {  	s9 =	smul.u32 $0xF7A, s1;
	s8 =	simm.s32 @!p0 $0x1BF5;
	p2 =	por !p2, p0  }
0x20: {  	[sflag:s8] =	ssyncset.s32 @!p0 $0xFFFFF086;
	s6 =	sadd.s32 @!p0 s3, s7;
	s7 =	simm.s32 @!p0 $0x108  }
0x21: {  	s3 =	sadd.s32 s3, s9;
	s6 =	sadd.s32 @!p0 $0x88, s6;
	s7 =	simm.s32 @p2 $0x1082  }
0x22: {  	[simem:s7], [sflag:s8] =	dma.local @!p0 [hbm:s6], $0xF7A  }
0x23: {  	s9 =	sor.u32 $0xD0000000, s2;
	s6 =	simm.s32 $0x108;
	_ =	swait.ge @!p0 [sflag:s8], $0x0  }
0x24: {  	s3 =	sadd.s32 $0x88, s3;
	s6 =	simm.s32 @!p1 $0x1082;
	[sflag:s4] =	ssyncset.s32 $0xFFFFF086  }
0x25: {  	[simem:s6], [sflag:s4] =	dma.local [hbm:s3], $0xF7A  }
0x26: {  	[smem:$0x3F97] =	sst s1;
	(tag) =	ssettag s2;
	_ =	strace s9  }
0x27: {  	s1 =	sld [smem:$0x3FA7]  }
0x28: {  	s2 =	sld [smem:$0x3FA8]  }
0x29: {  	s4 =	sld [smem:$0x3FAA]  }
0x2a: {  	p0 =	seq.s32 s5, $0x0;
	s5 =	sld [smem:$0x3FAB]  }
0x2b: {  	s6 =	sld [smem:$0x3FAC]  }
0x2c: {  	s7 =	sld [smem:$0x3FAD]  }
0x2d: {  	s3 =	simm.s32 $0x108;
	s8 =	sld [smem:$0x3FAE]  }
0x2e: {  	s3 =	simm.s32 @!p0 $0x1082;
	s9 =	sld [smem:$0x3FAF]  }
0x2f: {  	lr =	sadd.s32 s0, s3;
	s0 =	sld [smem:$0x3FA6]  }
0x30: {  	s3 =	sld [smem:$0x3FA9]  }
0x31: {  	[smem:$0x3FB2] =	sst s10  }
0x32: {  	s10 =	sld [smem:$0x3FB0];
	_ =	sdelay $0x3  }
0x33: {  	p0 =	seq.s32 s10, $0x1;
	s10 =	sld [smem:$0x3FB2];
	_ =	sdelay $0x3  }
0x34: {  	[smem:$0x3FB2] =	sst s10  }
0x35: {  	s10 =	sld [smem:$0x3FB1];
	_ =	sdelay $0x3  }
0x36: {  	p1 =	seq.s32 s10, $0x1;
	s10 =	sld [smem:$0x3FB2];
	_ =	sdelay $0x3  }
0x37: {  	[smem:$0x3FB2] =	sst s10  }
0x38: {  	s10 =	sld [smem:$0x3FB3]  }
0x39: {  	_ = 	snop;
	(pc) =	sbr.ind lr, $3  }
0x3a: {  	_ = 	snop  }
0x3b: {  	_ = 	snop  }
0x3c: {  	p2 =	seq.s32 s10, $0x1;
	s10 =	sld [smem:$0x3FB2]  }
0x3d: {  	_ =	shalt  }
0x3e: {  	_ =	shalt  }
0x3f: {  	_ =	shalt  }
0x40: {  	_ =	shalt  }
0x41: {  	_ =	shalt  }
0x42: {  	_ =	shalt  }
0x43: {  	_ =	shalt  }
0x44: {  	_ =	shalt  }
0x45: {  	_ =	shalt  }
0x46: {  	_ =	shalt  }
0x47: {  	_ =	shalt  }
0x48: {  	_ =	shalt  }
0x49: {  	_ =	shalt  }
0x4a: {  	_ =	shalt  }
0x4b: {  	_ =	shalt  }
0x4c: {  	_ =	shalt  }
0x4d: {  	_ =	shalt  }
0x4e: {  	_ =	shalt  }
0x4f: {  	_ =	shalt  }
0x50: {  	_ =	shalt  }
0x51: {  	_ =	shalt  }
0x52: {  	_ =	shalt  }
0x53: {  	_ =	shalt  }
0x54: {  	_ =	shalt  }
0x55: {  	_ =	shalt  }
0x56: {  	_ =	shalt  }
0x57: {  	_ =	shalt  }
0x58: {  	_ =	shalt  }
0x59: {  	_ =	shalt  }
0x5a: {  	_ =	shalt  }
0x5b: {  	_ =	shalt  }
0x5c: {  	_ =	shalt  }
0x5d: {  	_ =	shalt  }
0x5e: {  	_ =	shalt  }
0x5f: {  	_ =	shalt  }
0x60: {  	_ =	shalt  }
0x61: {  	_ =	shalt  }
0x62: {  	_ =	shalt  }
0x63: {  	_ =	shalt  }
0x64: {  	_ =	shalt  }
0x65: {  	_ =	shalt  }
0x66: {  	_ =	shalt  }
0x67: {  	_ =	shalt  }
0x68: {  	_ =	shalt  }
0x69: {  	_ =	shalt  }
0x6a: {  	_ =	shalt  }
0x6b: {  	_ =	shalt  }
0x6c: {  	_ =	shalt  }
0x6d: {  	_ =	shalt  }
0x6e: {  	_ =	shalt  }
0x6f: {  	_ =	shalt  }
0x70: {  	_ =	shalt  }
0x71: {  	_ =	shalt  }
0x72: {  	_ =	shalt  }
0x73: {  	_ =	shalt  }
0x74: {  	_ =	shalt  }
0x75: {  	_ =	shalt  }
0x76: {  	_ =	shalt  }
0x77: {  	_ =	shalt  }
0x78: {  	_ =	shalt  }
0x79: {  	_ =	shalt  }
0x7a: {  	_ =	shalt  }
0x7b: {  	_ =	shalt  }
0x7c: {  	_ =	shalt  }
0x7d: {  	_ =	shalt  }
0x7e: {  	_ =	shalt  }
0x7f: {  	_ =	shalt  }
0x80: {  	_ =	shalt  }
0x81: {  	_ =	shalt  }
0x82: {  	_ =	shalt  }
0x83: {  	_ =	shalt  }
0x84: {  	_ =	shalt  }
0x85: {  	_ =	shalt  }
0x86: {  	_ =	shalt  }
0x87: {  	_ =	shalt  }
.Lfunc_end0:
.L_simem_size_0:
called_computation.2_lowered:
.L_overlay_start_0:
0x88: {  	s2 =	sld [smem:$0x3FD9]  }
0x89: {  	s3 =	sld [smem:$0x3FFE];
	_ =	sdelay $0x1  }
0x8a: {  	s1 =	srdreg.scid  }
0x8b: {  	s0 =	sand.u32 $0x1, s1  }
0x8c: {  	s14 =	sshll.u32 s0, $0xA;
	s2 =	sadd.s32 s3, s2  }
0x8d: {  	s2 =	sadd.s32 s2, s14  }
0x8e: {  	[smem:$0x3FBE] =	sst s2  }
0x8f: {  	_ = 	snop  }
0x90: {  	s2 =	sld [smem:$0x3FD0];
	_ =	sdelay $0x2  }
0x91: {  	s15 =	simm.s32 $0xB;
	s4 =	simm.s32 $0x10  }
0x92: {  	[smem:s4], [sflag:s15] =	dma.local [hbm:s2], $0x1  }
0x93: {  	_ =	swait.eq [sflag:s15], $0x1  }
0x94: {  	[sflag:s15] =	ssyncset.done $0x0  }
0x95: {  	s16 =	sld [smem:$0x10];
	[sflag:s15] =	ssyncadd.s32 $0xFFFFFFFF  }
0x96: {  	s17 =	sld [smem:$0x11];
	(tm) =	ssettm $0x1  }
0x97: {  	s18 =	sld [smem:$0x3FFB];
	_ =	sdelay $0x3  }
0x98: {  	_ =	strace s18  }
0x99: {  	s4 =	sld [smem:$0x3FFC];
	_ =	sdelay $0x3  }
0x9a: {  	_ =	strace s4  }
0x9b: {  	s4 =	sld [smem:$0x3FFD];
	_ =	sdelay $0x3  }
0x9c: {  	_ =	strace s4  }
0x9d: {  	_ =	strace $0x8FFFFFFF  }
0x9e: {  	s19 =	sld [smem:$0x3FDB];
	_ =	sdelay $0x1  }
0x9f: {  	s5 =	simm.s32 $_scs_section_size  }
0xa0: {  	s6 =	simm.s32 $_size__tile_overlayer_lowered;
	s7 =	simm.s32 $_tile_overlayer_lowered  }
0xa1: {  	s22 =	simm.s32 $0x1BFF;
	s21 =	sshll.u32 s7, $0x1;
	s4 =	sadd.s32 s5, s19  }
0xa2: {  	s8 =	simm.s32 $0x0;
	s20 =	sshll.u32 s6, $0x1;
	s6 =	sadd.s32 s21, s4  }
0xa3: {  	[timem:s8], [sflag:s22] =	dma.local [hbm:s6], s20  }
0xa4: {  	_ =	swait.ge [sflag:s22], s20  }
0xa5: {  	s5 =	ssub.s32 $0x0, s20;
	[sflag:s22] =	ssyncset.done $0x0  }
0xa6: {  	[sflag:s22] =	ssyncadd.s32 s5;
	_ =	sdelay $0x1  }
0xa7: {  	s23 =	simm.s32 $0x1B8B  }
0xa8: {  	_ =	swait.ge [sflag:s23], $0x1  }
0xa9: {  	[sflag:s23] =	ssyncset.done $0x0  }
0xaa: {  	s25 =	simm.s32 $0x1B8E;
	s24 =	sld [smem:$0x3FFE];
	[sflag:s23] =	ssyncadd.s32 $0xFFFFFFFF  }
0xab: {  	s26 =	simm.s32 $execute0_lowered;
	[smem:$0x3FD2] =	sst s25  }
0xac: {  	s6 =	sshll.u32 s26, $0x1;
	_ =	strace $0x80000046;
	[dreg:$0x1] =	wrdreg $0xFFFFFFFF  }
0xad: {  	s28 =	simm.s32 $_size_execute0_lowered;
	s4 =	sadd.s32 s4, s6;
	[dreg:$0x0] =	wrdreg $0x0  }
0xae: {  	s6 =	sshll.u32 s28, $0x1;
	[dreg:$0x2] =	wrdreg s4  }
0xaf: {  	[dreg:$0x3] =	wrdreg s6  }
0xb0: {  	[dreg:$0x4] =	wrdreg $0xC0  }
0xb1: {  	_ =	task [dreg:s8], $0x5FFFF  }
0xb2: {  	[dreg:$0x1] =	wrdreg $0xFFFFFFFF  }
0xb3: {  	[dreg:$0x0] =	wrdreg $0x60  }
0xb4: {  	[dreg:$0x2] =	wrdreg s16  }
0xb5: {  	[dreg:$0x3] =	wrdreg s17  }
0xb6: {  	[dreg:$0x4] =	wrdreg s24  }
0xb7: {  	[dreg:$0x5] =	wrdreg $0xA  }
0xb8: {  	_ =	task.clear_ibuf [dreg:s8], $0x6FFFF;
	_ =	strace $0x90000046  }
0xb9: {  	s29 =	simm.s32 $0xA;
	_ =	strace $0x80000048  }
0xba: {  	_ =	swait.ge [sflag:s29], $0x1  }
0xbb: {  	[sflag:s29] =	ssyncadd.s32 $0xFFFFFFFF  }
0xbc: {  	_ =	strace $0x90000048  }
0xbd: {  	_ =	sfence  }
0xbe: {  	s30 =	sld [smem:$0x0];
	_ =	sdelay $0x2  }
0xbf: {  	s31 =	sshll.u32 s1, $0xD;
	s1 =	sshrl.u32 s1, $0x2  }
0xc0: {  	s3 =	sand.u32 $0x4000, s31;
	s1 =	sadd.s32 s1, s30  }
0xc1: {  	s0 =	sor.u32 s3, s0;
	s1 =	sshll.u32 s1, $0x11  }
0xc2: {  	s0 =	sor.u32 s1, s0  }
0xc3: {  	s0 =	sadd.s32 $0x8F2B, s0  }
0xc4: {  	[sflag:s0] =	ssyncadd.remote.s32 $0x1  }
0xc5: {  	_ =	sfence.sel $0xFFFF  }
0xc6: {  	[dreg:$0x0] =	wrdreg $0xFFFFFFFF;
	(pc) =	sbr.abs _section_cstart, $3  }
0xc7: {  	[dreg:$0x1] =	wrdreg $0xFFFFFFFF  }
0xc8: {  	_ =	task.clear_ibuf [dreg:s8], $0x2FFFF;
	_ =	strace $0x9FFFFFFF  }
0xc9: {  	(tm) =	ssettm $0x7FFFFFFF  }
tec
execute0_lowered:
.L_overlay_start_1:
0x0: {  	(tag) =	ssettag $0x1  }
0x1: {  	s1 =	srdreg.scid;
	s0 =	stileid.u32  }
0x2: {  	s1 =	sand.u32 $0x1, s1;
	s3 =	sshll.u32 s0, $0x1  }
0x3: {  	s2 =	rddreg [dreg:$0x0];
	s6 =	sor.u32 s1, s3  }
0x4: {  	s4 =	rddreg [dreg:$0x1];
	s7 =	smul.u32 $0xC8, s6  }
0x5: {  	s5 =	rddreg [dreg:$0x2];
	s3 =	simm.s32 $0x0;
	s8 =	smul.u32 $0x32000, s6  }
0x6: {  	[smem:$0x7FF] =	sst s3;
	s6 =	smul.u32 $0x6400, s6  }
0x7: {  	s5 =	sadd.s32 $0x496800, s5;
	_ =	strace $0x80000047;
	s4 =	sadd.s32 s4, s7  }
0x8: {  	s21 =	sshrl.u32 s8, $0x3;
	s22 =	sadd.s32 s5, s6;
	[dreg:$0x4] =	wrdreg s4  }
0x9: {  	s31 =	sadd.s32 s5, s21;
	[dreg:$0x5] =	wrdreg s22  }
0xa: {  	s23 =	sadd.s32 $0x800, s31;
	s25 =	rddreg [dreg:$0x4]  }
0xb: {  	s24 =	sadd.s32 $0x1000, s31;
	[dreg:$0x6] =	wrdreg s23  }
0xc: {  	s26 =	sadd.s32 $0x1800, s31;
	[dreg:$0x7] =	wrdreg s24  }
0xd: {  	s4 =	simm.s32 $0x3;
	[dreg:$0x8] =	wrdreg s26  }
0xe: {  	[tilespmem:s3], [sflag:$0x3] =	stream.linear.gather [hbm4b:s25+s3], $0x640, $0x38;
	[tilespmem:$0x8680] =	vst v63  }
0xf: {  	_ =	swait.ge [sflag:s4], $0x640  }
0x10: {  	[sflag:s4] =	ssyncset.done $0x0  }
0x11: {  	s6 =	simm.s32 $0x680;
	s5 =	simm.s32 $0x80;
	[sflag:s4] =	ssyncadd.s32 $0xFFFFF9C0  }
0x12: {  	[tilespmem:s6], [sflag:$0x1] =	stream.indirect.gather [hbm4b:s2+s5], $0x80, s3, s5, $0xb8;
	[tilespmem:$0x8680] =	vst v63  }
0x13: {  	s7 =	simm.s32 $0x4680;
	s8 =	simm.s32 $0x1  }
0x14: {  	[tilespmem:s7], [sflag:$0x2] =	stream.indirect.gather [hbm4b:s2+s5], $0x80, s5, s5, $0xb8;
	[tilespmem:$0x8680] =	vst v63  }
0x15: {  	_ =	swait.ge [sflag:s8], $0x4000  }
0x16: {  	[sflag:s8] =	ssyncset.done $0x0  }
0x17: {  	s9 =	rddreg [dreg:$0x5];
	[sflag:s8] =	ssyncadd.s32 $0xFFFFC000  }
0x18: {  	[hbm4b:s9+s3] =	stream.linear.scatter [tilespmem:s6], [sflag:$0x3], $0x4000, $0x38;
	[tilespmem:$0x8680] =	vst v63  }
0x19: {  	_ =	swait.ge [sflag:s4], $0x4000  }
0x1a: {  	[sflag:s4] =	ssyncset.done $0x0  }
0x1b: {  	s10 =	simm.s32 $0x2;
	s9 =	simm.s32 $0x100;
	[sflag:s4] =	ssyncadd.s32 $0xFFFFC000  }
0x1c: {  	[tilespmem:s6], [sflag:$0x1] =	stream.indirect.gather [hbm4b:s2+s5], $0x80, s9, s5, $0xb8;
	[tilespmem:$0x8680] =	vst v63  }
0x1d: {  	_ =	swait.ge [sflag:s10], $0x4000  }
0x1e: {  	[sflag:s10] =	ssyncset.done $0x0  }
0x1f: {  	s11 =	rddreg [dreg:$0x6];
	[sflag:s10] =	ssyncadd.s32 $0xFFFFC000  }
0x20: {  	[hbm4b:s11+s3] =	stream.linear.scatter [tilespmem:s7], [sflag:$0x3], $0x4000, $0x38;
	[tilespmem:$0x8680] =	vst v63  }
0x21: {  	_ =	swait.ge [sflag:s4], $0x4000  }
0x22: {  	[sflag:s4] =	ssyncset.done $0x0  }
0x23: {  	s11 =	simm.s32 $0x180;
	[sflag:s4] =	ssyncadd.s32 $0xFFFFC000  }
0x24: {  	[tilespmem:s7], [sflag:$0x2] =	stream.indirect.gather [hbm4b:s2+s5], $0x80, s11, s5, $0xb8;
	[tilespmem:$0x8680] =	vst v63  }
0x25: {  	_ =	swait.ge [sflag:s8], $0x4000  }
0x26: {  	[sflag:s8] =	ssyncset.done $0x0  }
0x27: {  	s12 =	rddreg [dreg:$0x7];
	[sflag:s8] =	ssyncadd.s32 $0xFFFFC000  }
0x28: {  	[hbm4b:s12+s3] =	stream.linear.scatter [tilespmem:s6], [sflag:$0x3], $0x4000, $0x38;
	[tilespmem:$0x8680] =	vst v63  }
0x29: {  	_ =	swait.ge [sflag:s4], $0x4000  }
0x2a: {  	[sflag:s4] =	ssyncset.done $0x0  }
0x2b: {  	s12 =	simm.s32 $0x200;
	[sflag:s4] =	ssyncadd.s32 $0xFFFFC000  }
0x2c: {  	[tilespmem:s6], [sflag:$0x1] =	stream.indirect.gather [hbm4b:s2+s5], $0x80, s12, s5, $0xb8;
	[tilespmem:$0x8680] =	vst v63  }
0x2d: {  	_ =	swait.ge [sflag:s10], $0x4000  }
0x2e: {  	[sflag:s10] =	ssyncset.done $0x0  }
0x2f: {  	s13 =	rddreg [dreg:$0x8];
	[sflag:s10] =	ssyncadd.s32 $0xFFFFC000  }
0x30: {  	[hbm4b:s13+s3] =	stream.linear.scatter [tilespmem:s7], [sflag:$0x3], $0x4000, $0x38;
	[tilespmem:$0x8680] =	vst v63  }
0x31: {  	_ =	swait.ge [sflag:s4], $0x4000  }
0x32: {  	[sflag:s4] =	ssyncset.done $0x0  }
0x33: {  	s13 =	simm.s32 $0x280;
	[sflag:s4] =	ssyncadd.s32 $0xFFFFC000  }
0x34: {  	[tilespmem:s7], [sflag:$0x2] =	stream.indirect.gather [hbm4b:s2+s5], $0x80, s13, s5, $0xb8;
	[tilespmem:$0x8680] =	vst v63  }
0x35: {  	_ =	swait.ge [sflag:s8], $0x4000  }
0x36: {  	[sflag:s8] =	ssyncset.done $0x0  }
0x37: {  	s14 =	sadd.s32 $0x2000, s31;
	[sflag:s8] =	ssyncadd.s32 $0xFFFFC000  }
0x38: {  	[hbm4b:s14+s3] =	stream.linear.scatter [tilespmem:s6], [sflag:$0x3], $0x4000, $0x38;
	[tilespmem:$0x8680] =	vst v63  }
0x39: {  	_ =	swait.ge [sflag:s4], $0x4000  }
0x3a: {  	[sflag:s4] =	ssyncset.done $0x0  }
0x3b: {  	s15 =	simm.s32 $0x300;
	[sflag:s4] =	ssyncadd.s32 $0xFFFFC000  }
0x3c: {  	[tilespmem:s6], [sflag:$0x1] =	stream.indirect.gather [hbm4b:s2+s5], $0x80, s15, s5, $0xb8;
	[tilespmem:$0x8680] =	vst v63  }
0x3d: {  	_ =	swait.ge [sflag:s10], $0x4000  }
0x3e: {  	[sflag:s10] =	ssyncset.done $0x0  }
0x3f: {  	s16 =	sadd.s32 $0x2800, s31;
	[sflag:s10] =	ssyncadd.s32 $0xFFFFC000  }
0x40: {  	[hbm4b:s16+s3] =	stream.linear.scatter [tilespmem:s7], [sflag:$0x3], $0x4000, $0x38;
	[tilespmem:$0x8680] =	vst v63  }
0x41: {  	_ =	swait.ge [sflag:s4], $0x4000  }
0x42: {  	[sflag:s4] =	ssyncset.done $0x0  }
0x43: {  	s17 =	simm.s32 $0x380;
	[sflag:s4] =	ssyncadd.s32 $0xFFFFC000  }
0x44: {  	[tilespmem:s7], [sflag:$0x2] =	stream.indirect.gather [hbm4b:s2+s5], $0x80, s17, s5, $0xb8;
	[tilespmem:$0x8680] =	vst v63  }
0x45: {  	_ =	swait.ge [sflag:s8], $0x4000  }
0x46: {  	[sflag:s8] =	ssyncset.done $0x0  }
0x47: {  	s18 =	sadd.s32 $0x3000, s31;
	[sflag:s8] =	ssyncadd.s32 $0xFFFFC000  }
0x48: {  	[hbm4b:s18+s3] =	stream.linear.scatter [tilespmem:s6], [sflag:$0x3], $0x4000, $0x38;
	[tilespmem:$0x8680] =	vst v63  }
0x49: {  	_ =	swait.ge [sflag:s4], $0x4000  }
0x4a: {  	[sflag:s4] =	ssyncset.done $0x0  }
0x4b: {  	s19 =	simm.s32 $0x400;
	[sflag:s4] =	ssyncadd.s32 $0xFFFFC000  }
0x4c: {  	[tilespmem:s6], [sflag:$0x1] =	stream.indirect.gather [hbm4b:s2+s5], $0x80, s19, s5, $0xb8;
	[tilespmem:$0x8680] =	vst v63  }
0x4d: {  	_ =	swait.ge [sflag:s10], $0x4000  }
0x4e: {  	[sflag:s10] =	ssyncset.done $0x0  }
0x4f: {  	s20 =	sadd.s32 $0x3800, s31;
	[sflag:s10] =	ssyncadd.s32 $0xFFFFC000  }
0x50: {  	[hbm4b:s20+s3] =	stream.linear.scatter [tilespmem:s7], [sflag:$0x3], $0x4000, $0x38;
	[tilespmem:$0x8680] =	vst v63  }
0x51: {  	_ =	swait.ge [sflag:s4], $0x4000  }
0x52: {  	[sflag:s4] =	ssyncset.done $0x0  }
0x53: {  	s21 =	simm.s32 $0x480;
	[sflag:s4] =	ssyncadd.s32 $0xFFFFC000  }
0x54: {  	[tilespmem:s7], [sflag:$0x2] =	stream.indirect.gather [hbm4b:s2+s5], $0x80, s21, s5, $0xb8;
	[tilespmem:$0x8680] =	vst v63  }
0x55: {  	_ =	swait.ge [sflag:s8], $0x4000  }
0x56: {  	[sflag:s8] =	ssyncset.done $0x0  }
0x57: {  	s22 =	sadd.s32 $0x4000, s31;
	[sflag:s8] =	ssyncadd.s32 $0xFFFFC000  }
0x58: {  	[hbm4b:s22+s3] =	stream.linear.scatter [tilespmem:s6], [sflag:$0x3], $0x4000, $0x38;
	[tilespmem:$0x8680] =	vst v63  }
0x59: {  	_ =	swait.ge [sflag:s4], $0x4000  }
0x5a: {  	[sflag:s4] =	ssyncset.done $0x0  }
0x5b: {  	s23 =	simm.s32 $0x500;
	[sflag:s4] =	ssyncadd.s32 $0xFFFFC000  }
0x5c: {  	[tilespmem:s6], [sflag:$0x1] =	stream.indirect.gather [hbm4b:s2+s5], $0x80, s23, s5, $0xb8;
	[tilespmem:$0x8680] =	vst v63  }
0x5d: {  	_ =	swait.ge [sflag:s10], $0x4000  }
0x5e: {  	[sflag:s10] =	ssyncset.done $0x0  }
0x5f: {  	s24 =	sadd.s32 $0x4800, s31;
	[sflag:s10] =	ssyncadd.s32 $0xFFFFC000  }
0x60: {  	[hbm4b:s24+s3] =	stream.linear.scatter [tilespmem:s7], [sflag:$0x3], $0x4000, $0x38;
	[tilespmem:$0x8680] =	vst v63  }
0x61: {  	_ =	swait.ge [sflag:s4], $0x4000  }
0x62: {  	[sflag:s4] =	ssyncset.done $0x0  }
0x63: {  	s25 =	simm.s32 $0x580;
	[sflag:s4] =	ssyncadd.s32 $0xFFFFC000  }
0x64: {  	[tilespmem:s7], [sflag:$0x2] =	stream.indirect.gather [hbm4b:s2+s5], $0x80, s25, s5, $0xb8;
	[tilespmem:$0x8680] =	vst v63  }
0x65: {  	_ =	swait.ge [sflag:s8], $0x4000  }
0x66: {  	[sflag:s8] =	ssyncset.done $0x0  }
0x67: {  	s26 =	sadd.s32 $0x5000, s31;
	[sflag:s8] =	ssyncadd.s32 $0xFFFFC000  }
0x68: {  	[hbm4b:s26+s3] =	stream.linear.scatter [tilespmem:s6], [sflag:$0x3], $0x4000, $0x38;
	[tilespmem:$0x8680] =	vst v63  }
0x69: {  	_ =	swait.ge [sflag:s4], $0x4000  }
0x6a: {  	[sflag:s4] =	ssyncset.done $0x0  }
0x6b: {  	s28 =	simm.s32 $0x40;
	s29 =	simm.s32 $0x600;
	[sflag:s4] =	ssyncadd.s32 $0xFFFFC000  }
0x6c: {  	[tilespmem:s6], [sflag:$0x1] =	stream.indirect.gather [hbm4b:s2+s28], $0x80, s29, s28, $0xb8;
	[tilespmem:$0x8680] =	vst v63  }
0x6d: {  	_ =	swait.ge [sflag:s10], $0x4000  }
0x6e: {  	s1 =	ssub.s32 $0x2, s1;
	[sflag:s10] =	ssyncset.done $0x0  }
0x6f: {  	s0 =	sshrl.u32 s1, $0x1;
	s30 =	sadd.s32 $0x5800, s31;
	[sflag:s10] =	ssyncadd.s32 $0xFFFFC000  }
0x70: {  	[hbm4b:s30+s3] =	stream.linear.scatter [tilespmem:s7], [sflag:$0x3], $0x4000, $0x38;
	[tilespmem:$0x8680] =	vst v63  }
0x71: {  	s0 =	ssub.s32 s1, s0;
	_ =	swait.ge [sflag:s4], $0x4000  }
0x72: {  	s0 =	smax.u32 s0, $0x1;
	[sflag:s4] =	ssyncset.done $0x0  }
0x73: {  	p0 =	sne.s32 s0, $0x1;
	[sflag:s4] =	ssyncadd.s32 $0xFFFFC000  }
.Ltmp0:
0x74: {  	_ =	swait.ge [sflag:s8], $0x2000;
	(pc) =	sbr.rel @!p0 .LBB2_2-.Ltmp0, $4  }
0x75: {  	[sflag:s8] =	ssyncset.done $0x0  }
0x76: {  	s31 =	sadd.s32 $0x6000, s31;
	[sflag:s8] =	ssyncadd.s32 $0xFFFFE000  }
0x77: {  	[hbm4b:s31+s3] =	stream.linear.scatter [tilespmem:s6], [sflag:$0x3], $0x2000, $0x38;
	[tilespmem:$0x8680] =	vst v63  }
0x78: {  	s1 =	sadd.s32 $0xFFFFFFFF, s0;
	_ =	swait.ge [sflag:s4], $0x2000  }
.LBB2_1:
0x79: {  	[sflag:s4] =	ssyncset.done $0x0  }
0x7a: {  	s0 =	rddreg [dreg:$0x4];
	[sflag:s4] =	ssyncadd.s32 $0xFFFFE000  }
0x7b: {  	[tilespmem:s3], [sflag:$0x3] =	stream.linear.gather [hbm4b:s0+s3], $0x640, $0x38;
	[tilespmem:$0x8680] =	vst v63  }
0x7c: {  	_ =	swait.ge [sflag:s4], $0x640  }
0x7d: {  	[sflag:s4] =	ssyncset.done $0x0  }
0x7e: {  	[sflag:s4] =	ssyncadd.s32 $0xFFFFF9C0  }
0x7f: {  	[tilespmem:s6], [sflag:$0x1] =	stream.indirect.gather [hbm4b:s2+s5], $0x80, s3, s5, $0xb8;
	[tilespmem:$0x8680] =	vst v63  }
0x80: {  	_ = 	snop  }
0x81: {  	[tilespmem:s7], [sflag:$0x2] =	stream.indirect.gather [hbm4b:s2+s5], $0x80, s5, s5, $0xb8;
	[tilespmem:$0x8680] =	vst v63  }
0x82: {  	_ =	swait.ge [sflag:s8], $0x4000  }
0x83: {  	[sflag:s8] =	ssyncset.done $0x0  }
0x84: {  	s0 =	rddreg [dreg:$0x5];
	[sflag:s8] =	ssyncadd.s32 $0xFFFFC000  }
0x85: {  	[hbm4b:s0+s3] =	stream.linear.scatter [tilespmem:s6], [sflag:$0x3], $0x4000, $0x38;
	[tilespmem:$0x8680] =	vst v63  }
0x86: {  	_ =	swait.ge [sflag:s4], $0x4000  }
0x87: {  	[sflag:s4] =	ssyncset.done $0x0  }
0x88: {  	[sflag:s4] =	ssyncadd.s32 $0xFFFFC000  }
0x89: {  	[tilespmem:s6], [sflag:$0x1] =	stream.indirect.gather [hbm4b:s2+s5], $0x80, s9, s5, $0xb8;
	[tilespmem:$0x8680] =	vst v63  }
0x8a: {  	_ =	swait.ge [sflag:s10], $0x4000  }
0x8b: {  	[sflag:s10] =	ssyncset.done $0x0  }
0x8c: {  	s0 =	rddreg [dreg:$0x6];
	[sflag:s10] =	ssyncadd.s32 $0xFFFFC000  }
0x8d: {  	[hbm4b:s0+s3] =	stream.linear.scatter [tilespmem:s7], [sflag:$0x3], $0x4000, $0x38;
	[tilespmem:$0x8680] =	vst v63  }
0x8e: {  	_ =	swait.ge [sflag:s4], $0x4000  }
0x8f: {  	[sflag:s4] =	ssyncset.done $0x0  }
0x90: {  	[sflag:s4] =	ssyncadd.s32 $0xFFFFC000  }
0x91: {  	[tilespmem:s7], [sflag:$0x2] =	stream.indirect.gather [hbm4b:s2+s5], $0x80, s11, s5, $0xb8;
	[tilespmem:$0x8680] =	vst v63  }
0x92: {  	_ =	swait.ge [sflag:s8], $0x4000  }
0x93: {  	[sflag:s8] =	ssyncset.done $0x0  }
0x94: {  	s0 =	rddreg [dreg:$0x7];
	[sflag:s8] =	ssyncadd.s32 $0xFFFFC000  }
0x95: {  	[hbm4b:s0+s3] =	stream.linear.scatter [tilespmem:s6], [sflag:$0x3], $0x4000, $0x38;
	[tilespmem:$0x8680] =	vst v63  }
0x96: {  	_ =	swait.ge [sflag:s4], $0x4000  }
0x97: {  	[sflag:s4] =	ssyncset.done $0x0  }
0x98: {  	[sflag:s4] =	ssyncadd.s32 $0xFFFFC000  }
0x99: {  	[tilespmem:s6], [sflag:$0x1] =	stream.indirect.gather [hbm4b:s2+s5], $0x80, s12, s5, $0xb8;
	[tilespmem:$0x8680] =	vst v63  }
0x9a: {  	_ =	swait.ge [sflag:s10], $0x4000  }
0x9b: {  	[sflag:s10] =	ssyncset.done $0x0  }
0x9c: {  	s0 =	rddreg [dreg:$0x8];
	[sflag:s10] =	ssyncadd.s32 $0xFFFFC000  }
0x9d: {  	[hbm4b:s0+s3] =	stream.linear.scatter [tilespmem:s7], [sflag:$0x3], $0x4000, $0x38;
	[tilespmem:$0x8680] =	vst v63  }
0x9e: {  	_ =	swait.ge [sflag:s4], $0x4000  }
0x9f: {  	[sflag:s4] =	ssyncset.done $0x0  }
0xa0: {  	[sflag:s4] =	ssyncadd.s32 $0xFFFFC000  }
0xa1: {  	[tilespmem:s7], [sflag:$0x2] =	stream.indirect.gather [hbm4b:s2+s5], $0x80, s13, s5, $0xb8;
	[tilespmem:$0x8680] =	vst v63  }
0xa2: {  	_ =	swait.ge [sflag:s8], $0x4000  }
0xa3: {  	[sflag:s8] =	ssyncset.done $0x0  }
0xa4: {  	[sflag:s8] =	ssyncadd.s32 $0xFFFFC000  }
0xa5: {  	[hbm4b:s14+s3] =	stream.linear.scatter [tilespmem:s6], [sflag:$0x3], $0x4000, $0x38;
	[tilespmem:$0x8680] =	vst v63  }
0xa6: {  	_ =	swait.ge [sflag:s4], $0x4000  }
0xa7: {  	[sflag:s4] =	ssyncset.done $0x0  }
0xa8: {  	[sflag:s4] =	ssyncadd.s32 $0xFFFFC000  }
0xa9: {  	[tilespmem:s6], [sflag:$0x1] =	stream.indirect.gather [hbm4b:s2+s5], $0x80, s15, s5, $0xb8;
	[tilespmem:$0x8680] =	vst v63  }
0xaa: {  	_ =	swait.ge [sflag:s10], $0x4000  }
0xab: {  	[sflag:s10] =	ssyncset.done $0x0  }
0xac: {  	[sflag:s10] =	ssyncadd.s32 $0xFFFFC000  }
0xad: {  	[hbm4b:s16+s3] =	stream.linear.scatter [tilespmem:s7], [sflag:$0x3], $0x4000, $0x38;
	[tilespmem:$0x8680] =	vst v63  }
0xae: {  	_ =	swait.ge [sflag:s4], $0x4000  }
0xaf: {  	[sflag:s4] =	ssyncset.done $0x0  }
0xb0: {  	[sflag:s4] =	ssyncadd.s32 $0xFFFFC000  }
0xb1: {  	[tilespmem:s7], [sflag:$0x2] =	stream.indirect.gather [hbm4b:s2+s5], $0x80, s17, s5, $0xb8;
	[tilespmem:$0x8680] =	vst v63  }
0xb2: {  	_ =	swait.ge [sflag:s8], $0x4000  }
0xb3: {  	[sflag:s8] =	ssyncset.done $0x0  }
0xb4: {  	[sflag:s8] =	ssyncadd.s32 $0xFFFFC000  }
0xb5: {  	[hbm4b:s18+s3] =	stream.linear.scatter [tilespmem:s6], [sflag:$0x3], $0x4000, $0x38;
	[tilespmem:$0x8680] =	vst v63  }
0xb6: {  	_ =	swait.ge [sflag:s4], $0x4000  }
0xb7: {  	[sflag:s4] =	ssyncset.done $0x0  }
0xb8: {  	[sflag:s4] =	ssyncadd.s32 $0xFFFFC000  }
0xb9: {  	[tilespmem:s6], [sflag:$0x1] =	stream.indirect.gather [hbm4b:s2+s5], $0x80, s19, s5, $0xb8;
	[tilespmem:$0x8680] =	vst v63  }
0xba: {  	_ =	swait.ge [sflag:s10], $0x4000  }
0xbb: {  	[sflag:s10] =	ssyncset.done $0x0  }
0xbc: {  	[sflag:s10] =	ssyncadd.s32 $0xFFFFC000  }
0xbd: {  	[hbm4b:s20+s3] =	stream.linear.scatter [tilespmem:s7], [sflag:$0x3], $0x4000, $0x38;
	[tilespmem:$0x8680] =	vst v63  }
0xbe: {  	_ =	swait.ge [sflag:s4], $0x4000  }
0xbf: {  	[sflag:s4] =	ssyncset.done $0x0  }
0xc0: {  	[sflag:s4] =	ssyncadd.s32 $0xFFFFC000  }
0xc1: {  	[tilespmem:s7], [sflag:$0x2] =	stream.indirect.gather [hbm4b:s2+s5], $0x80, s21, s5, $0xb8;
	[tilespmem:$0x8680] =	vst v63  }
0xc2: {  	_ =	swait.ge [sflag:s8], $0x4000  }
0xc3: {  	[sflag:s8] =	ssyncset.done $0x0  }
0xc4: {  	[sflag:s8] =	ssyncadd.s32 $0xFFFFC000  }
0xc5: {  	[hbm4b:s22+s3] =	stream.linear.scatter [tilespmem:s6], [sflag:$0x3], $0x4000, $0x38;
	[tilespmem:$0x8680] =	vst v63  }
0xc6: {  	_ =	swait.ge [sflag:s4], $0x4000  }
0xc7: {  	[sflag:s4] =	ssyncset.done $0x0  }
0xc8: {  	[sflag:s4] =	ssyncadd.s32 $0xFFFFC000  }
0xc9: {  	[tilespmem:s6], [sflag:$0x1] =	stream.indirect.gather [hbm4b:s2+s5], $0x80, s23, s5, $0xb8;
	[tilespmem:$0x8680] =	vst v63  }
0xca: {  	_ =	swait.ge [sflag:s10], $0x4000  }
0xcb: {  	[sflag:s10] =	ssyncset.done $0x0  }
0xcc: {  	[sflag:s10] =	ssyncadd.s32 $0xFFFFC000  }
0xcd: {  	[hbm4b:s24+s3] =	stream.linear.scatter [tilespmem:s7], [sflag:$0x3], $0x4000, $0x38;
	[tilespmem:$0x8680] =	vst v63  }
0xce: {  	_ =	swait.ge [sflag:s4], $0x4000  }
0xcf: {  	[sflag:s4] =	ssyncset.done $0x0  }
0xd0: {  	[sflag:s4] =	ssyncadd.s32 $0xFFFFC000  }
0xd1: {  	[tilespmem:s7], [sflag:$0x2] =	stream.indirect.gather [hbm4b:s2+s5], $0x80, s25, s5, $0xb8;
	[tilespmem:$0x8680] =	vst v63  }
0xd2: {  	_ =	swait.ge [sflag:s8], $0x4000  }
0xd3: {  	[sflag:s8] =	ssyncset.done $0x0  }
0xd4: {  	[sflag:s8] =	ssyncadd.s32 $0xFFFFC000  }
0xd5: {  	[hbm4b:s26+s3] =	stream.linear.scatter [tilespmem:s6], [sflag:$0x3], $0x4000, $0x38;
	[tilespmem:$0x8680] =	vst v63  }
0xd6: {  	_ =	swait.ge [sflag:s4], $0x4000  }
0xd7: {  	[sflag:s4] =	ssyncset.done $0x0  }
0xd8: {  	[sflag:s4] =	ssyncadd.s32 $0xFFFFC000  }
0xd9: {  	[tilespmem:s6], [sflag:$0x1] =	stream.indirect.gather [hbm4b:s2+s28], $0x80, s29, s28, $0xb8;
	[tilespmem:$0x8680] =	vst v63  }
0xda: {  	_ =	swait.ge [sflag:s10], $0x4000  }
0xdb: {  	[sflag:s10] =	ssyncset.done $0x0  }
0xdc: {  	[sflag:s10] =	ssyncadd.s32 $0xFFFFC000  }
0xdd: {  	[hbm4b:s30+s3] =	stream.linear.scatter [tilespmem:s7], [sflag:$0x3], $0x4000, $0x38;
	[tilespmem:$0x8680] =	vst v63  }
0xde: {  	_ =	swait.ge [sflag:s4], $0x4000  }
0xdf: {  	[sflag:s4] =	ssyncset.done $0x0  }
0xe0: {  	p0 =	sne.s32 s1, $0x1;
	[sflag:s4] =	ssyncadd.s32 $0xFFFFC000  }
.Ltmp1:
0xe1: {  	_ =	swait.ge [sflag:s8], $0x2000;
	(pc) =	sbr.rel @p0 .LBB2_1-.Ltmp1, $4  }
0xe2: {  	[sflag:s8] =	ssyncset.done $0x0  }
0xe3: {  	[sflag:s8] =	ssyncadd.s32 $0xFFFFE000  }
0xe4: {  	[hbm4b:s31+s3] =	stream.linear.scatter [tilespmem:s6], [sflag:$0x3], $0x2000, $0x38;
	[tilespmem:$0x8680] =	vst v63  }
0xe5: {  	s1 =	sadd.s32 $0xFFFFFFFF, s1;
	_ =	swait.ge [sflag:s4], $0x2000  }
.LBB2_2:
0xe6: {  	[sflag:s4] =	ssyncset.done $0x0  }
0xe7: {  	[sflag:s4] =	ssyncadd.s32 $0xFFFFE000  }
0xe8: {  	_ =	sfence.sel $0x180000  }
0xe9: {  	[bflag:$0x0] =	sbarrier.arrive $0xFFFF  }
0xea: {  	_ =	strace $0x90000047  }
0xeb: {  	s0 =	stileid.u32;
	[bflag:$0x2] =	sbarrier.arrive $0xFFFF  }
0xec: {  	p0 =	sne.s32 s0, $0x0;
	s0 =	rddreg [dreg:$0x3]  }
0xed: {  	s0 =	sadd.s32 @!p0 $0x100000, s0  }
0xee: {  	[sflag:s0] =	ssyncadd.tile.s32 @!p0 $0x1;
	_ =	shalt  }
.Lfunc_end2:
_tile_overlayer_lowered:
.L_overlay_start_2:
0xef: {  	(tag) =	ssettag $0x2  }
0xf0: {  	s0 =	rddreg [dreg:$0x0];
	s2 =	stileid.u32  }
0xf1: {  	s1 =	rddreg [dreg:$0x1];
	p0 =	sne.s32 s2, $0x0  }
0xf2: {  	s3 =	rddreg [dreg:$0x2];
	[bflag:$0x3] =	sbarrier.arrive $0xFFFF;
	s2 =	simm.s32 @!p0 $0x1C03  }
0xf3: {  	[timem:s3], [sflag:s2] =	dma.local @!p0 [hbm:s0], s1  }
0xf4: {  	s0 =	simm.s32 @!p0 $0x3  }
0xf5: {  	_ =	swait.ge @!p0 [sflag:s0], s1  }
0xf6: {  	s1 =	ssub.s32 @!p0 $0x0, s1;
	[sflag:s0] =	ssyncset.done @!p0 $0x0  }
0xf7: {  	[sflag:s0] =	ssyncadd.s32 @!p0 s1  }
0xf8: {  	[bflag:$0x3] =	sbarrier.arrive $0xFFFF  }
0xf9: {  	_ =	shalt  }

// kernel: sparse-core-data-format-call.cloned.1.call-start
scs
called_computation_lowered:
.L_overlay_start_0:
0x0: {  	s2 =	sld [smem:$0x3FD9]  }
0x1: {  	s3 =	sld [smem:$0x3FFE];
	_ =	sdelay $0x1  }
0x2: {  	s1 =	srdreg.scid  }
0x3: {  	s0 =	sand.u32 $0x1, s1  }
0x4: {  	s15 =	sshll.u32 s0, $0xA;
	s2 =	sadd.s32 s3, s2  }
0x5: {  	s2 =	sadd.s32 s2, s15  }
0x6: {  	[smem:$0x3FBE] =	sst s2  }
0x7: {  	_ = 	snop  }
0x8: {  	s2 =	sld [smem:$0x3FD0];
	_ =	sdelay $0x2  }
0x9: {  	s16 =	simm.s32 $0xB;
	s4 =	simm.s32 $0x10  }
0xa: {  	[smem:s4], [sflag:s16] =	dma.local [hbm:s2], $0x1  }
0xb: {  	_ =	swait.eq [sflag:s16], $0x1  }
0xc: {  	[sflag:s16] =	ssyncset.done $0x0  }
0xd: {  	[sflag:s16] =	ssyncadd.s32 $0xFFFFFFFF  }
0xe: {  	s17 =	sld [smem:$0x10];
	(tm) =	ssettm $0x1  }
0xf: {  	s18 =	sld [smem:$0x3FFB];
	_ =	sdelay $0x3  }
0x10: {  	_ =	strace s18  }
0x11: {  	s3 =	sld [smem:$0x3FFC];
	_ =	sdelay $0x3  }
0x12: {  	_ =	strace s3  }
0x13: {  	s3 =	sld [smem:$0x3FFD];
	_ =	sdelay $0x3  }
0x14: {  	_ =	strace s3  }
0x15: {  	_ =	strace $0x8FFFFFFF  }
0x16: {  	s19 =	sld [smem:$0x3FDB];
	_ =	sdelay $0x1  }
0x17: {  	s20 =	simm.s32 $_scs_section_size  }
0x18: {  	s5 =	simm.s32 $_size__tile_overlayer_lowered;
	s6 =	simm.s32 $_tile_overlayer_lowered  }
0x19: {  	s23 =	simm.s32 $0x1BFF;
	s22 =	sshll.u32 s6, $0x1;
	s3 =	sadd.s32 s20, s19  }
0x1a: {  	s7 =	simm.s32 $0x0;
	s21 =	sshll.u32 s5, $0x1;
	s5 =	sadd.s32 s22, s3  }
0x1b: {  	[timem:s7], [sflag:s23] =	dma.local [hbm:s5], s21  }
0x1c: {  	_ =	swait.ge [sflag:s23], s21  }
0x1d: {  	s4 =	ssub.s32 $0x0, s21;
	[sflag:s23] =	ssyncset.done $0x0  }
0x1e: {  	[sflag:s23] =	ssyncadd.s32 s4;
	_ =	sdelay $0x1  }
0x1f: {  	s24 =	simm.s32 $0x1B8B  }
0x20: {  	_ =	swait.ge [sflag:s24], $0x1  }
0x21: {  	[sflag:s24] =	ssyncset.done $0x0  }
0x22: {  	s26 =	simm.s32 $0x1B8E;
	s25 =	sld [smem:$0x3FFE];
	[sflag:s24] =	ssyncadd.s32 $0xFFFFFFFF  }
0x23: {  	s27 =	simm.s32 $execute0_lowered;
	[smem:$0x3FD2] =	sst s26  }
0x24: {  	s5 =	sshll.u32 s27, $0x1;
	_ =	strace $0x8000004C;
	[dreg:$0x1] =	wrdreg $0xFFFFFFFF  }
0x25: {  	s28 =	simm.s32 $_size_execute0_lowered;
	s3 =	sadd.s32 s3, s5;
	[dreg:$0x0] =	wrdreg $0x0  }
0x26: {  	s5 =	sshll.u32 s28, $0x1;
	[dreg:$0x2] =	wrdreg s3  }
0x27: {  	[dreg:$0x3] =	wrdreg s5  }
0x28: {  	[dreg:$0x4] =	wrdreg $0xC0  }
0x29: {  	_ =	task [dreg:s7], $0x5FFFF  }
0x2a: {  	[dreg:$0x1] =	wrdreg $0xFFFFFFFF  }
0x2b: {  	[dreg:$0x0] =	wrdreg $0x60  }
0x2c: {  	[dreg:$0x2] =	wrdreg s25  }
0x2d: {  	[dreg:$0x3] =	wrdreg s17  }
0x2e: {  	[dreg:$0x4] =	wrdreg $0x9  }
0x2f: {  	_ =	task.clear_ibuf [dreg:s7], $0x5FFFF;
	_ =	strace $0x9000004C  }
0x30: {  	s29 =	simm.s32 $0x9;
	_ =	strace $0x8000004E  }
0x31: {  	_ =	swait.ge [sflag:s29], $0x1  }
0x32: {  	[sflag:s29] =	ssyncadd.s32 $0xFFFFFFFF  }
0x33: {  	_ =	strace $0x9000004E  }
0x34: {  	_ =	sfence  }
0x35: {  	s30 =	sld [smem:$0x0];
	_ =	sdelay $0x2  }
0x36: {  	s31 =	sshll.u32 s1, $0xD;
	s1 =	sshrl.u32 s1, $0x2  }
0x37: {  	s3 =	sand.u32 $0x4000, s31;
	s1 =	sadd.s32 s1, s30  }
0x38: {  	s0 =	sor.u32 s3, s0;
	s1 =	sshll.u32 s1, $0x11  }
0x39: {  	s0 =	sor.u32 s1, s0  }
0x3a: {  	s0 =	sadd.s32 $0x8F2B, s0  }
0x3b: {  	[sflag:s0] =	ssyncadd.remote.s32 $0x1  }
0x3c: {  	_ =	sfence.sel $0xFFFF  }
0x3d: {  	[dreg:$0x0] =	wrdreg $0xFFFFFFFF;
	(pc) =	sbr.abs _section_cstart, $3  }
0x3e: {  	[dreg:$0x1] =	wrdreg $0xFFFFFFFF  }
0x3f: {  	_ =	task.clear_ibuf [dreg:s7], $0x2FFFF;
	_ =	strace $0x9FFFFFFF  }
0x40: {  	(tm) =	ssettm $0x7FFFFFFF  }
0x41: {  	_ =	shalt  }
tec
execute0_lowered:
.L_overlay_start_1:
0x0: {  	(tag) =	ssettag $0x1  }
0x1: {  	s0 =	stileid.u32;
	s1 =	srdreg.scid  }
0x2: {  	s2 =	sshll.u32 s0, $0x5;
	s1 =	sshll.u32 s1, $0x9  }
0x3: {  	s1 =	sor.u32 s2, s1  }
0x4: {  	s7 =	rddreg [dreg:$0x0];
	s8 =	simm.s32 $0x2;
	s1 =	sand.u32 $0x380, s1  }
0x5: {  	s17 =	simm.s32 $0x0;
	s9 =	simm.s32 $0x2000;
	s3 =	ssub.s32 $0x400, s1  }
0x6: {  	s18 =	simm.s32 $0x0;
	s19 =	simm.s32 $0x0;
	s4 =	sand.u32 $0x380, s3  }
0x7: {  	s2 =	sand.u32 $0x3, s0;
	p0 =	sne.s32 s4, $0x0;
	s4 =	simm.s32 $0x1  }
0x8: {  	s5 =	ssub.s32 $0x35, s2;
	s3 =	sshrl.u32 s3, $0xA;
	s4 =	simm.s32 @!p0 $0x0  }
0x9: {  	s10 =	simm.s32 $0x0;
	s5 =	sshrl.u32 s5, $0x2;
	s3 =	sadd.s32 s4, s3  }
0xa: {  	s11 =	simm.s32 $0x0;
	s12 =	simm.s32 $0x0;
	s6 =	smul.u32 s3, s5  }
.Ltmp0:
0xb: {  	s13 =	simm.s32 $0x0;
	s4 =	rddreg [dreg:$0x1];
	(pc) =	sbr.rel .LBB1_1-.Ltmp0, $4  }
0xc: {  	s16 =	simm.s32 $0x0;
	s7 =	sadd.s32 $0x272A00, s7;
	s3 =	rddreg [dreg:$0x2]  }
0xd: {  	_ =	strace $0x8000004D;
	s5 =	simm.s32 $0x1;
	s6 =	smul.u32 $0x5, s6  }
0xe: {  	s15 =	smov.u32 s2;
	s14 =	smov.u32 s1;
	[sflag:s5] =	ssyncpa.u1 $0x0  }
0xf: {  	p0 =	por $0x0, $0x0;
	[sflag:s8] =	ssyncpa.u1 $0x0;
	s8 =	sadd.s32 $0x1, s6  }
.LBB1_4:
0x10: {  	s25 =	sshll.u32 s10, $0xA;
	s24 =	sshra.s32 s24, $0x2;
	s26 =	sshll.u32 s11, $0x3  }
0x11: {  	p1 =	sgt.s32 s12, $0x31;
	s27 =	smov.u32 s12;
	s28 =	sshra.s32 s12, $0x1F  }
0x12: {  	p2 =	sgt.s32 s11, $0x380;
	s31 =	sshra.s32 s11, $0x1F;
	s25 =	sand.u32 $0xFFFFE000, s25  }
0x13: {  	s26 =	sand.u32 $0xFFFFFC00, s26;
	s27 =	simm.s32 @!p1 $0x31;
	s28 =	sand.u32 s28, s12  }
0x14: {  	[tilespmem:s22+$0x2040 ss:$0x81] =	vst.msk $0xffff, v4;
	s23 =	sadd.s32 s24, s23;
	s29 =	sadd.s32 s26, s25;
	s25 =	ssub.s32 s27, s28  }
0x15: {  	[tilespmem:s22+$0x2850 ss:$0x81] =	vst.msk $0xffff, v3;
	s27 =	smov.u32 s11;
	s28 =	smov.u32 s10;
	s26 =	sand.u32 s31, s11  }
0x16: {  	[tilespmem:s22+$0x3060 ss:$0x81] =	vst.msk $0xffff, v2;
	s24 =	sshrl.u32 s29, $0xA;
	s30 =	sadd.s32 $0xFFFFFFCF, s25;
	s27 =	simm.s32 @!p2 $0x380  }
0x17: {  	v5 =	vld [tilespmem:s21+$0xFFFFFFD0];
	[tilespmem:s22+$0x0 ss:$0x81] =	vst.msk $0xffff, v1;
	p2 =	sgt.s32 s10, $0x1D8;
	s29 =	sshra.s32 s10, $0x1F;
	s22 =	ssub.s32 $0x32, s25  }
0x18: {  	v58 =	vld [tilespmem:s21+$0xFFFFFFE0];
	p1 =	sgt.s32 s30, $0x0;
	s28 =	simm.s32 @!p2 $0x1D8;
	s29 =	sand.u32 s29, s10  }
0x19: {  	v59 =	vld [tilespmem:s21+$0xFFFFFFF0];
	s26 =	ssub.s32 s27, s26;
	s27 =	smulhi.u32 $0x6D3A07, s24;
	s28 =	ssub.s32 s28, s29  }
0x1a: {  	v60 =	vld [tilespmem:s21+$0x0];
	s30 =	sadd.s32 $0xFFFFFC80, s26;
	s25 =	ssub.s32 $0x400, s26;
	s22 =	simm.s32 @p1 $0x0  }
0x1b: {  	v61 =	vld [tilespmem:s21+$0x10];
	[tilespmem:s23+$0x3870 ss:$0x81] =	vst.msk $0xffff, v0;
	s29 =	sand.u32 $0x78, s11;
	p2 =	sgt.s32 s30, $0x7F;
	s31 =	sadd.s32 $0xFFFFFE28, s28  }
0x1c: {  	v62 =	vld [tilespmem:s21+$0x20];
	[tilespmem:s23+$0x810 ss:$0x81] =	vst.msk $0xffff, v5;
	s27 =	smul.u32 $0x258, s27;
	s30 =	sshll.u32 s10, $0x7;
	s28 =	ssub.s32 $0x258, s28  }
0x1d: {  	v63 =	vld [tilespmem:s21+$0xFFFFFFC0];
	[tilespmem:s23+$0x1020 ss:$0x81] =	vst.msk $0xffff, v58;
	s25 =	simm.s32 @p2 $0x0;
	p1 =	sgt.s32 s31, $0x7F;
	s31 =	smul.u32 $0x12C00, s12  }
0x1e: {  	[tilespmem:s23+$0x1830 ss:$0x81] =	vst.msk $0xffff, v59;
	s21 =	sand.u32 $0x380, s30;
	s22 =	smul.u32 s22, s25;
	s28 =	simm.s32 @p1 $0x0  }
0x1f: {  	[tilespmem:s23+$0x2040 ss:$0x81] =	vst.msk $0xffff, v60;
	s21 =	sor.u32 s29, s21;
	s24 =	ssub.s32 s24, s27;
	s29 =	sand.u32 $0x7, s11  }
0x20: {  	[tilespmem:s23+$0x2850 ss:$0x81] =	vst.msk $0xffff, v61;
	s21 =	sshrl.u32 s21, $0x3;
	s25 =	sadd.s32 s4, s31;
	s22 =	smul.u32 s28, s22  }
0x21: {  	[tilespmem:s23+$0x3060 ss:$0x81] =	vst.msk $0xffff, v62;
	s24 =	sshll.u32 s24, $0x7;
	s30 =	sshll.u32 s29, $0x12;
	s21 =	sadd.s32 s21, s25  }
0x22: {  	[tilespmem:s23+$0x0 ss:$0x81] =	vst.msk $0xffff, v63;
	s31 =	sor.u32 $0x400, s30;
	s21 =	sadd.s32 s24, s21;
	s22 =	sand.u32 $0x3FFFFFFF, s22  }
0x23: {  	[hbm4b:s21+s31] =	stream.strided.scatter [tilespmem:s20], [sflag:$0x2], s22, s9, s31, $0x20;
	[tilespmem:$0x10100] =	vst v63  }
.LBB1_5:
0x24: {  	p1 =	slt.u32 s16, $0x2  }
0x25: {  	p2 =	sgt.s32 @!p1 s19, $0x31  }
0x26: {  	s20 =	smov.u32 s19;
	s21 =	sshra.s32 @!p1 s19, $0x1F;
	p2 =	por !p2, p1  }
0x27: {  	s19 =	sand.u32 @!p1 s21, s19;
	s20 =	simm.s32 @p2 $0x31  }
0x28: {  	p3 =	sgt.s32 @!p1 s18, $0x380;
	s19 =	ssub.s32 @!p1 s20, s19  }
0x29: {  	p3 =	por !p3, p1;
	s21 =	sshra.s32 @!p1 s18, $0x1F;
	s20 =	sadd.s32 @!p1 $0xFFFFFFCF, s19  }
0x2a: {  	s19 =	ssub.s32 @!p1 $0x32, s19;
	p2 =	sgt.s32 @!p1 s20, $0x0;
	s20 =	smov.u32 s18  }
0x2b: {  	s18 =	sand.u32 @!p1 s21, s18;
	s20 =	simm.s32 @p3 $0x380;
	p3 =	sgt.s32 @!p1 s17, $0x1D8  }
0x2c: {  	s21 =	smov.u32 s17;
	p2 =	por !p2, p1;
	p3 =	por !p3, p1  }
0x2d: {  	s18 =	ssub.s32 @!p1 s20, s18;
	s20 =	sshra.s32 @!p1 s17, $0x1F;
	s19 =	simm.s32 @!p2 $0x0  }
0x2e: {  	s21 =	simm.s32 @p3 $0x1D8;
	s17 =	sand.u32 @!p1 s20, s17;
	s20 =	sadd.s32 @!p1 $0xFFFFFC80, s18  }
0x2f: {  	s18 =	ssub.s32 @!p1 $0x400, s18;
	s17 =	ssub.s32 @!p1 s21, s17;
	p2 =	sgt.s32 @!p1 s20, $0x7F  }
0x30: {  	s21 =	smov.u32 s14;
	s20 =	sadd.s32 @!p1 $0xFFFFFE28, s17;
	p2 =	por !p2, p1  }
0x31: {  	s17 =	ssub.s32 @!p1 $0x258, s17;
	p3 =	sgt.s32 @!p1 s20, $0x7F;
	s18 =	simm.s32 @!p2 $0x0  }
0x32: {  	s20 =	sadd.s32 $0x80, s13;
	p2 =	por !p3, p1;
	s18 =	smul.u32 @!p1 s19, s18  }
0x33: {  	s19 =	sadd.s32 $0x400, s14;
	s17 =	simm.s32 @!p2 $0x0;
	p2 =	sgt.s32 s20, $0x257  }
0x34: {  	s22 =	smov.u32 s15;
	s21 =	smov.u32 @p2 s19  }
0x35: {  	s17 =	smul.u32 @!p1 s17, s18;
	s18 =	sadd.s32 $0x4, s15;
	p3 =	sgt.s32 s21, $0x3FF  }
0x36: {  	p0 =	por !p0, !p0;
	s23 =	simm.s32 @!p1 $0x2;
	s22 =	smov.u32 @p3 s18  }
0x37: {  	s20 =	simm.s32 @p2 $0x0;
	s19 =	smov.u32 s12;
	p2 =	sgt.s32 s22, $0x31  }
0x38: {  	s12 =	smov.u32 s15;
	s22 =	smov.u32 @p2 s2;
	p2 =	sne.s32 s16, s8  }
.Ltmp1:
0x39: {  	s17 =	sand.u32 @!p1 $0x3FFFFFFF, s17;
	s21 =	smov.u32 @p3 s1;
	(pc) =	sbr.rel @!p2 .LBB1_6-.Ltmp1, $4  }
0x3a: {  	s18 =	smov.u32 s11;
	s11 =	smov.u32 s14;
	_ =	swait.ge @!p1 [sflag:s23], s17  }
0x3b: {  	s24 =	ssub.s32 @!p1 $0x0, s17;
	s17 =	smov.u32 s10;
	s10 =	smov.u32 s13  }
0x3c: {  	s13 =	smov.u32 s20;
	s14 =	smov.u32 s21;
	[sflag:s23] =	ssyncset.done @!p1 $0x0  }
0x3d: {  	s16 =	sadd.s32 $0x1, s16;
	[sflag:s23] =	ssyncadd.s32 @!p1 s24;
	s15 =	smov.u32 s22  }
.LBB1_1:
0x3e: {  	p1 =	sge.u32 s16, s6  }
0x3f: {  	s20 =	sshrl.u32 @!p1 s14, $0x3  }
0x40: {  	s21 =	sshll.u32 @!p1 s13, $0x3;
	s20 =	smul.u32 @!p1 $0x1400, s20  }
0x41: {  	s22 =	sshll.u32 @!p1 s14, $0x7;
	s21 =	sand.u32 @!p1 $0xFFFFFC00, s21  }
0x42: {  	s20 =	sadd.s32 @!p1 s20, s21;
	s21 =	sand.u32 @!p1 $0x380, s22  }
0x43: {  	s22 =	sand.u32 @!p1 $0x7F, s13;
	s20 =	sor.u32 @!p1 s21, s20  }
0x44: {  	s21 =	sor.u32 @!p1 s22, s20  }
0x45: {  	s22 =	smulhi.u32 @!p1 $0xCCCCCCCD, s21  }
0x46: {  	s20 =	smulhi.u32 @!p1 $0xCCCCCCCD, s20  }
0x47: {  	s22 =	sshrl.u32 @!p1 s22, $0x9  }
0x48: {  	s31 =	sadd.s32 $0xFFFFFFFF, s16;
	s20 =	sshrl.u32 @!p1 s20, $0x9;
	s22 =	smul.u32 @!p1 $0x280, s22  }
0x49: {  	s23 =	sxor.u32 @!p1 $0xFFFFFFFF, s16;
	s24 =	smul.u32 @!p1 $0x14000, s15;
	s20 =	sand.u32 @!p1 $0x3FF, s20  }
0x4a: {  	s23 =	sshll.u32 @!p1 s23, $0xE;
	s20 =	smul.u32 @!p1 $0x50, s20;
	s21 =	ssub.s32 @!p1 s21, s22  }
0x4b: {  	s22 =	sand.u32 @!p1 $0x4000, s23;
	s23 =	sadd.s32 @!p1 s7, s24;
	s24 =	sand.u32 @!p1 $0x7, s21  }
0x4c: {  	s21 =	sshrl.u32 @!p1 s21, $0x3;
	s20 =	sadd.s32 @!p1 s20, s23;
	s23 =	sshll.u32 @!p1 s24, $0x12  }
0x4d: {  	s20 =	sadd.s32 @!p1 s21, s20;
	s21 =	sor.u32 @!p1 $0x400, s23;
	s23 =	simm.s32 @!p1 $0x1400  }
0x4e: {  	[tilespmem:s22], [sflag:$0x1] =	stream.strided.gather @!p1 [hbm4b:s20+s21], $0x4000, s23, s21, $0x38;
	[tilespmem:$0x10100] =	vst v63  }
0x4f: {  	p1 =	sge.u32 s31, s6  }
.Ltmp2:
0x50: {  	_ = 	snop;
	(pc) =	sbr.rel @p1 .LBB1_5-.Ltmp2, $1  }
0x51: {  	_ =	sdelay $0x3  }
0x52: {  	s20 =	simm.s32 $0x1  }
0x53: {  	_ =	swait.ge [sflag:s5], $0x4000;
	s20 =	simm.s32 @!p0 $0x0  }
0x54: {  	[sflag:s5] =	ssyncset.done $0x0;
	s21 =	sshll.u32 s20, $0xE  }
0x55: {  	[sflag:s5] =	ssyncadd.s32 $0xFFFFC000;
	s21 =	sor.u32 $0x40, s21  }
0x56: {  	s20 =	smul.u32 $0x10200, s20;
	v0 =	vld [tilespmem:s21+$0x30]  }
0x57: {  	v1 =	vld [tilespmem:s21+$0xFFFFFFD0]  }
0x58: {  	s20 =	sshrl.u32 s20, $0x2;
	v5 =	vld [tilespmem:s21+$0xFFFFFFE0]  }
0x59: {  	v6 =	vld [tilespmem:s21+$0xFFFFFFF0];
	s23 =	sor.u32 $0x8000, s20  }
0x5a: {  	s31 =	sand.u32 $0x1, s16;
	v4 =	vld [tilespmem:s21+$0x0];
	s22 =	sadd.s32 $0x0, s23  }
0x5b: {  	v3 =	vld [tilespmem:s21+$0x10];
	s20 =	smul.u32 $0x10200, s31;
	[tilespmem:s22+$0x3870 ss:$0x81] =	vst.msk $0xffff, v0  }
0x5c: {  	v2 =	vld [tilespmem:s21+$0x20];
	[tilespmem:s22+$0x810 ss:$0x81] =	vst.msk $0xffff, v1  }
0x5d: {  	s20 =	sshrl.u32 s20, $0x2;
	v1 =	vld [tilespmem:s21+$0xFFFFFFC0];
	[tilespmem:s22+$0x1020 ss:$0x81] =	vst.msk $0xffff, v5;
	s21 =	sadd.s32 $0x80, s21  }
0x5e: {  	s24 =	simm.s32 $0x4;
	s25 =	simm.s32 $0x8;
	s20 =	sor.u32 $0x8000, s20;
	[tilespmem:s22+$0x1830 ss:$0x81] =	vst.msk $0xffff, v6;
	v0 =	vld [tilespmem:s21+$0x30]  }
.LBB1_3:
0x5f: {  	p1 =	sne.s32 s25, $0x1FC;
	v5 =	vld [tilespmem:s21+$0xFFFFFFD0];
	[tilespmem:s22+$0x2040 ss:$0x81] =	vst.msk $0xffff, v4  }
0x60: {  	v6 =	vld [tilespmem:s21+$0xFFFFFFE0];
	[tilespmem:s22+$0x2850 ss:$0x81] =	vst.msk $0xffff, v3  }
0x61: {  	s26 =	sshra.s32 s24, $0x2;
	s24 =	smov.u32 s25;
	v7 =	vld [tilespmem:s21+$0xFFFFFFF0];
	[tilespmem:s22+$0x3060 ss:$0x81] =	vst.msk $0xffff, v2  }
.Ltmp3:
0x62: {  	v4 =	vld [tilespmem:s21+$0x0];
	[tilespmem:s22+$0x0 ss:$0x81] =	vst.msk $0xffff, v1;
	s22 =	sadd.s32 s26, s23;
	(pc) =	sbr.rel @p1 .LBB1_3-.Ltmp3, $4  }
0x63: {  	v3 =	vld [tilespmem:s21+$0x10];
	[tilespmem:s22+$0x3870 ss:$0x81] =	vst.msk $0xffff, v0  }
0x64: {  	[tilespmem:s22+$0x810 ss:$0x81] =	vst.msk $0xffff, v5;
	v2 =	vld [tilespmem:s21+$0x20]  }
0x65: {  	v1 =	vld [tilespmem:s21+$0xFFFFFFC0];
	[tilespmem:s22+$0x1020 ss:$0x81] =	vst.msk $0xffff, v6;
	s21 =	sadd.s32 $0x80, s21  }
0x66: {  	s25 =	sadd.s32 $0x4, s25;
	v0 =	vld [tilespmem:s21+$0x30];
	[tilespmem:s22+$0x1830 ss:$0x81] =	vst.msk $0xffff, v7  }
.Ltmp4:
0x67: {  	_ = 	snop;
	(pc) =	sbr.rel .LBB1_4-.Ltmp4, $1  }
0x68: {  	_ =	sdelay $0x3  }
.LBB1_6:
0x69: {  	_ =	sfence.sel $0x180000  }
0x6a: {  	s1 =	simm.s32 $0x1;
	[bflag:$0x0] =	sbarrier.arrive $0xFFFF  }
0x6b: {  	s31 =	simm.s32 $0x2;
	[sflag:s1] =	ssyncpa.u1 $0x1  }
0x6c: {  	[sflag:s31] =	ssyncpa.u1 $0x1  }
0x6d: {  	p0 =	sne.s32 s0, $0x0;
	_ =	strace $0x9000004D  }
0x6e: {  	s0 =	sadd.s32 @!p0 $0x100000, s3;
	[bflag:$0x2] =	sbarrier.arrive $0xFFFF  }
0x6f: {  	[sflag:s0] =	ssyncadd.tile.s32 @!p0 $0x1;
	_ =	shalt  }
.Lfunc_end1:
_tile_overlayer_lowered:
.L_overlay_start_2:
0x70: {  	(tag) =	ssettag $0x2  }
0x71: {  	s0 =	rddreg [dreg:$0x0];
	s2 =	stileid.u32  }
0x72: {  	s1 =	rddreg [dreg:$0x1];
	p0 =	sne.s32 s2, $0x0  }
0x73: {  	s3 =	rddreg [dreg:$0x2];
	[bflag:$0x3] =	sbarrier.arrive $0xFFFF;
	s2 =	simm.s32 @!p0 $0x1C01  }
0x74: {  	[timem:s3], [sflag:s2] =	dma.local @!p0 [hbm:s0], s1  }
0x75: {  	s0 =	simm.s32 @!p0 $0x1  }
0x76: {  	_ =	swait.ge @!p0 [sflag:s0], s1  }
0x77: {  	s1 =	ssub.s32 @!p0 $0x0, s1;
	[sflag:s0] =	ssyncset.done @!p0 $0x0  }
0x78: {  	[sflag:s0] =	ssyncadd.s32 @!p0 s1  }
0x79: {  	[bflag:$0x3] =	sbarrier.arrive $0xFFFF  }
0x7a: {  	_ =	shalt  }

</sc_bundles>
